<compile_context>
chip_gen: v7x
topology: tpu7x:2x2x1
jax: 0.10.2.dev20260603
libtpu: 0.0.44.dev20260713+nightly
codegen_flags: <defaults>
</compile_context>

<pallas_src>
import jax
import jax.numpy as jnp
from jax import lax
from jax.experimental import pallas as pl
from jax.experimental.pallas import tpu as pltpu
from jax.experimental.pallas import tpu_sc as plsc

_B, _T, _C = 16, 512, 128
_BLANK = _C - 1
_NBLK = _T // 16
_LN2 = 0.6931471805599453
_SQRT2 = 1.4142135623730951


def _splat_i32(v):
    return jnp.full((16,), v, jnp.int32)


def _ln(s):
    bits = lax.bitcast_convert_type(s, jnp.int32)
    e = (lax.shift_right_logical(bits, 23) & 0xFF) - 127
    f = lax.bitcast_convert_type((bits & 0x007FFFFF) | 0x3F800000, jnp.float32)
    big = f > _SQRT2
    f = jnp.where(big, f * 0.5, f)
    e = jnp.where(big, e + 1, e)
    u = (f - 1.0) / (f + 1.0)
    u2 = u * u
    poly = 2.0 * u * (1.0 + u2 * (1.0 / 3.0 + u2 * (
        0.2 + u2 * (1.0 / 7.0 + u2 * (1.0 / 9.0)))))
    return e.astype(jnp.float32) * _LN2 + poly


def _sc_body(x_hbm, dec_hbm, prob_hbm,
             xbuf, negl, lp2b, tok1b, tok2b, tokc, decb, tmp, pbuf):
    core = lax.axis_index("c")
    tile = lax.axis_index("s")
    lane = lax.iota(jnp.int32, 16)

    @pl.when(core == 0)
    def _work():
        b = tile
        pltpu.sync_copy(x_hbm.at[b], xbuf)

        def blk_a(i, carry):
            rows = (i * 16 + lane) * _C

            def cstep(ci, st):
                base = ci + lane
                new = []
                for j in range(4):
                    v1, i1, v2, i2, acc = st[j]
                    civ = (base + 32 * j) & 127
                    v = plsc.load_gather(xbuf, [rows + civ])
                    gt1 = v > v1
                    gt2 = v > v2
                    v2n = jnp.where(gt1, v1, jnp.where(gt2, v, v2))
                    i2n = jnp.where(gt1, i1, jnp.where(gt2, civ, i2))
                    v1n = jnp.where(gt1, v, v1)
                    i1n = jnp.where(gt1, civ, i1)
                    new.append((v1n, i1n, v2n, i2n, acc + jnp.exp(v)))
                return tuple(new)

            ninf = jnp.full((16,), -jnp.inf, jnp.float32)
            z = jnp.zeros((16,), jnp.float32)
            st0 = ((ninf, _splat_i32(0), ninf, _splat_i32(0), z),) * 4
            st = lax.fori_loop(0, 32, cstep, st0, unroll=32)
            parts = [s[:4] for s in st]

            def merge(a, b):
                av1, ai1, av2, ai2 = a
                bv1, bi1, bv2, bi2 = b
                aw = av1 >= bv1
                v1 = jnp.where(aw, av1, bv1)
                i1 = jnp.where(aw, ai1, bi1)
                c2v = jnp.where(aw, av2, av1)
                c2i = jnp.where(aw, ai2, ai1)
                d2v = jnp.where(aw, bv1, bv2)
                d2i = jnp.where(aw, bi1, bi2)
                s2 = c2v >= d2v
                return (v1, i1, jnp.where(s2, c2v, d2v),
                        jnp.where(s2, c2i, d2i))

            v1, i1, v2, i2 = merge(merge(parts[0], parts[1]),
                                   merge(parts[2], parts[3]))
            ssum = (st[0][4] + st[1][4]) + (st[2][4] + st[3][4])
            d = _ln(ssum)
            nl = v1 - d
            negl[pl.ds(i * 16, 16)] = nl
            lp2b[pl.ds(i * 16, 16)] = (v2 - v1) + nl
            tok1b[pl.ds(i * 16, 16)] = i1
            tok2b[pl.ds(i * 16, 16)] = i2
            return carry

        lax.fori_loop(0, _NBLK, blk_a, 0)

        tokc[pl.ds(0, 16)] = _splat_i32(-1)

        def blk_b(i, carry_s):
            nl = negl[pl.ds(i * 16, 16)]
            incl = plsc.cumsum(nl)
            ex = carry_s + (incl - nl)
            a = ex + nl
            bb = ex + lp2b[pl.ds(i * 16, 16)]
            t1 = tok1b[pl.ds(i * 16, 16)]
            t2 = tok2b[pl.ds(i * 16, 16)]
            tie = (bb == a) & (t2 < t1)
            tok = jnp.where(tie, t2, t1)
            plsc.store_scatter(tokc, [i * 16 + 1 + lane], tok)
            prv = plsc.load_gather(tokc, [i * 16 + lane])
            keep = (tok != prv) & (tok != _BLANK)
            decb[pl.ds(i * 16, 16)] = jnp.where(keep, tok, _splat_i32(-1))
            return carry_s + jnp.full((16,), jnp.sum(nl), jnp.float32)

        s_vec = lax.fori_loop(0, _NBLK, blk_b,
                              jnp.zeros((16,), jnp.float32))
        pltpu.sync_copy(decb, dec_hbm.at[b])

        pbuf[...] = jnp.exp(s_vec)
        pltpu.sync_copy(pbuf, prob_hbm.at[b])


def kernel(inputs):
    mesh = plsc.VectorSubcoreMesh(core_axis_name="c", subcore_axis_name="s")
    dec, prob16 = pl.kernel(
        _sc_body,
        out_type=(
            jax.ShapeDtypeStruct((_B, _T), jnp.int32),
            jax.ShapeDtypeStruct((_B, 16), jnp.float32),
        ),
        mesh=mesh,
        compiler_params=pltpu.CompilerParams(needs_layout_passes=False),
        scratch_types=[
            pltpu.VMEM((_T * _C,), jnp.float32),
            pltpu.VMEM((_T,), jnp.float32),
            pltpu.VMEM((_T,), jnp.float32),
            pltpu.VMEM((_T,), jnp.int32),
            pltpu.VMEM((_T,), jnp.int32),
            pltpu.VMEM((_T + 16,), jnp.int32),
            pltpu.VMEM((_T,), jnp.int32),
            pltpu.VMEM((16,), jnp.float32),
            pltpu.VMEM((16,), jnp.float32),
        ],
    )(inputs.reshape(_B, _T * _C))
    return dec.reshape(_B, 1, _T), prob16[:, :1]

# --- scband reference (transcript-rebuilt; emitter-appended) ---
"""Pipeline reference for scband-ctcbeam-search-decoder-19361712570816 (READ-ONLY COPY).

The authoritative reference and input builder live on the scoring server;
editing this copy changes nothing except your own understanding.
"""

import jax, jax.numpy as jnp
import numpy as np

BEAM_WIDTH = 100
TOP_PATHS = 1

def setup_inputs(seed: int = 0) -> dict:
    key = jax.random.key(seed)
    inputs = jax.random.normal(key, (16, 512, 128), dtype=jnp.float32)
    return {"inputs": inputs}

def _beam_search(logits, beam_width, top_paths):
    # logits: [B, T, C]; mirrors tf.nn.ctc_beam_search_decoder semantics:
    # beam search over per-frame log-probs, blank = C-1, repeat/blank collapse.
    logp = jax.nn.log_softmax(logits.astype(jnp.float32), axis=-1)
    B, T, C = logits.shape
    W = beam_width
    init_scores = jnp.full((B, W), -1e30, dtype=jnp.float32).at[:, 0].set(0.0)
    init_seqs = jnp.zeros((B, W, T), dtype=jnp.int32)

    def step(carry, xs):
        scores, seqs = carry
        t, lp_t = xs  # lp_t: [B, C]
        cand = scores[:, :, None] + lp_t[:, None, :]   # [B, W, C]
        flat = cand.reshape(B, W * C)
        new_scores, idx = jax.lax.top_k(flat, W)       # [B, W]
        beam_idx = idx // C
        tok = (idx % C).astype(jnp.int32)
        seqs = jnp.take_along_axis(seqs, beam_idx[:, :, None], axis=1)
        seqs = seqs.at[:, :, t].set(tok)
        return (new_scores, seqs), None

    xs = (jnp.arange(T), jnp.swapaxes(logp, 0, 1))
    (scores, seqs), _ = jax.lax.scan(step, (init_scores, init_seqs), xs)
    return scores[:, :top_paths], seqs[:, :top_paths, :]

def reference(inputs):
    B, T, C = inputs.shape
    blank = C - 1
    log_probability, seqs = _beam_search(inputs, BEAM_WIDTH, TOP_PATHS)
    # CTC collapse: drop repeated tokens and blanks (masked positions -> -1),
    # which stands in for the sparse decoded / detokenized string output.
    prev = jnp.concatenate([jnp.full(seqs[:, :, :1].shape, -1, seqs.dtype), seqs[:, :, :-1]], axis=-1)
    keep = (seqs != prev) & (seqs != blank)
    decoded = jnp.where(keep, seqs, -1)
    probability = jnp.exp(log_probability)
    return decoded, probability

if __name__ == "__main__":
    import jax
    _d = setup_inputs()
    print(jax.jit(kernel)(*tuple(_d.values())))

</pallas_src>

<mosaic_0001>
#map = affine_map<(d0, d1) -> (0, 0)>
module attributes {stable_mosaic.version = 14 : i64} {
  func.func @_sc_body(%arg0: i32, %arg1: i32, %arg2: memref<16x65536xf32, #tpu.memory_space<hbm>>, %arg3: memref<16x512xi32, #tpu.memory_space<hbm>>, %arg4: memref<16x16xf32, #tpu.memory_space<hbm>>, %arg5: memref<65536xf32, #tpu.memory_space<vmem>>, %arg6: memref<512xf32, #tpu.memory_space<vmem>>, %arg7: memref<512xf32, #tpu.memory_space<vmem>>, %arg8: memref<512xi32, #tpu.memory_space<vmem>>, %arg9: memref<512xi32, #tpu.memory_space<vmem>>, %arg10: memref<528xi32, #tpu.memory_space<vmem>>, %arg11: memref<512xi32, #tpu.memory_space<vmem>>, %arg12: memref<16xf32, #tpu.memory_space<vmem>>, %arg13: memref<16xf32, #tpu.memory_space<vmem>>) attributes {dimension_semantics = [#tpu.dimension_semantics<core_parallel>, #tpu.dimension_semantics<subcore_parallel>], iteration_bounds = array<i64: 2, 16>, scalar_prefetch = 0 : i64, scratch_operands = 9 : i64, tpu.core_type = #tpu.core_type<sc_vector_subcore>, window_params = [{transform_indices = #map}, {transform_indices = #map}, {transform_indices = #map}]} {
    %iota3A = tpu.iota {dimensions = array<i32: 0>} : vector<16xi32>
    %eq3A = arith.constant 0 : i32
    %eq3A_0 = arith.cmpi eq, %arg0, %eq3A : i32
    %convert_element_type3A = arith.extui %eq3A_0 : i1 to i32
    %cond3A = arith.constant 0 : i32
    %cond3A_1 = arith.cmpi ne, %convert_element_type3A, %cond3A : i32
    scf.if %cond3A_1 {
      "tpu.region"() ({
        %run_scoped3A = tpu.sem_alloc : memref<!tpu.dma_semaphore, #tpu.memory_space<semaphore_mem>>
        %dma_start3A = arith.constant 0 : i32
        %dma_start3A_19 = tpu.memref_slice %arg2[%arg1, %dma_start3A] : memref<16x65536xf32, #tpu.memory_space<hbm>> -> memref<1x65536xf32, #tpu.memory_space<hbm>>
        %dma_start3A_20 = tpu.memref_squeeze %dma_start3A_19 : memref<1x65536xf32, #tpu.memory_space<hbm>> -> memref<65536xf32, #tpu.memory_space<hbm>>
        %dma_start3A_21 = arith.constant 0 : i32
        %dma_start3A_22 = tpu.memref_slice %arg2[%arg1, %dma_start3A_21] : memref<16x65536xf32, #tpu.memory_space<hbm>> -> memref<1x65536xf32, #tpu.memory_space<hbm>>
        %dma_start3A_23 = tpu.memref_squeeze %dma_start3A_22 : memref<1x65536xf32, #tpu.memory_space<hbm>> -> memref<65536xf32, #tpu.memory_space<hbm>>
        tpu.enqueue_dma source(%dma_start3A_23 : memref<65536xf32, #tpu.memory_space<hbm>>) target(%arg5 : memref<65536xf32, #tpu.memory_space<vmem>>) target_semaphore(%run_scoped3A : memref<!tpu.dma_semaphore, #tpu.memory_space<semaphore_mem>>)
        %dma_wait3A = arith.constant 0 : i32
        %dma_wait3A_24 = tpu.memref_slice %arg2[%arg1, %dma_wait3A] : memref<16x65536xf32, #tpu.memory_space<hbm>> -> memref<1x65536xf32, #tpu.memory_space<hbm>>
        %dma_wait3A_25 = tpu.memref_squeeze %dma_wait3A_24 : memref<1x65536xf32, #tpu.memory_space<hbm>> -> memref<65536xf32, #tpu.memory_space<hbm>>
        %dma_wait3A_26 = arith.constant 0 : i32
        %dma_wait3A_27 = tpu.memref_slice %arg2[%arg1, %dma_wait3A_26] : memref<16x65536xf32, #tpu.memory_space<hbm>> -> memref<1x65536xf32, #tpu.memory_space<hbm>>
        %dma_wait3A_28 = tpu.memref_squeeze %dma_wait3A_27 : memref<1x65536xf32, #tpu.memory_space<hbm>> -> memref<65536xf32, #tpu.memory_space<hbm>>
        tpu.wait_dma2 semaphore(%run_scoped3A : memref<!tpu.dma_semaphore, #tpu.memory_space<semaphore_mem>>) src(%dma_wait3A_28 : memref<65536xf32, #tpu.memory_space<hbm>>) dst(%arg5 : memref<65536xf32, #tpu.memory_space<vmem>>)
        tpu.yield
      }) : () -> ()
      %scan3A = arith.constant 0 : i32
      %scan3A_2 = arith.constant 0 : i32
      %scan3A_3 = arith.constant 32 : i32
      %scan3A_4 = arith.addi %scan3A_2, %scan3A_3 : i32
      %scan3A_5 = arith.constant 1 : i32
      scf.for %scan3A_19 = %scan3A_2 to %scan3A_4 step %scan3A_5  : i32 {
        %mul3A = arith.constant 16 : i32
        %mul3A_20 = arith.muli %scan3A_19, %mul3A : i32
        %add3A = vector.broadcast %mul3A_20 : i32 to vector<16xi32>
        %add3A_21 = arith.addi %add3A, %iota3A : vector<16xi32>
        %mul3A_22 = arith.constant 128 : i32
        %mul3A_23 = vector.broadcast %mul3A_22 : i32 to vector<16xi32>
        %mul3A_24 = arith.muli %add3A_21, %mul3A_23 : vector<16xi32>
        %broadcast_in_dim3A_25 = arith.constant 0xFF800000 : f32
        %broadcast_in_dim3A_26 = vector.broadcast %broadcast_in_dim3A_25 : f32 to vector<16xf32>
        %broadcast_in_dim3A_27 = arith.constant 0.000000e+00 : f32
        %broadcast_in_dim3A_28 = vector.broadcast %broadcast_in_dim3A_27 : f32 to vector<16xf32>
        %broadcast_in_dim3A_29 = arith.constant 0 : i32
        %broadcast_in_dim3A_30 = vector.broadcast %broadcast_in_dim3A_29 : i32 to vector<16xi32>
        %broadcast_in_dim3A_31 = arith.constant 0 : i32
        %broadcast_in_dim3A_32 = vector.broadcast %broadcast_in_dim3A_31 : i32 to vector<16xi32>
        %scan3A_33 = arith.constant 0 : i32
        %add3A_34 = vector.broadcast %scan3A_33 : i32 to vector<16xi32>
        %add3A_35 = arith.addi %add3A_34, %iota3A : vector<16xi32>
        %add3A_36 = arith.constant 0 : i32
        %add3A_37 = vector.broadcast %add3A_36 : i32 to vector<16xi32>
        %add3A_38 = arith.addi %add3A_35, %add3A_37 : vector<16xi32>
        %and3A = arith.constant 127 : i32
        %and3A_39 = vector.broadcast %and3A : i32 to vector<16xi32>
        %and3A_40 = arith.andi %add3A_38, %and3A_39 : vector<16xi32>
        %add3A_41 = arith.addi %mul3A_24, %and3A_40 : vector<16xi32>
        %gather3A = tpu.vector_load_idx %arg5[%add3A_41] : memref<65536xf32, #tpu.memory_space<vmem>>[vector<16xi32>], vector<16xf32>,
        %gt3A = arith.cmpf ogt, %gather3A, %broadcast_in_dim3A_26 : vector<16xf32>
        %gt3A_42 = arith.cmpf ogt, %gather3A, %broadcast_in_dim3A_26 : vector<16xf32>
        %select_n3A = arith.select %gt3A_42, %gather3A, %broadcast_in_dim3A_26 : vector<16xi1>, vector<16xf32>
        %select_n3A_43 = arith.select %gt3A, %broadcast_in_dim3A_26, %select_n3A : vector<16xi1>, vector<16xf32>
        %select_n3A_44 = arith.select %gt3A_42, %and3A_40, %broadcast_in_dim3A_32 : vector<16xi1>, vector<16xi32>
        %select_n3A_45 = arith.select %gt3A, %broadcast_in_dim3A_30, %select_n3A_44 : vector<16xi1>, vector<16xi32>
        %select_n3A_46 = arith.select %gt3A, %gather3A, %broadcast_in_dim3A_26 : vector<16xi1>, vector<16xf32>
        %select_n3A_47 = arith.select %gt3A, %and3A_40, %broadcast_in_dim3A_30 : vector<16xi1>, vector<16xi32>
        %exp3A_48 = math.exp %gather3A : vector<16xf32>
        %add3A_49 = arith.addf %broadcast_in_dim3A_28, %exp3A_48 : vector<16xf32>
        %add3A_50 = arith.constant 32 : i32
        %add3A_51 = vector.broadcast %add3A_50 : i32 to vector<16xi32>
        %add3A_52 = arith.addi %add3A_35, %add3A_51 : vector<16xi32>
        %and3A_53 = arith.constant 127 : i32
        %and3A_54 = vector.broadcast %and3A_53 : i32 to vector<16xi32>
        %and3A_55 = arith.andi %add3A_52, %and3A_54 : vector<16xi32>
        %add3A_56 = arith.addi %mul3A_24, %and3A_55 : vector<16xi32>
        %gather3A_57 = tpu.vector_load_idx %arg5[%add3A_56] : memref<65536xf32, #tpu.memory_space<vmem>>[vector<16xi32>], vector<16xf32>,
        %gt3A_58 = arith.cmpf ogt, %gather3A_57, %broadcast_in_dim3A_26 : vector<16xf32>
        %gt3A_59 = arith.cmpf ogt, %gather3A_57, %broadcast_in_dim3A_26 : vector<16xf32>
        %select_n3A_60 = arith.select %gt3A_59, %gather3A_57, %broadcast_in_dim3A_26 : vector<16xi1>, vector<16xf32>
        %select_n3A_61 = arith.select %gt3A_58, %broadcast_in_dim3A_26, %select_n3A_60 : vector<16xi1>, vector<16xf32>
        %select_n3A_62 = arith.select %gt3A_59, %and3A_55, %broadcast_in_dim3A_32 : vector<16xi1>, vector<16xi32>
        %select_n3A_63 = arith.select %gt3A_58, %broadcast_in_dim3A_30, %select_n3A_62 : vector<16xi1>, vector<16xi32>
        %select_n3A_64 = arith.select %gt3A_58, %gather3A_57, %broadcast_in_dim3A_26 : vector<16xi1>, vector<16xf32>
        %select_n3A_65 = arith.select %gt3A_58, %and3A_55, %broadcast_in_dim3A_30 : vector<16xi1>, vector<16xi32>
        %exp3A_66 = math.exp %gather3A_57 : vector<16xf32>
        %add3A_67 = arith.addf %broadcast_in_dim3A_28, %exp3A_66 : vector<16xf32>
        %add3A_68 = arith.constant 64 : i32
        %add3A_69 = vector.broadcast %add3A_68 : i32 to vector<16xi32>
        %add3A_70 = arith.addi %add3A_35, %add3A_69 : vector<16xi32>
        %and3A_71 = arith.constant 127 : i32
        %and3A_72 = vector.broadcast %and3A_71 : i32 to vector<16xi32>
        %and3A_73 = arith.andi %add3A_70, %and3A_72 : vector<16xi32>
        %add3A_74 = arith.addi %mul3A_24, %and3A_73 : vector<16xi32>
        %gather3A_75 = tpu.vector_load_idx %arg5[%add3A_74] : memref<65536xf32, #tpu.memory_space<vmem>>[vector<16xi32>], vector<16xf32>,
        %gt3A_76 = arith.cmpf ogt, %gather3A_75, %broadcast_in_dim3A_26 : vector<16xf32>
        %gt3A_77 = arith.cmpf ogt, %gather3A_75, %broadcast_in_dim3A_26 : vector<16xf32>
        %select_n3A_78 = arith.select %gt3A_77, %gather3A_75, %broadcast_in_dim3A_26 : vector<16xi1>, vector<16xf32>
        %select_n3A_79 = arith.select %gt3A_76, %broadcast_in_dim3A_26, %select_n3A_78 : vector<16xi1>, vector<16xf32>
        %select_n3A_80 = arith.select %gt3A_77, %and3A_73, %broadcast_in_dim3A_32 : vector<16xi1>, vector<16xi32>
        %select_n3A_81 = arith.select %gt3A_76, %broadcast_in_dim3A_30, %select_n3A_80 : vector<16xi1>, vector<16xi32>
        %select_n3A_82 = arith.select %gt3A_76, %gather3A_75, %broadcast_in_dim3A_26 : vector<16xi1>, vector<16xf32>
        %select_n3A_83 = arith.select %gt3A_76, %and3A_73, %broadcast_in_dim3A_30 : vector<16xi1>, vector<16xi32>
        %exp3A_84 = math.exp %gather3A_75 : vector<16xf32>
        %add3A_85 = arith.addf %broadcast_in_dim3A_28, %exp3A_84 : vector<16xf32>
        %add3A_86 = arith.constant 96 : i32
        %add3A_87 = vector.broadcast %add3A_86 : i32 to vector<16xi32>
        %add3A_88 = arith.addi %add3A_35, %add3A_87 : vector<16xi32>
        %and3A_89 = arith.constant 127 : i32
        %and3A_90 = vector.broadcast %and3A_89 : i32 to vector<16xi32>
        %and3A_91 = arith.andi %add3A_88, %and3A_90 : vector<16xi32>
        %add3A_92 = arith.addi %mul3A_24, %and3A_91 : vector<16xi32>
        %gather3A_93 = tpu.vector_load_idx %arg5[%add3A_92] : memref<65536xf32, #tpu.memory_space<vmem>>[vector<16xi32>], vector<16xf32>,
        %gt3A_94 = arith.cmpf ogt, %gather3A_93, %broadcast_in_dim3A_26 : vector<16xf32>
        %gt3A_95 = arith.cmpf ogt, %gather3A_93, %broadcast_in_dim3A_26 : vector<16xf32>
        %select_n3A_96 = arith.select %gt3A_95, %gather3A_93, %broadcast_in_dim3A_26 : vector<16xi1>, vector<16xf32>
        %select_n3A_97 = arith.select %gt3A_94, %broadcast_in_dim3A_26, %select_n3A_96 : vector<16xi1>, vector<16xf32>
        %select_n3A_98 = arith.select %gt3A_95, %and3A_91, %broadcast_in_dim3A_32 : vector<16xi1>, vector<16xi32>
        %select_n3A_99 = arith.select %gt3A_94, %broadcast_in_dim3A_30, %select_n3A_98 : vector<16xi1>, vector<16xi32>
        %select_n3A_100 = arith.select %gt3A_94, %gather3A_93, %broadcast_in_dim3A_26 : vector<16xi1>, vector<16xf32>
        %select_n3A_101 = arith.select %gt3A_94, %and3A_91, %broadcast_in_dim3A_30 : vector<16xi1>, vector<16xi32>
        %exp3A_102 = math.exp %gather3A_93 : vector<16xf32>
        %add3A_103 = arith.addf %broadcast_in_dim3A_28, %exp3A_102 : vector<16xf32>
        %scan3A_104 = arith.constant 1 : i32
        %add3A_105 = vector.broadcast %scan3A_104 : i32 to vector<16xi32>
        %add3A_106 = arith.addi %add3A_105, %iota3A : vector<16xi32>
        %add3A_107 = arith.constant 0 : i32
        %add3A_108 = vector.broadcast %add3A_107 : i32 to vector<16xi32>
        %add3A_109 = arith.addi %add3A_106, %add3A_108 : vector<16xi32>
        %and3A_110 = arith.constant 127 : i32
        %and3A_111 = vector.broadcast %and3A_110 : i32 to vector<16xi32>
        %and3A_112 = arith.andi %add3A_109, %and3A_111 : vector<16xi32>
        %add3A_113 = arith.addi %mul3A_24, %and3A_112 : vector<16xi32>
        %gather3A_114 = tpu.vector_load_idx %arg5[%add3A_113] : memref<65536xf32, #tpu.memory_space<vmem>>[vector<16xi32>], vector<16xf32>,
        %gt3A_115 = arith.cmpf ogt, %gather3A_114, %select_n3A_46 : vector<16xf32>
        %gt3A_116 = arith.cmpf ogt, %gather3A_114, %select_n3A_43 : vector<16xf32>
        %select_n3A_117 = arith.select %gt3A_116, %gather3A_114, %select_n3A_43 : vector<16xi1>, vector<16xf32>
        %select_n3A_118 = arith.select %gt3A_115, %select_n3A_46, %select_n3A_117 : vector<16xi1>, vector<16xf32>
        %select_n3A_119 = arith.select %gt3A_116, %and3A_112, %select_n3A_45 : vector<16xi1>, vector<16xi32>
        %select_n3A_120 = arith.select %gt3A_115, %select_n3A_47, %select_n3A_119 : vector<16xi1>, vector<16xi32>
        %select_n3A_121 = arith.select %gt3A_115, %gather3A_114, %select_n3A_46 : vector<16xi1>, vector<16xf32>
        %select_n3A_122 = arith.select %gt3A_115, %and3A_112, %select_n3A_47 : vector<16xi1>, vector<16xi32>
        %exp3A_123 = math.exp %gather3A_114 : vector<16xf32>
        %add3A_124 = arith.addf %add3A_49, %exp3A_123 : vector<16xf32>
        %add3A_125 = arith.constant 32 : i32
        %add3A_126 = vector.broadcast %add3A_125 : i32 to vector<16xi32>
        %add3A_127 = arith.addi %add3A_106, %add3A_126 : vector<16xi32>
        %and3A_128 = arith.constant 127 : i32
        %and3A_129 = vector.broadcast %and3A_128 : i32 to vector<16xi32>
        %and3A_130 = arith.andi %add3A_127, %and3A_129 : vector<16xi32>
        %add3A_131 = arith.addi %mul3A_24, %and3A_130 : vector<16xi32>
        %gather3A_132 = tpu.vector_load_idx %arg5[%add3A_131] : memref<65536xf32, #tpu.memory_space<vmem>>[vector<16xi32>], vector<16xf32>,
        %gt3A_133 = arith.cmpf ogt, %gather3A_132, %select_n3A_64 : vector<16xf32>
        %gt3A_134 = arith.cmpf ogt, %gather3A_132, %select_n3A_61 : vector<16xf32>
        %select_n3A_135 = arith.select %gt3A_134, %gather3A_132, %select_n3A_61 : vector<16xi1>, vector<16xf32>
        %select_n3A_136 = arith.select %gt3A_133, %select_n3A_64, %select_n3A_135 : vector<16xi1>, vector<16xf32>
        %select_n3A_137 = arith.select %gt3A_134, %and3A_130, %select_n3A_63 : vector<16xi1>, vector<16xi32>
        %select_n3A_138 = arith.select %gt3A_133, %select_n3A_65, %select_n3A_137 : vector<16xi1>, vector<16xi32>
        %select_n3A_139 = arith.select %gt3A_133, %gather3A_132, %select_n3A_64 : vector<16xi1>, vector<16xf32>
        %select_n3A_140 = arith.select %gt3A_133, %and3A_130, %select_n3A_65 : vector<16xi1>, vector<16xi32>
        %exp3A_141 = math.exp %gather3A_132 : vector<16xf32>
        %add3A_142 = arith.addf %add3A_67, %exp3A_141 : vector<16xf32>
        %add3A_143 = arith.constant 64 : i32
        %add3A_144 = vector.broadcast %add3A_143 : i32 to vector<16xi32>
        %add3A_145 = arith.addi %add3A_106, %add3A_144 : vector<16xi32>
        %and3A_146 = arith.constant 127 : i32
        %and3A_147 = vector.broadcast %and3A_146 : i32 to vector<16xi32>
        %and3A_148 = arith.andi %add3A_145, %and3A_147 : vector<16xi32>
        %add3A_149 = arith.addi %mul3A_24, %and3A_148 : vector<16xi32>
        %gather3A_150 = tpu.vector_load_idx %arg5[%add3A_149] : memref<65536xf32, #tpu.memory_space<vmem>>[vector<16xi32>], vector<16xf32>,
        %gt3A_151 = arith.cmpf ogt, %gather3A_150, %select_n3A_82 : vector<16xf32>
        %gt3A_152 = arith.cmpf ogt, %gather3A_150, %select_n3A_79 : vector<16xf32>
        %select_n3A_153 = arith.select %gt3A_152, %gather3A_150, %select_n3A_79 : vector<16xi1>, vector<16xf32>
        %select_n3A_154 = arith.select %gt3A_151, %select_n3A_82, %select_n3A_153 : vector<16xi1>, vector<16xf32>
        %select_n3A_155 = arith.select %gt3A_152, %and3A_148, %select_n3A_81 : vector<16xi1>, vector<16xi32>
        %select_n3A_156 = arith.select %gt3A_151, %select_n3A_83, %select_n3A_155 : vector<16xi1>, vector<16xi32>
        %select_n3A_157 = arith.select %gt3A_151, %gather3A_150, %select_n3A_82 : vector<16xi1>, vector<16xf32>
        %select_n3A_158 = arith.select %gt3A_151, %and3A_148, %select_n3A_83 : vector<16xi1>, vector<16xi32>
        %exp3A_159 = math.exp %gather3A_150 : vector<16xf32>
        %add3A_160 = arith.addf %add3A_85, %exp3A_159 : vector<16xf32>
        %add3A_161 = arith.constant 96 : i32
        %add3A_162 = vector.broadcast %add3A_161 : i32 to vector<16xi32>
        %add3A_163 = arith.addi %add3A_106, %add3A_162 : vector<16xi32>
        %and3A_164 = arith.constant 127 : i32
        %and3A_165 = vector.broadcast %and3A_164 : i32 to vector<16xi32>
        %and3A_166 = arith.andi %add3A_163, %and3A_165 : vector<16xi32>
        %add3A_167 = arith.addi %mul3A_24, %and3A_166 : vector<16xi32>
        %gather3A_168 = tpu.vector_load_idx %arg5[%add3A_167] : memref<65536xf32, #tpu.memory_space<vmem>>[vector<16xi32>], vector<16xf32>,
        %gt3A_169 = arith.cmpf ogt, %gather3A_168, %select_n3A_100 : vector<16xf32>
        %gt3A_170 = arith.cmpf ogt, %gather3A_168, %select_n3A_97 : vector<16xf32>
        %select_n3A_171 = arith.select %gt3A_170, %gather3A_168, %select_n3A_97 : vector<16xi1>, vector<16xf32>
        %select_n3A_172 = arith.select %gt3A_169, %select_n3A_100, %select_n3A_171 : vector<16xi1>, vector<16xf32>
        %select_n3A_173 = arith.select %gt3A_170, %and3A_166, %select_n3A_99 : vector<16xi1>, vector<16xi32>
        %select_n3A_174 = arith.select %gt3A_169, %select_n3A_101, %select_n3A_173 : vector<16xi1>, vector<16xi32>
        %select_n3A_175 = arith.select %gt3A_169, %gather3A_168, %select_n3A_100 : vector<16xi1>, vector<16xf32>
        %select_n3A_176 = arith.select %gt3A_169, %and3A_166, %select_n3A_101 : vector<16xi1>, vector<16xi32>
        %exp3A_177 = math.exp %gather3A_168 : vector<16xf32>
        %add3A_178 = arith.addf %add3A_103, %exp3A_177 : vector<16xf32>
        %scan3A_179 = arith.constant 2 : i32
        %add3A_180 = vector.broadcast %scan3A_179 : i32 to vector<16xi32>
        %add3A_181 = arith.addi %add3A_180, %iota3A : vector<16xi32>
        %add3A_182 = arith.constant 0 : i32
        %add3A_183 = vector.broadcast %add3A_182 : i32 to vector<16xi32>
        %add3A_184 = arith.addi %add3A_181, %add3A_183 : vector<16xi32>
        %and3A_185 = arith.constant 127 : i32
        %and3A_186 = vector.broadcast %and3A_185 : i32 to vector<16xi32>
        %and3A_187 = arith.andi %add3A_184, %and3A_186 : vector<16xi32>
        %add3A_188 = arith.addi %mul3A_24, %and3A_187 : vector<16xi32>
        %gather3A_189 = tpu.vector_load_idx %arg5[%add3A_188] : memref<65536xf32, #tpu.memory_space<vmem>>[vector<16xi32>], vector<16xf32>,
        %gt3A_190 = arith.cmpf ogt, %gather3A_189, %select_n3A_121 : vector<16xf32>
        %gt3A_191 = arith.cmpf ogt, %gather3A_189, %select_n3A_118 : vector<16xf32>
        %select_n3A_192 = arith.select %gt3A_191, %gather3A_189, %select_n3A_118 : vector<16xi1>, vector<16xf32>
        %select_n3A_193 = arith.select %gt3A_190, %select_n3A_121, %select_n3A_192 : vector<16xi1>, vector<16xf32>
        %select_n3A_194 = arith.select %gt3A_191, %and3A_187, %select_n3A_120 : vector<16xi1>, vector<16xi32>
        %select_n3A_195 = arith.select %gt3A_190, %select_n3A_122, %select_n3A_194 : vector<16xi1>, vector<16xi32>
        %select_n3A_196 = arith.select %gt3A_190, %gather3A_189, %select_n3A_121 : vector<16xi1>, vector<16xf32>
        %select_n3A_197 = arith.select %gt3A_190, %and3A_187, %select_n3A_122 : vector<16xi1>, vector<16xi32>
        %exp3A_198 = math.exp %gather3A_189 : vector<16xf32>
        %add3A_199 = arith.addf %add3A_124, %exp3A_198 : vector<16xf32>
        %add3A_200 = arith.constant 32 : i32
        %add3A_201 = vector.broadcast %add3A_200 : i32 to vector<16xi32>
        %add3A_202 = arith.addi %add3A_181, %add3A_201 : vector<16xi32>
        %and3A_203 = arith.constant 127 : i32
        %and3A_204 = vector.broadcast %and3A_203 : i32 to vector<16xi32>
        %and3A_205 = arith.andi %add3A_202, %and3A_204 : vector<16xi32>
        %add3A_206 = arith.addi %mul3A_24, %and3A_205 : vector<16xi32>
        %gather3A_207 = tpu.vector_load_idx %arg5[%add3A_206] : memref<65536xf32, #tpu.memory_space<vmem>>[vector<16xi32>], vector<16xf32>,
        %gt3A_208 = arith.cmpf ogt, %gather3A_207, %select_n3A_139 : vector<16xf32>
        %gt3A_209 = arith.cmpf ogt, %gather3A_207, %select_n3A_136 : vector<16xf32>
        %select_n3A_210 = arith.select %gt3A_209, %gather3A_207, %select_n3A_136 : vector<16xi1>, vector<16xf32>
        %select_n3A_211 = arith.select %gt3A_208, %select_n3A_139, %select_n3A_210 : vector<16xi1>, vector<16xf32>
        %select_n3A_212 = arith.select %gt3A_209, %and3A_205, %select_n3A_138 : vector<16xi1>, vector<16xi32>
        %select_n3A_213 = arith.select %gt3A_208, %select_n3A_140, %select_n3A_212 : vector<16xi1>, vector<16xi32>
        %select_n3A_214 = arith.select %gt3A_208, %gather3A_207, %select_n3A_139 : vector<16xi1>, vector<16xf32>
        %select_n3A_215 = arith.select %gt3A_208, %and3A_205, %select_n3A_140 : vector<16xi1>, vector<16xi32>
        %exp3A_216 = math.exp %gather3A_207 : vector<16xf32>
        %add3A_217 = arith.addf %add3A_142, %exp3A_216 : vector<16xf32>
        %add3A_218 = arith.constant 64 : i32
        %add3A_219 = vector.broadcast %add3A_218 : i32 to vector<16xi32>
        %add3A_220 = arith.addi %add3A_181, %add3A_219 : vector<16xi32>
        %and3A_221 = arith.constant 127 : i32
        %and3A_222 = vector.broadcast %and3A_221 : i32 to vector<16xi32>
        %and3A_223 = arith.andi %add3A_220, %and3A_222 : vector<16xi32>
        %add3A_224 = arith.addi %mul3A_24, %and3A_223 : vector<16xi32>
        %gather3A_225 = tpu.vector_load_idx %arg5[%add3A_224] : memref<65536xf32, #tpu.memory_space<vmem>>[vector<16xi32>], vector<16xf32>,
        %gt3A_226 = arith.cmpf ogt, %gather3A_225, %select_n3A_157 : vector<16xf32>
        %gt3A_227 = arith.cmpf ogt, %gather3A_225, %select_n3A_154 : vector<16xf32>
        %select_n3A_228 = arith.select %gt3A_227, %gather3A_225, %select_n3A_154 : vector<16xi1>, vector<16xf32>
        %select_n3A_229 = arith.select %gt3A_226, %select_n3A_157, %select_n3A_228 : vector<16xi1>, vector<16xf32>
        %select_n3A_230 = arith.select %gt3A_227, %and3A_223, %select_n3A_156 : vector<16xi1>, vector<16xi32>
        %select_n3A_231 = arith.select %gt3A_226, %select_n3A_158, %select_n3A_230 : vector<16xi1>, vector<16xi32>
        %select_n3A_232 = arith.select %gt3A_226, %gather3A_225, %select_n3A_157 : vector<16xi1>, vector<16xf32>
        %select_n3A_233 = arith.select %gt3A_226, %and3A_223, %select_n3A_158 : vector<16xi1>, vector<16xi32>
        %exp3A_234 = math.exp %gather3A_225 : vector<16xf32>
        %add3A_235 = arith.addf %add3A_160, %exp3A_234 : vector<16xf32>
        %add3A_236 = arith.constant 96 : i32
        %add3A_237 = vector.broadcast %add3A_236 : i32 to vector<16xi32>
        %add3A_238 = arith.addi %add3A_181, %add3A_237 : vector<16xi32>
        %and3A_239 = arith.constant 127 : i32
        %and3A_240 = vector.broadcast %and3A_239 : i32 to vector<16xi32>
        %and3A_241 = arith.andi %add3A_238, %and3A_240 : vector<16xi32>
        %add3A_242 = arith.addi %mul3A_24, %and3A_241 : vector<16xi32>
        %gather3A_243 = tpu.vector_load_idx %arg5[%add3A_242] : memref<65536xf32, #tpu.memory_space<vmem>>[vector<16xi32>], vector<16xf32>,
        %gt3A_244 = arith.cmpf ogt, %gather3A_243, %select_n3A_175 : vector<16xf32>
        %gt3A_245 = arith.cmpf ogt, %gather3A_243, %select_n3A_172 : vector<16xf32>
        %select_n3A_246 = arith.select %gt3A_245, %gather3A_243, %select_n3A_172 : vector<16xi1>, vector<16xf32>
        %select_n3A_247 = arith.select %gt3A_244, %select_n3A_175, %select_n3A_246 : vector<16xi1>, vector<16xf32>
        %select_n3A_248 = arith.select %gt3A_245, %and3A_241, %select_n3A_174 : vector<16xi1>, vector<16xi32>
        %select_n3A_249 = arith.select %gt3A_244, %select_n3A_176, %select_n3A_248 : vector<16xi1>, vector<16xi32>
        %select_n3A_250 = arith.select %gt3A_244, %gather3A_243, %select_n3A_175 : vector<16xi1>, vector<16xf32>
        %select_n3A_251 = arith.select %gt3A_244, %and3A_241, %select_n3A_176 : vector<16xi1>, vector<16xi32>
        %exp3A_252 = math.exp %gather3A_243 : vector<16xf32>
        %add3A_253 = arith.addf %add3A_178, %exp3A_252 : vector<16xf32>
        %scan3A_254 = arith.constant 3 : i32
        %add3A_255 = vector.broadcast %scan3A_254 : i32 to vector<16xi32>
        %add3A_256 = arith.addi %add3A_255, %iota3A : vector<16xi32>
        %add3A_257 = arith.constant 0 : i32
        %add3A_258 = vector.broadcast %add3A_257 : i32 to vector<16xi32>
        %add3A_259 = arith.addi %add3A_256, %add3A_258 : vector<16xi32>
        %and3A_260 = arith.constant 127 : i32
        %and3A_261 = vector.broadcast %and3A_260 : i32 to vector<16xi32>
        %and3A_262 = arith.andi %add3A_259, %and3A_261 : vector<16xi32>
        %add3A_263 = arith.addi %mul3A_24, %and3A_262 : vector<16xi32>
        %gather3A_264 = tpu.vector_load_idx %arg5[%add3A_263] : memref<65536xf32, #tpu.memory_space<vmem>>[vector<16xi32>], vector<16xf32>,
        %gt3A_265 = arith.cmpf ogt, %gather3A_264, %select_n3A_196 : vector<16xf32>
        %gt3A_266 = arith.cmpf ogt, %gather3A_264, %select_n3A_193 : vector<16xf32>
        %select_n3A_267 = arith.select %gt3A_266, %gather3A_264, %select_n3A_193 : vector<16xi1>, vector<16xf32>
        %select_n3A_268 = arith.select %gt3A_265, %select_n3A_196, %select_n3A_267 : vector<16xi1>, vector<16xf32>
        %select_n3A_269 = arith.select %gt3A_266, %and3A_262, %select_n3A_195 : vector<16xi1>, vector<16xi32>
        %select_n3A_270 = arith.select %gt3A_265, %select_n3A_197, %select_n3A_269 : vector<16xi1>, vector<16xi32>
        %select_n3A_271 = arith.select %gt3A_265, %gather3A_264, %select_n3A_196 : vector<16xi1>, vector<16xf32>
        %select_n3A_272 = arith.select %gt3A_265, %and3A_262, %select_n3A_197 : vector<16xi1>, vector<16xi32>
        %exp3A_273 = math.exp %gather3A_264 : vector<16xf32>
        %add3A_274 = arith.addf %add3A_199, %exp3A_273 : vector<16xf32>
        %add3A_275 = arith.constant 32 : i32
        %add3A_276 = vector.broadcast %add3A_275 : i32 to vector<16xi32>
        %add3A_277 = arith.addi %add3A_256, %add3A_276 : vector<16xi32>
        %and3A_278 = arith.constant 127 : i32
        %and3A_279 = vector.broadcast %and3A_278 : i32 to vector<16xi32>
        %and3A_280 = arith.andi %add3A_277, %and3A_279 : vector<16xi32>
        %add3A_281 = arith.addi %mul3A_24, %and3A_280 : vector<16xi32>
        %gather3A_282 = tpu.vector_load_idx %arg5[%add3A_281] : memref<65536xf32, #tpu.memory_space<vmem>>[vector<16xi32>], vector<16xf32>,
        %gt3A_283 = arith.cmpf ogt, %gather3A_282, %select_n3A_214 : vector<16xf32>
        %gt3A_284 = arith.cmpf ogt, %gather3A_282, %select_n3A_211 : vector<16xf32>
        %select_n3A_285 = arith.select %gt3A_284, %gather3A_282, %select_n3A_211 : vector<16xi1>, vector<16xf32>
        %select_n3A_286 = arith.select %gt3A_283, %select_n3A_214, %select_n3A_285 : vector<16xi1>, vector<16xf32>
        %select_n3A_287 = arith.select %gt3A_284, %and3A_280, %select_n3A_213 : vector<16xi1>, vector<16xi32>
        %select_n3A_288 = arith.select %gt3A_283, %select_n3A_215, %select_n3A_287 : vector<16xi1>, vector<16xi32>
        %select_n3A_289 = arith.select %gt3A_283, %gather3A_282, %select_n3A_214 : vector<16xi1>, vector<16xf32>
        %select_n3A_290 = arith.select %gt3A_283, %and3A_280, %select_n3A_215 : vector<16xi1>, vector<16xi32>
        %exp3A_291 = math.exp %gather3A_282 : vector<16xf32>
        %add3A_292 = arith.addf %add3A_217, %exp3A_291 : vector<16xf32>
        %add3A_293 = arith.constant 64 : i32
        %add3A_294 = vector.broadcast %add3A_293 : i32 to vector<16xi32>
        %add3A_295 = arith.addi %add3A_256, %add3A_294 : vector<16xi32>
        %and3A_296 = arith.constant 127 : i32
        %and3A_297 = vector.broadcast %and3A_296 : i32 to vector<16xi32>
        %and3A_298 = arith.andi %add3A_295, %and3A_297 : vector<16xi32>
        %add3A_299 = arith.addi %mul3A_24, %and3A_298 : vector<16xi32>
        %gather3A_300 = tpu.vector_load_idx %arg5[%add3A_299] : memref<65536xf32, #tpu.memory_space<vmem>>[vector<16xi32>], vector<16xf32>,
        %gt3A_301 = arith.cmpf ogt, %gather3A_300, %select_n3A_232 : vector<16xf32>
        %gt3A_302 = arith.cmpf ogt, %gather3A_300, %select_n3A_229 : vector<16xf32>
        %select_n3A_303 = arith.select %gt3A_302, %gather3A_300, %select_n3A_229 : vector<16xi1>, vector<16xf32>
        %select_n3A_304 = arith.select %gt3A_301, %select_n3A_232, %select_n3A_303 : vector<16xi1>, vector<16xf32>
        %select_n3A_305 = arith.select %gt3A_302, %and3A_298, %select_n3A_231 : vector<16xi1>, vector<16xi32>
        %select_n3A_306 = arith.select %gt3A_301, %select_n3A_233, %select_n3A_305 : vector<16xi1>, vector<16xi32>
        %select_n3A_307 = arith.select %gt3A_301, %gather3A_300, %select_n3A_232 : vector<16xi1>, vector<16xf32>
        %select_n3A_308 = arith.select %gt3A_301, %and3A_298, %select_n3A_233 : vector<16xi1>, vector<16xi32>
        %exp3A_309 = math.exp %gather3A_300 : vector<16xf32>
        %add3A_310 = arith.addf %add3A_235, %exp3A_309 : vector<16xf32>
        %add3A_311 = arith.constant 96 : i32
        %add3A_312 = vector.broadcast %add3A_311 : i32 to vector<16xi32>
        %add3A_313 = arith.addi %add3A_256, %add3A_312 : vector<16xi32>
        %and3A_314 = arith.constant 127 : i32
        %and3A_315 = vector.broadcast %and3A_314 : i32 to vector<16xi32>
        %and3A_316 = arith.andi %add3A_313, %and3A_315 : vector<16xi32>
        %add3A_317 = arith.addi %mul3A_24, %and3A_316 : vector<16xi32>
        %gather3A_318 = tpu.vector_load_idx %arg5[%add3A_317] : memref<65536xf32, #tpu.memory_space<vmem>>[vector<16xi32>], vector<16xf32>,
        %gt3A_319 = arith.cmpf ogt, %gather3A_318, %select_n3A_250 : vector<16xf32>
        %gt3A_320 = arith.cmpf ogt, %gather3A_318, %select_n3A_247 : vector<16xf32>
        %select_n3A_321 = arith.select %gt3A_320, %gather3A_318, %select_n3A_247 : vector<16xi1>, vector<16xf32>
        %select_n3A_322 = arith.select %gt3A_319, %select_n3A_250, %select_n3A_321 : vector<16xi1>, vector<16xf32>
        %select_n3A_323 = arith.select %gt3A_320, %and3A_316, %select_n3A_249 : vector<16xi1>, vector<16xi32>
        %select_n3A_324 = arith.select %gt3A_319, %select_n3A_251, %select_n3A_323 : vector<16xi1>, vector<16xi32>
        %select_n3A_325 = arith.select %gt3A_319, %gather3A_318, %select_n3A_250 : vector<16xi1>, vector<16xf32>
        %select_n3A_326 = arith.select %gt3A_319, %and3A_316, %select_n3A_251 : vector<16xi1>, vector<16xi32>
        %exp3A_327 = math.exp %gather3A_318 : vector<16xf32>
        %add3A_328 = arith.addf %add3A_253, %exp3A_327 : vector<16xf32>
        %scan3A_329 = arith.constant 4 : i32
        %add3A_330 = vector.broadcast %scan3A_329 : i32 to vector<16xi32>
        %add3A_331 = arith.addi %add3A_330, %iota3A : vector<16xi32>
        %add3A_332 = arith.constant 0 : i32
        %add3A_333 = vector.broadcast %add3A_332 : i32 to vector<16xi32>
        %add3A_334 = arith.addi %add3A_331, %add3A_333 : vector<16xi32>
        %and3A_335 = arith.constant 127 : i32
        %and3A_336 = vector.broadcast %and3A_335 : i32 to vector<16xi32>
        %and3A_337 = arith.andi %add3A_334, %and3A_336 : vector<16xi32>
        %add3A_338 = arith.addi %mul3A_24, %and3A_337 : vector<16xi32>
        %gather3A_339 = tpu.vector_load_idx %arg5[%add3A_338] : memref<65536xf32, #tpu.memory_space<vmem>>[vector<16xi32>], vector<16xf32>,
        %gt3A_340 = arith.cmpf ogt, %gather3A_339, %select_n3A_271 : vector<16xf32>
        %gt3A_341 = arith.cmpf ogt, %gather3A_339, %select_n3A_268 : vector<16xf32>
        %select_n3A_342 = arith.select %gt3A_341, %gather3A_339, %select_n3A_268 : vector<16xi1>, vector<16xf32>
        %select_n3A_343 = arith.select %gt3A_340, %select_n3A_271, %select_n3A_342 : vector<16xi1>, vector<16xf32>
        %select_n3A_344 = arith.select %gt3A_341, %and3A_337, %select_n3A_270 : vector<16xi1>, vector<16xi32>
        %select_n3A_345 = arith.select %gt3A_340, %select_n3A_272, %select_n3A_344 : vector<16xi1>, vector<16xi32>
        %select_n3A_346 = arith.select %gt3A_340, %gather3A_339, %select_n3A_271 : vector<16xi1>, vector<16xf32>
        %select_n3A_347 = arith.select %gt3A_340, %and3A_337, %select_n3A_272 : vector<16xi1>, vector<16xi32>
        %exp3A_348 = math.exp %gather3A_339 : vector<16xf32>
        %add3A_349 = arith.addf %add3A_274, %exp3A_348 : vector<16xf32>
        %add3A_350 = arith.constant 32 : i32
        %add3A_351 = vector.broadcast %add3A_350 : i32 to vector<16xi32>
        %add3A_352 = arith.addi %add3A_331, %add3A_351 : vector<16xi32>
        %and3A_353 = arith.constant 127 : i32
        %and3A_354 = vector.broadcast %and3A_353 : i32 to vector<16xi32>
        %and3A_355 = arith.andi %add3A_352, %and3A_354 : vector<16xi32>
        %add3A_356 = arith.addi %mul3A_24, %and3A_355 : vector<16xi32>
        %gather3A_357 = tpu.vector_load_idx %arg5[%add3A_356] : memref<65536xf32, #tpu.memory_space<vmem>>[vector<16xi32>], vector<16xf32>,
        %gt3A_358 = arith.cmpf ogt, %gather3A_357, %select_n3A_289 : vector<16xf32>
        %gt3A_359 = arith.cmpf ogt, %gather3A_357, %select_n3A_286 : vector<16xf32>
        %select_n3A_360 = arith.select %gt3A_359, %gather3A_357, %select_n3A_286 : vector<16xi1>, vector<16xf32>
        %select_n3A_361 = arith.select %gt3A_358, %select_n3A_289, %select_n3A_360 : vector<16xi1>, vector<16xf32>
        %select_n3A_362 = arith.select %gt3A_359, %and3A_355, %select_n3A_288 : vector<16xi1>, vector<16xi32>
        %select_n3A_363 = arith.select %gt3A_358, %select_n3A_290, %select_n3A_362 : vector<16xi1>, vector<16xi32>
        %select_n3A_364 = arith.select %gt3A_358, %gather3A_357, %select_n3A_289 : vector<16xi1>, vector<16xf32>
        %select_n3A_365 = arith.select %gt3A_358, %and3A_355, %select_n3A_290 : vector<16xi1>, vector<16xi32>
        %exp3A_366 = math.exp %gather3A_357 : vector<16xf32>
        %add3A_367 = arith.addf %add3A_292, %exp3A_366 : vector<16xf32>
        %add3A_368 = arith.constant 64 : i32
        %add3A_369 = vector.broadcast %add3A_368 : i32 to vector<16xi32>
        %add3A_370 = arith.addi %add3A_331, %add3A_369 : vector<16xi32>
        %and3A_371 = arith.constant 127 : i32
        %and3A_372 = vector.broadcast %and3A_371 : i32 to vector<16xi32>
        %and3A_373 = arith.andi %add3A_370, %and3A_372 : vector<16xi32>
        %add3A_374 = arith.addi %mul3A_24, %and3A_373 : vector<16xi32>
        %gather3A_375 = tpu.vector_load_idx %arg5[%add3A_374] : memref<65536xf32, #tpu.memory_space<vmem>>[vector<16xi32>], vector<16xf32>,
        %gt3A_376 = arith.cmpf ogt, %gather3A_375, %select_n3A_307 : vector<16xf32>
        %gt3A_377 = arith.cmpf ogt, %gather3A_375, %select_n3A_304 : vector<16xf32>
        %select_n3A_378 = arith.select %gt3A_377, %gather3A_375, %select_n3A_304 : vector<16xi1>, vector<16xf32>
        %select_n3A_379 = arith.select %gt3A_376, %select_n3A_307, %select_n3A_378 : vector<16xi1>, vector<16xf32>
        %select_n3A_380 = arith.select %gt3A_377, %and3A_373, %select_n3A_306 : vector<16xi1>, vector<16xi32>
        %select_n3A_381 = arith.select %gt3A_376, %select_n3A_308, %select_n3A_380 : vector<16xi1>, vector<16xi32>
        %select_n3A_382 = arith.select %gt3A_376, %gather3A_375, %select_n3A_307 : vector<16xi1>, vector<16xf32>
        %select_n3A_383 = arith.select %gt3A_376, %and3A_373, %select_n3A_308 : vector<16xi1>, vector<16xi32>
        %exp3A_384 = math.exp %gather3A_375 : vector<16xf32>
        %add3A_385 = arith.addf %add3A_310, %exp3A_384 : vector<16xf32>
        %add3A_386 = arith.constant 96 : i32
        %add3A_387 = vector.broadcast %add3A_386 : i32 to vector<16xi32>
        %add3A_388 = arith.addi %add3A_331, %add3A_387 : vector<16xi32>
        %and3A_389 = arith.constant 127 : i32
        %and3A_390 = vector.broadcast %and3A_389 : i32 to vector<16xi32>
        %and3A_391 = arith.andi %add3A_388, %and3A_390 : vector<16xi32>
        %add3A_392 = arith.addi %mul3A_24, %and3A_391 : vector<16xi32>
        %gather3A_393 = tpu.vector_load_idx %arg5[%add3A_392] : memref<65536xf32, #tpu.memory_space<vmem>>[vector<16xi32>], vector<16xf32>,
        %gt3A_394 = arith.cmpf ogt, %gather3A_393, %select_n3A_325 : vector<16xf32>
        %gt3A_395 = arith.cmpf ogt, %gather3A_393, %select_n3A_322 : vector<16xf32>
        %select_n3A_396 = arith.select %gt3A_395, %gather3A_393, %select_n3A_322 : vector<16xi1>, vector<16xf32>
        %select_n3A_397 = arith.select %gt3A_394, %select_n3A_325, %select_n3A_396 : vector<16xi1>, vector<16xf32>
        %select_n3A_398 = arith.select %gt3A_395, %and3A_391, %select_n3A_324 : vector<16xi1>, vector<16xi32>
        %select_n3A_399 = arith.select %gt3A_394, %select_n3A_326, %select_n3A_398 : vector<16xi1>, vector<16xi32>
        %select_n3A_400 = arith.select %gt3A_394, %gather3A_393, %select_n3A_325 : vector<16xi1>, vector<16xf32>
        %select_n3A_401 = arith.select %gt3A_394, %and3A_391, %select_n3A_326 : vector<16xi1>, vector<16xi32>
        %exp3A_402 = math.exp %gather3A_393 : vector<16xf32>
        %add3A_403 = arith.addf %add3A_328, %exp3A_402 : vector<16xf32>
        %scan3A_404 = arith.constant 5 : i32
        %add3A_405 = vector.broadcast %scan3A_404 : i32 to vector<16xi32>
        %add3A_406 = arith.addi %add3A_405, %iota3A : vector<16xi32>
        %add3A_407 = arith.constant 0 : i32
        %add3A_408 = vector.broadcast %add3A_407 : i32 to vector<16xi32>
        %add3A_409 = arith.addi %add3A_406, %add3A_408 : vector<16xi32>
        %and3A_410 = arith.constant 127 : i32
        %and3A_411 = vector.broadcast %and3A_410 : i32 to vector<16xi32>
        %and3A_412 = arith.andi %add3A_409, %and3A_411 : vector<16xi32>
        %add3A_413 = arith.addi %mul3A_24, %and3A_412 : vector<16xi32>
        %gather3A_414 = tpu.vector_load_idx %arg5[%add3A_413] : memref<65536xf32, #tpu.memory_space<vmem>>[vector<16xi32>], vector<16xf32>,
        %gt3A_415 = arith.cmpf ogt, %gather3A_414, %select_n3A_346 : vector<16xf32>
        %gt3A_416 = arith.cmpf ogt, %gather3A_414, %select_n3A_343 : vector<16xf32>
        %select_n3A_417 = arith.select %gt3A_416, %gather3A_414, %select_n3A_343 : vector<16xi1>, vector<16xf32>
        %select_n3A_418 = arith.select %gt3A_415, %select_n3A_346, %select_n3A_417 : vector<16xi1>, vector<16xf32>
        %select_n3A_419 = arith.select %gt3A_416, %and3A_412, %select_n3A_345 : vector<16xi1>, vector<16xi32>
        %select_n3A_420 = arith.select %gt3A_415, %select_n3A_347, %select_n3A_419 : vector<16xi1>, vector<16xi32>
        %select_n3A_421 = arith.select %gt3A_415, %gather3A_414, %select_n3A_346 : vector<16xi1>, vector<16xf32>
        %select_n3A_422 = arith.select %gt3A_415, %and3A_412, %select_n3A_347 : vector<16xi1>, vector<16xi32>
        %exp3A_423 = math.exp %gather3A_414 : vector<16xf32>
        %add3A_424 = arith.addf %add3A_349, %exp3A_423 : vector<16xf32>
        %add3A_425 = arith.constant 32 : i32
        %add3A_426 = vector.broadcast %add3A_425 : i32 to vector<16xi32>
        %add3A_427 = arith.addi %add3A_406, %add3A_426 : vector<16xi32>
        %and3A_428 = arith.constant 127 : i32
        %and3A_429 = vector.broadcast %and3A_428 : i32 to vector<16xi32>
        %and3A_430 = arith.andi %add3A_427, %and3A_429 : vector<16xi32>
        %add3A_431 = arith.addi %mul3A_24, %and3A_430 : vector<16xi32>
        %gather3A_432 = tpu.vector_load_idx %arg5[%add3A_431] : memref<65536xf32, #tpu.memory_space<vmem>>[vector<16xi32>], vector<16xf32>,
        %gt3A_433 = arith.cmpf ogt, %gather3A_432, %select_n3A_364 : vector<16xf32>
        %gt3A_434 = arith.cmpf ogt, %gather3A_432, %select_n3A_361 : vector<16xf32>
        %select_n3A_435 = arith.select %gt3A_434, %gather3A_432, %select_n3A_361 : vector<16xi1>, vector<16xf32>
        %select_n3A_436 = arith.select %gt3A_433, %select_n3A_364, %select_n3A_435 : vector<16xi1>, vector<16xf32>
        %select_n3A_437 = arith.select %gt3A_434, %and3A_430, %select_n3A_363 : vector<16xi1>, vector<16xi32>
        %select_n3A_438 = arith.select %gt3A_433, %select_n3A_365, %select_n3A_437 : vector<16xi1>, vector<16xi32>
        %select_n3A_439 = arith.select %gt3A_433, %gather3A_432, %select_n3A_364 : vector<16xi1>, vector<16xf32>
        %select_n3A_440 = arith.select %gt3A_433, %and3A_430, %select_n3A_365 : vector<16xi1>, vector<16xi32>
        %exp3A_441 = math.exp %gather3A_432 : vector<16xf32>
        %add3A_442 = arith.addf %add3A_367, %exp3A_441 : vector<16xf32>
        %add3A_443 = arith.constant 64 : i32
        %add3A_444 = vector.broadcast %add3A_443 : i32 to vector<16xi32>
        %add3A_445 = arith.addi %add3A_406, %add3A_444 : vector<16xi32>
        %and3A_446 = arith.constant 127 : i32
        %and3A_447 = vector.broadcast %and3A_446 : i32 to vector<16xi32>
        %and3A_448 = arith.andi %add3A_445, %and3A_447 : vector<16xi32>
        %add3A_449 = arith.addi %mul3A_24, %and3A_448 : vector<16xi32>
        %gather3A_450 = tpu.vector_load_idx %arg5[%add3A_449] : memref<65536xf32, #tpu.memory_space<vmem>>[vector<16xi32>], vector<16xf32>,
        %gt3A_451 = arith.cmpf ogt, %gather3A_450, %select_n3A_382 : vector<16xf32>
        %gt3A_452 = arith.cmpf ogt, %gather3A_450, %select_n3A_379 : vector<16xf32>
        %select_n3A_453 = arith.select %gt3A_452, %gather3A_450, %select_n3A_379 : vector<16xi1>, vector<16xf32>
        %select_n3A_454 = arith.select %gt3A_451, %select_n3A_382, %select_n3A_453 : vector<16xi1>, vector<16xf32>
        %select_n3A_455 = arith.select %gt3A_452, %and3A_448, %select_n3A_381 : vector<16xi1>, vector<16xi32>
        %select_n3A_456 = arith.select %gt3A_451, %select_n3A_383, %select_n3A_455 : vector<16xi1>, vector<16xi32>
        %select_n3A_457 = arith.select %gt3A_451, %gather3A_450, %select_n3A_382 : vector<16xi1>, vector<16xf32>
        %select_n3A_458 = arith.select %gt3A_451, %and3A_448, %select_n3A_383 : vector<16xi1>, vector<16xi32>
        %exp3A_459 = math.exp %gather3A_450 : vector<16xf32>
        %add3A_460 = arith.addf %add3A_385, %exp3A_459 : vector<16xf32>
        %add3A_461 = arith.constant 96 : i32
        %add3A_462 = vector.broadcast %add3A_461 : i32 to vector<16xi32>
        %add3A_463 = arith.addi %add3A_406, %add3A_462 : vector<16xi32>
        %and3A_464 = arith.constant 127 : i32
        %and3A_465 = vector.broadcast %and3A_464 : i32 to vector<16xi32>
        %and3A_466 = arith.andi %add3A_463, %and3A_465 : vector<16xi32>
        %add3A_467 = arith.addi %mul3A_24, %and3A_466 : vector<16xi32>
        %gather3A_468 = tpu.vector_load_idx %arg5[%add3A_467] : memref<65536xf32, #tpu.memory_space<vmem>>[vector<16xi32>], vector<16xf32>,
        %gt3A_469 = arith.cmpf ogt, %gather3A_468, %select_n3A_400 : vector<16xf32>
        %gt3A_470 = arith.cmpf ogt, %gather3A_468, %select_n3A_397 : vector<16xf32>
        %select_n3A_471 = arith.select %gt3A_470, %gather3A_468, %select_n3A_397 : vector<16xi1>, vector<16xf32>
        %select_n3A_472 = arith.select %gt3A_469, %select_n3A_400, %select_n3A_471 : vector<16xi1>, vector<16xf32>
        %select_n3A_473 = arith.select %gt3A_470, %and3A_466, %select_n3A_399 : vector<16xi1>, vector<16xi32>
        %select_n3A_474 = arith.select %gt3A_469, %select_n3A_401, %select_n3A_473 : vector<16xi1>, vector<16xi32>
        %select_n3A_475 = arith.select %gt3A_469, %gather3A_468, %select_n3A_400 : vector<16xi1>, vector<16xf32>
        %select_n3A_476 = arith.select %gt3A_469, %and3A_466, %select_n3A_401 : vector<16xi1>, vector<16xi32>
        %exp3A_477 = math.exp %gather3A_468 : vector<16xf32>
        %add3A_478 = arith.addf %add3A_403, %exp3A_477 : vector<16xf32>
        %scan3A_479 = arith.constant 6 : i32
        %add3A_480 = vector.broadcast %scan3A_479 : i32 to vector<16xi32>
        %add3A_481 = arith.addi %add3A_480, %iota3A : vector<16xi32>
        %add3A_482 = arith.constant 0 : i32
        %add3A_483 = vector.broadcast %add3A_482 : i32 to vector<16xi32>
        %add3A_484 = arith.addi %add3A_481, %add3A_483 : vector<16xi32>
        %and3A_485 = arith.constant 127 : i32
        %and3A_486 = vector.broadcast %and3A_485 : i32 to vector<16xi32>
        %and3A_487 = arith.andi %add3A_484, %and3A_486 : vector<16xi32>
        %add3A_488 = arith.addi %mul3A_24, %and3A_487 : vector<16xi32>
        %gather3A_489 = tpu.vector_load_idx %arg5[%add3A_488] : memref<65536xf32, #tpu.memory_space<vmem>>[vector<16xi32>], vector<16xf32>,
        %gt3A_490 = arith.cmpf ogt, %gather3A_489, %select_n3A_421 : vector<16xf32>
        %gt3A_491 = arith.cmpf ogt, %gather3A_489, %select_n3A_418 : vector<16xf32>
        %select_n3A_492 = arith.select %gt3A_491, %gather3A_489, %select_n3A_418 : vector<16xi1>, vector<16xf32>
        %select_n3A_493 = arith.select %gt3A_490, %select_n3A_421, %select_n3A_492 : vector<16xi1>, vector<16xf32>
        %select_n3A_494 = arith.select %gt3A_491, %and3A_487, %select_n3A_420 : vector<16xi1>, vector<16xi32>
        %select_n3A_495 = arith.select %gt3A_490, %select_n3A_422, %select_n3A_494 : vector<16xi1>, vector<16xi32>
        %select_n3A_496 = arith.select %gt3A_490, %gather3A_489, %select_n3A_421 : vector<16xi1>, vector<16xf32>
        %select_n3A_497 = arith.select %gt3A_490, %and3A_487, %select_n3A_422 : vector<16xi1>, vector<16xi32>
        %exp3A_498 = math.exp %gather3A_489 : vector<16xf32>
        %add3A_499 = arith.addf %add3A_424, %exp3A_498 : vector<16xf32>
        %add3A_500 = arith.constant 32 : i32
        %add3A_501 = vector.broadcast %add3A_500 : i32 to vector<16xi32>
        %add3A_502 = arith.addi %add3A_481, %add3A_501 : vector<16xi32>
        %and3A_503 = arith.constant 127 : i32
        %and3A_504 = vector.broadcast %and3A_503 : i32 to vector<16xi32>
        %and3A_505 = arith.andi %add3A_502, %and3A_504 : vector<16xi32>
        %add3A_506 = arith.addi %mul3A_24, %and3A_505 : vector<16xi32>
        %gather3A_507 = tpu.vector_load_idx %arg5[%add3A_506] : memref<65536xf32, #tpu.memory_space<vmem>>[vector<16xi32>], vector<16xf32>,
        %gt3A_508 = arith.cmpf ogt, %gather3A_507, %select_n3A_439 : vector<16xf32>
        %gt3A_509 = arith.cmpf ogt, %gather3A_507, %select_n3A_436 : vector<16xf32>
        %select_n3A_510 = arith.select %gt3A_509, %gather3A_507, %select_n3A_436 : vector<16xi1>, vector<16xf32>
        %select_n3A_511 = arith.select %gt3A_508, %select_n3A_439, %select_n3A_510 : vector<16xi1>, vector<16xf32>
        %select_n3A_512 = arith.select %gt3A_509, %and3A_505, %select_n3A_438 : vector<16xi1>, vector<16xi32>
        %select_n3A_513 = arith.select %gt3A_508, %select_n3A_440, %select_n3A_512 : vector<16xi1>, vector<16xi32>
        %select_n3A_514 = arith.select %gt3A_508, %gather3A_507, %select_n3A_439 : vector<16xi1>, vector<16xf32>
        %select_n3A_515 = arith.select %gt3A_508, %and3A_505, %select_n3A_440 : vector<16xi1>, vector<16xi32>
        %exp3A_516 = math.exp %gather3A_507 : vector<16xf32>
        %add3A_517 = arith.addf %add3A_442, %exp3A_516 : vector<16xf32>
        %add3A_518 = arith.constant 64 : i32
        %add3A_519 = vector.broadcast %add3A_518 : i32 to vector<16xi32>
        %add3A_520 = arith.addi %add3A_481, %add3A_519 : vector<16xi32>
        %and3A_521 = arith.constant 127 : i32
        %and3A_522 = vector.broadcast %and3A_521 : i32 to vector<16xi32>
        %and3A_523 = arith.andi %add3A_520, %and3A_522 : vector<16xi32>
        %add3A_524 = arith.addi %mul3A_24, %and3A_523 : vector<16xi32>
        %gather3A_525 = tpu.vector_load_idx %arg5[%add3A_524] : memref<65536xf32, #tpu.memory_space<vmem>>[vector<16xi32>], vector<16xf32>,
        %gt3A_526 = arith.cmpf ogt, %gather3A_525, %select_n3A_457 : vector<16xf32>
        %gt3A_527 = arith.cmpf ogt, %gather3A_525, %select_n3A_454 : vector<16xf32>
        %select_n3A_528 = arith.select %gt3A_527, %gather3A_525, %select_n3A_454 : vector<16xi1>, vector<16xf32>
        %select_n3A_529 = arith.select %gt3A_526, %select_n3A_457, %select_n3A_528 : vector<16xi1>, vector<16xf32>
        %select_n3A_530 = arith.select %gt3A_527, %and3A_523, %select_n3A_456 : vector<16xi1>, vector<16xi32>
        %select_n3A_531 = arith.select %gt3A_526, %select_n3A_458, %select_n3A_530 : vector<16xi1>, vector<16xi32>
        %select_n3A_532 = arith.select %gt3A_526, %gather3A_525, %select_n3A_457 : vector<16xi1>, vector<16xf32>
        %select_n3A_533 = arith.select %gt3A_526, %and3A_523, %select_n3A_458 : vector<16xi1>, vector<16xi32>
        %exp3A_534 = math.exp %gather3A_525 : vector<16xf32>
        %add3A_535 = arith.addf %add3A_460, %exp3A_534 : vector<16xf32>
        %add3A_536 = arith.constant 96 : i32
        %add3A_537 = vector.broadcast %add3A_536 : i32 to vector<16xi32>
        %add3A_538 = arith.addi %add3A_481, %add3A_537 : vector<16xi32>
        %and3A_539 = arith.constant 127 : i32
        %and3A_540 = vector.broadcast %and3A_539 : i32 to vector<16xi32>
        %and3A_541 = arith.andi %add3A_538, %and3A_540 : vector<16xi32>
        %add3A_542 = arith.addi %mul3A_24, %and3A_541 : vector<16xi32>
        %gather3A_543 = tpu.vector_load_idx %arg5[%add3A_542] : memref<65536xf32, #tpu.memory_space<vmem>>[vector<16xi32>], vector<16xf32>,
        %gt3A_544 = arith.cmpf ogt, %gather3A_543, %select_n3A_475 : vector<16xf32>
        %gt3A_545 = arith.cmpf ogt, %gather3A_543, %select_n3A_472 : vector<16xf32>
        %select_n3A_546 = arith.select %gt3A_545, %gather3A_543, %select_n3A_472 : vector<16xi1>, vector<16xf32>
        %select_n3A_547 = arith.select %gt3A_544, %select_n3A_475, %select_n3A_546 : vector<16xi1>, vector<16xf32>
        %select_n3A_548 = arith.select %gt3A_545, %and3A_541, %select_n3A_474 : vector<16xi1>, vector<16xi32>
        %select_n3A_549 = arith.select %gt3A_544, %select_n3A_476, %select_n3A_548 : vector<16xi1>, vector<16xi32>
        %select_n3A_550 = arith.select %gt3A_544, %gather3A_543, %select_n3A_475 : vector<16xi1>, vector<16xf32>
        %select_n3A_551 = arith.select %gt3A_544, %and3A_541, %select_n3A_476 : vector<16xi1>, vector<16xi32>
        %exp3A_552 = math.exp %gather3A_543 : vector<16xf32>
        %add3A_553 = arith.addf %add3A_478, %exp3A_552 : vector<16xf32>
        %scan3A_554 = arith.constant 7 : i32
        %add3A_555 = vector.broadcast %scan3A_554 : i32 to vector<16xi32>
        %add3A_556 = arith.addi %add3A_555, %iota3A : vector<16xi32>
        %add3A_557 = arith.constant 0 : i32
        %add3A_558 = vector.broadcast %add3A_557 : i32 to vector<16xi32>
        %add3A_559 = arith.addi %add3A_556, %add3A_558 : vector<16xi32>
        %and3A_560 = arith.constant 127 : i32
        %and3A_561 = vector.broadcast %and3A_560 : i32 to vector<16xi32>
        %and3A_562 = arith.andi %add3A_559, %and3A_561 : vector<16xi32>
        %add3A_563 = arith.addi %mul3A_24, %and3A_562 : vector<16xi32>
        %gather3A_564 = tpu.vector_load_idx %arg5[%add3A_563] : memref<65536xf32, #tpu.memory_space<vmem>>[vector<16xi32>], vector<16xf32>,
        %gt3A_565 = arith.cmpf ogt, %gather3A_564, %select_n3A_496 : vector<16xf32>
        %gt3A_566 = arith.cmpf ogt, %gather3A_564, %select_n3A_493 : vector<16xf32>
        %select_n3A_567 = arith.select %gt3A_566, %gather3A_564, %select_n3A_493 : vector<16xi1>, vector<16xf32>
        %select_n3A_568 = arith.select %gt3A_565, %select_n3A_496, %select_n3A_567 : vector<16xi1>, vector<16xf32>
        %select_n3A_569 = arith.select %gt3A_566, %and3A_562, %select_n3A_495 : vector<16xi1>, vector<16xi32>
        %select_n3A_570 = arith.select %gt3A_565, %select_n3A_497, %select_n3A_569 : vector<16xi1>, vector<16xi32>
        %select_n3A_571 = arith.select %gt3A_565, %gather3A_564, %select_n3A_496 : vector<16xi1>, vector<16xf32>
        %select_n3A_572 = arith.select %gt3A_565, %and3A_562, %select_n3A_497 : vector<16xi1>, vector<16xi32>
        %exp3A_573 = math.exp %gather3A_564 : vector<16xf32>
        %add3A_574 = arith.addf %add3A_499, %exp3A_573 : vector<16xf32>
        %add3A_575 = arith.constant 32 : i32
        %add3A_576 = vector.broadcast %add3A_575 : i32 to vector<16xi32>
        %add3A_577 = arith.addi %add3A_556, %add3A_576 : vector<16xi32>
        %and3A_578 = arith.constant 127 : i32
        %and3A_579 = vector.broadcast %and3A_578 : i32 to vector<16xi32>
        %and3A_580 = arith.andi %add3A_577, %and3A_579 : vector<16xi32>
        %add3A_581 = arith.addi %mul3A_24, %and3A_580 : vector<16xi32>
        %gather3A_582 = tpu.vector_load_idx %arg5[%add3A_581] : memref<65536xf32, #tpu.memory_space<vmem>>[vector<16xi32>], vector<16xf32>,
        %gt3A_583 = arith.cmpf ogt, %gather3A_582, %select_n3A_514 : vector<16xf32>
        %gt3A_584 = arith.cmpf ogt, %gather3A_582, %select_n3A_511 : vector<16xf32>
        %select_n3A_585 = arith.select %gt3A_584, %gather3A_582, %select_n3A_511 : vector<16xi1>, vector<16xf32>
        %select_n3A_586 = arith.select %gt3A_583, %select_n3A_514, %select_n3A_585 : vector<16xi1>, vector<16xf32>
        %select_n3A_587 = arith.select %gt3A_584, %and3A_580, %select_n3A_513 : vector<16xi1>, vector<16xi32>
        %select_n3A_588 = arith.select %gt3A_583, %select_n3A_515, %select_n3A_587 : vector<16xi1>, vector<16xi32>
        %select_n3A_589 = arith.select %gt3A_583, %gather3A_582, %select_n3A_514 : vector<16xi1>, vector<16xf32>
        %select_n3A_590 = arith.select %gt3A_583, %and3A_580, %select_n3A_515 : vector<16xi1>, vector<16xi32>
        %exp3A_591 = math.exp %gather3A_582 : vector<16xf32>
        %add3A_592 = arith.addf %add3A_517, %exp3A_591 : vector<16xf32>
        %add3A_593 = arith.constant 64 : i32
        %add3A_594 = vector.broadcast %add3A_593 : i32 to vector<16xi32>
        %add3A_595 = arith.addi %add3A_556, %add3A_594 : vector<16xi32>
        %and3A_596 = arith.constant 127 : i32
        %and3A_597 = vector.broadcast %and3A_596 : i32 to vector<16xi32>
        %and3A_598 = arith.andi %add3A_595, %and3A_597 : vector<16xi32>
        %add3A_599 = arith.addi %mul3A_24, %and3A_598 : vector<16xi32>
        %gather3A_600 = tpu.vector_load_idx %arg5[%add3A_599] : memref<65536xf32, #tpu.memory_space<vmem>>[vector<16xi32>], vector<16xf32>,
        %gt3A_601 = arith.cmpf ogt, %gather3A_600, %select_n3A_532 : vector<16xf32>
        %gt3A_602 = arith.cmpf ogt, %gather3A_600, %select_n3A_529 : vector<16xf32>
        %select_n3A_603 = arith.select %gt3A_602, %gather3A_600, %select_n3A_529 : vector<16xi1>, vector<16xf32>
        %select_n3A_604 = arith.select %gt3A_601, %select_n3A_532, %select_n3A_603 : vector<16xi1>, vector<16xf32>
        %select_n3A_605 = arith.select %gt3A_602, %and3A_598, %select_n3A_531 : vector<16xi1>, vector<16xi32>
        %select_n3A_606 = arith.select %gt3A_601, %select_n3A_533, %select_n3A_605 : vector<16xi1>, vector<16xi32>
        %select_n3A_607 = arith.select %gt3A_601, %gather3A_600, %select_n3A_532 : vector<16xi1>, vector<16xf32>
        %select_n3A_608 = arith.select %gt3A_601, %and3A_598, %select_n3A_533 : vector<16xi1>, vector<16xi32>
        %exp3A_609 = math.exp %gather3A_600 : vector<16xf32>
        %add3A_610 = arith.addf %add3A_535, %exp3A_609 : vector<16xf32>
        %add3A_611 = arith.constant 96 : i32
        %add3A_612 = vector.broadcast %add3A_611 : i32 to vector<16xi32>
        %add3A_613 = arith.addi %add3A_556, %add3A_612 : vector<16xi32>
        %and3A_614 = arith.constant 127 : i32
        %and3A_615 = vector.broadcast %and3A_614 : i32 to vector<16xi32>
        %and3A_616 = arith.andi %add3A_613, %and3A_615 : vector<16xi32>
        %add3A_617 = arith.addi %mul3A_24, %and3A_616 : vector<16xi32>
        %gather3A_618 = tpu.vector_load_idx %arg5[%add3A_617] : memref<65536xf32, #tpu.memory_space<vmem>>[vector<16xi32>], vector<16xf32>,
        %gt3A_619 = arith.cmpf ogt, %gather3A_618, %select_n3A_550 : vector<16xf32>
        %gt3A_620 = arith.cmpf ogt, %gather3A_618, %select_n3A_547 : vector<16xf32>
        %select_n3A_621 = arith.select %gt3A_620, %gather3A_618, %select_n3A_547 : vector<16xi1>, vector<16xf32>
        %select_n3A_622 = arith.select %gt3A_619, %select_n3A_550, %select_n3A_621 : vector<16xi1>, vector<16xf32>
        %select_n3A_623 = arith.select %gt3A_620, %and3A_616, %select_n3A_549 : vector<16xi1>, vector<16xi32>
        %select_n3A_624 = arith.select %gt3A_619, %select_n3A_551, %select_n3A_623 : vector<16xi1>, vector<16xi32>
        %select_n3A_625 = arith.select %gt3A_619, %gather3A_618, %select_n3A_550 : vector<16xi1>, vector<16xf32>
        %select_n3A_626 = arith.select %gt3A_619, %and3A_616, %select_n3A_551 : vector<16xi1>, vector<16xi32>
        %exp3A_627 = math.exp %gather3A_618 : vector<16xf32>
        %add3A_628 = arith.addf %add3A_553, %exp3A_627 : vector<16xf32>
        %scan3A_629 = arith.constant 8 : i32
        %add3A_630 = vector.broadcast %scan3A_629 : i32 to vector<16xi32>
        %add3A_631 = arith.addi %add3A_630, %iota3A : vector<16xi32>
        %add3A_632 = arith.constant 0 : i32
        %add3A_633 = vector.broadcast %add3A_632 : i32 to vector<16xi32>
        %add3A_634 = arith.addi %add3A_631, %add3A_633 : vector<16xi32>
        %and3A_635 = arith.constant 127 : i32
        %and3A_636 = vector.broadcast %and3A_635 : i32 to vector<16xi32>
        %and3A_637 = arith.andi %add3A_634, %and3A_636 : vector<16xi32>
        %add3A_638 = arith.addi %mul3A_24, %and3A_637 : vector<16xi32>
        %gather3A_639 = tpu.vector_load_idx %arg5[%add3A_638] : memref<65536xf32, #tpu.memory_space<vmem>>[vector<16xi32>], vector<16xf32>,
        %gt3A_640 = arith.cmpf ogt, %gather3A_639, %select_n3A_571 : vector<16xf32>
        %gt3A_641 = arith.cmpf ogt, %gather3A_639, %select_n3A_568 : vector<16xf32>
        %select_n3A_642 = arith.select %gt3A_641, %gather3A_639, %select_n3A_568 : vector<16xi1>, vector<16xf32>
        %select_n3A_643 = arith.select %gt3A_640, %select_n3A_571, %select_n3A_642 : vector<16xi1>, vector<16xf32>
        %select_n3A_644 = arith.select %gt3A_641, %and3A_637, %select_n3A_570 : vector<16xi1>, vector<16xi32>
        %select_n3A_645 = arith.select %gt3A_640, %select_n3A_572, %select_n3A_644 : vector<16xi1>, vector<16xi32>
        %select_n3A_646 = arith.select %gt3A_640, %gather3A_639, %select_n3A_571 : vector<16xi1>, vector<16xf32>
        %select_n3A_647 = arith.select %gt3A_640, %and3A_637, %select_n3A_572 : vector<16xi1>, vector<16xi32>
        %exp3A_648 = math.exp %gather3A_639 : vector<16xf32>
        %add3A_649 = arith.addf %add3A_574, %exp3A_648 : vector<16xf32>
        %add3A_650 = arith.constant 32 : i32
        %add3A_651 = vector.broadcast %add3A_650 : i32 to vector<16xi32>
        %add3A_652 = arith.addi %add3A_631, %add3A_651 : vector<16xi32>
        %and3A_653 = arith.constant 127 : i32
        %and3A_654 = vector.broadcast %and3A_653 : i32 to vector<16xi32>
        %and3A_655 = arith.andi %add3A_652, %and3A_654 : vector<16xi32>
        %add3A_656 = arith.addi %mul3A_24, %and3A_655 : vector<16xi32>
        %gather3A_657 = tpu.vector_load_idx %arg5[%add3A_656] : memref<65536xf32, #tpu.memory_space<vmem>>[vector<16xi32>], vector<16xf32>,
        %gt3A_658 = arith.cmpf ogt, %gather3A_657, %select_n3A_589 : vector<16xf32>
        %gt3A_659 = arith.cmpf ogt, %gather3A_657, %select_n3A_586 : vector<16xf32>
        %select_n3A_660 = arith.select %gt3A_659, %gather3A_657, %select_n3A_586 : vector<16xi1>, vector<16xf32>
        %select_n3A_661 = arith.select %gt3A_658, %select_n3A_589, %select_n3A_660 : vector<16xi1>, vector<16xf32>
        %select_n3A_662 = arith.select %gt3A_659, %and3A_655, %select_n3A_588 : vector<16xi1>, vector<16xi32>
        %select_n3A_663 = arith.select %gt3A_658, %select_n3A_590, %select_n3A_662 : vector<16xi1>, vector<16xi32>
        %select_n3A_664 = arith.select %gt3A_658, %gather3A_657, %select_n3A_589 : vector<16xi1>, vector<16xf32>
        %select_n3A_665 = arith.select %gt3A_658, %and3A_655, %select_n3A_590 : vector<16xi1>, vector<16xi32>
        %exp3A_666 = math.exp %gather3A_657 : vector<16xf32>
        %add3A_667 = arith.addf %add3A_592, %exp3A_666 : vector<16xf32>
        %add3A_668 = arith.constant 64 : i32
        %add3A_669 = vector.broadcast %add3A_668 : i32 to vector<16xi32>
        %add3A_670 = arith.addi %add3A_631, %add3A_669 : vector<16xi32>
        %and3A_671 = arith.constant 127 : i32
        %and3A_672 = vector.broadcast %and3A_671 : i32 to vector<16xi32>
        %and3A_673 = arith.andi %add3A_670, %and3A_672 : vector<16xi32>
        %add3A_674 = arith.addi %mul3A_24, %and3A_673 : vector<16xi32>
        %gather3A_675 = tpu.vector_load_idx %arg5[%add3A_674] : memref<65536xf32, #tpu.memory_space<vmem>>[vector<16xi32>], vector<16xf32>,
        %gt3A_676 = arith.cmpf ogt, %gather3A_675, %select_n3A_607 : vector<16xf32>
        %gt3A_677 = arith.cmpf ogt, %gather3A_675, %select_n3A_604 : vector<16xf32>
        %select_n3A_678 = arith.select %gt3A_677, %gather3A_675, %select_n3A_604 : vector<16xi1>, vector<16xf32>
        %select_n3A_679 = arith.select %gt3A_676, %select_n3A_607, %select_n3A_678 : vector<16xi1>, vector<16xf32>
        %select_n3A_680 = arith.select %gt3A_677, %and3A_673, %select_n3A_606 : vector<16xi1>, vector<16xi32>
        %select_n3A_681 = arith.select %gt3A_676, %select_n3A_608, %select_n3A_680 : vector<16xi1>, vector<16xi32>
        %select_n3A_682 = arith.select %gt3A_676, %gather3A_675, %select_n3A_607 : vector<16xi1>, vector<16xf32>
        %select_n3A_683 = arith.select %gt3A_676, %and3A_673, %select_n3A_608 : vector<16xi1>, vector<16xi32>
        %exp3A_684 = math.exp %gather3A_675 : vector<16xf32>
        %add3A_685 = arith.addf %add3A_610, %exp3A_684 : vector<16xf32>
        %add3A_686 = arith.constant 96 : i32
        %add3A_687 = vector.broadcast %add3A_686 : i32 to vector<16xi32>
        %add3A_688 = arith.addi %add3A_631, %add3A_687 : vector<16xi32>
        %and3A_689 = arith.constant 127 : i32
        %and3A_690 = vector.broadcast %and3A_689 : i32 to vector<16xi32>
        %and3A_691 = arith.andi %add3A_688, %and3A_690 : vector<16xi32>
        %add3A_692 = arith.addi %mul3A_24, %and3A_691 : vector<16xi32>
        %gather3A_693 = tpu.vector_load_idx %arg5[%add3A_692] : memref<65536xf32, #tpu.memory_space<vmem>>[vector<16xi32>], vector<16xf32>,
        %gt3A_694 = arith.cmpf ogt, %gather3A_693, %select_n3A_625 : vector<16xf32>
        %gt3A_695 = arith.cmpf ogt, %gather3A_693, %select_n3A_622 : vector<16xf32>
        %select_n3A_696 = arith.select %gt3A_695, %gather3A_693, %select_n3A_622 : vector<16xi1>, vector<16xf32>
        %select_n3A_697 = arith.select %gt3A_694, %select_n3A_625, %select_n3A_696 : vector<16xi1>, vector<16xf32>
        %select_n3A_698 = arith.select %gt3A_695, %and3A_691, %select_n3A_624 : vector<16xi1>, vector<16xi32>
        %select_n3A_699 = arith.select %gt3A_694, %select_n3A_626, %select_n3A_698 : vector<16xi1>, vector<16xi32>
        %select_n3A_700 = arith.select %gt3A_694, %gather3A_693, %select_n3A_625 : vector<16xi1>, vector<16xf32>
        %select_n3A_701 = arith.select %gt3A_694, %and3A_691, %select_n3A_626 : vector<16xi1>, vector<16xi32>
        %exp3A_702 = math.exp %gather3A_693 : vector<16xf32>
        %add3A_703 = arith.addf %add3A_628, %exp3A_702 : vector<16xf32>
        %scan3A_704 = arith.constant 9 : i32
        %add3A_705 = vector.broadcast %scan3A_704 : i32 to vector<16xi32>
        %add3A_706 = arith.addi %add3A_705, %iota3A : vector<16xi32>
        %add3A_707 = arith.constant 0 : i32
        %add3A_708 = vector.broadcast %add3A_707 : i32 to vector<16xi32>
        %add3A_709 = arith.addi %add3A_706, %add3A_708 : vector<16xi32>
        %and3A_710 = arith.constant 127 : i32
        %and3A_711 = vector.broadcast %and3A_710 : i32 to vector<16xi32>
        %and3A_712 = arith.andi %add3A_709, %and3A_711 : vector<16xi32>
        %add3A_713 = arith.addi %mul3A_24, %and3A_712 : vector<16xi32>
        %gather3A_714 = tpu.vector_load_idx %arg5[%add3A_713] : memref<65536xf32, #tpu.memory_space<vmem>>[vector<16xi32>], vector<16xf32>,
        %gt3A_715 = arith.cmpf ogt, %gather3A_714, %select_n3A_646 : vector<16xf32>
        %gt3A_716 = arith.cmpf ogt, %gather3A_714, %select_n3A_643 : vector<16xf32>
        %select_n3A_717 = arith.select %gt3A_716, %gather3A_714, %select_n3A_643 : vector<16xi1>, vector<16xf32>
        %select_n3A_718 = arith.select %gt3A_715, %select_n3A_646, %select_n3A_717 : vector<16xi1>, vector<16xf32>
        %select_n3A_719 = arith.select %gt3A_716, %and3A_712, %select_n3A_645 : vector<16xi1>, vector<16xi32>
        %select_n3A_720 = arith.select %gt3A_715, %select_n3A_647, %select_n3A_719 : vector<16xi1>, vector<16xi32>
        %select_n3A_721 = arith.select %gt3A_715, %gather3A_714, %select_n3A_646 : vector<16xi1>, vector<16xf32>
        %select_n3A_722 = arith.select %gt3A_715, %and3A_712, %select_n3A_647 : vector<16xi1>, vector<16xi32>
        %exp3A_723 = math.exp %gather3A_714 : vector<16xf32>
        %add3A_724 = arith.addf %add3A_649, %exp3A_723 : vector<16xf32>
        %add3A_725 = arith.constant 32 : i32
        %add3A_726 = vector.broadcast %add3A_725 : i32 to vector<16xi32>
        %add3A_727 = arith.addi %add3A_706, %add3A_726 : vector<16xi32>
        %and3A_728 = arith.constant 127 : i32
        %and3A_729 = vector.broadcast %and3A_728 : i32 to vector<16xi32>
        %and3A_730 = arith.andi %add3A_727, %and3A_729 : vector<16xi32>
        %add3A_731 = arith.addi %mul3A_24, %and3A_730 : vector<16xi32>
        %gather3A_732 = tpu.vector_load_idx %arg5[%add3A_731] : memref<65536xf32, #tpu.memory_space<vmem>>[vector<16xi32>], vector<16xf32>,
        %gt3A_733 = arith.cmpf ogt, %gather3A_732, %select_n3A_664 : vector<16xf32>
        %gt3A_734 = arith.cmpf ogt, %gather3A_732, %select_n3A_661 : vector<16xf32>
        %select_n3A_735 = arith.select %gt3A_734, %gather3A_732, %select_n3A_661 : vector<16xi1>, vector<16xf32>
        %select_n3A_736 = arith.select %gt3A_733, %select_n3A_664, %select_n3A_735 : vector<16xi1>, vector<16xf32>
        %select_n3A_737 = arith.select %gt3A_734, %and3A_730, %select_n3A_663 : vector<16xi1>, vector<16xi32>
        %select_n3A_738 = arith.select %gt3A_733, %select_n3A_665, %select_n3A_737 : vector<16xi1>, vector<16xi32>
        %select_n3A_739 = arith.select %gt3A_733, %gather3A_732, %select_n3A_664 : vector<16xi1>, vector<16xf32>
        %select_n3A_740 = arith.select %gt3A_733, %and3A_730, %select_n3A_665 : vector<16xi1>, vector<16xi32>
        %exp3A_741 = math.exp %gather3A_732 : vector<16xf32>
        %add3A_742 = arith.addf %add3A_667, %exp3A_741 : vector<16xf32>
        %add3A_743 = arith.constant 64 : i32
        %add3A_744 = vector.broadcast %add3A_743 : i32 to vector<16xi32>
        %add3A_745 = arith.addi %add3A_706, %add3A_744 : vector<16xi32>
        %and3A_746 = arith.constant 127 : i32
        %and3A_747 = vector.broadcast %and3A_746 : i32 to vector<16xi32>
        %and3A_748 = arith.andi %add3A_745, %and3A_747 : vector<16xi32>
        %add3A_749 = arith.addi %mul3A_24, %and3A_748 : vector<16xi32>
        %gather3A_750 = tpu.vector_load_idx %arg5[%add3A_749] : memref<65536xf32, #tpu.memory_space<vmem>>[vector<16xi32>], vector<16xf32>,
        %gt3A_751 = arith.cmpf ogt, %gather3A_750, %select_n3A_682 : vector<16xf32>
        %gt3A_752 = arith.cmpf ogt, %gather3A_750, %select_n3A_679 : vector<16xf32>
        %select_n3A_753 = arith.select %gt3A_752, %gather3A_750, %select_n3A_679 : vector<16xi1>, vector<16xf32>
        %select_n3A_754 = arith.select %gt3A_751, %select_n3A_682, %select_n3A_753 : vector<16xi1>, vector<16xf32>
        %select_n3A_755 = arith.select %gt3A_752, %and3A_748, %select_n3A_681 : vector<16xi1>, vector<16xi32>
        %select_n3A_756 = arith.select %gt3A_751, %select_n3A_683, %select_n3A_755 : vector<16xi1>, vector<16xi32>
        %select_n3A_757 = arith.select %gt3A_751, %gather3A_750, %select_n3A_682 : vector<16xi1>, vector<16xf32>
        %select_n3A_758 = arith.select %gt3A_751, %and3A_748, %select_n3A_683 : vector<16xi1>, vector<16xi32>
        %exp3A_759 = math.exp %gather3A_750 : vector<16xf32>
        %add3A_760 = arith.addf %add3A_685, %exp3A_759 : vector<16xf32>
        %add3A_761 = arith.constant 96 : i32
        %add3A_762 = vector.broadcast %add3A_761 : i32 to vector<16xi32>
        %add3A_763 = arith.addi %add3A_706, %add3A_762 : vector<16xi32>
        %and3A_764 = arith.constant 127 : i32
        %and3A_765 = vector.broadcast %and3A_764 : i32 to vector<16xi32>
        %and3A_766 = arith.andi %add3A_763, %and3A_765 : vector<16xi32>
        %add3A_767 = arith.addi %mul3A_24, %and3A_766 : vector<16xi32>
        %gather3A_768 = tpu.vector_load_idx %arg5[%add3A_767] : memref<65536xf32, #tpu.memory_space<vmem>>[vector<16xi32>], vector<16xf32>,
        %gt3A_769 = arith.cmpf ogt, %gather3A_768, %select_n3A_700 : vector<16xf32>
        %gt3A_770 = arith.cmpf ogt, %gather3A_768, %select_n3A_697 : vector<16xf32>
        %select_n3A_771 = arith.select %gt3A_770, %gather3A_768, %select_n3A_697 : vector<16xi1>, vector<16xf32>
        %select_n3A_772 = arith.select %gt3A_769, %select_n3A_700, %select_n3A_771 : vector<16xi1>, vector<16xf32>
        %select_n3A_773 = arith.select %gt3A_770, %and3A_766, %select_n3A_699 : vector<16xi1>, vector<16xi32>
        %select_n3A_774 = arith.select %gt3A_769, %select_n3A_701, %select_n3A_773 : vector<16xi1>, vector<16xi32>
        %select_n3A_775 = arith.select %gt3A_769, %gather3A_768, %select_n3A_700 : vector<16xi1>, vector<16xf32>
        %select_n3A_776 = arith.select %gt3A_769, %and3A_766, %select_n3A_701 : vector<16xi1>, vector<16xi32>
        %exp3A_777 = math.exp %gather3A_768 : vector<16xf32>
        %add3A_778 = arith.addf %add3A_703, %exp3A_777 : vector<16xf32>
        %scan3A_779 = arith.constant 10 : i32
        %add3A_780 = vector.broadcast %scan3A_779 : i32 to vector<16xi32>
        %add3A_781 = arith.addi %add3A_780, %iota3A : vector<16xi32>
        %add3A_782 = arith.constant 0 : i32
        %add3A_783 = vector.broadcast %add3A_782 : i32 to vector<16xi32>
        %add3A_784 = arith.addi %add3A_781, %add3A_783 : vector<16xi32>
        %and3A_785 = arith.constant 127 : i32
        %and3A_786 = vector.broadcast %and3A_785 : i32 to vector<16xi32>
        %and3A_787 = arith.andi %add3A_784, %and3A_786 : vector<16xi32>
        %add3A_788 = arith.addi %mul3A_24, %and3A_787 : vector<16xi32>
        %gather3A_789 = tpu.vector_load_idx %arg5[%add3A_788] : memref<65536xf32, #tpu.memory_space<vmem>>[vector<16xi32>], vector<16xf32>,
        %gt3A_790 = arith.cmpf ogt, %gather3A_789, %select_n3A_721 : vector<16xf32>
        %gt3A_791 = arith.cmpf ogt, %gather3A_789, %select_n3A_718 : vector<16xf32>
        %select_n3A_792 = arith.select %gt3A_791, %gather3A_789, %select_n3A_718 : vector<16xi1>, vector<16xf32>
        %select_n3A_793 = arith.select %gt3A_790, %select_n3A_721, %select_n3A_792 : vector<16xi1>, vector<16xf32>
        %select_n3A_794 = arith.select %gt3A_791, %and3A_787, %select_n3A_720 : vector<16xi1>, vector<16xi32>
        %select_n3A_795 = arith.select %gt3A_790, %select_n3A_722, %select_n3A_794 : vector<16xi1>, vector<16xi32>
        %select_n3A_796 = arith.select %gt3A_790, %gather3A_789, %select_n3A_721 : vector<16xi1>, vector<16xf32>
        %select_n3A_797 = arith.select %gt3A_790, %and3A_787, %select_n3A_722 : vector<16xi1>, vector<16xi32>
        %exp3A_798 = math.exp %gather3A_789 : vector<16xf32>
        %add3A_799 = arith.addf %add3A_724, %exp3A_798 : vector<16xf32>
        %add3A_800 = arith.constant 32 : i32
        %add3A_801 = vector.broadcast %add3A_800 : i32 to vector<16xi32>
        %add3A_802 = arith.addi %add3A_781, %add3A_801 : vector<16xi32>
        %and3A_803 = arith.constant 127 : i32
        %and3A_804 = vector.broadcast %and3A_803 : i32 to vector<16xi32>
        %and3A_805 = arith.andi %add3A_802, %and3A_804 : vector<16xi32>
        %add3A_806 = arith.addi %mul3A_24, %and3A_805 : vector<16xi32>
        %gather3A_807 = tpu.vector_load_idx %arg5[%add3A_806] : memref<65536xf32, #tpu.memory_space<vmem>>[vector<16xi32>], vector<16xf32>,
        %gt3A_808 = arith.cmpf ogt, %gather3A_807, %select_n3A_739 : vector<16xf32>
        %gt3A_809 = arith.cmpf ogt, %gather3A_807, %select_n3A_736 : vector<16xf32>
        %select_n3A_810 = arith.select %gt3A_809, %gather3A_807, %select_n3A_736 : vector<16xi1>, vector<16xf32>
        %select_n3A_811 = arith.select %gt3A_808, %select_n3A_739, %select_n3A_810 : vector<16xi1>, vector<16xf32>
        %select_n3A_812 = arith.select %gt3A_809, %and3A_805, %select_n3A_738 : vector<16xi1>, vector<16xi32>
        %select_n3A_813 = arith.select %gt3A_808, %select_n3A_740, %select_n3A_812 : vector<16xi1>, vector<16xi32>
        %select_n3A_814 = arith.select %gt3A_808, %gather3A_807, %select_n3A_739 : vector<16xi1>, vector<16xf32>
        %select_n3A_815 = arith.select %gt3A_808, %and3A_805, %select_n3A_740 : vector<16xi1>, vector<16xi32>
        %exp3A_816 = math.exp %gather3A_807 : vector<16xf32>
        %add3A_817 = arith.addf %add3A_742, %exp3A_816 : vector<16xf32>
        %add3A_818 = arith.constant 64 : i32
        %add3A_819 = vector.broadcast %add3A_818 : i32 to vector<16xi32>
        %add3A_820 = arith.addi %add3A_781, %add3A_819 : vector<16xi32>
        %and3A_821 = arith.constant 127 : i32
        %and3A_822 = vector.broadcast %and3A_821 : i32 to vector<16xi32>
        %and3A_823 = arith.andi %add3A_820, %and3A_822 : vector<16xi32>
        %add3A_824 = arith.addi %mul3A_24, %and3A_823 : vector<16xi32>
        %gather3A_825 = tpu.vector_load_idx %arg5[%add3A_824] : memref<65536xf32, #tpu.memory_space<vmem>>[vector<16xi32>], vector<16xf32>,
        %gt3A_826 = arith.cmpf ogt, %gather3A_825, %select_n3A_757 : vector<16xf32>
        %gt3A_827 = arith.cmpf ogt, %gather3A_825, %select_n3A_754 : vector<16xf32>
        %select_n3A_828 = arith.select %gt3A_827, %gather3A_825, %select_n3A_754 : vector<16xi1>, vector<16xf32>
        %select_n3A_829 = arith.select %gt3A_826, %select_n3A_757, %select_n3A_828 : vector<16xi1>, vector<16xf32>
        %select_n3A_830 = arith.select %gt3A_827, %and3A_823, %select_n3A_756 : vector<16xi1>, vector<16xi32>
        %select_n3A_831 = arith.select %gt3A_826, %select_n3A_758, %select_n3A_830 : vector<16xi1>, vector<16xi32>
        %select_n3A_832 = arith.select %gt3A_826, %gather3A_825, %select_n3A_757 : vector<16xi1>, vector<16xf32>
        %select_n3A_833 = arith.select %gt3A_826, %and3A_823, %select_n3A_758 : vector<16xi1>, vector<16xi32>
        %exp3A_834 = math.exp %gather3A_825 : vector<16xf32>
        %add3A_835 = arith.addf %add3A_760, %exp3A_834 : vector<16xf32>
        %add3A_836 = arith.constant 96 : i32
        %add3A_837 = vector.broadcast %add3A_836 : i32 to vector<16xi32>
        %add3A_838 = arith.addi %add3A_781, %add3A_837 : vector<16xi32>
        %and3A_839 = arith.constant 127 : i32
        %and3A_840 = vector.broadcast %and3A_839 : i32 to vector<16xi32>
        %and3A_841 = arith.andi %add3A_838, %and3A_840 : vector<16xi32>
        %add3A_842 = arith.addi %mul3A_24, %and3A_841 : vector<16xi32>
        %gather3A_843 = tpu.vector_load_idx %arg5[%add3A_842] : memref<65536xf32, #tpu.memory_space<vmem>>[vector<16xi32>], vector<16xf32>,
        %gt3A_844 = arith.cmpf ogt, %gather3A_843, %select_n3A_775 : vector<16xf32>
        %gt3A_845 = arith.cmpf ogt, %gather3A_843, %select_n3A_772 : vector<16xf32>
        %select_n3A_846 = arith.select %gt3A_845, %gather3A_843, %select_n3A_772 : vector<16xi1>, vector<16xf32>
        %select_n3A_847 = arith.select %gt3A_844, %select_n3A_775, %select_n3A_846 : vector<16xi1>, vector<16xf32>
        %select_n3A_848 = arith.select %gt3A_845, %and3A_841, %select_n3A_774 : vector<16xi1>, vector<16xi32>
        %select_n3A_849 = arith.select %gt3A_844, %select_n3A_776, %select_n3A_848 : vector<16xi1>, vector<16xi32>
        %select_n3A_850 = arith.select %gt3A_844, %gather3A_843, %select_n3A_775 : vector<16xi1>, vector<16xf32>
        %select_n3A_851 = arith.select %gt3A_844, %and3A_841, %select_n3A_776 : vector<16xi1>, vector<16xi32>
        %exp3A_852 = math.exp %gather3A_843 : vector<16xf32>
        %add3A_853 = arith.addf %add3A_778, %exp3A_852 : vector<16xf32>
        %scan3A_854 = arith.constant 11 : i32
        %add3A_855 = vector.broadcast %scan3A_854 : i32 to vector<16xi32>
        %add3A_856 = arith.addi %add3A_855, %iota3A : vector<16xi32>
        %add3A_857 = arith.constant 0 : i32
        %add3A_858 = vector.broadcast %add3A_857 : i32 to vector<16xi32>
        %add3A_859 = arith.addi %add3A_856, %add3A_858 : vector<16xi32>
        %and3A_860 = arith.constant 127 : i32
        %and3A_861 = vector.broadcast %and3A_860 : i32 to vector<16xi32>
        %and3A_862 = arith.andi %add3A_859, %and3A_861 : vector<16xi32>
        %add3A_863 = arith.addi %mul3A_24, %and3A_862 : vector<16xi32>
        %gather3A_864 = tpu.vector_load_idx %arg5[%add3A_863] : memref<65536xf32, #tpu.memory_space<vmem>>[vector<16xi32>], vector<16xf32>,
        %gt3A_865 = arith.cmpf ogt, %gather3A_864, %select_n3A_796 : vector<16xf32>
        %gt3A_866 = arith.cmpf ogt, %gather3A_864, %select_n3A_793 : vector<16xf32>
        %select_n3A_867 = arith.select %gt3A_866, %gather3A_864, %select_n3A_793 : vector<16xi1>, vector<16xf32>
        %select_n3A_868 = arith.select %gt3A_865, %select_n3A_796, %select_n3A_867 : vector<16xi1>, vector<16xf32>
        %select_n3A_869 = arith.select %gt3A_866, %and3A_862, %select_n3A_795 : vector<16xi1>, vector<16xi32>
        %select_n3A_870 = arith.select %gt3A_865, %select_n3A_797, %select_n3A_869 : vector<16xi1>, vector<16xi32>
        %select_n3A_871 = arith.select %gt3A_865, %gather3A_864, %select_n3A_796 : vector<16xi1>, vector<16xf32>
        %select_n3A_872 = arith.select %gt3A_865, %and3A_862, %select_n3A_797 : vector<16xi1>, vector<16xi32>
        %exp3A_873 = math.exp %gather3A_864 : vector<16xf32>
        %add3A_874 = arith.addf %add3A_799, %exp3A_873 : vector<16xf32>
        %add3A_875 = arith.constant 32 : i32
        %add3A_876 = vector.broadcast %add3A_875 : i32 to vector<16xi32>
        %add3A_877 = arith.addi %add3A_856, %add3A_876 : vector<16xi32>
        %and3A_878 = arith.constant 127 : i32
        %and3A_879 = vector.broadcast %and3A_878 : i32 to vector<16xi32>
        %and3A_880 = arith.andi %add3A_877, %and3A_879 : vector<16xi32>
        %add3A_881 = arith.addi %mul3A_24, %and3A_880 : vector<16xi32>
        %gather3A_882 = tpu.vector_load_idx %arg5[%add3A_881] : memref<65536xf32, #tpu.memory_space<vmem>>[vector<16xi32>], vector<16xf32>,
        %gt3A_883 = arith.cmpf ogt, %gather3A_882, %select_n3A_814 : vector<16xf32>
        %gt3A_884 = arith.cmpf ogt, %gather3A_882, %select_n3A_811 : vector<16xf32>
        %select_n3A_885 = arith.select %gt3A_884, %gather3A_882, %select_n3A_811 : vector<16xi1>, vector<16xf32>
        %select_n3A_886 = arith.select %gt3A_883, %select_n3A_814, %select_n3A_885 : vector<16xi1>, vector<16xf32>
        %select_n3A_887 = arith.select %gt3A_884, %and3A_880, %select_n3A_813 : vector<16xi1>, vector<16xi32>
        %select_n3A_888 = arith.select %gt3A_883, %select_n3A_815, %select_n3A_887 : vector<16xi1>, vector<16xi32>
        %select_n3A_889 = arith.select %gt3A_883, %gather3A_882, %select_n3A_814 : vector<16xi1>, vector<16xf32>
        %select_n3A_890 = arith.select %gt3A_883, %and3A_880, %select_n3A_815 : vector<16xi1>, vector<16xi32>
        %exp3A_891 = math.exp %gather3A_882 : vector<16xf32>
        %add3A_892 = arith.addf %add3A_817, %exp3A_891 : vector<16xf32>
        %add3A_893 = arith.constant 64 : i32
        %add3A_894 = vector.broadcast %add3A_893 : i32 to vector<16xi32>
        %add3A_895 = arith.addi %add3A_856, %add3A_894 : vector<16xi32>
        %and3A_896 = arith.constant 127 : i32
        %and3A_897 = vector.broadcast %and3A_896 : i32 to vector<16xi32>
        %and3A_898 = arith.andi %add3A_895, %and3A_897 : vector<16xi32>
        %add3A_899 = arith.addi %mul3A_24, %and3A_898 : vector<16xi32>
        %gather3A_900 = tpu.vector_load_idx %arg5[%add3A_899] : memref<65536xf32, #tpu.memory_space<vmem>>[vector<16xi32>], vector<16xf32>,
        %gt3A_901 = arith.cmpf ogt, %gather3A_900, %select_n3A_832 : vector<16xf32>
        %gt3A_902 = arith.cmpf ogt, %gather3A_900, %select_n3A_829 : vector<16xf32>
        %select_n3A_903 = arith.select %gt3A_902, %gather3A_900, %select_n3A_829 : vector<16xi1>, vector<16xf32>
        %select_n3A_904 = arith.select %gt3A_901, %select_n3A_832, %select_n3A_903 : vector<16xi1>, vector<16xf32>
        %select_n3A_905 = arith.select %gt3A_902, %and3A_898, %select_n3A_831 : vector<16xi1>, vector<16xi32>
        %select_n3A_906 = arith.select %gt3A_901, %select_n3A_833, %select_n3A_905 : vector<16xi1>, vector<16xi32>
        %select_n3A_907 = arith.select %gt3A_901, %gather3A_900, %select_n3A_832 : vector<16xi1>, vector<16xf32>
        %select_n3A_908 = arith.select %gt3A_901, %and3A_898, %select_n3A_833 : vector<16xi1>, vector<16xi32>
        %exp3A_909 = math.exp %gather3A_900 : vector<16xf32>
        %add3A_910 = arith.addf %add3A_835, %exp3A_909 : vector<16xf32>
        %add3A_911 = arith.constant 96 : i32
        %add3A_912 = vector.broadcast %add3A_911 : i32 to vector<16xi32>
        %add3A_913 = arith.addi %add3A_856, %add3A_912 : vector<16xi32>
        %and3A_914 = arith.constant 127 : i32
        %and3A_915 = vector.broadcast %and3A_914 : i32 to vector<16xi32>
        %and3A_916 = arith.andi %add3A_913, %and3A_915 : vector<16xi32>
        %add3A_917 = arith.addi %mul3A_24, %and3A_916 : vector<16xi32>
        %gather3A_918 = tpu.vector_load_idx %arg5[%add3A_917] : memref<65536xf32, #tpu.memory_space<vmem>>[vector<16xi32>], vector<16xf32>,
        %gt3A_919 = arith.cmpf ogt, %gather3A_918, %select_n3A_850 : vector<16xf32>
        %gt3A_920 = arith.cmpf ogt, %gather3A_918, %select_n3A_847 : vector<16xf32>
        %select_n3A_921 = arith.select %gt3A_920, %gather3A_918, %select_n3A_847 : vector<16xi1>, vector<16xf32>
        %select_n3A_922 = arith.select %gt3A_919, %select_n3A_850, %select_n3A_921 : vector<16xi1>, vector<16xf32>
        %select_n3A_923 = arith.select %gt3A_920, %and3A_916, %select_n3A_849 : vector<16xi1>, vector<16xi32>
        %select_n3A_924 = arith.select %gt3A_919, %select_n3A_851, %select_n3A_923 : vector<16xi1>, vector<16xi32>
        %select_n3A_925 = arith.select %gt3A_919, %gather3A_918, %select_n3A_850 : vector<16xi1>, vector<16xf32>
        %select_n3A_926 = arith.select %gt3A_919, %and3A_916, %select_n3A_851 : vector<16xi1>, vector<16xi32>
        %exp3A_927 = math.exp %gather3A_918 : vector<16xf32>
        %add3A_928 = arith.addf %add3A_853, %exp3A_927 : vector<16xf32>
        %scan3A_929 = arith.constant 12 : i32
        %add3A_930 = vector.broadcast %scan3A_929 : i32 to vector<16xi32>
        %add3A_931 = arith.addi %add3A_930, %iota3A : vector<16xi32>
        %add3A_932 = arith.constant 0 : i32
        %add3A_933 = vector.broadcast %add3A_932 : i32 to vector<16xi32>
        %add3A_934 = arith.addi %add3A_931, %add3A_933 : vector<16xi32>
        %and3A_935 = arith.constant 127 : i32
        %and3A_936 = vector.broadcast %and3A_935 : i32 to vector<16xi32>
        %and3A_937 = arith.andi %add3A_934, %and3A_936 : vector<16xi32>
        %add3A_938 = arith.addi %mul3A_24, %and3A_937 : vector<16xi32>
        %gather3A_939 = tpu.vector_load_idx %arg5[%add3A_938] : memref<65536xf32, #tpu.memory_space<vmem>>[vector<16xi32>], vector<16xf32>,
        %gt3A_940 = arith.cmpf ogt, %gather3A_939, %select_n3A_871 : vector<16xf32>
        %gt3A_941 = arith.cmpf ogt, %gather3A_939, %select_n3A_868 : vector<16xf32>
        %select_n3A_942 = arith.select %gt3A_941, %gather3A_939, %select_n3A_868 : vector<16xi1>, vector<16xf32>
        %select_n3A_943 = arith.select %gt3A_940, %select_n3A_871, %select_n3A_942 : vector<16xi1>, vector<16xf32>
        %select_n3A_944 = arith.select %gt3A_941, %and3A_937, %select_n3A_870 : vector<16xi1>, vector<16xi32>
        %select_n3A_945 = arith.select %gt3A_940, %select_n3A_872, %select_n3A_944 : vector<16xi1>, vector<16xi32>
        %select_n3A_946 = arith.select %gt3A_940, %gather3A_939, %select_n3A_871 : vector<16xi1>, vector<16xf32>
        %select_n3A_947 = arith.select %gt3A_940, %and3A_937, %select_n3A_872 : vector<16xi1>, vector<16xi32>
        %exp3A_948 = math.exp %gather3A_939 : vector<16xf32>
        %add3A_949 = arith.addf %add3A_874, %exp3A_948 : vector<16xf32>
        %add3A_950 = arith.constant 32 : i32
        %add3A_951 = vector.broadcast %add3A_950 : i32 to vector<16xi32>
        %add3A_952 = arith.addi %add3A_931, %add3A_951 : vector<16xi32>
        %and3A_953 = arith.constant 127 : i32
        %and3A_954 = vector.broadcast %and3A_953 : i32 to vector<16xi32>
        %and3A_955 = arith.andi %add3A_952, %and3A_954 : vector<16xi32>
        %add3A_956 = arith.addi %mul3A_24, %and3A_955 : vector<16xi32>
        %gather3A_957 = tpu.vector_load_idx %arg5[%add3A_956] : memref<65536xf32, #tpu.memory_space<vmem>>[vector<16xi32>], vector<16xf32>,
        %gt3A_958 = arith.cmpf ogt, %gather3A_957, %select_n3A_889 : vector<16xf32>
        %gt3A_959 = arith.cmpf ogt, %gather3A_957, %select_n3A_886 : vector<16xf32>
        %select_n3A_960 = arith.select %gt3A_959, %gather3A_957, %select_n3A_886 : vector<16xi1>, vector<16xf32>
        %select_n3A_961 = arith.select %gt3A_958, %select_n3A_889, %select_n3A_960 : vector<16xi1>, vector<16xf32>
        %select_n3A_962 = arith.select %gt3A_959, %and3A_955, %select_n3A_888 : vector<16xi1>, vector<16xi32>
        %select_n3A_963 = arith.select %gt3A_958, %select_n3A_890, %select_n3A_962 : vector<16xi1>, vector<16xi32>
        %select_n3A_964 = arith.select %gt3A_958, %gather3A_957, %select_n3A_889 : vector<16xi1>, vector<16xf32>
        %select_n3A_965 = arith.select %gt3A_958, %and3A_955, %select_n3A_890 : vector<16xi1>, vector<16xi32>
        %exp3A_966 = math.exp %gather3A_957 : vector<16xf32>
        %add3A_967 = arith.addf %add3A_892, %exp3A_966 : vector<16xf32>
        %add3A_968 = arith.constant 64 : i32
        %add3A_969 = vector.broadcast %add3A_968 : i32 to vector<16xi32>
        %add3A_970 = arith.addi %add3A_931, %add3A_969 : vector<16xi32>
        %and3A_971 = arith.constant 127 : i32
        %and3A_972 = vector.broadcast %and3A_971 : i32 to vector<16xi32>
        %and3A_973 = arith.andi %add3A_970, %and3A_972 : vector<16xi32>
        %add3A_974 = arith.addi %mul3A_24, %and3A_973 : vector<16xi32>
        %gather3A_975 = tpu.vector_load_idx %arg5[%add3A_974] : memref<65536xf32, #tpu.memory_space<vmem>>[vector<16xi32>], vector<16xf32>,
        %gt3A_976 = arith.cmpf ogt, %gather3A_975, %select_n3A_907 : vector<16xf32>
        %gt3A_977 = arith.cmpf ogt, %gather3A_975, %select_n3A_904 : vector<16xf32>
        %select_n3A_978 = arith.select %gt3A_977, %gather3A_975, %select_n3A_904 : vector<16xi1>, vector<16xf32>
        %select_n3A_979 = arith.select %gt3A_976, %select_n3A_907, %select_n3A_978 : vector<16xi1>, vector<16xf32>
        %select_n3A_980 = arith.select %gt3A_977, %and3A_973, %select_n3A_906 : vector<16xi1>, vector<16xi32>
        %select_n3A_981 = arith.select %gt3A_976, %select_n3A_908, %select_n3A_980 : vector<16xi1>, vector<16xi32>
        %select_n3A_982 = arith.select %gt3A_976, %gather3A_975, %select_n3A_907 : vector<16xi1>, vector<16xf32>
        %select_n3A_983 = arith.select %gt3A_976, %and3A_973, %select_n3A_908 : vector<16xi1>, vector<16xi32>
        %exp3A_984 = math.exp %gather3A_975 : vector<16xf32>
        %add3A_985 = arith.addf %add3A_910, %exp3A_984 : vector<16xf32>
        %add3A_986 = arith.constant 96 : i32
        %add3A_987 = vector.broadcast %add3A_986 : i32 to vector<16xi32>
        %add3A_988 = arith.addi %add3A_931, %add3A_987 : vector<16xi32>
        %and3A_989 = arith.constant 127 : i32
        %and3A_990 = vector.broadcast %and3A_989 : i32 to vector<16xi32>
        %and3A_991 = arith.andi %add3A_988, %and3A_990 : vector<16xi32>
        %add3A_992 = arith.addi %mul3A_24, %and3A_991 : vector<16xi32>
        %gather3A_993 = tpu.vector_load_idx %arg5[%add3A_992] : memref<65536xf32, #tpu.memory_space<vmem>>[vector<16xi32>], vector<16xf32>,
        %gt3A_994 = arith.cmpf ogt, %gather3A_993, %select_n3A_925 : vector<16xf32>
        %gt3A_995 = arith.cmpf ogt, %gather3A_993, %select_n3A_922 : vector<16xf32>
        %select_n3A_996 = arith.select %gt3A_995, %gather3A_993, %select_n3A_922 : vector<16xi1>, vector<16xf32>
        %select_n3A_997 = arith.select %gt3A_994, %select_n3A_925, %select_n3A_996 : vector<16xi1>, vector<16xf32>
        %select_n3A_998 = arith.select %gt3A_995, %and3A_991, %select_n3A_924 : vector<16xi1>, vector<16xi32>
        %select_n3A_999 = arith.select %gt3A_994, %select_n3A_926, %select_n3A_998 : vector<16xi1>, vector<16xi32>
        %select_n3A_1000 = arith.select %gt3A_994, %gather3A_993, %select_n3A_925 : vector<16xi1>, vector<16xf32>
        %select_n3A_1001 = arith.select %gt3A_994, %and3A_991, %select_n3A_926 : vector<16xi1>, vector<16xi32>
        %exp3A_1002 = math.exp %gather3A_993 : vector<16xf32>
        %add3A_1003 = arith.addf %add3A_928, %exp3A_1002 : vector<16xf32>
        %scan3A_1004 = arith.constant 13 : i32
        %add3A_1005 = vector.broadcast %scan3A_1004 : i32 to vector<16xi32>
        %add3A_1006 = arith.addi %add3A_1005, %iota3A : vector<16xi32>
        %add3A_1007 = arith.constant 0 : i32
        %add3A_1008 = vector.broadcast %add3A_1007 : i32 to vector<16xi32>
        %add3A_1009 = arith.addi %add3A_1006, %add3A_1008 : vector<16xi32>
        %and3A_1010 = arith.constant 127 : i32
        %and3A_1011 = vector.broadcast %and3A_1010 : i32 to vector<16xi32>
        %and3A_1012 = arith.andi %add3A_1009, %and3A_1011 : vector<16xi32>
        %add3A_1013 = arith.addi %mul3A_24, %and3A_1012 : vector<16xi32>
        %gather3A_1014 = tpu.vector_load_idx %arg5[%add3A_1013] : memref<65536xf32, #tpu.memory_space<vmem>>[vector<16xi32>], vector<16xf32>,
        %gt3A_1015 = arith.cmpf ogt, %gather3A_1014, %select_n3A_946 : vector<16xf32>
        %gt3A_1016 = arith.cmpf ogt, %gather3A_1014, %select_n3A_943 : vector<16xf32>
        %select_n3A_1017 = arith.select %gt3A_1016, %gather3A_1014, %select_n3A_943 : vector<16xi1>, vector<16xf32>
        %select_n3A_1018 = arith.select %gt3A_1015, %select_n3A_946, %select_n3A_1017 : vector<16xi1>, vector<16xf32>
        %select_n3A_1019 = arith.select %gt3A_1016, %and3A_1012, %select_n3A_945 : vector<16xi1>, vector<16xi32>
        %select_n3A_1020 = arith.select %gt3A_1015, %select_n3A_947, %select_n3A_1019 : vector<16xi1>, vector<16xi32>
        %select_n3A_1021 = arith.select %gt3A_1015, %gather3A_1014, %select_n3A_946 : vector<16xi1>, vector<16xf32>
        %select_n3A_1022 = arith.select %gt3A_1015, %and3A_1012, %select_n3A_947 : vector<16xi1>, vector<16xi32>
        %exp3A_1023 = math.exp %gather3A_1014 : vector<16xf32>
        %add3A_1024 = arith.addf %add3A_949, %exp3A_1023 : vector<16xf32>
        %add3A_1025 = arith.constant 32 : i32
        %add3A_1026 = vector.broadcast %add3A_1025 : i32 to vector<16xi32>
        %add3A_1027 = arith.addi %add3A_1006, %add3A_1026 : vector<16xi32>
        %and3A_1028 = arith.constant 127 : i32
        %and3A_1029 = vector.broadcast %and3A_1028 : i32 to vector<16xi32>
        %and3A_1030 = arith.andi %add3A_1027, %and3A_1029 : vector<16xi32>
        %add3A_1031 = arith.addi %mul3A_24, %and3A_1030 : vector<16xi32>
        %gather3A_1032 = tpu.vector_load_idx %arg5[%add3A_1031] : memref<65536xf32, #tpu.memory_space<vmem>>[vector<16xi32>], vector<16xf32>,
        %gt3A_1033 = arith.cmpf ogt, %gather3A_1032, %select_n3A_964 : vector<16xf32>
        %gt3A_1034 = arith.cmpf ogt, %gather3A_1032, %select_n3A_961 : vector<16xf32>
        %select_n3A_1035 = arith.select %gt3A_1034, %gather3A_1032, %select_n3A_961 : vector<16xi1>, vector<16xf32>
        %select_n3A_1036 = arith.select %gt3A_1033, %select_n3A_964, %select_n3A_1035 : vector<16xi1>, vector<16xf32>
        %select_n3A_1037 = arith.select %gt3A_1034, %and3A_1030, %select_n3A_963 : vector<16xi1>, vector<16xi32>
        %select_n3A_1038 = arith.select %gt3A_1033, %select_n3A_965, %select_n3A_1037 : vector<16xi1>, vector<16xi32>
        %select_n3A_1039 = arith.select %gt3A_1033, %gather3A_1032, %select_n3A_964 : vector<16xi1>, vector<16xf32>
        %select_n3A_1040 = arith.select %gt3A_1033, %and3A_1030, %select_n3A_965 : vector<16xi1>, vector<16xi32>
        %exp3A_1041 = math.exp %gather3A_1032 : vector<16xf32>
        %add3A_1042 = arith.addf %add3A_967, %exp3A_1041 : vector<16xf32>
        %add3A_1043 = arith.constant 64 : i32
        %add3A_1044 = vector.broadcast %add3A_1043 : i32 to vector<16xi32>
        %add3A_1045 = arith.addi %add3A_1006, %add3A_1044 : vector<16xi32>
        %and3A_1046 = arith.constant 127 : i32
        %and3A_1047 = vector.broadcast %and3A_1046 : i32 to vector<16xi32>
        %and3A_1048 = arith.andi %add3A_1045, %and3A_1047 : vector<16xi32>
        %add3A_1049 = arith.addi %mul3A_24, %and3A_1048 : vector<16xi32>
        %gather3A_1050 = tpu.vector_load_idx %arg5[%add3A_1049] : memref<65536xf32, #tpu.memory_space<vmem>>[vector<16xi32>], vector<16xf32>,
        %gt3A_1051 = arith.cmpf ogt, %gather3A_1050, %select_n3A_982 : vector<16xf32>
        %gt3A_1052 = arith.cmpf ogt, %gather3A_1050, %select_n3A_979 : vector<16xf32>
        %select_n3A_1053 = arith.select %gt3A_1052, %gather3A_1050, %select_n3A_979 : vector<16xi1>, vector<16xf32>
        %select_n3A_1054 = arith.select %gt3A_1051, %select_n3A_982, %select_n3A_1053 : vector<16xi1>, vector<16xf32>
        %select_n3A_1055 = arith.select %gt3A_1052, %and3A_1048, %select_n3A_981 : vector<16xi1>, vector<16xi32>
        %select_n3A_1056 = arith.select %gt3A_1051, %select_n3A_983, %select_n3A_1055 : vector<16xi1>, vector<16xi32>
        %select_n3A_1057 = arith.select %gt3A_1051, %gather3A_1050, %select_n3A_982 : vector<16xi1>, vector<16xf32>
        %select_n3A_1058 = arith.select %gt3A_1051, %and3A_1048, %select_n3A_983 : vector<16xi1>, vector<16xi32>
        %exp3A_1059 = math.exp %gather3A_1050 : vector<16xf32>
        %add3A_1060 = arith.addf %add3A_985, %exp3A_1059 : vector<16xf32>
        %add3A_1061 = arith.constant 96 : i32
        %add3A_1062 = vector.broadcast %add3A_1061 : i32 to vector<16xi32>
        %add3A_1063 = arith.addi %add3A_1006, %add3A_1062 : vector<16xi32>
        %and3A_1064 = arith.constant 127 : i32
        %and3A_1065 = vector.broadcast %and3A_1064 : i32 to vector<16xi32>
        %and3A_1066 = arith.andi %add3A_1063, %and3A_1065 : vector<16xi32>
        %add3A_1067 = arith.addi %mul3A_24, %and3A_1066 : vector<16xi32>
        %gather3A_1068 = tpu.vector_load_idx %arg5[%add3A_1067] : memref<65536xf32, #tpu.memory_space<vmem>>[vector<16xi32>], vector<16xf32>,
        %gt3A_1069 = arith.cmpf ogt, %gather3A_1068, %select_n3A_1000 : vector<16xf32>
        %gt3A_1070 = arith.cmpf ogt, %gather3A_1068, %select_n3A_997 : vector<16xf32>
        %select_n3A_1071 = arith.select %gt3A_1070, %gather3A_1068, %select_n3A_997 : vector<16xi1>, vector<16xf32>
        %select_n3A_1072 = arith.select %gt3A_1069, %select_n3A_1000, %select_n3A_1071 : vector<16xi1>, vector<16xf32>
        %select_n3A_1073 = arith.select %gt3A_1070, %and3A_1066, %select_n3A_999 : vector<16xi1>, vector<16xi32>
        %select_n3A_1074 = arith.select %gt3A_1069, %select_n3A_1001, %select_n3A_1073 : vector<16xi1>, vector<16xi32>
        %select_n3A_1075 = arith.select %gt3A_1069, %gather3A_1068, %select_n3A_1000 : vector<16xi1>, vector<16xf32>
        %select_n3A_1076 = arith.select %gt3A_1069, %and3A_1066, %select_n3A_1001 : vector<16xi1>, vector<16xi32>
        %exp3A_1077 = math.exp %gather3A_1068 : vector<16xf32>
        %add3A_1078 = arith.addf %add3A_1003, %exp3A_1077 : vector<16xf32>
        %scan3A_1079 = arith.constant 14 : i32
        %add3A_1080 = vector.broadcast %scan3A_1079 : i32 to vector<16xi32>
        %add3A_1081 = arith.addi %add3A_1080, %iota3A : vector<16xi32>
        %add3A_1082 = arith.constant 0 : i32
        %add3A_1083 = vector.broadcast %add3A_1082 : i32 to vector<16xi32>
        %add3A_1084 = arith.addi %add3A_1081, %add3A_1083 : vector<16xi32>
        %and3A_1085 = arith.constant 127 : i32
        %and3A_1086 = vector.broadcast %and3A_1085 : i32 to vector<16xi32>
        %and3A_1087 = arith.andi %add3A_1084, %and3A_1086 : vector<16xi32>
        %add3A_1088 = arith.addi %mul3A_24, %and3A_1087 : vector<16xi32>
        %gather3A_1089 = tpu.vector_load_idx %arg5[%add3A_1088] : memref<65536xf32, #tpu.memory_space<vmem>>[vector<16xi32>], vector<16xf32>,
        %gt3A_1090 = arith.cmpf ogt, %gather3A_1089, %select_n3A_1021 : vector<16xf32>
        %gt3A_1091 = arith.cmpf ogt, %gather3A_1089, %select_n3A_1018 : vector<16xf32>
        %select_n3A_1092 = arith.select %gt3A_1091, %gather3A_1089, %select_n3A_1018 : vector<16xi1>, vector<16xf32>
        %select_n3A_1093 = arith.select %gt3A_1090, %select_n3A_1021, %select_n3A_1092 : vector<16xi1>, vector<16xf32>
        %select_n3A_1094 = arith.select %gt3A_1091, %and3A_1087, %select_n3A_1020 : vector<16xi1>, vector<16xi32>
        %select_n3A_1095 = arith.select %gt3A_1090, %select_n3A_1022, %select_n3A_1094 : vector<16xi1>, vector<16xi32>
        %select_n3A_1096 = arith.select %gt3A_1090, %gather3A_1089, %select_n3A_1021 : vector<16xi1>, vector<16xf32>
        %select_n3A_1097 = arith.select %gt3A_1090, %and3A_1087, %select_n3A_1022 : vector<16xi1>, vector<16xi32>
        %exp3A_1098 = math.exp %gather3A_1089 : vector<16xf32>
        %add3A_1099 = arith.addf %add3A_1024, %exp3A_1098 : vector<16xf32>
        %add3A_1100 = arith.constant 32 : i32
        %add3A_1101 = vector.broadcast %add3A_1100 : i32 to vector<16xi32>
        %add3A_1102 = arith.addi %add3A_1081, %add3A_1101 : vector<16xi32>
        %and3A_1103 = arith.constant 127 : i32
        %and3A_1104 = vector.broadcast %and3A_1103 : i32 to vector<16xi32>
        %and3A_1105 = arith.andi %add3A_1102, %and3A_1104 : vector<16xi32>
        %add3A_1106 = arith.addi %mul3A_24, %and3A_1105 : vector<16xi32>
        %gather3A_1107 = tpu.vector_load_idx %arg5[%add3A_1106] : memref<65536xf32, #tpu.memory_space<vmem>>[vector<16xi32>], vector<16xf32>,
        %gt3A_1108 = arith.cmpf ogt, %gather3A_1107, %select_n3A_1039 : vector<16xf32>
        %gt3A_1109 = arith.cmpf ogt, %gather3A_1107, %select_n3A_1036 : vector<16xf32>
        %select_n3A_1110 = arith.select %gt3A_1109, %gather3A_1107, %select_n3A_1036 : vector<16xi1>, vector<16xf32>
        %select_n3A_1111 = arith.select %gt3A_1108, %select_n3A_1039, %select_n3A_1110 : vector<16xi1>, vector<16xf32>
        %select_n3A_1112 = arith.select %gt3A_1109, %and3A_1105, %select_n3A_1038 : vector<16xi1>, vector<16xi32>
        %select_n3A_1113 = arith.select %gt3A_1108, %select_n3A_1040, %select_n3A_1112 : vector<16xi1>, vector<16xi32>
        %select_n3A_1114 = arith.select %gt3A_1108, %gather3A_1107, %select_n3A_1039 : vector<16xi1>, vector<16xf32>
        %select_n3A_1115 = arith.select %gt3A_1108, %and3A_1105, %select_n3A_1040 : vector<16xi1>, vector<16xi32>
        %exp3A_1116 = math.exp %gather3A_1107 : vector<16xf32>
        %add3A_1117 = arith.addf %add3A_1042, %exp3A_1116 : vector<16xf32>
        %add3A_1118 = arith.constant 64 : i32
        %add3A_1119 = vector.broadcast %add3A_1118 : i32 to vector<16xi32>
        %add3A_1120 = arith.addi %add3A_1081, %add3A_1119 : vector<16xi32>
        %and3A_1121 = arith.constant 127 : i32
        %and3A_1122 = vector.broadcast %and3A_1121 : i32 to vector<16xi32>
        %and3A_1123 = arith.andi %add3A_1120, %and3A_1122 : vector<16xi32>
        %add3A_1124 = arith.addi %mul3A_24, %and3A_1123 : vector<16xi32>
        %gather3A_1125 = tpu.vector_load_idx %arg5[%add3A_1124] : memref<65536xf32, #tpu.memory_space<vmem>>[vector<16xi32>], vector<16xf32>,
        %gt3A_1126 = arith.cmpf ogt, %gather3A_1125, %select_n3A_1057 : vector<16xf32>
        %gt3A_1127 = arith.cmpf ogt, %gather3A_1125, %select_n3A_1054 : vector<16xf32>
        %select_n3A_1128 = arith.select %gt3A_1127, %gather3A_1125, %select_n3A_1054 : vector<16xi1>, vector<16xf32>
        %select_n3A_1129 = arith.select %gt3A_1126, %select_n3A_1057, %select_n3A_1128 : vector<16xi1>, vector<16xf32>
        %select_n3A_1130 = arith.select %gt3A_1127, %and3A_1123, %select_n3A_1056 : vector<16xi1>, vector<16xi32>
        %select_n3A_1131 = arith.select %gt3A_1126, %select_n3A_1058, %select_n3A_1130 : vector<16xi1>, vector<16xi32>
        %select_n3A_1132 = arith.select %gt3A_1126, %gather3A_1125, %select_n3A_1057 : vector<16xi1>, vector<16xf32>
        %select_n3A_1133 = arith.select %gt3A_1126, %and3A_1123, %select_n3A_1058 : vector<16xi1>, vector<16xi32>
        %exp3A_1134 = math.exp %gather3A_1125 : vector<16xf32>
        %add3A_1135 = arith.addf %add3A_1060, %exp3A_1134 : vector<16xf32>
        %add3A_1136 = arith.constant 96 : i32
        %add3A_1137 = vector.broadcast %add3A_1136 : i32 to vector<16xi32>
        %add3A_1138 = arith.addi %add3A_1081, %add3A_1137 : vector<16xi32>
        %and3A_1139 = arith.constant 127 : i32
        %and3A_1140 = vector.broadcast %and3A_1139 : i32 to vector<16xi32>
        %and3A_1141 = arith.andi %add3A_1138, %and3A_1140 : vector<16xi32>
        %add3A_1142 = arith.addi %mul3A_24, %and3A_1141 : vector<16xi32>
        %gather3A_1143 = tpu.vector_load_idx %arg5[%add3A_1142] : memref<65536xf32, #tpu.memory_space<vmem>>[vector<16xi32>], vector<16xf32>,
        %gt3A_1144 = arith.cmpf ogt, %gather3A_1143, %select_n3A_1075 : vector<16xf32>
        %gt3A_1145 = arith.cmpf ogt, %gather3A_1143, %select_n3A_1072 : vector<16xf32>
        %select_n3A_1146 = arith.select %gt3A_1145, %gather3A_1143, %select_n3A_1072 : vector<16xi1>, vector<16xf32>
        %select_n3A_1147 = arith.select %gt3A_1144, %select_n3A_1075, %select_n3A_1146 : vector<16xi1>, vector<16xf32>
        %select_n3A_1148 = arith.select %gt3A_1145, %and3A_1141, %select_n3A_1074 : vector<16xi1>, vector<16xi32>
        %select_n3A_1149 = arith.select %gt3A_1144, %select_n3A_1076, %select_n3A_1148 : vector<16xi1>, vector<16xi32>
        %select_n3A_1150 = arith.select %gt3A_1144, %gather3A_1143, %select_n3A_1075 : vector<16xi1>, vector<16xf32>
        %select_n3A_1151 = arith.select %gt3A_1144, %and3A_1141, %select_n3A_1076 : vector<16xi1>, vector<16xi32>
        %exp3A_1152 = math.exp %gather3A_1143 : vector<16xf32>
        %add3A_1153 = arith.addf %add3A_1078, %exp3A_1152 : vector<16xf32>
        %scan3A_1154 = arith.constant 15 : i32
        %add3A_1155 = vector.broadcast %scan3A_1154 : i32 to vector<16xi32>
        %add3A_1156 = arith.addi %add3A_1155, %iota3A : vector<16xi32>
        %add3A_1157 = arith.constant 0 : i32
        %add3A_1158 = vector.broadcast %add3A_1157 : i32 to vector<16xi32>
        %add3A_1159 = arith.addi %add3A_1156, %add3A_1158 : vector<16xi32>
        %and3A_1160 = arith.constant 127 : i32
        %and3A_1161 = vector.broadcast %and3A_1160 : i32 to vector<16xi32>
        %and3A_1162 = arith.andi %add3A_1159, %and3A_1161 : vector<16xi32>
        %add3A_1163 = arith.addi %mul3A_24, %and3A_1162 : vector<16xi32>
        %gather3A_1164 = tpu.vector_load_idx %arg5[%add3A_1163] : memref<65536xf32, #tpu.memory_space<vmem>>[vector<16xi32>], vector<16xf32>,
        %gt3A_1165 = arith.cmpf ogt, %gather3A_1164, %select_n3A_1096 : vector<16xf32>
        %gt3A_1166 = arith.cmpf ogt, %gather3A_1164, %select_n3A_1093 : vector<16xf32>
        %select_n3A_1167 = arith.select %gt3A_1166, %gather3A_1164, %select_n3A_1093 : vector<16xi1>, vector<16xf32>
        %select_n3A_1168 = arith.select %gt3A_1165, %select_n3A_1096, %select_n3A_1167 : vector<16xi1>, vector<16xf32>
        %select_n3A_1169 = arith.select %gt3A_1166, %and3A_1162, %select_n3A_1095 : vector<16xi1>, vector<16xi32>
        %select_n3A_1170 = arith.select %gt3A_1165, %select_n3A_1097, %select_n3A_1169 : vector<16xi1>, vector<16xi32>
        %select_n3A_1171 = arith.select %gt3A_1165, %gather3A_1164, %select_n3A_1096 : vector<16xi1>, vector<16xf32>
        %select_n3A_1172 = arith.select %gt3A_1165, %and3A_1162, %select_n3A_1097 : vector<16xi1>, vector<16xi32>
        %exp3A_1173 = math.exp %gather3A_1164 : vector<16xf32>
        %add3A_1174 = arith.addf %add3A_1099, %exp3A_1173 : vector<16xf32>
        %add3A_1175 = arith.constant 32 : i32
        %add3A_1176 = vector.broadcast %add3A_1175 : i32 to vector<16xi32>
        %add3A_1177 = arith.addi %add3A_1156, %add3A_1176 : vector<16xi32>
        %and3A_1178 = arith.constant 127 : i32
        %and3A_1179 = vector.broadcast %and3A_1178 : i32 to vector<16xi32>
        %and3A_1180 = arith.andi %add3A_1177, %and3A_1179 : vector<16xi32>
        %add3A_1181 = arith.addi %mul3A_24, %and3A_1180 : vector<16xi32>
        %gather3A_1182 = tpu.vector_load_idx %arg5[%add3A_1181] : memref<65536xf32, #tpu.memory_space<vmem>>[vector<16xi32>], vector<16xf32>,
        %gt3A_1183 = arith.cmpf ogt, %gather3A_1182, %select_n3A_1114 : vector<16xf32>
        %gt3A_1184 = arith.cmpf ogt, %gather3A_1182, %select_n3A_1111 : vector<16xf32>
        %select_n3A_1185 = arith.select %gt3A_1184, %gather3A_1182, %select_n3A_1111 : vector<16xi1>, vector<16xf32>
        %select_n3A_1186 = arith.select %gt3A_1183, %select_n3A_1114, %select_n3A_1185 : vector<16xi1>, vector<16xf32>
        %select_n3A_1187 = arith.select %gt3A_1184, %and3A_1180, %select_n3A_1113 : vector<16xi1>, vector<16xi32>
        %select_n3A_1188 = arith.select %gt3A_1183, %select_n3A_1115, %select_n3A_1187 : vector<16xi1>, vector<16xi32>
        %select_n3A_1189 = arith.select %gt3A_1183, %gather3A_1182, %select_n3A_1114 : vector<16xi1>, vector<16xf32>
        %select_n3A_1190 = arith.select %gt3A_1183, %and3A_1180, %select_n3A_1115 : vector<16xi1>, vector<16xi32>
        %exp3A_1191 = math.exp %gather3A_1182 : vector<16xf32>
        %add3A_1192 = arith.addf %add3A_1117, %exp3A_1191 : vector<16xf32>
        %add3A_1193 = arith.constant 64 : i32
        %add3A_1194 = vector.broadcast %add3A_1193 : i32 to vector<16xi32>
        %add3A_1195 = arith.addi %add3A_1156, %add3A_1194 : vector<16xi32>
        %and3A_1196 = arith.constant 127 : i32
        %and3A_1197 = vector.broadcast %and3A_1196 : i32 to vector<16xi32>
        %and3A_1198 = arith.andi %add3A_1195, %and3A_1197 : vector<16xi32>
        %add3A_1199 = arith.addi %mul3A_24, %and3A_1198 : vector<16xi32>
        %gather3A_1200 = tpu.vector_load_idx %arg5[%add3A_1199] : memref<65536xf32, #tpu.memory_space<vmem>>[vector<16xi32>], vector<16xf32>,
        %gt3A_1201 = arith.cmpf ogt, %gather3A_1200, %select_n3A_1132 : vector<16xf32>
        %gt3A_1202 = arith.cmpf ogt, %gather3A_1200, %select_n3A_1129 : vector<16xf32>
        %select_n3A_1203 = arith.select %gt3A_1202, %gather3A_1200, %select_n3A_1129 : vector<16xi1>, vector<16xf32>
        %select_n3A_1204 = arith.select %gt3A_1201, %select_n3A_1132, %select_n3A_1203 : vector<16xi1>, vector<16xf32>
        %select_n3A_1205 = arith.select %gt3A_1202, %and3A_1198, %select_n3A_1131 : vector<16xi1>, vector<16xi32>
        %select_n3A_1206 = arith.select %gt3A_1201, %select_n3A_1133, %select_n3A_1205 : vector<16xi1>, vector<16xi32>
        %select_n3A_1207 = arith.select %gt3A_1201, %gather3A_1200, %select_n3A_1132 : vector<16xi1>, vector<16xf32>
        %select_n3A_1208 = arith.select %gt3A_1201, %and3A_1198, %select_n3A_1133 : vector<16xi1>, vector<16xi32>
        %exp3A_1209 = math.exp %gather3A_1200 : vector<16xf32>
        %add3A_1210 = arith.addf %add3A_1135, %exp3A_1209 : vector<16xf32>
        %add3A_1211 = arith.constant 96 : i32
        %add3A_1212 = vector.broadcast %add3A_1211 : i32 to vector<16xi32>
        %add3A_1213 = arith.addi %add3A_1156, %add3A_1212 : vector<16xi32>
        %and3A_1214 = arith.constant 127 : i32
        %and3A_1215 = vector.broadcast %and3A_1214 : i32 to vector<16xi32>
        %and3A_1216 = arith.andi %add3A_1213, %and3A_1215 : vector<16xi32>
        %add3A_1217 = arith.addi %mul3A_24, %and3A_1216 : vector<16xi32>
        %gather3A_1218 = tpu.vector_load_idx %arg5[%add3A_1217] : memref<65536xf32, #tpu.memory_space<vmem>>[vector<16xi32>], vector<16xf32>,
        %gt3A_1219 = arith.cmpf ogt, %gather3A_1218, %select_n3A_1150 : vector<16xf32>
        %gt3A_1220 = arith.cmpf ogt, %gather3A_1218, %select_n3A_1147 : vector<16xf32>
        %select_n3A_1221 = arith.select %gt3A_1220, %gather3A_1218, %select_n3A_1147 : vector<16xi1>, vector<16xf32>
        %select_n3A_1222 = arith.select %gt3A_1219, %select_n3A_1150, %select_n3A_1221 : vector<16xi1>, vector<16xf32>
        %select_n3A_1223 = arith.select %gt3A_1220, %and3A_1216, %select_n3A_1149 : vector<16xi1>, vector<16xi32>
        %select_n3A_1224 = arith.select %gt3A_1219, %select_n3A_1151, %select_n3A_1223 : vector<16xi1>, vector<16xi32>
        %select_n3A_1225 = arith.select %gt3A_1219, %gather3A_1218, %select_n3A_1150 : vector<16xi1>, vector<16xf32>
        %select_n3A_1226 = arith.select %gt3A_1219, %and3A_1216, %select_n3A_1151 : vector<16xi1>, vector<16xi32>
        %exp3A_1227 = math.exp %gather3A_1218 : vector<16xf32>
        %add3A_1228 = arith.addf %add3A_1153, %exp3A_1227 : vector<16xf32>
        %scan3A_1229 = arith.constant 16 : i32
        %add3A_1230 = vector.broadcast %scan3A_1229 : i32 to vector<16xi32>
        %add3A_1231 = arith.addi %add3A_1230, %iota3A : vector<16xi32>
        %add3A_1232 = arith.constant 0 : i32
        %add3A_1233 = vector.broadcast %add3A_1232 : i32 to vector<16xi32>
        %add3A_1234 = arith.addi %add3A_1231, %add3A_1233 : vector<16xi32>
        %and3A_1235 = arith.constant 127 : i32
        %and3A_1236 = vector.broadcast %and3A_1235 : i32 to vector<16xi32>
        %and3A_1237 = arith.andi %add3A_1234, %and3A_1236 : vector<16xi32>
        %add3A_1238 = arith.addi %mul3A_24, %and3A_1237 : vector<16xi32>
        %gather3A_1239 = tpu.vector_load_idx %arg5[%add3A_1238] : memref<65536xf32, #tpu.memory_space<vmem>>[vector<16xi32>], vector<16xf32>,
        %gt3A_1240 = arith.cmpf ogt, %gather3A_1239, %select_n3A_1171 : vector<16xf32>
        %gt3A_1241 = arith.cmpf ogt, %gather3A_1239, %select_n3A_1168 : vector<16xf32>
        %select_n3A_1242 = arith.select %gt3A_1241, %gather3A_1239, %select_n3A_1168 : vector<16xi1>, vector<16xf32>
        %select_n3A_1243 = arith.select %gt3A_1240, %select_n3A_1171, %select_n3A_1242 : vector<16xi1>, vector<16xf32>
        %select_n3A_1244 = arith.select %gt3A_1241, %and3A_1237, %select_n3A_1170 : vector<16xi1>, vector<16xi32>
        %select_n3A_1245 = arith.select %gt3A_1240, %select_n3A_1172, %select_n3A_1244 : vector<16xi1>, vector<16xi32>
        %select_n3A_1246 = arith.select %gt3A_1240, %gather3A_1239, %select_n3A_1171 : vector<16xi1>, vector<16xf32>
        %select_n3A_1247 = arith.select %gt3A_1240, %and3A_1237, %select_n3A_1172 : vector<16xi1>, vector<16xi32>
        %exp3A_1248 = math.exp %gather3A_1239 : vector<16xf32>
        %add3A_1249 = arith.addf %add3A_1174, %exp3A_1248 : vector<16xf32>
        %add3A_1250 = arith.constant 32 : i32
        %add3A_1251 = vector.broadcast %add3A_1250 : i32 to vector<16xi32>
        %add3A_1252 = arith.addi %add3A_1231, %add3A_1251 : vector<16xi32>
        %and3A_1253 = arith.constant 127 : i32
        %and3A_1254 = vector.broadcast %and3A_1253 : i32 to vector<16xi32>
        %and3A_1255 = arith.andi %add3A_1252, %and3A_1254 : vector<16xi32>
        %add3A_1256 = arith.addi %mul3A_24, %and3A_1255 : vector<16xi32>
        %gather3A_1257 = tpu.vector_load_idx %arg5[%add3A_1256] : memref<65536xf32, #tpu.memory_space<vmem>>[vector<16xi32>], vector<16xf32>,
        %gt3A_1258 = arith.cmpf ogt, %gather3A_1257, %select_n3A_1189 : vector<16xf32>
        %gt3A_1259 = arith.cmpf ogt, %gather3A_1257, %select_n3A_1186 : vector<16xf32>
        %select_n3A_1260 = arith.select %gt3A_1259, %gather3A_1257, %select_n3A_1186 : vector<16xi1>, vector<16xf32>
        %select_n3A_1261 = arith.select %gt3A_1258, %select_n3A_1189, %select_n3A_1260 : vector<16xi1>, vector<16xf32>
        %select_n3A_1262 = arith.select %gt3A_1259, %and3A_1255, %select_n3A_1188 : vector<16xi1>, vector<16xi32>
        %select_n3A_1263 = arith.select %gt3A_1258, %select_n3A_1190, %select_n3A_1262 : vector<16xi1>, vector<16xi32>
        %select_n3A_1264 = arith.select %gt3A_1258, %gather3A_1257, %select_n3A_1189 : vector<16xi1>, vector<16xf32>
        %select_n3A_1265 = arith.select %gt3A_1258, %and3A_1255, %select_n3A_1190 : vector<16xi1>, vector<16xi32>
        %exp3A_1266 = math.exp %gather3A_1257 : vector<16xf32>
        %add3A_1267 = arith.addf %add3A_1192, %exp3A_1266 : vector<16xf32>
        %add3A_1268 = arith.constant 64 : i32
        %add3A_1269 = vector.broadcast %add3A_1268 : i32 to vector<16xi32>
        %add3A_1270 = arith.addi %add3A_1231, %add3A_1269 : vector<16xi32>
        %and3A_1271 = arith.constant 127 : i32
        %and3A_1272 = vector.broadcast %and3A_1271 : i32 to vector<16xi32>
        %and3A_1273 = arith.andi %add3A_1270, %and3A_1272 : vector<16xi32>
        %add3A_1274 = arith.addi %mul3A_24, %and3A_1273 : vector<16xi32>
        %gather3A_1275 = tpu.vector_load_idx %arg5[%add3A_1274] : memref<65536xf32, #tpu.memory_space<vmem>>[vector<16xi32>], vector<16xf32>,
        %gt3A_1276 = arith.cmpf ogt, %gather3A_1275, %select_n3A_1207 : vector<16xf32>
        %gt3A_1277 = arith.cmpf ogt, %gather3A_1275, %select_n3A_1204 : vector<16xf32>
        %select_n3A_1278 = arith.select %gt3A_1277, %gather3A_1275, %select_n3A_1204 : vector<16xi1>, vector<16xf32>
        %select_n3A_1279 = arith.select %gt3A_1276, %select_n3A_1207, %select_n3A_1278 : vector<16xi1>, vector<16xf32>
        %select_n3A_1280 = arith.select %gt3A_1277, %and3A_1273, %select_n3A_1206 : vector<16xi1>, vector<16xi32>
        %select_n3A_1281 = arith.select %gt3A_1276, %select_n3A_1208, %select_n3A_1280 : vector<16xi1>, vector<16xi32>
        %select_n3A_1282 = arith.select %gt3A_1276, %gather3A_1275, %select_n3A_1207 : vector<16xi1>, vector<16xf32>
        %select_n3A_1283 = arith.select %gt3A_1276, %and3A_1273, %select_n3A_1208 : vector<16xi1>, vector<16xi32>
        %exp3A_1284 = math.exp %gather3A_1275 : vector<16xf32>
        %add3A_1285 = arith.addf %add3A_1210, %exp3A_1284 : vector<16xf32>
        %add3A_1286 = arith.constant 96 : i32
        %add3A_1287 = vector.broadcast %add3A_1286 : i32 to vector<16xi32>
        %add3A_1288 = arith.addi %add3A_1231, %add3A_1287 : vector<16xi32>
        %and3A_1289 = arith.constant 127 : i32
        %and3A_1290 = vector.broadcast %and3A_1289 : i32 to vector<16xi32>
        %and3A_1291 = arith.andi %add3A_1288, %and3A_1290 : vector<16xi32>
        %add3A_1292 = arith.addi %mul3A_24, %and3A_1291 : vector<16xi32>
        %gather3A_1293 = tpu.vector_load_idx %arg5[%add3A_1292] : memref<65536xf32, #tpu.memory_space<vmem>>[vector<16xi32>], vector<16xf32>,
        %gt3A_1294 = arith.cmpf ogt, %gather3A_1293, %select_n3A_1225 : vector<16xf32>
        %gt3A_1295 = arith.cmpf ogt, %gather3A_1293, %select_n3A_1222 : vector<16xf32>
        %select_n3A_1296 = arith.select %gt3A_1295, %gather3A_1293, %select_n3A_1222 : vector<16xi1>, vector<16xf32>
        %select_n3A_1297 = arith.select %gt3A_1294, %select_n3A_1225, %select_n3A_1296 : vector<16xi1>, vector<16xf32>
        %select_n3A_1298 = arith.select %gt3A_1295, %and3A_1291, %select_n3A_1224 : vector<16xi1>, vector<16xi32>
        %select_n3A_1299 = arith.select %gt3A_1294, %select_n3A_1226, %select_n3A_1298 : vector<16xi1>, vector<16xi32>
        %select_n3A_1300 = arith.select %gt3A_1294, %gather3A_1293, %select_n3A_1225 : vector<16xi1>, vector<16xf32>
        %select_n3A_1301 = arith.select %gt3A_1294, %and3A_1291, %select_n3A_1226 : vector<16xi1>, vector<16xi32>
        %exp3A_1302 = math.exp %gather3A_1293 : vector<16xf32>
        %add3A_1303 = arith.addf %add3A_1228, %exp3A_1302 : vector<16xf32>
        %scan3A_1304 = arith.constant 17 : i32
        %add3A_1305 = vector.broadcast %scan3A_1304 : i32 to vector<16xi32>
        %add3A_1306 = arith.addi %add3A_1305, %iota3A : vector<16xi32>
        %add3A_1307 = arith.constant 0 : i32
        %add3A_1308 = vector.broadcast %add3A_1307 : i32 to vector<16xi32>
        %add3A_1309 = arith.addi %add3A_1306, %add3A_1308 : vector<16xi32>
        %and3A_1310 = arith.constant 127 : i32
        %and3A_1311 = vector.broadcast %and3A_1310 : i32 to vector<16xi32>
        %and3A_1312 = arith.andi %add3A_1309, %and3A_1311 : vector<16xi32>
        %add3A_1313 = arith.addi %mul3A_24, %and3A_1312 : vector<16xi32>
        %gather3A_1314 = tpu.vector_load_idx %arg5[%add3A_1313] : memref<65536xf32, #tpu.memory_space<vmem>>[vector<16xi32>], vector<16xf32>,
        %gt3A_1315 = arith.cmpf ogt, %gather3A_1314, %select_n3A_1246 : vector<16xf32>
        %gt3A_1316 = arith.cmpf ogt, %gather3A_1314, %select_n3A_1243 : vector<16xf32>
        %select_n3A_1317 = arith.select %gt3A_1316, %gather3A_1314, %select_n3A_1243 : vector<16xi1>, vector<16xf32>
        %select_n3A_1318 = arith.select %gt3A_1315, %select_n3A_1246, %select_n3A_1317 : vector<16xi1>, vector<16xf32>
        %select_n3A_1319 = arith.select %gt3A_1316, %and3A_1312, %select_n3A_1245 : vector<16xi1>, vector<16xi32>
        %select_n3A_1320 = arith.select %gt3A_1315, %select_n3A_1247, %select_n3A_1319 : vector<16xi1>, vector<16xi32>
        %select_n3A_1321 = arith.select %gt3A_1315, %gather3A_1314, %select_n3A_1246 : vector<16xi1>, vector<16xf32>
        %select_n3A_1322 = arith.select %gt3A_1315, %and3A_1312, %select_n3A_1247 : vector<16xi1>, vector<16xi32>
        %exp3A_1323 = math.exp %gather3A_1314 : vector<16xf32>
        %add3A_1324 = arith.addf %add3A_1249, %exp3A_1323 : vector<16xf32>
        %add3A_1325 = arith.constant 32 : i32
        %add3A_1326 = vector.broadcast %add3A_1325 : i32 to vector<16xi32>
        %add3A_1327 = arith.addi %add3A_1306, %add3A_1326 : vector<16xi32>
        %and3A_1328 = arith.constant 127 : i32
        %and3A_1329 = vector.broadcast %and3A_1328 : i32 to vector<16xi32>
        %and3A_1330 = arith.andi %add3A_1327, %and3A_1329 : vector<16xi32>
        %add3A_1331 = arith.addi %mul3A_24, %and3A_1330 : vector<16xi32>
        %gather3A_1332 = tpu.vector_load_idx %arg5[%add3A_1331] : memref<65536xf32, #tpu.memory_space<vmem>>[vector<16xi32>], vector<16xf32>,
        %gt3A_1333 = arith.cmpf ogt, %gather3A_1332, %select_n3A_1264 : vector<16xf32>
        %gt3A_1334 = arith.cmpf ogt, %gather3A_1332, %select_n3A_1261 : vector<16xf32>
        %select_n3A_1335 = arith.select %gt3A_1334, %gather3A_1332, %select_n3A_1261 : vector<16xi1>, vector<16xf32>
        %select_n3A_1336 = arith.select %gt3A_1333, %select_n3A_1264, %select_n3A_1335 : vector<16xi1>, vector<16xf32>
        %select_n3A_1337 = arith.select %gt3A_1334, %and3A_1330, %select_n3A_1263 : vector<16xi1>, vector<16xi32>
        %select_n3A_1338 = arith.select %gt3A_1333, %select_n3A_1265, %select_n3A_1337 : vector<16xi1>, vector<16xi32>
        %select_n3A_1339 = arith.select %gt3A_1333, %gather3A_1332, %select_n3A_1264 : vector<16xi1>, vector<16xf32>
        %select_n3A_1340 = arith.select %gt3A_1333, %and3A_1330, %select_n3A_1265 : vector<16xi1>, vector<16xi32>
        %exp3A_1341 = math.exp %gather3A_1332 : vector<16xf32>
        %add3A_1342 = arith.addf %add3A_1267, %exp3A_1341 : vector<16xf32>
        %add3A_1343 = arith.constant 64 : i32
        %add3A_1344 = vector.broadcast %add3A_1343 : i32 to vector<16xi32>
        %add3A_1345 = arith.addi %add3A_1306, %add3A_1344 : vector<16xi32>
        %and3A_1346 = arith.constant 127 : i32
        %and3A_1347 = vector.broadcast %and3A_1346 : i32 to vector<16xi32>
        %and3A_1348 = arith.andi %add3A_1345, %and3A_1347 : vector<16xi32>
        %add3A_1349 = arith.addi %mul3A_24, %and3A_1348 : vector<16xi32>
        %gather3A_1350 = tpu.vector_load_idx %arg5[%add3A_1349] : memref<65536xf32, #tpu.memory_space<vmem>>[vector<16xi32>], vector<16xf32>,
        %gt3A_1351 = arith.cmpf ogt, %gather3A_1350, %select_n3A_1282 : vector<16xf32>
        %gt3A_1352 = arith.cmpf ogt, %gather3A_1350, %select_n3A_1279 : vector<16xf32>
        %select_n3A_1353 = arith.select %gt3A_1352, %gather3A_1350, %select_n3A_1279 : vector<16xi1>, vector<16xf32>
        %select_n3A_1354 = arith.select %gt3A_1351, %select_n3A_1282, %select_n3A_1353 : vector<16xi1>, vector<16xf32>
        %select_n3A_1355 = arith.select %gt3A_1352, %and3A_1348, %select_n3A_1281 : vector<16xi1>, vector<16xi32>
        %select_n3A_1356 = arith.select %gt3A_1351, %select_n3A_1283, %select_n3A_1355 : vector<16xi1>, vector<16xi32>
        %select_n3A_1357 = arith.select %gt3A_1351, %gather3A_1350, %select_n3A_1282 : vector<16xi1>, vector<16xf32>
        %select_n3A_1358 = arith.select %gt3A_1351, %and3A_1348, %select_n3A_1283 : vector<16xi1>, vector<16xi32>
        %exp3A_1359 = math.exp %gather3A_1350 : vector<16xf32>
        %add3A_1360 = arith.addf %add3A_1285, %exp3A_1359 : vector<16xf32>
        %add3A_1361 = arith.constant 96 : i32
        %add3A_1362 = vector.broadcast %add3A_1361 : i32 to vector<16xi32>
        %add3A_1363 = arith.addi %add3A_1306, %add3A_1362 : vector<16xi32>
        %and3A_1364 = arith.constant 127 : i32
        %and3A_1365 = vector.broadcast %and3A_1364 : i32 to vector<16xi32>
        %and3A_1366 = arith.andi %add3A_1363, %and3A_1365 : vector<16xi32>
        %add3A_1367 = arith.addi %mul3A_24, %and3A_1366 : vector<16xi32>
        %gather3A_1368 = tpu.vector_load_idx %arg5[%add3A_1367] : memref<65536xf32, #tpu.memory_space<vmem>>[vector<16xi32>], vector<16xf32>,
        %gt3A_1369 = arith.cmpf ogt, %gather3A_1368, %select_n3A_1300 : vector<16xf32>
        %gt3A_1370 = arith.cmpf ogt, %gather3A_1368, %select_n3A_1297 : vector<16xf32>
        %select_n3A_1371 = arith.select %gt3A_1370, %gather3A_1368, %select_n3A_1297 : vector<16xi1>, vector<16xf32>
        %select_n3A_1372 = arith.select %gt3A_1369, %select_n3A_1300, %select_n3A_1371 : vector<16xi1>, vector<16xf32>
        %select_n3A_1373 = arith.select %gt3A_1370, %and3A_1366, %select_n3A_1299 : vector<16xi1>, vector<16xi32>
        %select_n3A_1374 = arith.select %gt3A_1369, %select_n3A_1301, %select_n3A_1373 : vector<16xi1>, vector<16xi32>
        %select_n3A_1375 = arith.select %gt3A_1369, %gather3A_1368, %select_n3A_1300 : vector<16xi1>, vector<16xf32>
        %select_n3A_1376 = arith.select %gt3A_1369, %and3A_1366, %select_n3A_1301 : vector<16xi1>, vector<16xi32>
        %exp3A_1377 = math.exp %gather3A_1368 : vector<16xf32>
        %add3A_1378 = arith.addf %add3A_1303, %exp3A_1377 : vector<16xf32>
        %scan3A_1379 = arith.constant 18 : i32
        %add3A_1380 = vector.broadcast %scan3A_1379 : i32 to vector<16xi32>
        %add3A_1381 = arith.addi %add3A_1380, %iota3A : vector<16xi32>
        %add3A_1382 = arith.constant 0 : i32
        %add3A_1383 = vector.broadcast %add3A_1382 : i32 to vector<16xi32>
        %add3A_1384 = arith.addi %add3A_1381, %add3A_1383 : vector<16xi32>
        %and3A_1385 = arith.constant 127 : i32
        %and3A_1386 = vector.broadcast %and3A_1385 : i32 to vector<16xi32>
        %and3A_1387 = arith.andi %add3A_1384, %and3A_1386 : vector<16xi32>
        %add3A_1388 = arith.addi %mul3A_24, %and3A_1387 : vector<16xi32>
        %gather3A_1389 = tpu.vector_load_idx %arg5[%add3A_1388] : memref<65536xf32, #tpu.memory_space<vmem>>[vector<16xi32>], vector<16xf32>,
        %gt3A_1390 = arith.cmpf ogt, %gather3A_1389, %select_n3A_1321 : vector<16xf32>
        %gt3A_1391 = arith.cmpf ogt, %gather3A_1389, %select_n3A_1318 : vector<16xf32>
        %select_n3A_1392 = arith.select %gt3A_1391, %gather3A_1389, %select_n3A_1318 : vector<16xi1>, vector<16xf32>
        %select_n3A_1393 = arith.select %gt3A_1390, %select_n3A_1321, %select_n3A_1392 : vector<16xi1>, vector<16xf32>
        %select_n3A_1394 = arith.select %gt3A_1391, %and3A_1387, %select_n3A_1320 : vector<16xi1>, vector<16xi32>
        %select_n3A_1395 = arith.select %gt3A_1390, %select_n3A_1322, %select_n3A_1394 : vector<16xi1>, vector<16xi32>
        %select_n3A_1396 = arith.select %gt3A_1390, %gather3A_1389, %select_n3A_1321 : vector<16xi1>, vector<16xf32>
        %select_n3A_1397 = arith.select %gt3A_1390, %and3A_1387, %select_n3A_1322 : vector<16xi1>, vector<16xi32>
        %exp3A_1398 = math.exp %gather3A_1389 : vector<16xf32>
        %add3A_1399 = arith.addf %add3A_1324, %exp3A_1398 : vector<16xf32>
        %add3A_1400 = arith.constant 32 : i32
        %add3A_1401 = vector.broadcast %add3A_1400 : i32 to vector<16xi32>
        %add3A_1402 = arith.addi %add3A_1381, %add3A_1401 : vector<16xi32>
        %and3A_1403 = arith.constant 127 : i32
        %and3A_1404 = vector.broadcast %and3A_1403 : i32 to vector<16xi32>
        %and3A_1405 = arith.andi %add3A_1402, %and3A_1404 : vector<16xi32>
        %add3A_1406 = arith.addi %mul3A_24, %and3A_1405 : vector<16xi32>
        %gather3A_1407 = tpu.vector_load_idx %arg5[%add3A_1406] : memref<65536xf32, #tpu.memory_space<vmem>>[vector<16xi32>], vector<16xf32>,
        %gt3A_1408 = arith.cmpf ogt, %gather3A_1407, %select_n3A_1339 : vector<16xf32>
        %gt3A_1409 = arith.cmpf ogt, %gather3A_1407, %select_n3A_1336 : vector<16xf32>
        %select_n3A_1410 = arith.select %gt3A_1409, %gather3A_1407, %select_n3A_1336 : vector<16xi1>, vector<16xf32>
        %select_n3A_1411 = arith.select %gt3A_1408, %select_n3A_1339, %select_n3A_1410 : vector<16xi1>, vector<16xf32>
        %select_n3A_1412 = arith.select %gt3A_1409, %and3A_1405, %select_n3A_1338 : vector<16xi1>, vector<16xi32>
        %select_n3A_1413 = arith.select %gt3A_1408, %select_n3A_1340, %select_n3A_1412 : vector<16xi1>, vector<16xi32>
        %select_n3A_1414 = arith.select %gt3A_1408, %gather3A_1407, %select_n3A_1339 : vector<16xi1>, vector<16xf32>
        %select_n3A_1415 = arith.select %gt3A_1408, %and3A_1405, %select_n3A_1340 : vector<16xi1>, vector<16xi32>
        %exp3A_1416 = math.exp %gather3A_1407 : vector<16xf32>
        %add3A_1417 = arith.addf %add3A_1342, %exp3A_1416 : vector<16xf32>
        %add3A_1418 = arith.constant 64 : i32
        %add3A_1419 = vector.broadcast %add3A_1418 : i32 to vector<16xi32>
        %add3A_1420 = arith.addi %add3A_1381, %add3A_1419 : vector<16xi32>
        %and3A_1421 = arith.constant 127 : i32
        %and3A_1422 = vector.broadcast %and3A_1421 : i32 to vector<16xi32>
        %and3A_1423 = arith.andi %add3A_1420, %and3A_1422 : vector<16xi32>
        %add3A_1424 = arith.addi %mul3A_24, %and3A_1423 : vector<16xi32>
        %gather3A_1425 = tpu.vector_load_idx %arg5[%add3A_1424] : memref<65536xf32, #tpu.memory_space<vmem>>[vector<16xi32>], vector<16xf32>,
        %gt3A_1426 = arith.cmpf ogt, %gather3A_1425, %select_n3A_1357 : vector<16xf32>
        %gt3A_1427 = arith.cmpf ogt, %gather3A_1425, %select_n3A_1354 : vector<16xf32>
        %select_n3A_1428 = arith.select %gt3A_1427, %gather3A_1425, %select_n3A_1354 : vector<16xi1>, vector<16xf32>
        %select_n3A_1429 = arith.select %gt3A_1426, %select_n3A_1357, %select_n3A_1428 : vector<16xi1>, vector<16xf32>
        %select_n3A_1430 = arith.select %gt3A_1427, %and3A_1423, %select_n3A_1356 : vector<16xi1>, vector<16xi32>
        %select_n3A_1431 = arith.select %gt3A_1426, %select_n3A_1358, %select_n3A_1430 : vector<16xi1>, vector<16xi32>
        %select_n3A_1432 = arith.select %gt3A_1426, %gather3A_1425, %select_n3A_1357 : vector<16xi1>, vector<16xf32>
        %select_n3A_1433 = arith.select %gt3A_1426, %and3A_1423, %select_n3A_1358 : vector<16xi1>, vector<16xi32>
        %exp3A_1434 = math.exp %gather3A_1425 : vector<16xf32>
        %add3A_1435 = arith.addf %add3A_1360, %exp3A_1434 : vector<16xf32>
        %add3A_1436 = arith.constant 96 : i32
        %add3A_1437 = vector.broadcast %add3A_1436 : i32 to vector<16xi32>
        %add3A_1438 = arith.addi %add3A_1381, %add3A_1437 : vector<16xi32>
        %and3A_1439 = arith.constant 127 : i32
        %and3A_1440 = vector.broadcast %and3A_1439 : i32 to vector<16xi32>
        %and3A_1441 = arith.andi %add3A_1438, %and3A_1440 : vector<16xi32>
        %add3A_1442 = arith.addi %mul3A_24, %and3A_1441 : vector<16xi32>
        %gather3A_1443 = tpu.vector_load_idx %arg5[%add3A_1442] : memref<65536xf32, #tpu.memory_space<vmem>>[vector<16xi32>], vector<16xf32>,
        %gt3A_1444 = arith.cmpf ogt, %gather3A_1443, %select_n3A_1375 : vector<16xf32>
        %gt3A_1445 = arith.cmpf ogt, %gather3A_1443, %select_n3A_1372 : vector<16xf32>
        %select_n3A_1446 = arith.select %gt3A_1445, %gather3A_1443, %select_n3A_1372 : vector<16xi1>, vector<16xf32>
        %select_n3A_1447 = arith.select %gt3A_1444, %select_n3A_1375, %select_n3A_1446 : vector<16xi1>, vector<16xf32>
        %select_n3A_1448 = arith.select %gt3A_1445, %and3A_1441, %select_n3A_1374 : vector<16xi1>, vector<16xi32>
        %select_n3A_1449 = arith.select %gt3A_1444, %select_n3A_1376, %select_n3A_1448 : vector<16xi1>, vector<16xi32>
        %select_n3A_1450 = arith.select %gt3A_1444, %gather3A_1443, %select_n3A_1375 : vector<16xi1>, vector<16xf32>
        %select_n3A_1451 = arith.select %gt3A_1444, %and3A_1441, %select_n3A_1376 : vector<16xi1>, vector<16xi32>
        %exp3A_1452 = math.exp %gather3A_1443 : vector<16xf32>
        %add3A_1453 = arith.addf %add3A_1378, %exp3A_1452 : vector<16xf32>
        %scan3A_1454 = arith.constant 19 : i32
        %add3A_1455 = vector.broadcast %scan3A_1454 : i32 to vector<16xi32>
        %add3A_1456 = arith.addi %add3A_1455, %iota3A : vector<16xi32>
        %add3A_1457 = arith.constant 0 : i32
        %add3A_1458 = vector.broadcast %add3A_1457 : i32 to vector<16xi32>
        %add3A_1459 = arith.addi %add3A_1456, %add3A_1458 : vector<16xi32>
        %and3A_1460 = arith.constant 127 : i32
        %and3A_1461 = vector.broadcast %and3A_1460 : i32 to vector<16xi32>
        %and3A_1462 = arith.andi %add3A_1459, %and3A_1461 : vector<16xi32>
        %add3A_1463 = arith.addi %mul3A_24, %and3A_1462 : vector<16xi32>
        %gather3A_1464 = tpu.vector_load_idx %arg5[%add3A_1463] : memref<65536xf32, #tpu.memory_space<vmem>>[vector<16xi32>], vector<16xf32>,
        %gt3A_1465 = arith.cmpf ogt, %gather3A_1464, %select_n3A_1396 : vector<16xf32>
        %gt3A_1466 = arith.cmpf ogt, %gather3A_1464, %select_n3A_1393 : vector<16xf32>
        %select_n3A_1467 = arith.select %gt3A_1466, %gather3A_1464, %select_n3A_1393 : vector<16xi1>, vector<16xf32>
        %select_n3A_1468 = arith.select %gt3A_1465, %select_n3A_1396, %select_n3A_1467 : vector<16xi1>, vector<16xf32>
        %select_n3A_1469 = arith.select %gt3A_1466, %and3A_1462, %select_n3A_1395 : vector<16xi1>, vector<16xi32>
        %select_n3A_1470 = arith.select %gt3A_1465, %select_n3A_1397, %select_n3A_1469 : vector<16xi1>, vector<16xi32>
        %select_n3A_1471 = arith.select %gt3A_1465, %gather3A_1464, %select_n3A_1396 : vector<16xi1>, vector<16xf32>
        %select_n3A_1472 = arith.select %gt3A_1465, %and3A_1462, %select_n3A_1397 : vector<16xi1>, vector<16xi32>
        %exp3A_1473 = math.exp %gather3A_1464 : vector<16xf32>
        %add3A_1474 = arith.addf %add3A_1399, %exp3A_1473 : vector<16xf32>
        %add3A_1475 = arith.constant 32 : i32
        %add3A_1476 = vector.broadcast %add3A_1475 : i32 to vector<16xi32>
        %add3A_1477 = arith.addi %add3A_1456, %add3A_1476 : vector<16xi32>
        %and3A_1478 = arith.constant 127 : i32
        %and3A_1479 = vector.broadcast %and3A_1478 : i32 to vector<16xi32>
        %and3A_1480 = arith.andi %add3A_1477, %and3A_1479 : vector<16xi32>
        %add3A_1481 = arith.addi %mul3A_24, %and3A_1480 : vector<16xi32>
        %gather3A_1482 = tpu.vector_load_idx %arg5[%add3A_1481] : memref<65536xf32, #tpu.memory_space<vmem>>[vector<16xi32>], vector<16xf32>,
        %gt3A_1483 = arith.cmpf ogt, %gather3A_1482, %select_n3A_1414 : vector<16xf32>
        %gt3A_1484 = arith.cmpf ogt, %gather3A_1482, %select_n3A_1411 : vector<16xf32>
        %select_n3A_1485 = arith.select %gt3A_1484, %gather3A_1482, %select_n3A_1411 : vector<16xi1>, vector<16xf32>
        %select_n3A_1486 = arith.select %gt3A_1483, %select_n3A_1414, %select_n3A_1485 : vector<16xi1>, vector<16xf32>
        %select_n3A_1487 = arith.select %gt3A_1484, %and3A_1480, %select_n3A_1413 : vector<16xi1>, vector<16xi32>
        %select_n3A_1488 = arith.select %gt3A_1483, %select_n3A_1415, %select_n3A_1487 : vector<16xi1>, vector<16xi32>
        %select_n3A_1489 = arith.select %gt3A_1483, %gather3A_1482, %select_n3A_1414 : vector<16xi1>, vector<16xf32>
        %select_n3A_1490 = arith.select %gt3A_1483, %and3A_1480, %select_n3A_1415 : vector<16xi1>, vector<16xi32>
        %exp3A_1491 = math.exp %gather3A_1482 : vector<16xf32>
        %add3A_1492 = arith.addf %add3A_1417, %exp3A_1491 : vector<16xf32>
        %add3A_1493 = arith.constant 64 : i32
        %add3A_1494 = vector.broadcast %add3A_1493 : i32 to vector<16xi32>
        %add3A_1495 = arith.addi %add3A_1456, %add3A_1494 : vector<16xi32>
        %and3A_1496 = arith.constant 127 : i32
        %and3A_1497 = vector.broadcast %and3A_1496 : i32 to vector<16xi32>
        %and3A_1498 = arith.andi %add3A_1495, %and3A_1497 : vector<16xi32>
        %add3A_1499 = arith.addi %mul3A_24, %and3A_1498 : vector<16xi32>
        %gather3A_1500 = tpu.vector_load_idx %arg5[%add3A_1499] : memref<65536xf32, #tpu.memory_space<vmem>>[vector<16xi32>], vector<16xf32>,
        %gt3A_1501 = arith.cmpf ogt, %gather3A_1500, %select_n3A_1432 : vector<16xf32>
        %gt3A_1502 = arith.cmpf ogt, %gather3A_1500, %select_n3A_1429 : vector<16xf32>
        %select_n3A_1503 = arith.select %gt3A_1502, %gather3A_1500, %select_n3A_1429 : vector<16xi1>, vector<16xf32>
        %select_n3A_1504 = arith.select %gt3A_1501, %select_n3A_1432, %select_n3A_1503 : vector<16xi1>, vector<16xf32>
        %select_n3A_1505 = arith.select %gt3A_1502, %and3A_1498, %select_n3A_1431 : vector<16xi1>, vector<16xi32>
        %select_n3A_1506 = arith.select %gt3A_1501, %select_n3A_1433, %select_n3A_1505 : vector<16xi1>, vector<16xi32>
        %select_n3A_1507 = arith.select %gt3A_1501, %gather3A_1500, %select_n3A_1432 : vector<16xi1>, vector<16xf32>
        %select_n3A_1508 = arith.select %gt3A_1501, %and3A_1498, %select_n3A_1433 : vector<16xi1>, vector<16xi32>
        %exp3A_1509 = math.exp %gather3A_1500 : vector<16xf32>
        %add3A_1510 = arith.addf %add3A_1435, %exp3A_1509 : vector<16xf32>
        %add3A_1511 = arith.constant 96 : i32
        %add3A_1512 = vector.broadcast %add3A_1511 : i32 to vector<16xi32>
        %add3A_1513 = arith.addi %add3A_1456, %add3A_1512 : vector<16xi32>
        %and3A_1514 = arith.constant 127 : i32
        %and3A_1515 = vector.broadcast %and3A_1514 : i32 to vector<16xi32>
        %and3A_1516 = arith.andi %add3A_1513, %and3A_1515 : vector<16xi32>
        %add3A_1517 = arith.addi %mul3A_24, %and3A_1516 : vector<16xi32>
        %gather3A_1518 = tpu.vector_load_idx %arg5[%add3A_1517] : memref<65536xf32, #tpu.memory_space<vmem>>[vector<16xi32>], vector<16xf32>,
        %gt3A_1519 = arith.cmpf ogt, %gather3A_1518, %select_n3A_1450 : vector<16xf32>
        %gt3A_1520 = arith.cmpf ogt, %gather3A_1518, %select_n3A_1447 : vector<16xf32>
        %select_n3A_1521 = arith.select %gt3A_1520, %gather3A_1518, %select_n3A_1447 : vector<16xi1>, vector<16xf32>
        %select_n3A_1522 = arith.select %gt3A_1519, %select_n3A_1450, %select_n3A_1521 : vector<16xi1>, vector<16xf32>
        %select_n3A_1523 = arith.select %gt3A_1520, %and3A_1516, %select_n3A_1449 : vector<16xi1>, vector<16xi32>
        %select_n3A_1524 = arith.select %gt3A_1519, %select_n3A_1451, %select_n3A_1523 : vector<16xi1>, vector<16xi32>
        %select_n3A_1525 = arith.select %gt3A_1519, %gather3A_1518, %select_n3A_1450 : vector<16xi1>, vector<16xf32>
        %select_n3A_1526 = arith.select %gt3A_1519, %and3A_1516, %select_n3A_1451 : vector<16xi1>, vector<16xi32>
        %exp3A_1527 = math.exp %gather3A_1518 : vector<16xf32>
        %add3A_1528 = arith.addf %add3A_1453, %exp3A_1527 : vector<16xf32>
        %scan3A_1529 = arith.constant 20 : i32
        %add3A_1530 = vector.broadcast %scan3A_1529 : i32 to vector<16xi32>
        %add3A_1531 = arith.addi %add3A_1530, %iota3A : vector<16xi32>
        %add3A_1532 = arith.constant 0 : i32
        %add3A_1533 = vector.broadcast %add3A_1532 : i32 to vector<16xi32>
        %add3A_1534 = arith.addi %add3A_1531, %add3A_1533 : vector<16xi32>
        %and3A_1535 = arith.constant 127 : i32
        %and3A_1536 = vector.broadcast %and3A_1535 : i32 to vector<16xi32>
        %and3A_1537 = arith.andi %add3A_1534, %and3A_1536 : vector<16xi32>
        %add3A_1538 = arith.addi %mul3A_24, %and3A_1537 : vector<16xi32>
        %gather3A_1539 = tpu.vector_load_idx %arg5[%add3A_1538] : memref<65536xf32, #tpu.memory_space<vmem>>[vector<16xi32>], vector<16xf32>,
        %gt3A_1540 = arith.cmpf ogt, %gather3A_1539, %select_n3A_1471 : vector<16xf32>
        %gt3A_1541 = arith.cmpf ogt, %gather3A_1539, %select_n3A_1468 : vector<16xf32>
        %select_n3A_1542 = arith.select %gt3A_1541, %gather3A_1539, %select_n3A_1468 : vector<16xi1>, vector<16xf32>
        %select_n3A_1543 = arith.select %gt3A_1540, %select_n3A_1471, %select_n3A_1542 : vector<16xi1>, vector<16xf32>
        %select_n3A_1544 = arith.select %gt3A_1541, %and3A_1537, %select_n3A_1470 : vector<16xi1>, vector<16xi32>
        %select_n3A_1545 = arith.select %gt3A_1540, %select_n3A_1472, %select_n3A_1544 : vector<16xi1>, vector<16xi32>
        %select_n3A_1546 = arith.select %gt3A_1540, %gather3A_1539, %select_n3A_1471 : vector<16xi1>, vector<16xf32>
        %select_n3A_1547 = arith.select %gt3A_1540, %and3A_1537, %select_n3A_1472 : vector<16xi1>, vector<16xi32>
        %exp3A_1548 = math.exp %gather3A_1539 : vector<16xf32>
        %add3A_1549 = arith.addf %add3A_1474, %exp3A_1548 : vector<16xf32>
        %add3A_1550 = arith.constant 32 : i32
        %add3A_1551 = vector.broadcast %add3A_1550 : i32 to vector<16xi32>
        %add3A_1552 = arith.addi %add3A_1531, %add3A_1551 : vector<16xi32>
        %and3A_1553 = arith.constant 127 : i32
        %and3A_1554 = vector.broadcast %and3A_1553 : i32 to vector<16xi32>
        %and3A_1555 = arith.andi %add3A_1552, %and3A_1554 : vector<16xi32>
        %add3A_1556 = arith.addi %mul3A_24, %and3A_1555 : vector<16xi32>
        %gather3A_1557 = tpu.vector_load_idx %arg5[%add3A_1556] : memref<65536xf32, #tpu.memory_space<vmem>>[vector<16xi32>], vector<16xf32>,
        %gt3A_1558 = arith.cmpf ogt, %gather3A_1557, %select_n3A_1489 : vector<16xf32>
        %gt3A_1559 = arith.cmpf ogt, %gather3A_1557, %select_n3A_1486 : vector<16xf32>
        %select_n3A_1560 = arith.select %gt3A_1559, %gather3A_1557, %select_n3A_1486 : vector<16xi1>, vector<16xf32>
        %select_n3A_1561 = arith.select %gt3A_1558, %select_n3A_1489, %select_n3A_1560 : vector<16xi1>, vector<16xf32>
        %select_n3A_1562 = arith.select %gt3A_1559, %and3A_1555, %select_n3A_1488 : vector<16xi1>, vector<16xi32>
        %select_n3A_1563 = arith.select %gt3A_1558, %select_n3A_1490, %select_n3A_1562 : vector<16xi1>, vector<16xi32>
        %select_n3A_1564 = arith.select %gt3A_1558, %gather3A_1557, %select_n3A_1489 : vector<16xi1>, vector<16xf32>
        %select_n3A_1565 = arith.select %gt3A_1558, %and3A_1555, %select_n3A_1490 : vector<16xi1>, vector<16xi32>
        %exp3A_1566 = math.exp %gather3A_1557 : vector<16xf32>
        %add3A_1567 = arith.addf %add3A_1492, %exp3A_1566 : vector<16xf32>
        %add3A_1568 = arith.constant 64 : i32
        %add3A_1569 = vector.broadcast %add3A_1568 : i32 to vector<16xi32>
        %add3A_1570 = arith.addi %add3A_1531, %add3A_1569 : vector<16xi32>
        %and3A_1571 = arith.constant 127 : i32
        %and3A_1572 = vector.broadcast %and3A_1571 : i32 to vector<16xi32>
        %and3A_1573 = arith.andi %add3A_1570, %and3A_1572 : vector<16xi32>
        %add3A_1574 = arith.addi %mul3A_24, %and3A_1573 : vector<16xi32>
        %gather3A_1575 = tpu.vector_load_idx %arg5[%add3A_1574] : memref<65536xf32, #tpu.memory_space<vmem>>[vector<16xi32>], vector<16xf32>,
        %gt3A_1576 = arith.cmpf ogt, %gather3A_1575, %select_n3A_1507 : vector<16xf32>
        %gt3A_1577 = arith.cmpf ogt, %gather3A_1575, %select_n3A_1504 : vector<16xf32>
        %select_n3A_1578 = arith.select %gt3A_1577, %gather3A_1575, %select_n3A_1504 : vector<16xi1>, vector<16xf32>
        %select_n3A_1579 = arith.select %gt3A_1576, %select_n3A_1507, %select_n3A_1578 : vector<16xi1>, vector<16xf32>
        %select_n3A_1580 = arith.select %gt3A_1577, %and3A_1573, %select_n3A_1506 : vector<16xi1>, vector<16xi32>
        %select_n3A_1581 = arith.select %gt3A_1576, %select_n3A_1508, %select_n3A_1580 : vector<16xi1>, vector<16xi32>
        %select_n3A_1582 = arith.select %gt3A_1576, %gather3A_1575, %select_n3A_1507 : vector<16xi1>, vector<16xf32>
        %select_n3A_1583 = arith.select %gt3A_1576, %and3A_1573, %select_n3A_1508 : vector<16xi1>, vector<16xi32>
        %exp3A_1584 = math.exp %gather3A_1575 : vector<16xf32>
        %add3A_1585 = arith.addf %add3A_1510, %exp3A_1584 : vector<16xf32>
        %add3A_1586 = arith.constant 96 : i32
        %add3A_1587 = vector.broadcast %add3A_1586 : i32 to vector<16xi32>
        %add3A_1588 = arith.addi %add3A_1531, %add3A_1587 : vector<16xi32>
        %and3A_1589 = arith.constant 127 : i32
        %and3A_1590 = vector.broadcast %and3A_1589 : i32 to vector<16xi32>
        %and3A_1591 = arith.andi %add3A_1588, %and3A_1590 : vector<16xi32>
        %add3A_1592 = arith.addi %mul3A_24, %and3A_1591 : vector<16xi32>
        %gather3A_1593 = tpu.vector_load_idx %arg5[%add3A_1592] : memref<65536xf32, #tpu.memory_space<vmem>>[vector<16xi32>], vector<16xf32>,
        %gt3A_1594 = arith.cmpf ogt, %gather3A_1593, %select_n3A_1525 : vector<16xf32>
        %gt3A_1595 = arith.cmpf ogt, %gather3A_1593, %select_n3A_1522 : vector<16xf32>
        %select_n3A_1596 = arith.select %gt3A_1595, %gather3A_1593, %select_n3A_1522 : vector<16xi1>, vector<16xf32>
        %select_n3A_1597 = arith.select %gt3A_1594, %select_n3A_1525, %select_n3A_1596 : vector<16xi1>, vector<16xf32>
        %select_n3A_1598 = arith.select %gt3A_1595, %and3A_1591, %select_n3A_1524 : vector<16xi1>, vector<16xi32>
        %select_n3A_1599 = arith.select %gt3A_1594, %select_n3A_1526, %select_n3A_1598 : vector<16xi1>, vector<16xi32>
        %select_n3A_1600 = arith.select %gt3A_1594, %gather3A_1593, %select_n3A_1525 : vector<16xi1>, vector<16xf32>
        %select_n3A_1601 = arith.select %gt3A_1594, %and3A_1591, %select_n3A_1526 : vector<16xi1>, vector<16xi32>
        %exp3A_1602 = math.exp %gather3A_1593 : vector<16xf32>
        %add3A_1603 = arith.addf %add3A_1528, %exp3A_1602 : vector<16xf32>
        %scan3A_1604 = arith.constant 21 : i32
        %add3A_1605 = vector.broadcast %scan3A_1604 : i32 to vector<16xi32>
        %add3A_1606 = arith.addi %add3A_1605, %iota3A : vector<16xi32>
        %add3A_1607 = arith.constant 0 : i32
        %add3A_1608 = vector.broadcast %add3A_1607 : i32 to vector<16xi32>
        %add3A_1609 = arith.addi %add3A_1606, %add3A_1608 : vector<16xi32>
        %and3A_1610 = arith.constant 127 : i32
        %and3A_1611 = vector.broadcast %and3A_1610 : i32 to vector<16xi32>
        %and3A_1612 = arith.andi %add3A_1609, %and3A_1611 : vector<16xi32>
        %add3A_1613 = arith.addi %mul3A_24, %and3A_1612 : vector<16xi32>
        %gather3A_1614 = tpu.vector_load_idx %arg5[%add3A_1613] : memref<65536xf32, #tpu.memory_space<vmem>>[vector<16xi32>], vector<16xf32>,
        %gt3A_1615 = arith.cmpf ogt, %gather3A_1614, %select_n3A_1546 : vector<16xf32>
        %gt3A_1616 = arith.cmpf ogt, %gather3A_1614, %select_n3A_1543 : vector<16xf32>
        %select_n3A_1617 = arith.select %gt3A_1616, %gather3A_1614, %select_n3A_1543 : vector<16xi1>, vector<16xf32>
        %select_n3A_1618 = arith.select %gt3A_1615, %select_n3A_1546, %select_n3A_1617 : vector<16xi1>, vector<16xf32>
        %select_n3A_1619 = arith.select %gt3A_1616, %and3A_1612, %select_n3A_1545 : vector<16xi1>, vector<16xi32>
        %select_n3A_1620 = arith.select %gt3A_1615, %select_n3A_1547, %select_n3A_1619 : vector<16xi1>, vector<16xi32>
        %select_n3A_1621 = arith.select %gt3A_1615, %gather3A_1614, %select_n3A_1546 : vector<16xi1>, vector<16xf32>
        %select_n3A_1622 = arith.select %gt3A_1615, %and3A_1612, %select_n3A_1547 : vector<16xi1>, vector<16xi32>
        %exp3A_1623 = math.exp %gather3A_1614 : vector<16xf32>
        %add3A_1624 = arith.addf %add3A_1549, %exp3A_1623 : vector<16xf32>
        %add3A_1625 = arith.constant 32 : i32
        %add3A_1626 = vector.broadcast %add3A_1625 : i32 to vector<16xi32>
        %add3A_1627 = arith.addi %add3A_1606, %add3A_1626 : vector<16xi32>
        %and3A_1628 = arith.constant 127 : i32
        %and3A_1629 = vector.broadcast %and3A_1628 : i32 to vector<16xi32>
        %and3A_1630 = arith.andi %add3A_1627, %and3A_1629 : vector<16xi32>
        %add3A_1631 = arith.addi %mul3A_24, %and3A_1630 : vector<16xi32>
        %gather3A_1632 = tpu.vector_load_idx %arg5[%add3A_1631] : memref<65536xf32, #tpu.memory_space<vmem>>[vector<16xi32>], vector<16xf32>,
        %gt3A_1633 = arith.cmpf ogt, %gather3A_1632, %select_n3A_1564 : vector<16xf32>
        %gt3A_1634 = arith.cmpf ogt, %gather3A_1632, %select_n3A_1561 : vector<16xf32>
        %select_n3A_1635 = arith.select %gt3A_1634, %gather3A_1632, %select_n3A_1561 : vector<16xi1>, vector<16xf32>
        %select_n3A_1636 = arith.select %gt3A_1633, %select_n3A_1564, %select_n3A_1635 : vector<16xi1>, vector<16xf32>
        %select_n3A_1637 = arith.select %gt3A_1634, %and3A_1630, %select_n3A_1563 : vector<16xi1>, vector<16xi32>
        %select_n3A_1638 = arith.select %gt3A_1633, %select_n3A_1565, %select_n3A_1637 : vector<16xi1>, vector<16xi32>
        %select_n3A_1639 = arith.select %gt3A_1633, %gather3A_1632, %select_n3A_1564 : vector<16xi1>, vector<16xf32>
        %select_n3A_1640 = arith.select %gt3A_1633, %and3A_1630, %select_n3A_1565 : vector<16xi1>, vector<16xi32>
        %exp3A_1641 = math.exp %gather3A_1632 : vector<16xf32>
        %add3A_1642 = arith.addf %add3A_1567, %exp3A_1641 : vector<16xf32>
        %add3A_1643 = arith.constant 64 : i32
        %add3A_1644 = vector.broadcast %add3A_1643 : i32 to vector<16xi32>
        %add3A_1645 = arith.addi %add3A_1606, %add3A_1644 : vector<16xi32>
        %and3A_1646 = arith.constant 127 : i32
        %and3A_1647 = vector.broadcast %and3A_1646 : i32 to vector<16xi32>
        %and3A_1648 = arith.andi %add3A_1645, %and3A_1647 : vector<16xi32>
        %add3A_1649 = arith.addi %mul3A_24, %and3A_1648 : vector<16xi32>
        %gather3A_1650 = tpu.vector_load_idx %arg5[%add3A_1649] : memref<65536xf32, #tpu.memory_space<vmem>>[vector<16xi32>], vector<16xf32>,
        %gt3A_1651 = arith.cmpf ogt, %gather3A_1650, %select_n3A_1582 : vector<16xf32>
        %gt3A_1652 = arith.cmpf ogt, %gather3A_1650, %select_n3A_1579 : vector<16xf32>
        %select_n3A_1653 = arith.select %gt3A_1652, %gather3A_1650, %select_n3A_1579 : vector<16xi1>, vector<16xf32>
        %select_n3A_1654 = arith.select %gt3A_1651, %select_n3A_1582, %select_n3A_1653 : vector<16xi1>, vector<16xf32>
        %select_n3A_1655 = arith.select %gt3A_1652, %and3A_1648, %select_n3A_1581 : vector<16xi1>, vector<16xi32>
        %select_n3A_1656 = arith.select %gt3A_1651, %select_n3A_1583, %select_n3A_1655 : vector<16xi1>, vector<16xi32>
        %select_n3A_1657 = arith.select %gt3A_1651, %gather3A_1650, %select_n3A_1582 : vector<16xi1>, vector<16xf32>
        %select_n3A_1658 = arith.select %gt3A_1651, %and3A_1648, %select_n3A_1583 : vector<16xi1>, vector<16xi32>
        %exp3A_1659 = math.exp %gather3A_1650 : vector<16xf32>
        %add3A_1660 = arith.addf %add3A_1585, %exp3A_1659 : vector<16xf32>
        %add3A_1661 = arith.constant 96 : i32
        %add3A_1662 = vector.broadcast %add3A_1661 : i32 to vector<16xi32>
        %add3A_1663 = arith.addi %add3A_1606, %add3A_1662 : vector<16xi32>
        %and3A_1664 = arith.constant 127 : i32
        %and3A_1665 = vector.broadcast %and3A_1664 : i32 to vector<16xi32>
        %and3A_1666 = arith.andi %add3A_1663, %and3A_1665 : vector<16xi32>
        %add3A_1667 = arith.addi %mul3A_24, %and3A_1666 : vector<16xi32>
        %gather3A_1668 = tpu.vector_load_idx %arg5[%add3A_1667] : memref<65536xf32, #tpu.memory_space<vmem>>[vector<16xi32>], vector<16xf32>,
        %gt3A_1669 = arith.cmpf ogt, %gather3A_1668, %select_n3A_1600 : vector<16xf32>
        %gt3A_1670 = arith.cmpf ogt, %gather3A_1668, %select_n3A_1597 : vector<16xf32>
        %select_n3A_1671 = arith.select %gt3A_1670, %gather3A_1668, %select_n3A_1597 : vector<16xi1>, vector<16xf32>
        %select_n3A_1672 = arith.select %gt3A_1669, %select_n3A_1600, %select_n3A_1671 : vector<16xi1>, vector<16xf32>
        %select_n3A_1673 = arith.select %gt3A_1670, %and3A_1666, %select_n3A_1599 : vector<16xi1>, vector<16xi32>
        %select_n3A_1674 = arith.select %gt3A_1669, %select_n3A_1601, %select_n3A_1673 : vector<16xi1>, vector<16xi32>
        %select_n3A_1675 = arith.select %gt3A_1669, %gather3A_1668, %select_n3A_1600 : vector<16xi1>, vector<16xf32>
        %select_n3A_1676 = arith.select %gt3A_1669, %and3A_1666, %select_n3A_1601 : vector<16xi1>, vector<16xi32>
        %exp3A_1677 = math.exp %gather3A_1668 : vector<16xf32>
        %add3A_1678 = arith.addf %add3A_1603, %exp3A_1677 : vector<16xf32>
        %scan3A_1679 = arith.constant 22 : i32
        %add3A_1680 = vector.broadcast %scan3A_1679 : i32 to vector<16xi32>
        %add3A_1681 = arith.addi %add3A_1680, %iota3A : vector<16xi32>
        %add3A_1682 = arith.constant 0 : i32
        %add3A_1683 = vector.broadcast %add3A_1682 : i32 to vector<16xi32>
        %add3A_1684 = arith.addi %add3A_1681, %add3A_1683 : vector<16xi32>
        %and3A_1685 = arith.constant 127 : i32
        %and3A_1686 = vector.broadcast %and3A_1685 : i32 to vector<16xi32>
        %and3A_1687 = arith.andi %add3A_1684, %and3A_1686 : vector<16xi32>
        %add3A_1688 = arith.addi %mul3A_24, %and3A_1687 : vector<16xi32>
        %gather3A_1689 = tpu.vector_load_idx %arg5[%add3A_1688] : memref<65536xf32, #tpu.memory_space<vmem>>[vector<16xi32>], vector<16xf32>,
        %gt3A_1690 = arith.cmpf ogt, %gather3A_1689, %select_n3A_1621 : vector<16xf32>
        %gt3A_1691 = arith.cmpf ogt, %gather3A_1689, %select_n3A_1618 : vector<16xf32>
        %select_n3A_1692 = arith.select %gt3A_1691, %gather3A_1689, %select_n3A_1618 : vector<16xi1>, vector<16xf32>
        %select_n3A_1693 = arith.select %gt3A_1690, %select_n3A_1621, %select_n3A_1692 : vector<16xi1>, vector<16xf32>
        %select_n3A_1694 = arith.select %gt3A_1691, %and3A_1687, %select_n3A_1620 : vector<16xi1>, vector<16xi32>
        %select_n3A_1695 = arith.select %gt3A_1690, %select_n3A_1622, %select_n3A_1694 : vector<16xi1>, vector<16xi32>
        %select_n3A_1696 = arith.select %gt3A_1690, %gather3A_1689, %select_n3A_1621 : vector<16xi1>, vector<16xf32>
        %select_n3A_1697 = arith.select %gt3A_1690, %and3A_1687, %select_n3A_1622 : vector<16xi1>, vector<16xi32>
        %exp3A_1698 = math.exp %gather3A_1689 : vector<16xf32>
        %add3A_1699 = arith.addf %add3A_1624, %exp3A_1698 : vector<16xf32>
        %add3A_1700 = arith.constant 32 : i32
        %add3A_1701 = vector.broadcast %add3A_1700 : i32 to vector<16xi32>
        %add3A_1702 = arith.addi %add3A_1681, %add3A_1701 : vector<16xi32>
        %and3A_1703 = arith.constant 127 : i32
        %and3A_1704 = vector.broadcast %and3A_1703 : i32 to vector<16xi32>
        %and3A_1705 = arith.andi %add3A_1702, %and3A_1704 : vector<16xi32>
        %add3A_1706 = arith.addi %mul3A_24, %and3A_1705 : vector<16xi32>
        %gather3A_1707 = tpu.vector_load_idx %arg5[%add3A_1706] : memref<65536xf32, #tpu.memory_space<vmem>>[vector<16xi32>], vector<16xf32>,
        %gt3A_1708 = arith.cmpf ogt, %gather3A_1707, %select_n3A_1639 : vector<16xf32>
        %gt3A_1709 = arith.cmpf ogt, %gather3A_1707, %select_n3A_1636 : vector<16xf32>
        %select_n3A_1710 = arith.select %gt3A_1709, %gather3A_1707, %select_n3A_1636 : vector<16xi1>, vector<16xf32>
        %select_n3A_1711 = arith.select %gt3A_1708, %select_n3A_1639, %select_n3A_1710 : vector<16xi1>, vector<16xf32>
        %select_n3A_1712 = arith.select %gt3A_1709, %and3A_1705, %select_n3A_1638 : vector<16xi1>, vector<16xi32>
        %select_n3A_1713 = arith.select %gt3A_1708, %select_n3A_1640, %select_n3A_1712 : vector<16xi1>, vector<16xi32>
        %select_n3A_1714 = arith.select %gt3A_1708, %gather3A_1707, %select_n3A_1639 : vector<16xi1>, vector<16xf32>
        %select_n3A_1715 = arith.select %gt3A_1708, %and3A_1705, %select_n3A_1640 : vector<16xi1>, vector<16xi32>
        %exp3A_1716 = math.exp %gather3A_1707 : vector<16xf32>
        %add3A_1717 = arith.addf %add3A_1642, %exp3A_1716 : vector<16xf32>
        %add3A_1718 = arith.constant 64 : i32
        %add3A_1719 = vector.broadcast %add3A_1718 : i32 to vector<16xi32>
        %add3A_1720 = arith.addi %add3A_1681, %add3A_1719 : vector<16xi32>
        %and3A_1721 = arith.constant 127 : i32
        %and3A_1722 = vector.broadcast %and3A_1721 : i32 to vector<16xi32>
        %and3A_1723 = arith.andi %add3A_1720, %and3A_1722 : vector<16xi32>
        %add3A_1724 = arith.addi %mul3A_24, %and3A_1723 : vector<16xi32>
        %gather3A_1725 = tpu.vector_load_idx %arg5[%add3A_1724] : memref<65536xf32, #tpu.memory_space<vmem>>[vector<16xi32>], vector<16xf32>,
        %gt3A_1726 = arith.cmpf ogt, %gather3A_1725, %select_n3A_1657 : vector<16xf32>
        %gt3A_1727 = arith.cmpf ogt, %gather3A_1725, %select_n3A_1654 : vector<16xf32>
        %select_n3A_1728 = arith.select %gt3A_1727, %gather3A_1725, %select_n3A_1654 : vector<16xi1>, vector<16xf32>
        %select_n3A_1729 = arith.select %gt3A_1726, %select_n3A_1657, %select_n3A_1728 : vector<16xi1>, vector<16xf32>
        %select_n3A_1730 = arith.select %gt3A_1727, %and3A_1723, %select_n3A_1656 : vector<16xi1>, vector<16xi32>
        %select_n3A_1731 = arith.select %gt3A_1726, %select_n3A_1658, %select_n3A_1730 : vector<16xi1>, vector<16xi32>
        %select_n3A_1732 = arith.select %gt3A_1726, %gather3A_1725, %select_n3A_1657 : vector<16xi1>, vector<16xf32>
        %select_n3A_1733 = arith.select %gt3A_1726, %and3A_1723, %select_n3A_1658 : vector<16xi1>, vector<16xi32>
        %exp3A_1734 = math.exp %gather3A_1725 : vector<16xf32>
        %add3A_1735 = arith.addf %add3A_1660, %exp3A_1734 : vector<16xf32>
        %add3A_1736 = arith.constant 96 : i32
        %add3A_1737 = vector.broadcast %add3A_1736 : i32 to vector<16xi32>
        %add3A_1738 = arith.addi %add3A_1681, %add3A_1737 : vector<16xi32>
        %and3A_1739 = arith.constant 127 : i32
        %and3A_1740 = vector.broadcast %and3A_1739 : i32 to vector<16xi32>
        %and3A_1741 = arith.andi %add3A_1738, %and3A_1740 : vector<16xi32>
        %add3A_1742 = arith.addi %mul3A_24, %and3A_1741 : vector<16xi32>
        %gather3A_1743 = tpu.vector_load_idx %arg5[%add3A_1742] : memref<65536xf32, #tpu.memory_space<vmem>>[vector<16xi32>], vector<16xf32>,
        %gt3A_1744 = arith.cmpf ogt, %gather3A_1743, %select_n3A_1675 : vector<16xf32>
        %gt3A_1745 = arith.cmpf ogt, %gather3A_1743, %select_n3A_1672 : vector<16xf32>
        %select_n3A_1746 = arith.select %gt3A_1745, %gather3A_1743, %select_n3A_1672 : vector<16xi1>, vector<16xf32>
        %select_n3A_1747 = arith.select %gt3A_1744, %select_n3A_1675, %select_n3A_1746 : vector<16xi1>, vector<16xf32>
        %select_n3A_1748 = arith.select %gt3A_1745, %and3A_1741, %select_n3A_1674 : vector<16xi1>, vector<16xi32>
        %select_n3A_1749 = arith.select %gt3A_1744, %select_n3A_1676, %select_n3A_1748 : vector<16xi1>, vector<16xi32>
        %select_n3A_1750 = arith.select %gt3A_1744, %gather3A_1743, %select_n3A_1675 : vector<16xi1>, vector<16xf32>
        %select_n3A_1751 = arith.select %gt3A_1744, %and3A_1741, %select_n3A_1676 : vector<16xi1>, vector<16xi32>
        %exp3A_1752 = math.exp %gather3A_1743 : vector<16xf32>
        %add3A_1753 = arith.addf %add3A_1678, %exp3A_1752 : vector<16xf32>
        %scan3A_1754 = arith.constant 23 : i32
        %add3A_1755 = vector.broadcast %scan3A_1754 : i32 to vector<16xi32>
        %add3A_1756 = arith.addi %add3A_1755, %iota3A : vector<16xi32>
        %add3A_1757 = arith.constant 0 : i32
        %add3A_1758 = vector.broadcast %add3A_1757 : i32 to vector<16xi32>
        %add3A_1759 = arith.addi %add3A_1756, %add3A_1758 : vector<16xi32>
        %and3A_1760 = arith.constant 127 : i32
        %and3A_1761 = vector.broadcast %and3A_1760 : i32 to vector<16xi32>
        %and3A_1762 = arith.andi %add3A_1759, %and3A_1761 : vector<16xi32>
        %add3A_1763 = arith.addi %mul3A_24, %and3A_1762 : vector<16xi32>
        %gather3A_1764 = tpu.vector_load_idx %arg5[%add3A_1763] : memref<65536xf32, #tpu.memory_space<vmem>>[vector<16xi32>], vector<16xf32>,
        %gt3A_1765 = arith.cmpf ogt, %gather3A_1764, %select_n3A_1696 : vector<16xf32>
        %gt3A_1766 = arith.cmpf ogt, %gather3A_1764, %select_n3A_1693 : vector<16xf32>
        %select_n3A_1767 = arith.select %gt3A_1766, %gather3A_1764, %select_n3A_1693 : vector<16xi1>, vector<16xf32>
        %select_n3A_1768 = arith.select %gt3A_1765, %select_n3A_1696, %select_n3A_1767 : vector<16xi1>, vector<16xf32>
        %select_n3A_1769 = arith.select %gt3A_1766, %and3A_1762, %select_n3A_1695 : vector<16xi1>, vector<16xi32>
        %select_n3A_1770 = arith.select %gt3A_1765, %select_n3A_1697, %select_n3A_1769 : vector<16xi1>, vector<16xi32>
        %select_n3A_1771 = arith.select %gt3A_1765, %gather3A_1764, %select_n3A_1696 : vector<16xi1>, vector<16xf32>
        %select_n3A_1772 = arith.select %gt3A_1765, %and3A_1762, %select_n3A_1697 : vector<16xi1>, vector<16xi32>
        %exp3A_1773 = math.exp %gather3A_1764 : vector<16xf32>
        %add3A_1774 = arith.addf %add3A_1699, %exp3A_1773 : vector<16xf32>
        %add3A_1775 = arith.constant 32 : i32
        %add3A_1776 = vector.broadcast %add3A_1775 : i32 to vector<16xi32>
        %add3A_1777 = arith.addi %add3A_1756, %add3A_1776 : vector<16xi32>
        %and3A_1778 = arith.constant 127 : i32
        %and3A_1779 = vector.broadcast %and3A_1778 : i32 to vector<16xi32>
        %and3A_1780 = arith.andi %add3A_1777, %and3A_1779 : vector<16xi32>
        %add3A_1781 = arith.addi %mul3A_24, %and3A_1780 : vector<16xi32>
        %gather3A_1782 = tpu.vector_load_idx %arg5[%add3A_1781] : memref<65536xf32, #tpu.memory_space<vmem>>[vector<16xi32>], vector<16xf32>,
        %gt3A_1783 = arith.cmpf ogt, %gather3A_1782, %select_n3A_1714 : vector<16xf32>
        %gt3A_1784 = arith.cmpf ogt, %gather3A_1782, %select_n3A_1711 : vector<16xf32>
        %select_n3A_1785 = arith.select %gt3A_1784, %gather3A_1782, %select_n3A_1711 : vector<16xi1>, vector<16xf32>
        %select_n3A_1786 = arith.select %gt3A_1783, %select_n3A_1714, %select_n3A_1785 : vector<16xi1>, vector<16xf32>
        %select_n3A_1787 = arith.select %gt3A_1784, %and3A_1780, %select_n3A_1713 : vector<16xi1>, vector<16xi32>
        %select_n3A_1788 = arith.select %gt3A_1783, %select_n3A_1715, %select_n3A_1787 : vector<16xi1>, vector<16xi32>
        %select_n3A_1789 = arith.select %gt3A_1783, %gather3A_1782, %select_n3A_1714 : vector<16xi1>, vector<16xf32>
        %select_n3A_1790 = arith.select %gt3A_1783, %and3A_1780, %select_n3A_1715 : vector<16xi1>, vector<16xi32>
        %exp3A_1791 = math.exp %gather3A_1782 : vector<16xf32>
        %add3A_1792 = arith.addf %add3A_1717, %exp3A_1791 : vector<16xf32>
        %add3A_1793 = arith.constant 64 : i32
        %add3A_1794 = vector.broadcast %add3A_1793 : i32 to vector<16xi32>
        %add3A_1795 = arith.addi %add3A_1756, %add3A_1794 : vector<16xi32>
        %and3A_1796 = arith.constant 127 : i32
        %and3A_1797 = vector.broadcast %and3A_1796 : i32 to vector<16xi32>
        %and3A_1798 = arith.andi %add3A_1795, %and3A_1797 : vector<16xi32>
        %add3A_1799 = arith.addi %mul3A_24, %and3A_1798 : vector<16xi32>
        %gather3A_1800 = tpu.vector_load_idx %arg5[%add3A_1799] : memref<65536xf32, #tpu.memory_space<vmem>>[vector<16xi32>], vector<16xf32>,
        %gt3A_1801 = arith.cmpf ogt, %gather3A_1800, %select_n3A_1732 : vector<16xf32>
        %gt3A_1802 = arith.cmpf ogt, %gather3A_1800, %select_n3A_1729 : vector<16xf32>
        %select_n3A_1803 = arith.select %gt3A_1802, %gather3A_1800, %select_n3A_1729 : vector<16xi1>, vector<16xf32>
        %select_n3A_1804 = arith.select %gt3A_1801, %select_n3A_1732, %select_n3A_1803 : vector<16xi1>, vector<16xf32>
        %select_n3A_1805 = arith.select %gt3A_1802, %and3A_1798, %select_n3A_1731 : vector<16xi1>, vector<16xi32>
        %select_n3A_1806 = arith.select %gt3A_1801, %select_n3A_1733, %select_n3A_1805 : vector<16xi1>, vector<16xi32>
        %select_n3A_1807 = arith.select %gt3A_1801, %gather3A_1800, %select_n3A_1732 : vector<16xi1>, vector<16xf32>
        %select_n3A_1808 = arith.select %gt3A_1801, %and3A_1798, %select_n3A_1733 : vector<16xi1>, vector<16xi32>
        %exp3A_1809 = math.exp %gather3A_1800 : vector<16xf32>
        %add3A_1810 = arith.addf %add3A_1735, %exp3A_1809 : vector<16xf32>
        %add3A_1811 = arith.constant 96 : i32
        %add3A_1812 = vector.broadcast %add3A_1811 : i32 to vector<16xi32>
        %add3A_1813 = arith.addi %add3A_1756, %add3A_1812 : vector<16xi32>
        %and3A_1814 = arith.constant 127 : i32
        %and3A_1815 = vector.broadcast %and3A_1814 : i32 to vector<16xi32>
        %and3A_1816 = arith.andi %add3A_1813, %and3A_1815 : vector<16xi32>
        %add3A_1817 = arith.addi %mul3A_24, %and3A_1816 : vector<16xi32>
        %gather3A_1818 = tpu.vector_load_idx %arg5[%add3A_1817] : memref<65536xf32, #tpu.memory_space<vmem>>[vector<16xi32>], vector<16xf32>,
        %gt3A_1819 = arith.cmpf ogt, %gather3A_1818, %select_n3A_1750 : vector<16xf32>
        %gt3A_1820 = arith.cmpf ogt, %gather3A_1818, %select_n3A_1747 : vector<16xf32>
        %select_n3A_1821 = arith.select %gt3A_1820, %gather3A_1818, %select_n3A_1747 : vector<16xi1>, vector<16xf32>
        %select_n3A_1822 = arith.select %gt3A_1819, %select_n3A_1750, %select_n3A_1821 : vector<16xi1>, vector<16xf32>
        %select_n3A_1823 = arith.select %gt3A_1820, %and3A_1816, %select_n3A_1749 : vector<16xi1>, vector<16xi32>
        %select_n3A_1824 = arith.select %gt3A_1819, %select_n3A_1751, %select_n3A_1823 : vector<16xi1>, vector<16xi32>
        %select_n3A_1825 = arith.select %gt3A_1819, %gather3A_1818, %select_n3A_1750 : vector<16xi1>, vector<16xf32>
        %select_n3A_1826 = arith.select %gt3A_1819, %and3A_1816, %select_n3A_1751 : vector<16xi1>, vector<16xi32>
        %exp3A_1827 = math.exp %gather3A_1818 : vector<16xf32>
        %add3A_1828 = arith.addf %add3A_1753, %exp3A_1827 : vector<16xf32>
        %scan3A_1829 = arith.constant 24 : i32
        %add3A_1830 = vector.broadcast %scan3A_1829 : i32 to vector<16xi32>
        %add3A_1831 = arith.addi %add3A_1830, %iota3A : vector<16xi32>
        %add3A_1832 = arith.constant 0 : i32
        %add3A_1833 = vector.broadcast %add3A_1832 : i32 to vector<16xi32>
        %add3A_1834 = arith.addi %add3A_1831, %add3A_1833 : vector<16xi32>
        %and3A_1835 = arith.constant 127 : i32
        %and3A_1836 = vector.broadcast %and3A_1835 : i32 to vector<16xi32>
        %and3A_1837 = arith.andi %add3A_1834, %and3A_1836 : vector<16xi32>
        %add3A_1838 = arith.addi %mul3A_24, %and3A_1837 : vector<16xi32>
        %gather3A_1839 = tpu.vector_load_idx %arg5[%add3A_1838] : memref<65536xf32, #tpu.memory_space<vmem>>[vector<16xi32>], vector<16xf32>,
        %gt3A_1840 = arith.cmpf ogt, %gather3A_1839, %select_n3A_1771 : vector<16xf32>
        %gt3A_1841 = arith.cmpf ogt, %gather3A_1839, %select_n3A_1768 : vector<16xf32>
        %select_n3A_1842 = arith.select %gt3A_1841, %gather3A_1839, %select_n3A_1768 : vector<16xi1>, vector<16xf32>
        %select_n3A_1843 = arith.select %gt3A_1840, %select_n3A_1771, %select_n3A_1842 : vector<16xi1>, vector<16xf32>
        %select_n3A_1844 = arith.select %gt3A_1841, %and3A_1837, %select_n3A_1770 : vector<16xi1>, vector<16xi32>
        %select_n3A_1845 = arith.select %gt3A_1840, %select_n3A_1772, %select_n3A_1844 : vector<16xi1>, vector<16xi32>
        %select_n3A_1846 = arith.select %gt3A_1840, %gather3A_1839, %select_n3A_1771 : vector<16xi1>, vector<16xf32>
        %select_n3A_1847 = arith.select %gt3A_1840, %and3A_1837, %select_n3A_1772 : vector<16xi1>, vector<16xi32>
        %exp3A_1848 = math.exp %gather3A_1839 : vector<16xf32>
        %add3A_1849 = arith.addf %add3A_1774, %exp3A_1848 : vector<16xf32>
        %add3A_1850 = arith.constant 32 : i32
        %add3A_1851 = vector.broadcast %add3A_1850 : i32 to vector<16xi32>
        %add3A_1852 = arith.addi %add3A_1831, %add3A_1851 : vector<16xi32>
        %and3A_1853 = arith.constant 127 : i32
        %and3A_1854 = vector.broadcast %and3A_1853 : i32 to vector<16xi32>
        %and3A_1855 = arith.andi %add3A_1852, %and3A_1854 : vector<16xi32>
        %add3A_1856 = arith.addi %mul3A_24, %and3A_1855 : vector<16xi32>
        %gather3A_1857 = tpu.vector_load_idx %arg5[%add3A_1856] : memref<65536xf32, #tpu.memory_space<vmem>>[vector<16xi32>], vector<16xf32>,
        %gt3A_1858 = arith.cmpf ogt, %gather3A_1857, %select_n3A_1789 : vector<16xf32>
        %gt3A_1859 = arith.cmpf ogt, %gather3A_1857, %select_n3A_1786 : vector<16xf32>
        %select_n3A_1860 = arith.select %gt3A_1859, %gather3A_1857, %select_n3A_1786 : vector<16xi1>, vector<16xf32>
        %select_n3A_1861 = arith.select %gt3A_1858, %select_n3A_1789, %select_n3A_1860 : vector<16xi1>, vector<16xf32>
        %select_n3A_1862 = arith.select %gt3A_1859, %and3A_1855, %select_n3A_1788 : vector<16xi1>, vector<16xi32>
        %select_n3A_1863 = arith.select %gt3A_1858, %select_n3A_1790, %select_n3A_1862 : vector<16xi1>, vector<16xi32>
        %select_n3A_1864 = arith.select %gt3A_1858, %gather3A_1857, %select_n3A_1789 : vector<16xi1>, vector<16xf32>
        %select_n3A_1865 = arith.select %gt3A_1858, %and3A_1855, %select_n3A_1790 : vector<16xi1>, vector<16xi32>
        %exp3A_1866 = math.exp %gather3A_1857 : vector<16xf32>
        %add3A_1867 = arith.addf %add3A_1792, %exp3A_1866 : vector<16xf32>
        %add3A_1868 = arith.constant 64 : i32
        %add3A_1869 = vector.broadcast %add3A_1868 : i32 to vector<16xi32>
        %add3A_1870 = arith.addi %add3A_1831, %add3A_1869 : vector<16xi32>
        %and3A_1871 = arith.constant 127 : i32
        %and3A_1872 = vector.broadcast %and3A_1871 : i32 to vector<16xi32>
        %and3A_1873 = arith.andi %add3A_1870, %and3A_1872 : vector<16xi32>
        %add3A_1874 = arith.addi %mul3A_24, %and3A_1873 : vector<16xi32>
        %gather3A_1875 = tpu.vector_load_idx %arg5[%add3A_1874] : memref<65536xf32, #tpu.memory_space<vmem>>[vector<16xi32>], vector<16xf32>,
        %gt3A_1876 = arith.cmpf ogt, %gather3A_1875, %select_n3A_1807 : vector<16xf32>
        %gt3A_1877 = arith.cmpf ogt, %gather3A_1875, %select_n3A_1804 : vector<16xf32>
        %select_n3A_1878 = arith.select %gt3A_1877, %gather3A_1875, %select_n3A_1804 : vector<16xi1>, vector<16xf32>
        %select_n3A_1879 = arith.select %gt3A_1876, %select_n3A_1807, %select_n3A_1878 : vector<16xi1>, vector<16xf32>
        %select_n3A_1880 = arith.select %gt3A_1877, %and3A_1873, %select_n3A_1806 : vector<16xi1>, vector<16xi32>
        %select_n3A_1881 = arith.select %gt3A_1876, %select_n3A_1808, %select_n3A_1880 : vector<16xi1>, vector<16xi32>
        %select_n3A_1882 = arith.select %gt3A_1876, %gather3A_1875, %select_n3A_1807 : vector<16xi1>, vector<16xf32>
        %select_n3A_1883 = arith.select %gt3A_1876, %and3A_1873, %select_n3A_1808 : vector<16xi1>, vector<16xi32>
        %exp3A_1884 = math.exp %gather3A_1875 : vector<16xf32>
        %add3A_1885 = arith.addf %add3A_1810, %exp3A_1884 : vector<16xf32>
        %add3A_1886 = arith.constant 96 : i32
        %add3A_1887 = vector.broadcast %add3A_1886 : i32 to vector<16xi32>
        %add3A_1888 = arith.addi %add3A_1831, %add3A_1887 : vector<16xi32>
        %and3A_1889 = arith.constant 127 : i32
        %and3A_1890 = vector.broadcast %and3A_1889 : i32 to vector<16xi32>
        %and3A_1891 = arith.andi %add3A_1888, %and3A_1890 : vector<16xi32>
        %add3A_1892 = arith.addi %mul3A_24, %and3A_1891 : vector<16xi32>
        %gather3A_1893 = tpu.vector_load_idx %arg5[%add3A_1892] : memref<65536xf32, #tpu.memory_space<vmem>>[vector<16xi32>], vector<16xf32>,
        %gt3A_1894 = arith.cmpf ogt, %gather3A_1893, %select_n3A_1825 : vector<16xf32>
        %gt3A_1895 = arith.cmpf ogt, %gather3A_1893, %select_n3A_1822 : vector<16xf32>
        %select_n3A_1896 = arith.select %gt3A_1895, %gather3A_1893, %select_n3A_1822 : vector<16xi1>, vector<16xf32>
        %select_n3A_1897 = arith.select %gt3A_1894, %select_n3A_1825, %select_n3A_1896 : vector<16xi1>, vector<16xf32>
        %select_n3A_1898 = arith.select %gt3A_1895, %and3A_1891, %select_n3A_1824 : vector<16xi1>, vector<16xi32>
        %select_n3A_1899 = arith.select %gt3A_1894, %select_n3A_1826, %select_n3A_1898 : vector<16xi1>, vector<16xi32>
        %select_n3A_1900 = arith.select %gt3A_1894, %gather3A_1893, %select_n3A_1825 : vector<16xi1>, vector<16xf32>
        %select_n3A_1901 = arith.select %gt3A_1894, %and3A_1891, %select_n3A_1826 : vector<16xi1>, vector<16xi32>
        %exp3A_1902 = math.exp %gather3A_1893 : vector<16xf32>
        %add3A_1903 = arith.addf %add3A_1828, %exp3A_1902 : vector<16xf32>
        %scan3A_1904 = arith.constant 25 : i32
        %add3A_1905 = vector.broadcast %scan3A_1904 : i32 to vector<16xi32>
        %add3A_1906 = arith.addi %add3A_1905, %iota3A : vector<16xi32>
        %add3A_1907 = arith.constant 0 : i32
        %add3A_1908 = vector.broadcast %add3A_1907 : i32 to vector<16xi32>
        %add3A_1909 = arith.addi %add3A_1906, %add3A_1908 : vector<16xi32>
        %and3A_1910 = arith.constant 127 : i32
        %and3A_1911 = vector.broadcast %and3A_1910 : i32 to vector<16xi32>
        %and3A_1912 = arith.andi %add3A_1909, %and3A_1911 : vector<16xi32>
        %add3A_1913 = arith.addi %mul3A_24, %and3A_1912 : vector<16xi32>
        %gather3A_1914 = tpu.vector_load_idx %arg5[%add3A_1913] : memref<65536xf32, #tpu.memory_space<vmem>>[vector<16xi32>], vector<16xf32>,
        %gt3A_1915 = arith.cmpf ogt, %gather3A_1914, %select_n3A_1846 : vector<16xf32>
        %gt3A_1916 = arith.cmpf ogt, %gather3A_1914, %select_n3A_1843 : vector<16xf32>
        %select_n3A_1917 = arith.select %gt3A_1916, %gather3A_1914, %select_n3A_1843 : vector<16xi1>, vector<16xf32>
        %select_n3A_1918 = arith.select %gt3A_1915, %select_n3A_1846, %select_n3A_1917 : vector<16xi1>, vector<16xf32>
        %select_n3A_1919 = arith.select %gt3A_1916, %and3A_1912, %select_n3A_1845 : vector<16xi1>, vector<16xi32>
        %select_n3A_1920 = arith.select %gt3A_1915, %select_n3A_1847, %select_n3A_1919 : vector<16xi1>, vector<16xi32>
        %select_n3A_1921 = arith.select %gt3A_1915, %gather3A_1914, %select_n3A_1846 : vector<16xi1>, vector<16xf32>
        %select_n3A_1922 = arith.select %gt3A_1915, %and3A_1912, %select_n3A_1847 : vector<16xi1>, vector<16xi32>
        %exp3A_1923 = math.exp %gather3A_1914 : vector<16xf32>
        %add3A_1924 = arith.addf %add3A_1849, %exp3A_1923 : vector<16xf32>
        %add3A_1925 = arith.constant 32 : i32
        %add3A_1926 = vector.broadcast %add3A_1925 : i32 to vector<16xi32>
        %add3A_1927 = arith.addi %add3A_1906, %add3A_1926 : vector<16xi32>
        %and3A_1928 = arith.constant 127 : i32
        %and3A_1929 = vector.broadcast %and3A_1928 : i32 to vector<16xi32>
        %and3A_1930 = arith.andi %add3A_1927, %and3A_1929 : vector<16xi32>
        %add3A_1931 = arith.addi %mul3A_24, %and3A_1930 : vector<16xi32>
        %gather3A_1932 = tpu.vector_load_idx %arg5[%add3A_1931] : memref<65536xf32, #tpu.memory_space<vmem>>[vector<16xi32>], vector<16xf32>,
        %gt3A_1933 = arith.cmpf ogt, %gather3A_1932, %select_n3A_1864 : vector<16xf32>
        %gt3A_1934 = arith.cmpf ogt, %gather3A_1932, %select_n3A_1861 : vector<16xf32>
        %select_n3A_1935 = arith.select %gt3A_1934, %gather3A_1932, %select_n3A_1861 : vector<16xi1>, vector<16xf32>
        %select_n3A_1936 = arith.select %gt3A_1933, %select_n3A_1864, %select_n3A_1935 : vector<16xi1>, vector<16xf32>
        %select_n3A_1937 = arith.select %gt3A_1934, %and3A_1930, %select_n3A_1863 : vector<16xi1>, vector<16xi32>
        %select_n3A_1938 = arith.select %gt3A_1933, %select_n3A_1865, %select_n3A_1937 : vector<16xi1>, vector<16xi32>
        %select_n3A_1939 = arith.select %gt3A_1933, %gather3A_1932, %select_n3A_1864 : vector<16xi1>, vector<16xf32>
        %select_n3A_1940 = arith.select %gt3A_1933, %and3A_1930, %select_n3A_1865 : vector<16xi1>, vector<16xi32>
        %exp3A_1941 = math.exp %gather3A_1932 : vector<16xf32>
        %add3A_1942 = arith.addf %add3A_1867, %exp3A_1941 : vector<16xf32>
        %add3A_1943 = arith.constant 64 : i32
        %add3A_1944 = vector.broadcast %add3A_1943 : i32 to vector<16xi32>
        %add3A_1945 = arith.addi %add3A_1906, %add3A_1944 : vector<16xi32>
        %and3A_1946 = arith.constant 127 : i32
        %and3A_1947 = vector.broadcast %and3A_1946 : i32 to vector<16xi32>
        %and3A_1948 = arith.andi %add3A_1945, %and3A_1947 : vector<16xi32>
        %add3A_1949 = arith.addi %mul3A_24, %and3A_1948 : vector<16xi32>
        %gather3A_1950 = tpu.vector_load_idx %arg5[%add3A_1949] : memref<65536xf32, #tpu.memory_space<vmem>>[vector<16xi32>], vector<16xf32>,
        %gt3A_1951 = arith.cmpf ogt, %gather3A_1950, %select_n3A_1882 : vector<16xf32>
        %gt3A_1952 = arith.cmpf ogt, %gather3A_1950, %select_n3A_1879 : vector<16xf32>
        %select_n3A_1953 = arith.select %gt3A_1952, %gather3A_1950, %select_n3A_1879 : vector<16xi1>, vector<16xf32>
        %select_n3A_1954 = arith.select %gt3A_1951, %select_n3A_1882, %select_n3A_1953 : vector<16xi1>, vector<16xf32>
        %select_n3A_1955 = arith.select %gt3A_1952, %and3A_1948, %select_n3A_1881 : vector<16xi1>, vector<16xi32>
        %select_n3A_1956 = arith.select %gt3A_1951, %select_n3A_1883, %select_n3A_1955 : vector<16xi1>, vector<16xi32>
        %select_n3A_1957 = arith.select %gt3A_1951, %gather3A_1950, %select_n3A_1882 : vector<16xi1>, vector<16xf32>
        %select_n3A_1958 = arith.select %gt3A_1951, %and3A_1948, %select_n3A_1883 : vector<16xi1>, vector<16xi32>
        %exp3A_1959 = math.exp %gather3A_1950 : vector<16xf32>
        %add3A_1960 = arith.addf %add3A_1885, %exp3A_1959 : vector<16xf32>
        %add3A_1961 = arith.constant 96 : i32
        %add3A_1962 = vector.broadcast %add3A_1961 : i32 to vector<16xi32>
        %add3A_1963 = arith.addi %add3A_1906, %add3A_1962 : vector<16xi32>
        %and3A_1964 = arith.constant 127 : i32
        %and3A_1965 = vector.broadcast %and3A_1964 : i32 to vector<16xi32>
        %and3A_1966 = arith.andi %add3A_1963, %and3A_1965 : vector<16xi32>
        %add3A_1967 = arith.addi %mul3A_24, %and3A_1966 : vector<16xi32>
        %gather3A_1968 = tpu.vector_load_idx %arg5[%add3A_1967] : memref<65536xf32, #tpu.memory_space<vmem>>[vector<16xi32>], vector<16xf32>,
        %gt3A_1969 = arith.cmpf ogt, %gather3A_1968, %select_n3A_1900 : vector<16xf32>
        %gt3A_1970 = arith.cmpf ogt, %gather3A_1968, %select_n3A_1897 : vector<16xf32>
        %select_n3A_1971 = arith.select %gt3A_1970, %gather3A_1968, %select_n3A_1897 : vector<16xi1>, vector<16xf32>
        %select_n3A_1972 = arith.select %gt3A_1969, %select_n3A_1900, %select_n3A_1971 : vector<16xi1>, vector<16xf32>
        %select_n3A_1973 = arith.select %gt3A_1970, %and3A_1966, %select_n3A_1899 : vector<16xi1>, vector<16xi32>
        %select_n3A_1974 = arith.select %gt3A_1969, %select_n3A_1901, %select_n3A_1973 : vector<16xi1>, vector<16xi32>
        %select_n3A_1975 = arith.select %gt3A_1969, %gather3A_1968, %select_n3A_1900 : vector<16xi1>, vector<16xf32>
        %select_n3A_1976 = arith.select %gt3A_1969, %and3A_1966, %select_n3A_1901 : vector<16xi1>, vector<16xi32>
        %exp3A_1977 = math.exp %gather3A_1968 : vector<16xf32>
        %add3A_1978 = arith.addf %add3A_1903, %exp3A_1977 : vector<16xf32>
        %scan3A_1979 = arith.constant 26 : i32
        %add3A_1980 = vector.broadcast %scan3A_1979 : i32 to vector<16xi32>
        %add3A_1981 = arith.addi %add3A_1980, %iota3A : vector<16xi32>
        %add3A_1982 = arith.constant 0 : i32
        %add3A_1983 = vector.broadcast %add3A_1982 : i32 to vector<16xi32>
        %add3A_1984 = arith.addi %add3A_1981, %add3A_1983 : vector<16xi32>
        %and3A_1985 = arith.constant 127 : i32
        %and3A_1986 = vector.broadcast %and3A_1985 : i32 to vector<16xi32>
        %and3A_1987 = arith.andi %add3A_1984, %and3A_1986 : vector<16xi32>
        %add3A_1988 = arith.addi %mul3A_24, %and3A_1987 : vector<16xi32>
        %gather3A_1989 = tpu.vector_load_idx %arg5[%add3A_1988] : memref<65536xf32, #tpu.memory_space<vmem>>[vector<16xi32>], vector<16xf32>,
        %gt3A_1990 = arith.cmpf ogt, %gather3A_1989, %select_n3A_1921 : vector<16xf32>
        %gt3A_1991 = arith.cmpf ogt, %gather3A_1989, %select_n3A_1918 : vector<16xf32>
        %select_n3A_1992 = arith.select %gt3A_1991, %gather3A_1989, %select_n3A_1918 : vector<16xi1>, vector<16xf32>
        %select_n3A_1993 = arith.select %gt3A_1990, %select_n3A_1921, %select_n3A_1992 : vector<16xi1>, vector<16xf32>
        %select_n3A_1994 = arith.select %gt3A_1991, %and3A_1987, %select_n3A_1920 : vector<16xi1>, vector<16xi32>
        %select_n3A_1995 = arith.select %gt3A_1990, %select_n3A_1922, %select_n3A_1994 : vector<16xi1>, vector<16xi32>
        %select_n3A_1996 = arith.select %gt3A_1990, %gather3A_1989, %select_n3A_1921 : vector<16xi1>, vector<16xf32>
        %select_n3A_1997 = arith.select %gt3A_1990, %and3A_1987, %select_n3A_1922 : vector<16xi1>, vector<16xi32>
        %exp3A_1998 = math.exp %gather3A_1989 : vector<16xf32>
        %add3A_1999 = arith.addf %add3A_1924, %exp3A_1998 : vector<16xf32>
        %add3A_2000 = arith.constant 32 : i32
        %add3A_2001 = vector.broadcast %add3A_2000 : i32 to vector<16xi32>
        %add3A_2002 = arith.addi %add3A_1981, %add3A_2001 : vector<16xi32>
        %and3A_2003 = arith.constant 127 : i32
        %and3A_2004 = vector.broadcast %and3A_2003 : i32 to vector<16xi32>
        %and3A_2005 = arith.andi %add3A_2002, %and3A_2004 : vector<16xi32>
        %add3A_2006 = arith.addi %mul3A_24, %and3A_2005 : vector<16xi32>
        %gather3A_2007 = tpu.vector_load_idx %arg5[%add3A_2006] : memref<65536xf32, #tpu.memory_space<vmem>>[vector<16xi32>], vector<16xf32>,
        %gt3A_2008 = arith.cmpf ogt, %gather3A_2007, %select_n3A_1939 : vector<16xf32>
        %gt3A_2009 = arith.cmpf ogt, %gather3A_2007, %select_n3A_1936 : vector<16xf32>
        %select_n3A_2010 = arith.select %gt3A_2009, %gather3A_2007, %select_n3A_1936 : vector<16xi1>, vector<16xf32>
        %select_n3A_2011 = arith.select %gt3A_2008, %select_n3A_1939, %select_n3A_2010 : vector<16xi1>, vector<16xf32>
        %select_n3A_2012 = arith.select %gt3A_2009, %and3A_2005, %select_n3A_1938 : vector<16xi1>, vector<16xi32>
        %select_n3A_2013 = arith.select %gt3A_2008, %select_n3A_1940, %select_n3A_2012 : vector<16xi1>, vector<16xi32>
        %select_n3A_2014 = arith.select %gt3A_2008, %gather3A_2007, %select_n3A_1939 : vector<16xi1>, vector<16xf32>
        %select_n3A_2015 = arith.select %gt3A_2008, %and3A_2005, %select_n3A_1940 : vector<16xi1>, vector<16xi32>
        %exp3A_2016 = math.exp %gather3A_2007 : vector<16xf32>
        %add3A_2017 = arith.addf %add3A_1942, %exp3A_2016 : vector<16xf32>
        %add3A_2018 = arith.constant 64 : i32
        %add3A_2019 = vector.broadcast %add3A_2018 : i32 to vector<16xi32>
        %add3A_2020 = arith.addi %add3A_1981, %add3A_2019 : vector<16xi32>
        %and3A_2021 = arith.constant 127 : i32
        %and3A_2022 = vector.broadcast %and3A_2021 : i32 to vector<16xi32>
        %and3A_2023 = arith.andi %add3A_2020, %and3A_2022 : vector<16xi32>
        %add3A_2024 = arith.addi %mul3A_24, %and3A_2023 : vector<16xi32>
        %gather3A_2025 = tpu.vector_load_idx %arg5[%add3A_2024] : memref<65536xf32, #tpu.memory_space<vmem>>[vector<16xi32>], vector<16xf32>,
        %gt3A_2026 = arith.cmpf ogt, %gather3A_2025, %select_n3A_1957 : vector<16xf32>
        %gt3A_2027 = arith.cmpf ogt, %gather3A_2025, %select_n3A_1954 : vector<16xf32>
        %select_n3A_2028 = arith.select %gt3A_2027, %gather3A_2025, %select_n3A_1954 : vector<16xi1>, vector<16xf32>
        %select_n3A_2029 = arith.select %gt3A_2026, %select_n3A_1957, %select_n3A_2028 : vector<16xi1>, vector<16xf32>
        %select_n3A_2030 = arith.select %gt3A_2027, %and3A_2023, %select_n3A_1956 : vector<16xi1>, vector<16xi32>
        %select_n3A_2031 = arith.select %gt3A_2026, %select_n3A_1958, %select_n3A_2030 : vector<16xi1>, vector<16xi32>
        %select_n3A_2032 = arith.select %gt3A_2026, %gather3A_2025, %select_n3A_1957 : vector<16xi1>, vector<16xf32>
        %select_n3A_2033 = arith.select %gt3A_2026, %and3A_2023, %select_n3A_1958 : vector<16xi1>, vector<16xi32>
        %exp3A_2034 = math.exp %gather3A_2025 : vector<16xf32>
        %add3A_2035 = arith.addf %add3A_1960, %exp3A_2034 : vector<16xf32>
        %add3A_2036 = arith.constant 96 : i32
        %add3A_2037 = vector.broadcast %add3A_2036 : i32 to vector<16xi32>
        %add3A_2038 = arith.addi %add3A_1981, %add3A_2037 : vector<16xi32>
        %and3A_2039 = arith.constant 127 : i32
        %and3A_2040 = vector.broadcast %and3A_2039 : i32 to vector<16xi32>
        %and3A_2041 = arith.andi %add3A_2038, %and3A_2040 : vector<16xi32>
        %add3A_2042 = arith.addi %mul3A_24, %and3A_2041 : vector<16xi32>
        %gather3A_2043 = tpu.vector_load_idx %arg5[%add3A_2042] : memref<65536xf32, #tpu.memory_space<vmem>>[vector<16xi32>], vector<16xf32>,
        %gt3A_2044 = arith.cmpf ogt, %gather3A_2043, %select_n3A_1975 : vector<16xf32>
        %gt3A_2045 = arith.cmpf ogt, %gather3A_2043, %select_n3A_1972 : vector<16xf32>
        %select_n3A_2046 = arith.select %gt3A_2045, %gather3A_2043, %select_n3A_1972 : vector<16xi1>, vector<16xf32>
        %select_n3A_2047 = arith.select %gt3A_2044, %select_n3A_1975, %select_n3A_2046 : vector<16xi1>, vector<16xf32>
        %select_n3A_2048 = arith.select %gt3A_2045, %and3A_2041, %select_n3A_1974 : vector<16xi1>, vector<16xi32>
        %select_n3A_2049 = arith.select %gt3A_2044, %select_n3A_1976, %select_n3A_2048 : vector<16xi1>, vector<16xi32>
        %select_n3A_2050 = arith.select %gt3A_2044, %gather3A_2043, %select_n3A_1975 : vector<16xi1>, vector<16xf32>
        %select_n3A_2051 = arith.select %gt3A_2044, %and3A_2041, %select_n3A_1976 : vector<16xi1>, vector<16xi32>
        %exp3A_2052 = math.exp %gather3A_2043 : vector<16xf32>
        %add3A_2053 = arith.addf %add3A_1978, %exp3A_2052 : vector<16xf32>
        %scan3A_2054 = arith.constant 27 : i32
        %add3A_2055 = vector.broadcast %scan3A_2054 : i32 to vector<16xi32>
        %add3A_2056 = arith.addi %add3A_2055, %iota3A : vector<16xi32>
        %add3A_2057 = arith.constant 0 : i32
        %add3A_2058 = vector.broadcast %add3A_2057 : i32 to vector<16xi32>
        %add3A_2059 = arith.addi %add3A_2056, %add3A_2058 : vector<16xi32>
        %and3A_2060 = arith.constant 127 : i32
        %and3A_2061 = vector.broadcast %and3A_2060 : i32 to vector<16xi32>
        %and3A_2062 = arith.andi %add3A_2059, %and3A_2061 : vector<16xi32>
        %add3A_2063 = arith.addi %mul3A_24, %and3A_2062 : vector<16xi32>
        %gather3A_2064 = tpu.vector_load_idx %arg5[%add3A_2063] : memref<65536xf32, #tpu.memory_space<vmem>>[vector<16xi32>], vector<16xf32>,
        %gt3A_2065 = arith.cmpf ogt, %gather3A_2064, %select_n3A_1996 : vector<16xf32>
        %gt3A_2066 = arith.cmpf ogt, %gather3A_2064, %select_n3A_1993 : vector<16xf32>
        %select_n3A_2067 = arith.select %gt3A_2066, %gather3A_2064, %select_n3A_1993 : vector<16xi1>, vector<16xf32>
        %select_n3A_2068 = arith.select %gt3A_2065, %select_n3A_1996, %select_n3A_2067 : vector<16xi1>, vector<16xf32>
        %select_n3A_2069 = arith.select %gt3A_2066, %and3A_2062, %select_n3A_1995 : vector<16xi1>, vector<16xi32>
        %select_n3A_2070 = arith.select %gt3A_2065, %select_n3A_1997, %select_n3A_2069 : vector<16xi1>, vector<16xi32>
        %select_n3A_2071 = arith.select %gt3A_2065, %gather3A_2064, %select_n3A_1996 : vector<16xi1>, vector<16xf32>
        %select_n3A_2072 = arith.select %gt3A_2065, %and3A_2062, %select_n3A_1997 : vector<16xi1>, vector<16xi32>
        %exp3A_2073 = math.exp %gather3A_2064 : vector<16xf32>
        %add3A_2074 = arith.addf %add3A_1999, %exp3A_2073 : vector<16xf32>
        %add3A_2075 = arith.constant 32 : i32
        %add3A_2076 = vector.broadcast %add3A_2075 : i32 to vector<16xi32>
        %add3A_2077 = arith.addi %add3A_2056, %add3A_2076 : vector<16xi32>
        %and3A_2078 = arith.constant 127 : i32
        %and3A_2079 = vector.broadcast %and3A_2078 : i32 to vector<16xi32>
        %and3A_2080 = arith.andi %add3A_2077, %and3A_2079 : vector<16xi32>
        %add3A_2081 = arith.addi %mul3A_24, %and3A_2080 : vector<16xi32>
        %gather3A_2082 = tpu.vector_load_idx %arg5[%add3A_2081] : memref<65536xf32, #tpu.memory_space<vmem>>[vector<16xi32>], vector<16xf32>,
        %gt3A_2083 = arith.cmpf ogt, %gather3A_2082, %select_n3A_2014 : vector<16xf32>
        %gt3A_2084 = arith.cmpf ogt, %gather3A_2082, %select_n3A_2011 : vector<16xf32>
        %select_n3A_2085 = arith.select %gt3A_2084, %gather3A_2082, %select_n3A_2011 : vector<16xi1>, vector<16xf32>
        %select_n3A_2086 = arith.select %gt3A_2083, %select_n3A_2014, %select_n3A_2085 : vector<16xi1>, vector<16xf32>
        %select_n3A_2087 = arith.select %gt3A_2084, %and3A_2080, %select_n3A_2013 : vector<16xi1>, vector<16xi32>
        %select_n3A_2088 = arith.select %gt3A_2083, %select_n3A_2015, %select_n3A_2087 : vector<16xi1>, vector<16xi32>
        %select_n3A_2089 = arith.select %gt3A_2083, %gather3A_2082, %select_n3A_2014 : vector<16xi1>, vector<16xf32>
        %select_n3A_2090 = arith.select %gt3A_2083, %and3A_2080, %select_n3A_2015 : vector<16xi1>, vector<16xi32>
        %exp3A_2091 = math.exp %gather3A_2082 : vector<16xf32>
        %add3A_2092 = arith.addf %add3A_2017, %exp3A_2091 : vector<16xf32>
        %add3A_2093 = arith.constant 64 : i32
        %add3A_2094 = vector.broadcast %add3A_2093 : i32 to vector<16xi32>
        %add3A_2095 = arith.addi %add3A_2056, %add3A_2094 : vector<16xi32>
        %and3A_2096 = arith.constant 127 : i32
        %and3A_2097 = vector.broadcast %and3A_2096 : i32 to vector<16xi32>
        %and3A_2098 = arith.andi %add3A_2095, %and3A_2097 : vector<16xi32>
        %add3A_2099 = arith.addi %mul3A_24, %and3A_2098 : vector<16xi32>
        %gather3A_2100 = tpu.vector_load_idx %arg5[%add3A_2099] : memref<65536xf32, #tpu.memory_space<vmem>>[vector<16xi32>], vector<16xf32>,
        %gt3A_2101 = arith.cmpf ogt, %gather3A_2100, %select_n3A_2032 : vector<16xf32>
        %gt3A_2102 = arith.cmpf ogt, %gather3A_2100, %select_n3A_2029 : vector<16xf32>
        %select_n3A_2103 = arith.select %gt3A_2102, %gather3A_2100, %select_n3A_2029 : vector<16xi1>, vector<16xf32>
        %select_n3A_2104 = arith.select %gt3A_2101, %select_n3A_2032, %select_n3A_2103 : vector<16xi1>, vector<16xf32>
        %select_n3A_2105 = arith.select %gt3A_2102, %and3A_2098, %select_n3A_2031 : vector<16xi1>, vector<16xi32>
        %select_n3A_2106 = arith.select %gt3A_2101, %select_n3A_2033, %select_n3A_2105 : vector<16xi1>, vector<16xi32>
        %select_n3A_2107 = arith.select %gt3A_2101, %gather3A_2100, %select_n3A_2032 : vector<16xi1>, vector<16xf32>
        %select_n3A_2108 = arith.select %gt3A_2101, %and3A_2098, %select_n3A_2033 : vector<16xi1>, vector<16xi32>
        %exp3A_2109 = math.exp %gather3A_2100 : vector<16xf32>
        %add3A_2110 = arith.addf %add3A_2035, %exp3A_2109 : vector<16xf32>
        %add3A_2111 = arith.constant 96 : i32
        %add3A_2112 = vector.broadcast %add3A_2111 : i32 to vector<16xi32>
        %add3A_2113 = arith.addi %add3A_2056, %add3A_2112 : vector<16xi32>
        %and3A_2114 = arith.constant 127 : i32
        %and3A_2115 = vector.broadcast %and3A_2114 : i32 to vector<16xi32>
        %and3A_2116 = arith.andi %add3A_2113, %and3A_2115 : vector<16xi32>
        %add3A_2117 = arith.addi %mul3A_24, %and3A_2116 : vector<16xi32>
        %gather3A_2118 = tpu.vector_load_idx %arg5[%add3A_2117] : memref<65536xf32, #tpu.memory_space<vmem>>[vector<16xi32>], vector<16xf32>,
        %gt3A_2119 = arith.cmpf ogt, %gather3A_2118, %select_n3A_2050 : vector<16xf32>
        %gt3A_2120 = arith.cmpf ogt, %gather3A_2118, %select_n3A_2047 : vector<16xf32>
        %select_n3A_2121 = arith.select %gt3A_2120, %gather3A_2118, %select_n3A_2047 : vector<16xi1>, vector<16xf32>
        %select_n3A_2122 = arith.select %gt3A_2119, %select_n3A_2050, %select_n3A_2121 : vector<16xi1>, vector<16xf32>
        %select_n3A_2123 = arith.select %gt3A_2120, %and3A_2116, %select_n3A_2049 : vector<16xi1>, vector<16xi32>
        %select_n3A_2124 = arith.select %gt3A_2119, %select_n3A_2051, %select_n3A_2123 : vector<16xi1>, vector<16xi32>
        %select_n3A_2125 = arith.select %gt3A_2119, %gather3A_2118, %select_n3A_2050 : vector<16xi1>, vector<16xf32>
        %select_n3A_2126 = arith.select %gt3A_2119, %and3A_2116, %select_n3A_2051 : vector<16xi1>, vector<16xi32>
        %exp3A_2127 = math.exp %gather3A_2118 : vector<16xf32>
        %add3A_2128 = arith.addf %add3A_2053, %exp3A_2127 : vector<16xf32>
        %scan3A_2129 = arith.constant 28 : i32
        %add3A_2130 = vector.broadcast %scan3A_2129 : i32 to vector<16xi32>
        %add3A_2131 = arith.addi %add3A_2130, %iota3A : vector<16xi32>
        %add3A_2132 = arith.constant 0 : i32
        %add3A_2133 = vector.broadcast %add3A_2132 : i32 to vector<16xi32>
        %add3A_2134 = arith.addi %add3A_2131, %add3A_2133 : vector<16xi32>
        %and3A_2135 = arith.constant 127 : i32
        %and3A_2136 = vector.broadcast %and3A_2135 : i32 to vector<16xi32>
        %and3A_2137 = arith.andi %add3A_2134, %and3A_2136 : vector<16xi32>
        %add3A_2138 = arith.addi %mul3A_24, %and3A_2137 : vector<16xi32>
        %gather3A_2139 = tpu.vector_load_idx %arg5[%add3A_2138] : memref<65536xf32, #tpu.memory_space<vmem>>[vector<16xi32>], vector<16xf32>,
        %gt3A_2140 = arith.cmpf ogt, %gather3A_2139, %select_n3A_2071 : vector<16xf32>
        %gt3A_2141 = arith.cmpf ogt, %gather3A_2139, %select_n3A_2068 : vector<16xf32>
        %select_n3A_2142 = arith.select %gt3A_2141, %gather3A_2139, %select_n3A_2068 : vector<16xi1>, vector<16xf32>
        %select_n3A_2143 = arith.select %gt3A_2140, %select_n3A_2071, %select_n3A_2142 : vector<16xi1>, vector<16xf32>
        %select_n3A_2144 = arith.select %gt3A_2141, %and3A_2137, %select_n3A_2070 : vector<16xi1>, vector<16xi32>
        %select_n3A_2145 = arith.select %gt3A_2140, %select_n3A_2072, %select_n3A_2144 : vector<16xi1>, vector<16xi32>
        %select_n3A_2146 = arith.select %gt3A_2140, %gather3A_2139, %select_n3A_2071 : vector<16xi1>, vector<16xf32>
        %select_n3A_2147 = arith.select %gt3A_2140, %and3A_2137, %select_n3A_2072 : vector<16xi1>, vector<16xi32>
        %exp3A_2148 = math.exp %gather3A_2139 : vector<16xf32>
        %add3A_2149 = arith.addf %add3A_2074, %exp3A_2148 : vector<16xf32>
        %add3A_2150 = arith.constant 32 : i32
        %add3A_2151 = vector.broadcast %add3A_2150 : i32 to vector<16xi32>
        %add3A_2152 = arith.addi %add3A_2131, %add3A_2151 : vector<16xi32>
        %and3A_2153 = arith.constant 127 : i32
        %and3A_2154 = vector.broadcast %and3A_2153 : i32 to vector<16xi32>
        %and3A_2155 = arith.andi %add3A_2152, %and3A_2154 : vector<16xi32>
        %add3A_2156 = arith.addi %mul3A_24, %and3A_2155 : vector<16xi32>
        %gather3A_2157 = tpu.vector_load_idx %arg5[%add3A_2156] : memref<65536xf32, #tpu.memory_space<vmem>>[vector<16xi32>], vector<16xf32>,
        %gt3A_2158 = arith.cmpf ogt, %gather3A_2157, %select_n3A_2089 : vector<16xf32>
        %gt3A_2159 = arith.cmpf ogt, %gather3A_2157, %select_n3A_2086 : vector<16xf32>
        %select_n3A_2160 = arith.select %gt3A_2159, %gather3A_2157, %select_n3A_2086 : vector<16xi1>, vector<16xf32>
        %select_n3A_2161 = arith.select %gt3A_2158, %select_n3A_2089, %select_n3A_2160 : vector<16xi1>, vector<16xf32>
        %select_n3A_2162 = arith.select %gt3A_2159, %and3A_2155, %select_n3A_2088 : vector<16xi1>, vector<16xi32>
        %select_n3A_2163 = arith.select %gt3A_2158, %select_n3A_2090, %select_n3A_2162 : vector<16xi1>, vector<16xi32>
        %select_n3A_2164 = arith.select %gt3A_2158, %gather3A_2157, %select_n3A_2089 : vector<16xi1>, vector<16xf32>
        %select_n3A_2165 = arith.select %gt3A_2158, %and3A_2155, %select_n3A_2090 : vector<16xi1>, vector<16xi32>
        %exp3A_2166 = math.exp %gather3A_2157 : vector<16xf32>
        %add3A_2167 = arith.addf %add3A_2092, %exp3A_2166 : vector<16xf32>
        %add3A_2168 = arith.constant 64 : i32
        %add3A_2169 = vector.broadcast %add3A_2168 : i32 to vector<16xi32>
        %add3A_2170 = arith.addi %add3A_2131, %add3A_2169 : vector<16xi32>
        %and3A_2171 = arith.constant 127 : i32
        %and3A_2172 = vector.broadcast %and3A_2171 : i32 to vector<16xi32>
        %and3A_2173 = arith.andi %add3A_2170, %and3A_2172 : vector<16xi32>
        %add3A_2174 = arith.addi %mul3A_24, %and3A_2173 : vector<16xi32>
        %gather3A_2175 = tpu.vector_load_idx %arg5[%add3A_2174] : memref<65536xf32, #tpu.memory_space<vmem>>[vector<16xi32>], vector<16xf32>,
        %gt3A_2176 = arith.cmpf ogt, %gather3A_2175, %select_n3A_2107 : vector<16xf32>
        %gt3A_2177 = arith.cmpf ogt, %gather3A_2175, %select_n3A_2104 : vector<16xf32>
        %select_n3A_2178 = arith.select %gt3A_2177, %gather3A_2175, %select_n3A_2104 : vector<16xi1>, vector<16xf32>
        %select_n3A_2179 = arith.select %gt3A_2176, %select_n3A_2107, %select_n3A_2178 : vector<16xi1>, vector<16xf32>
        %select_n3A_2180 = arith.select %gt3A_2177, %and3A_2173, %select_n3A_2106 : vector<16xi1>, vector<16xi32>
        %select_n3A_2181 = arith.select %gt3A_2176, %select_n3A_2108, %select_n3A_2180 : vector<16xi1>, vector<16xi32>
        %select_n3A_2182 = arith.select %gt3A_2176, %gather3A_2175, %select_n3A_2107 : vector<16xi1>, vector<16xf32>
        %select_n3A_2183 = arith.select %gt3A_2176, %and3A_2173, %select_n3A_2108 : vector<16xi1>, vector<16xi32>
        %exp3A_2184 = math.exp %gather3A_2175 : vector<16xf32>
        %add3A_2185 = arith.addf %add3A_2110, %exp3A_2184 : vector<16xf32>
        %add3A_2186 = arith.constant 96 : i32
        %add3A_2187 = vector.broadcast %add3A_2186 : i32 to vector<16xi32>
        %add3A_2188 = arith.addi %add3A_2131, %add3A_2187 : vector<16xi32>
        %and3A_2189 = arith.constant 127 : i32
        %and3A_2190 = vector.broadcast %and3A_2189 : i32 to vector<16xi32>
        %and3A_2191 = arith.andi %add3A_2188, %and3A_2190 : vector<16xi32>
        %add3A_2192 = arith.addi %mul3A_24, %and3A_2191 : vector<16xi32>
        %gather3A_2193 = tpu.vector_load_idx %arg5[%add3A_2192] : memref<65536xf32, #tpu.memory_space<vmem>>[vector<16xi32>], vector<16xf32>,
        %gt3A_2194 = arith.cmpf ogt, %gather3A_2193, %select_n3A_2125 : vector<16xf32>
        %gt3A_2195 = arith.cmpf ogt, %gather3A_2193, %select_n3A_2122 : vector<16xf32>
        %select_n3A_2196 = arith.select %gt3A_2195, %gather3A_2193, %select_n3A_2122 : vector<16xi1>, vector<16xf32>
        %select_n3A_2197 = arith.select %gt3A_2194, %select_n3A_2125, %select_n3A_2196 : vector<16xi1>, vector<16xf32>
        %select_n3A_2198 = arith.select %gt3A_2195, %and3A_2191, %select_n3A_2124 : vector<16xi1>, vector<16xi32>
        %select_n3A_2199 = arith.select %gt3A_2194, %select_n3A_2126, %select_n3A_2198 : vector<16xi1>, vector<16xi32>
        %select_n3A_2200 = arith.select %gt3A_2194, %gather3A_2193, %select_n3A_2125 : vector<16xi1>, vector<16xf32>
        %select_n3A_2201 = arith.select %gt3A_2194, %and3A_2191, %select_n3A_2126 : vector<16xi1>, vector<16xi32>
        %exp3A_2202 = math.exp %gather3A_2193 : vector<16xf32>
        %add3A_2203 = arith.addf %add3A_2128, %exp3A_2202 : vector<16xf32>
        %scan3A_2204 = arith.constant 29 : i32
        %add3A_2205 = vector.broadcast %scan3A_2204 : i32 to vector<16xi32>
        %add3A_2206 = arith.addi %add3A_2205, %iota3A : vector<16xi32>
        %add3A_2207 = arith.constant 0 : i32
        %add3A_2208 = vector.broadcast %add3A_2207 : i32 to vector<16xi32>
        %add3A_2209 = arith.addi %add3A_2206, %add3A_2208 : vector<16xi32>
        %and3A_2210 = arith.constant 127 : i32
        %and3A_2211 = vector.broadcast %and3A_2210 : i32 to vector<16xi32>
        %and3A_2212 = arith.andi %add3A_2209, %and3A_2211 : vector<16xi32>
        %add3A_2213 = arith.addi %mul3A_24, %and3A_2212 : vector<16xi32>
        %gather3A_2214 = tpu.vector_load_idx %arg5[%add3A_2213] : memref<65536xf32, #tpu.memory_space<vmem>>[vector<16xi32>], vector<16xf32>,
        %gt3A_2215 = arith.cmpf ogt, %gather3A_2214, %select_n3A_2146 : vector<16xf32>
        %gt3A_2216 = arith.cmpf ogt, %gather3A_2214, %select_n3A_2143 : vector<16xf32>
        %select_n3A_2217 = arith.select %gt3A_2216, %gather3A_2214, %select_n3A_2143 : vector<16xi1>, vector<16xf32>
        %select_n3A_2218 = arith.select %gt3A_2215, %select_n3A_2146, %select_n3A_2217 : vector<16xi1>, vector<16xf32>
        %select_n3A_2219 = arith.select %gt3A_2216, %and3A_2212, %select_n3A_2145 : vector<16xi1>, vector<16xi32>
        %select_n3A_2220 = arith.select %gt3A_2215, %select_n3A_2147, %select_n3A_2219 : vector<16xi1>, vector<16xi32>
        %select_n3A_2221 = arith.select %gt3A_2215, %gather3A_2214, %select_n3A_2146 : vector<16xi1>, vector<16xf32>
        %select_n3A_2222 = arith.select %gt3A_2215, %and3A_2212, %select_n3A_2147 : vector<16xi1>, vector<16xi32>
        %exp3A_2223 = math.exp %gather3A_2214 : vector<16xf32>
        %add3A_2224 = arith.addf %add3A_2149, %exp3A_2223 : vector<16xf32>
        %add3A_2225 = arith.constant 32 : i32
        %add3A_2226 = vector.broadcast %add3A_2225 : i32 to vector<16xi32>
        %add3A_2227 = arith.addi %add3A_2206, %add3A_2226 : vector<16xi32>
        %and3A_2228 = arith.constant 127 : i32
        %and3A_2229 = vector.broadcast %and3A_2228 : i32 to vector<16xi32>
        %and3A_2230 = arith.andi %add3A_2227, %and3A_2229 : vector<16xi32>
        %add3A_2231 = arith.addi %mul3A_24, %and3A_2230 : vector<16xi32>
        %gather3A_2232 = tpu.vector_load_idx %arg5[%add3A_2231] : memref<65536xf32, #tpu.memory_space<vmem>>[vector<16xi32>], vector<16xf32>,
        %gt3A_2233 = arith.cmpf ogt, %gather3A_2232, %select_n3A_2164 : vector<16xf32>
        %gt3A_2234 = arith.cmpf ogt, %gather3A_2232, %select_n3A_2161 : vector<16xf32>
        %select_n3A_2235 = arith.select %gt3A_2234, %gather3A_2232, %select_n3A_2161 : vector<16xi1>, vector<16xf32>
        %select_n3A_2236 = arith.select %gt3A_2233, %select_n3A_2164, %select_n3A_2235 : vector<16xi1>, vector<16xf32>
        %select_n3A_2237 = arith.select %gt3A_2234, %and3A_2230, %select_n3A_2163 : vector<16xi1>, vector<16xi32>
        %select_n3A_2238 = arith.select %gt3A_2233, %select_n3A_2165, %select_n3A_2237 : vector<16xi1>, vector<16xi32>
        %select_n3A_2239 = arith.select %gt3A_2233, %gather3A_2232, %select_n3A_2164 : vector<16xi1>, vector<16xf32>
        %select_n3A_2240 = arith.select %gt3A_2233, %and3A_2230, %select_n3A_2165 : vector<16xi1>, vector<16xi32>
        %exp3A_2241 = math.exp %gather3A_2232 : vector<16xf32>
        %add3A_2242 = arith.addf %add3A_2167, %exp3A_2241 : vector<16xf32>
        %add3A_2243 = arith.constant 64 : i32
        %add3A_2244 = vector.broadcast %add3A_2243 : i32 to vector<16xi32>
        %add3A_2245 = arith.addi %add3A_2206, %add3A_2244 : vector<16xi32>
        %and3A_2246 = arith.constant 127 : i32
        %and3A_2247 = vector.broadcast %and3A_2246 : i32 to vector<16xi32>
        %and3A_2248 = arith.andi %add3A_2245, %and3A_2247 : vector<16xi32>
        %add3A_2249 = arith.addi %mul3A_24, %and3A_2248 : vector<16xi32>
        %gather3A_2250 = tpu.vector_load_idx %arg5[%add3A_2249] : memref<65536xf32, #tpu.memory_space<vmem>>[vector<16xi32>], vector<16xf32>,
        %gt3A_2251 = arith.cmpf ogt, %gather3A_2250, %select_n3A_2182 : vector<16xf32>
        %gt3A_2252 = arith.cmpf ogt, %gather3A_2250, %select_n3A_2179 : vector<16xf32>
        %select_n3A_2253 = arith.select %gt3A_2252, %gather3A_2250, %select_n3A_2179 : vector<16xi1>, vector<16xf32>
        %select_n3A_2254 = arith.select %gt3A_2251, %select_n3A_2182, %select_n3A_2253 : vector<16xi1>, vector<16xf32>
        %select_n3A_2255 = arith.select %gt3A_2252, %and3A_2248, %select_n3A_2181 : vector<16xi1>, vector<16xi32>
        %select_n3A_2256 = arith.select %gt3A_2251, %select_n3A_2183, %select_n3A_2255 : vector<16xi1>, vector<16xi32>
        %select_n3A_2257 = arith.select %gt3A_2251, %gather3A_2250, %select_n3A_2182 : vector<16xi1>, vector<16xf32>
        %select_n3A_2258 = arith.select %gt3A_2251, %and3A_2248, %select_n3A_2183 : vector<16xi1>, vector<16xi32>
        %exp3A_2259 = math.exp %gather3A_2250 : vector<16xf32>
        %add3A_2260 = arith.addf %add3A_2185, %exp3A_2259 : vector<16xf32>
        %add3A_2261 = arith.constant 96 : i32
        %add3A_2262 = vector.broadcast %add3A_2261 : i32 to vector<16xi32>
        %add3A_2263 = arith.addi %add3A_2206, %add3A_2262 : vector<16xi32>
        %and3A_2264 = arith.constant 127 : i32
        %and3A_2265 = vector.broadcast %and3A_2264 : i32 to vector<16xi32>
        %and3A_2266 = arith.andi %add3A_2263, %and3A_2265 : vector<16xi32>
        %add3A_2267 = arith.addi %mul3A_24, %and3A_2266 : vector<16xi32>
        %gather3A_2268 = tpu.vector_load_idx %arg5[%add3A_2267] : memref<65536xf32, #tpu.memory_space<vmem>>[vector<16xi32>], vector<16xf32>,
        %gt3A_2269 = arith.cmpf ogt, %gather3A_2268, %select_n3A_2200 : vector<16xf32>
        %gt3A_2270 = arith.cmpf ogt, %gather3A_2268, %select_n3A_2197 : vector<16xf32>
        %select_n3A_2271 = arith.select %gt3A_2270, %gather3A_2268, %select_n3A_2197 : vector<16xi1>, vector<16xf32>
        %select_n3A_2272 = arith.select %gt3A_2269, %select_n3A_2200, %select_n3A_2271 : vector<16xi1>, vector<16xf32>
        %select_n3A_2273 = arith.select %gt3A_2270, %and3A_2266, %select_n3A_2199 : vector<16xi1>, vector<16xi32>
        %select_n3A_2274 = arith.select %gt3A_2269, %select_n3A_2201, %select_n3A_2273 : vector<16xi1>, vector<16xi32>
        %select_n3A_2275 = arith.select %gt3A_2269, %gather3A_2268, %select_n3A_2200 : vector<16xi1>, vector<16xf32>
        %select_n3A_2276 = arith.select %gt3A_2269, %and3A_2266, %select_n3A_2201 : vector<16xi1>, vector<16xi32>
        %exp3A_2277 = math.exp %gather3A_2268 : vector<16xf32>
        %add3A_2278 = arith.addf %add3A_2203, %exp3A_2277 : vector<16xf32>
        %scan3A_2279 = arith.constant 30 : i32
        %add3A_2280 = vector.broadcast %scan3A_2279 : i32 to vector<16xi32>
        %add3A_2281 = arith.addi %add3A_2280, %iota3A : vector<16xi32>
        %add3A_2282 = arith.constant 0 : i32
        %add3A_2283 = vector.broadcast %add3A_2282 : i32 to vector<16xi32>
        %add3A_2284 = arith.addi %add3A_2281, %add3A_2283 : vector<16xi32>
        %and3A_2285 = arith.constant 127 : i32
        %and3A_2286 = vector.broadcast %and3A_2285 : i32 to vector<16xi32>
        %and3A_2287 = arith.andi %add3A_2284, %and3A_2286 : vector<16xi32>
        %add3A_2288 = arith.addi %mul3A_24, %and3A_2287 : vector<16xi32>
        %gather3A_2289 = tpu.vector_load_idx %arg5[%add3A_2288] : memref<65536xf32, #tpu.memory_space<vmem>>[vector<16xi32>], vector<16xf32>,
        %gt3A_2290 = arith.cmpf ogt, %gather3A_2289, %select_n3A_2221 : vector<16xf32>
        %gt3A_2291 = arith.cmpf ogt, %gather3A_2289, %select_n3A_2218 : vector<16xf32>
        %select_n3A_2292 = arith.select %gt3A_2291, %gather3A_2289, %select_n3A_2218 : vector<16xi1>, vector<16xf32>
        %select_n3A_2293 = arith.select %gt3A_2290, %select_n3A_2221, %select_n3A_2292 : vector<16xi1>, vector<16xf32>
        %select_n3A_2294 = arith.select %gt3A_2291, %and3A_2287, %select_n3A_2220 : vector<16xi1>, vector<16xi32>
        %select_n3A_2295 = arith.select %gt3A_2290, %select_n3A_2222, %select_n3A_2294 : vector<16xi1>, vector<16xi32>
        %select_n3A_2296 = arith.select %gt3A_2290, %gather3A_2289, %select_n3A_2221 : vector<16xi1>, vector<16xf32>
        %select_n3A_2297 = arith.select %gt3A_2290, %and3A_2287, %select_n3A_2222 : vector<16xi1>, vector<16xi32>
        %exp3A_2298 = math.exp %gather3A_2289 : vector<16xf32>
        %add3A_2299 = arith.addf %add3A_2224, %exp3A_2298 : vector<16xf32>
        %add3A_2300 = arith.constant 32 : i32
        %add3A_2301 = vector.broadcast %add3A_2300 : i32 to vector<16xi32>
        %add3A_2302 = arith.addi %add3A_2281, %add3A_2301 : vector<16xi32>
        %and3A_2303 = arith.constant 127 : i32
        %and3A_2304 = vector.broadcast %and3A_2303 : i32 to vector<16xi32>
        %and3A_2305 = arith.andi %add3A_2302, %and3A_2304 : vector<16xi32>
        %add3A_2306 = arith.addi %mul3A_24, %and3A_2305 : vector<16xi32>
        %gather3A_2307 = tpu.vector_load_idx %arg5[%add3A_2306] : memref<65536xf32, #tpu.memory_space<vmem>>[vector<16xi32>], vector<16xf32>,
        %gt3A_2308 = arith.cmpf ogt, %gather3A_2307, %select_n3A_2239 : vector<16xf32>
        %gt3A_2309 = arith.cmpf ogt, %gather3A_2307, %select_n3A_2236 : vector<16xf32>
        %select_n3A_2310 = arith.select %gt3A_2309, %gather3A_2307, %select_n3A_2236 : vector<16xi1>, vector<16xf32>
        %select_n3A_2311 = arith.select %gt3A_2308, %select_n3A_2239, %select_n3A_2310 : vector<16xi1>, vector<16xf32>
        %select_n3A_2312 = arith.select %gt3A_2309, %and3A_2305, %select_n3A_2238 : vector<16xi1>, vector<16xi32>
        %select_n3A_2313 = arith.select %gt3A_2308, %select_n3A_2240, %select_n3A_2312 : vector<16xi1>, vector<16xi32>
        %select_n3A_2314 = arith.select %gt3A_2308, %gather3A_2307, %select_n3A_2239 : vector<16xi1>, vector<16xf32>
        %select_n3A_2315 = arith.select %gt3A_2308, %and3A_2305, %select_n3A_2240 : vector<16xi1>, vector<16xi32>
        %exp3A_2316 = math.exp %gather3A_2307 : vector<16xf32>
        %add3A_2317 = arith.addf %add3A_2242, %exp3A_2316 : vector<16xf32>
        %add3A_2318 = arith.constant 64 : i32
        %add3A_2319 = vector.broadcast %add3A_2318 : i32 to vector<16xi32>
        %add3A_2320 = arith.addi %add3A_2281, %add3A_2319 : vector<16xi32>
        %and3A_2321 = arith.constant 127 : i32
        %and3A_2322 = vector.broadcast %and3A_2321 : i32 to vector<16xi32>
        %and3A_2323 = arith.andi %add3A_2320, %and3A_2322 : vector<16xi32>
        %add3A_2324 = arith.addi %mul3A_24, %and3A_2323 : vector<16xi32>
        %gather3A_2325 = tpu.vector_load_idx %arg5[%add3A_2324] : memref<65536xf32, #tpu.memory_space<vmem>>[vector<16xi32>], vector<16xf32>,
        %gt3A_2326 = arith.cmpf ogt, %gather3A_2325, %select_n3A_2257 : vector<16xf32>
        %gt3A_2327 = arith.cmpf ogt, %gather3A_2325, %select_n3A_2254 : vector<16xf32>
        %select_n3A_2328 = arith.select %gt3A_2327, %gather3A_2325, %select_n3A_2254 : vector<16xi1>, vector<16xf32>
        %select_n3A_2329 = arith.select %gt3A_2326, %select_n3A_2257, %select_n3A_2328 : vector<16xi1>, vector<16xf32>
        %select_n3A_2330 = arith.select %gt3A_2327, %and3A_2323, %select_n3A_2256 : vector<16xi1>, vector<16xi32>
        %select_n3A_2331 = arith.select %gt3A_2326, %select_n3A_2258, %select_n3A_2330 : vector<16xi1>, vector<16xi32>
        %select_n3A_2332 = arith.select %gt3A_2326, %gather3A_2325, %select_n3A_2257 : vector<16xi1>, vector<16xf32>
        %select_n3A_2333 = arith.select %gt3A_2326, %and3A_2323, %select_n3A_2258 : vector<16xi1>, vector<16xi32>
        %exp3A_2334 = math.exp %gather3A_2325 : vector<16xf32>
        %add3A_2335 = arith.addf %add3A_2260, %exp3A_2334 : vector<16xf32>
        %add3A_2336 = arith.constant 96 : i32
        %add3A_2337 = vector.broadcast %add3A_2336 : i32 to vector<16xi32>
        %add3A_2338 = arith.addi %add3A_2281, %add3A_2337 : vector<16xi32>
        %and3A_2339 = arith.constant 127 : i32
        %and3A_2340 = vector.broadcast %and3A_2339 : i32 to vector<16xi32>
        %and3A_2341 = arith.andi %add3A_2338, %and3A_2340 : vector<16xi32>
        %add3A_2342 = arith.addi %mul3A_24, %and3A_2341 : vector<16xi32>
        %gather3A_2343 = tpu.vector_load_idx %arg5[%add3A_2342] : memref<65536xf32, #tpu.memory_space<vmem>>[vector<16xi32>], vector<16xf32>,
        %gt3A_2344 = arith.cmpf ogt, %gather3A_2343, %select_n3A_2275 : vector<16xf32>
        %gt3A_2345 = arith.cmpf ogt, %gather3A_2343, %select_n3A_2272 : vector<16xf32>
        %select_n3A_2346 = arith.select %gt3A_2345, %gather3A_2343, %select_n3A_2272 : vector<16xi1>, vector<16xf32>
        %select_n3A_2347 = arith.select %gt3A_2344, %select_n3A_2275, %select_n3A_2346 : vector<16xi1>, vector<16xf32>
        %select_n3A_2348 = arith.select %gt3A_2345, %and3A_2341, %select_n3A_2274 : vector<16xi1>, vector<16xi32>
        %select_n3A_2349 = arith.select %gt3A_2344, %select_n3A_2276, %select_n3A_2348 : vector<16xi1>, vector<16xi32>
        %select_n3A_2350 = arith.select %gt3A_2344, %gather3A_2343, %select_n3A_2275 : vector<16xi1>, vector<16xf32>
        %select_n3A_2351 = arith.select %gt3A_2344, %and3A_2341, %select_n3A_2276 : vector<16xi1>, vector<16xi32>
        %exp3A_2352 = math.exp %gather3A_2343 : vector<16xf32>
        %add3A_2353 = arith.addf %add3A_2278, %exp3A_2352 : vector<16xf32>
        %scan3A_2354 = arith.constant 31 : i32
        %add3A_2355 = vector.broadcast %scan3A_2354 : i32 to vector<16xi32>
        %add3A_2356 = arith.addi %add3A_2355, %iota3A : vector<16xi32>
        %add3A_2357 = arith.constant 0 : i32
        %add3A_2358 = vector.broadcast %add3A_2357 : i32 to vector<16xi32>
        %add3A_2359 = arith.addi %add3A_2356, %add3A_2358 : vector<16xi32>
        %and3A_2360 = arith.constant 127 : i32
        %and3A_2361 = vector.broadcast %and3A_2360 : i32 to vector<16xi32>
        %and3A_2362 = arith.andi %add3A_2359, %and3A_2361 : vector<16xi32>
        %add3A_2363 = arith.addi %mul3A_24, %and3A_2362 : vector<16xi32>
        %gather3A_2364 = tpu.vector_load_idx %arg5[%add3A_2363] : memref<65536xf32, #tpu.memory_space<vmem>>[vector<16xi32>], vector<16xf32>,
        %gt3A_2365 = arith.cmpf ogt, %gather3A_2364, %select_n3A_2296 : vector<16xf32>
        %gt3A_2366 = arith.cmpf ogt, %gather3A_2364, %select_n3A_2293 : vector<16xf32>
        %select_n3A_2367 = arith.select %gt3A_2366, %gather3A_2364, %select_n3A_2293 : vector<16xi1>, vector<16xf32>
        %select_n3A_2368 = arith.select %gt3A_2365, %select_n3A_2296, %select_n3A_2367 : vector<16xi1>, vector<16xf32>
        %select_n3A_2369 = arith.select %gt3A_2366, %and3A_2362, %select_n3A_2295 : vector<16xi1>, vector<16xi32>
        %select_n3A_2370 = arith.select %gt3A_2365, %select_n3A_2297, %select_n3A_2369 : vector<16xi1>, vector<16xi32>
        %select_n3A_2371 = arith.select %gt3A_2365, %gather3A_2364, %select_n3A_2296 : vector<16xi1>, vector<16xf32>
        %select_n3A_2372 = arith.select %gt3A_2365, %and3A_2362, %select_n3A_2297 : vector<16xi1>, vector<16xi32>
        %exp3A_2373 = math.exp %gather3A_2364 : vector<16xf32>
        %add3A_2374 = arith.addf %add3A_2299, %exp3A_2373 : vector<16xf32>
        %add3A_2375 = arith.constant 32 : i32
        %add3A_2376 = vector.broadcast %add3A_2375 : i32 to vector<16xi32>
        %add3A_2377 = arith.addi %add3A_2356, %add3A_2376 : vector<16xi32>
        %and3A_2378 = arith.constant 127 : i32
        %and3A_2379 = vector.broadcast %and3A_2378 : i32 to vector<16xi32>
        %and3A_2380 = arith.andi %add3A_2377, %and3A_2379 : vector<16xi32>
        %add3A_2381 = arith.addi %mul3A_24, %and3A_2380 : vector<16xi32>
        %gather3A_2382 = tpu.vector_load_idx %arg5[%add3A_2381] : memref<65536xf32, #tpu.memory_space<vmem>>[vector<16xi32>], vector<16xf32>,
        %gt3A_2383 = arith.cmpf ogt, %gather3A_2382, %select_n3A_2314 : vector<16xf32>
        %gt3A_2384 = arith.cmpf ogt, %gather3A_2382, %select_n3A_2311 : vector<16xf32>
        %select_n3A_2385 = arith.select %gt3A_2384, %gather3A_2382, %select_n3A_2311 : vector<16xi1>, vector<16xf32>
        %select_n3A_2386 = arith.select %gt3A_2383, %select_n3A_2314, %select_n3A_2385 : vector<16xi1>, vector<16xf32>
        %select_n3A_2387 = arith.select %gt3A_2384, %and3A_2380, %select_n3A_2313 : vector<16xi1>, vector<16xi32>
        %select_n3A_2388 = arith.select %gt3A_2383, %select_n3A_2315, %select_n3A_2387 : vector<16xi1>, vector<16xi32>
        %select_n3A_2389 = arith.select %gt3A_2383, %gather3A_2382, %select_n3A_2314 : vector<16xi1>, vector<16xf32>
        %select_n3A_2390 = arith.select %gt3A_2383, %and3A_2380, %select_n3A_2315 : vector<16xi1>, vector<16xi32>
        %exp3A_2391 = math.exp %gather3A_2382 : vector<16xf32>
        %add3A_2392 = arith.addf %add3A_2317, %exp3A_2391 : vector<16xf32>
        %add3A_2393 = arith.constant 64 : i32
        %add3A_2394 = vector.broadcast %add3A_2393 : i32 to vector<16xi32>
        %add3A_2395 = arith.addi %add3A_2356, %add3A_2394 : vector<16xi32>
        %and3A_2396 = arith.constant 127 : i32
        %and3A_2397 = vector.broadcast %and3A_2396 : i32 to vector<16xi32>
        %and3A_2398 = arith.andi %add3A_2395, %and3A_2397 : vector<16xi32>
        %add3A_2399 = arith.addi %mul3A_24, %and3A_2398 : vector<16xi32>
        %gather3A_2400 = tpu.vector_load_idx %arg5[%add3A_2399] : memref<65536xf32, #tpu.memory_space<vmem>>[vector<16xi32>], vector<16xf32>,
        %gt3A_2401 = arith.cmpf ogt, %gather3A_2400, %select_n3A_2332 : vector<16xf32>
        %gt3A_2402 = arith.cmpf ogt, %gather3A_2400, %select_n3A_2329 : vector<16xf32>
        %select_n3A_2403 = arith.select %gt3A_2402, %gather3A_2400, %select_n3A_2329 : vector<16xi1>, vector<16xf32>
        %select_n3A_2404 = arith.select %gt3A_2401, %select_n3A_2332, %select_n3A_2403 : vector<16xi1>, vector<16xf32>
        %select_n3A_2405 = arith.select %gt3A_2402, %and3A_2398, %select_n3A_2331 : vector<16xi1>, vector<16xi32>
        %select_n3A_2406 = arith.select %gt3A_2401, %select_n3A_2333, %select_n3A_2405 : vector<16xi1>, vector<16xi32>
        %select_n3A_2407 = arith.select %gt3A_2401, %gather3A_2400, %select_n3A_2332 : vector<16xi1>, vector<16xf32>
        %select_n3A_2408 = arith.select %gt3A_2401, %and3A_2398, %select_n3A_2333 : vector<16xi1>, vector<16xi32>
        %exp3A_2409 = math.exp %gather3A_2400 : vector<16xf32>
        %add3A_2410 = arith.addf %add3A_2335, %exp3A_2409 : vector<16xf32>
        %add3A_2411 = arith.constant 96 : i32
        %add3A_2412 = vector.broadcast %add3A_2411 : i32 to vector<16xi32>
        %add3A_2413 = arith.addi %add3A_2356, %add3A_2412 : vector<16xi32>
        %and3A_2414 = arith.constant 127 : i32
        %and3A_2415 = vector.broadcast %and3A_2414 : i32 to vector<16xi32>
        %and3A_2416 = arith.andi %add3A_2413, %and3A_2415 : vector<16xi32>
        %add3A_2417 = arith.addi %mul3A_24, %and3A_2416 : vector<16xi32>
        %gather3A_2418 = tpu.vector_load_idx %arg5[%add3A_2417] : memref<65536xf32, #tpu.memory_space<vmem>>[vector<16xi32>], vector<16xf32>,
        %gt3A_2419 = arith.cmpf ogt, %gather3A_2418, %select_n3A_2350 : vector<16xf32>
        %gt3A_2420 = arith.cmpf ogt, %gather3A_2418, %select_n3A_2347 : vector<16xf32>
        %select_n3A_2421 = arith.select %gt3A_2420, %gather3A_2418, %select_n3A_2347 : vector<16xi1>, vector<16xf32>
        %select_n3A_2422 = arith.select %gt3A_2419, %select_n3A_2350, %select_n3A_2421 : vector<16xi1>, vector<16xf32>
        %select_n3A_2423 = arith.select %gt3A_2420, %and3A_2416, %select_n3A_2349 : vector<16xi1>, vector<16xi32>
        %select_n3A_2424 = arith.select %gt3A_2419, %select_n3A_2351, %select_n3A_2423 : vector<16xi1>, vector<16xi32>
        %select_n3A_2425 = arith.select %gt3A_2419, %gather3A_2418, %select_n3A_2350 : vector<16xi1>, vector<16xf32>
        %select_n3A_2426 = arith.select %gt3A_2419, %and3A_2416, %select_n3A_2351 : vector<16xi1>, vector<16xi32>
        %exp3A_2427 = math.exp %gather3A_2418 : vector<16xf32>
        %add3A_2428 = arith.addf %add3A_2353, %exp3A_2427 : vector<16xf32>
        %scan3A_2429 = arith.constant 32 : i32
        %ge3A = arith.cmpf oge, %select_n3A_2371, %select_n3A_2389 : vector<16xf32>
        %select_n3A_2430 = arith.select %ge3A, %select_n3A_2371, %select_n3A_2389 : vector<16xi1>, vector<16xf32>
        %select_n3A_2431 = arith.select %ge3A, %select_n3A_2372, %select_n3A_2390 : vector<16xi1>, vector<16xi32>
        %select_n3A_2432 = arith.select %ge3A, %select_n3A_2368, %select_n3A_2371 : vector<16xi1>, vector<16xf32>
        %select_n3A_2433 = arith.select %ge3A, %select_n3A_2370, %select_n3A_2372 : vector<16xi1>, vector<16xi32>
        %select_n3A_2434 = arith.select %ge3A, %select_n3A_2389, %select_n3A_2386 : vector<16xi1>, vector<16xf32>
        %select_n3A_2435 = arith.select %ge3A, %select_n3A_2390, %select_n3A_2388 : vector<16xi1>, vector<16xi32>
        %ge3A_2436 = arith.cmpf oge, %select_n3A_2432, %select_n3A_2434 : vector<16xf32>
        %select_n3A_2437 = arith.select %ge3A_2436, %select_n3A_2432, %select_n3A_2434 : vector<16xi1>, vector<16xf32>
        %select_n3A_2438 = arith.select %ge3A_2436, %select_n3A_2433, %select_n3A_2435 : vector<16xi1>, vector<16xi32>
        %ge3A_2439 = arith.cmpf oge, %select_n3A_2407, %select_n3A_2425 : vector<16xf32>
        %select_n3A_2440 = arith.select %ge3A_2439, %select_n3A_2407, %select_n3A_2425 : vector<16xi1>, vector<16xf32>
        %select_n3A_2441 = arith.select %ge3A_2439, %select_n3A_2408, %select_n3A_2426 : vector<16xi1>, vector<16xi32>
        %select_n3A_2442 = arith.select %ge3A_2439, %select_n3A_2404, %select_n3A_2407 : vector<16xi1>, vector<16xf32>
        %select_n3A_2443 = arith.select %ge3A_2439, %select_n3A_2406, %select_n3A_2408 : vector<16xi1>, vector<16xi32>
        %select_n3A_2444 = arith.select %ge3A_2439, %select_n3A_2425, %select_n3A_2422 : vector<16xi1>, vector<16xf32>
        %select_n3A_2445 = arith.select %ge3A_2439, %select_n3A_2426, %select_n3A_2424 : vector<16xi1>, vector<16xi32>
        %ge3A_2446 = arith.cmpf oge, %select_n3A_2442, %select_n3A_2444 : vector<16xf32>
        %select_n3A_2447 = arith.select %ge3A_2446, %select_n3A_2442, %select_n3A_2444 : vector<16xi1>, vector<16xf32>
        %select_n3A_2448 = arith.select %ge3A_2446, %select_n3A_2443, %select_n3A_2445 : vector<16xi1>, vector<16xi32>
        %ge3A_2449 = arith.cmpf oge, %select_n3A_2430, %select_n3A_2440 : vector<16xf32>
        %select_n3A_2450 = arith.select %ge3A_2449, %select_n3A_2430, %select_n3A_2440 : vector<16xi1>, vector<16xf32>
        %select_n3A_2451 = arith.select %ge3A_2449, %select_n3A_2431, %select_n3A_2441 : vector<16xi1>, vector<16xi32>
        %select_n3A_2452 = arith.select %ge3A_2449, %select_n3A_2437, %select_n3A_2430 : vector<16xi1>, vector<16xf32>
        %select_n3A_2453 = arith.select %ge3A_2449, %select_n3A_2438, %select_n3A_2431 : vector<16xi1>, vector<16xi32>
        %select_n3A_2454 = arith.select %ge3A_2449, %select_n3A_2440, %select_n3A_2447 : vector<16xi1>, vector<16xf32>
        %select_n3A_2455 = arith.select %ge3A_2449, %select_n3A_2441, %select_n3A_2448 : vector<16xi1>, vector<16xi32>
        %ge3A_2456 = arith.cmpf oge, %select_n3A_2452, %select_n3A_2454 : vector<16xf32>
        %select_n3A_2457 = arith.select %ge3A_2456, %select_n3A_2452, %select_n3A_2454 : vector<16xi1>, vector<16xf32>
        %select_n3A_2458 = arith.select %ge3A_2456, %select_n3A_2453, %select_n3A_2455 : vector<16xi1>, vector<16xi32>
        %add3A_2459 = arith.addf %add3A_2374, %add3A_2392 : vector<16xf32>
        %add3A_2460 = arith.addf %add3A_2410, %add3A_2428 : vector<16xf32>
        %add3A_2461 = arith.addf %add3A_2459, %add3A_2460 : vector<16xf32>
        %bitcast_convert_type3A = tpu.bitcast %add3A_2461 : vector<16xf32> -> vector<16xi32>
        %shift_right_logical3A = arith.constant 23 : i32
        %shift_right_logical3A_2462 = vector.broadcast %shift_right_logical3A : i32 to vector<16xi32>
        %shift_right_logical3A_2463 = arith.shrui %bitcast_convert_type3A, %shift_right_logical3A_2462 : vector<16xi32>
        %and3A_2464 = arith.constant 255 : i32
        %and3A_2465 = vector.broadcast %and3A_2464 : i32 to vector<16xi32>
        %and3A_2466 = arith.andi %shift_right_logical3A_2463, %and3A_2465 : vector<16xi32>
        %sub3A = arith.constant 127 : i32
        %sub3A_2467 = vector.broadcast %sub3A : i32 to vector<16xi32>
        %sub3A_2468 = arith.subi %and3A_2466, %sub3A_2467 : vector<16xi32>
        %and3A_2469 = arith.constant 8388607 : i32
        %and3A_2470 = vector.broadcast %and3A_2469 : i32 to vector<16xi32>
        %and3A_2471 = arith.andi %bitcast_convert_type3A, %and3A_2470 : vector<16xi32>
        %or3A = arith.constant 1065353216 : i32
        %or3A_2472 = vector.broadcast %or3A : i32 to vector<16xi32>
        %or3A_2473 = arith.ori %and3A_2471, %or3A_2472 : vector<16xi32>
        %bitcast_convert_type3A_2474 = tpu.bitcast %or3A_2473 : vector<16xi32> -> vector<16xf32>
        %gt3A_2475 = arith.constant 1.41421354 : f32
        %gt3A_2476 = vector.broadcast %gt3A_2475 : f32 to vector<16xf32>
        %gt3A_2477 = arith.cmpf ogt, %bitcast_convert_type3A_2474, %gt3A_2476 : vector<16xf32>
        %mul3A_2478 = arith.constant 5.000000e-01 : f32
        %mul3A_2479 = vector.broadcast %mul3A_2478 : f32 to vector<16xf32>
        %mul3A_2480 = arith.mulf %bitcast_convert_type3A_2474, %mul3A_2479 : vector<16xf32>
        %select_n3A_2481 = arith.select %gt3A_2477, %mul3A_2480, %bitcast_convert_type3A_2474 : vector<16xi1>, vector<16xf32>
        %add3A_2482 = arith.constant 1 : i32
        %add3A_2483 = vector.broadcast %add3A_2482 : i32 to vector<16xi32>
        %add3A_2484 = arith.addi %sub3A_2468, %add3A_2483 : vector<16xi32>
        %select_n3A_2485 = arith.select %gt3A_2477, %add3A_2484, %sub3A_2468 : vector<16xi1>, vector<16xi32>
        %sub3A_2486 = arith.constant 1.000000e+00 : f32
        %sub3A_2487 = vector.broadcast %sub3A_2486 : f32 to vector<16xf32>
        %sub3A_2488 = arith.subf %select_n3A_2481, %sub3A_2487 : vector<16xf32>
        %add3A_2489 = arith.constant 1.000000e+00 : f32
        %add3A_2490 = vector.broadcast %add3A_2489 : f32 to vector<16xf32>
        %add3A_2491 = arith.addf %select_n3A_2481, %add3A_2490 : vector<16xf32>
        %div3A = arith.divf %sub3A_2488, %add3A_2491 : vector<16xf32>
        %mul3A_2492 = arith.mulf %div3A, %div3A : vector<16xf32>
        %mul3A_2493 = arith.constant 2.000000e+00 : f32
        %mul3A_2494 = vector.broadcast %mul3A_2493 : f32 to vector<16xf32>
        %mul3A_2495 = arith.mulf %mul3A_2494, %div3A : vector<16xf32>
        %mul3A_2496 = arith.constant 0.111111112 : f32
        %mul3A_2497 = vector.broadcast %mul3A_2496 : f32 to vector<16xf32>
        %mul3A_2498 = arith.mulf %mul3A_2492, %mul3A_2497 : vector<16xf32>
        %add3A_2499 = arith.constant 0.142857149 : f32
        %add3A_2500 = vector.broadcast %add3A_2499 : f32 to vector<16xf32>
        %add3A_2501 = arith.addf %add3A_2500, %mul3A_2498 : vector<16xf32>
        %mul3A_2502 = arith.mulf %mul3A_2492, %add3A_2501 : vector<16xf32>
        %add3A_2503 = arith.constant 2.000000e-01 : f32
        %add3A_2504 = vector.broadcast %add3A_2503 : f32 to vector<16xf32>
        %add3A_2505 = arith.addf %add3A_2504, %mul3A_2502 : vector<16xf32>
        %mul3A_2506 = arith.mulf %mul3A_2492, %add3A_2505 : vector<16xf32>
        %add3A_2507 = arith.constant 0.333333343 : f32
        %add3A_2508 = vector.broadcast %add3A_2507 : f32 to vector<16xf32>
        %add3A_2509 = arith.addf %add3A_2508, %mul3A_2506 : vector<16xf32>
        %mul3A_2510 = arith.mulf %mul3A_2492, %add3A_2509 : vector<16xf32>
        %add3A_2511 = arith.constant 1.000000e+00 : f32
        %add3A_2512 = vector.broadcast %add3A_2511 : f32 to vector<16xf32>
        %add3A_2513 = arith.addf %add3A_2512, %mul3A_2510 : vector<16xf32>
        %mul3A_2514 = arith.mulf %mul3A_2495, %add3A_2513 : vector<16xf32>
        %convert_element_type3A_2515 = arith.sitofp %select_n3A_2485 : vector<16xi32> to vector<16xf32>
        %mul3A_2516 = arith.constant 0.693147182 : f32
        %mul3A_2517 = vector.broadcast %mul3A_2516 : f32 to vector<16xf32>
        %mul3A_2518 = arith.mulf %convert_element_type3A_2515, %mul3A_2517 : vector<16xf32>
        %add3A_2519 = arith.addf %mul3A_2518, %mul3A_2514 : vector<16xf32>
        %sub3A_2520 = arith.subf %select_n3A_2450, %add3A_2519 : vector<16xf32>
        %mul3A_2521 = arith.constant 16 : i32
        %mul3A_2522 = arith.muli %scan3A_19, %mul3A_2521 : i32
        %swap3A_2523 = arith.index_cast %mul3A_2522 : i32 to index
        %swap3A_2524 = tpu.vector_load %arg6[%swap3A_2523] {strides = array<i32>} : memref<512xf32, #tpu.memory_space<vmem>>, vector<16xf32>,
        tpu.vector_store %arg6[%swap3A_2523], %sub3A_2520 {strides = array<i32>} : memref<512xf32, #tpu.memory_space<vmem>>, vector<16xf32>,
        %sub3A_2525 = arith.subf %select_n3A_2457, %select_n3A_2450 : vector<16xf32>
        %add3A_2526 = arith.addf %sub3A_2525, %sub3A_2520 : vector<16xf32>
        %mul3A_2527 = arith.constant 16 : i32
        %mul3A_2528 = arith.muli %scan3A_19, %mul3A_2527 : i32
        %swap3A_2529 = arith.index_cast %mul3A_2528 : i32 to index
        %swap3A_2530 = tpu.vector_load %arg7[%swap3A_2529] {strides = array<i32>} : memref<512xf32, #tpu.memory_space<vmem>>, vector<16xf32>,
        tpu.vector_store %arg7[%swap3A_2529], %add3A_2526 {strides = array<i32>} : memref<512xf32, #tpu.memory_space<vmem>>, vector<16xf32>,
        %mul3A_2531 = arith.constant 16 : i32
        %mul3A_2532 = arith.muli %scan3A_19, %mul3A_2531 : i32
        %swap3A_2533 = arith.index_cast %mul3A_2532 : i32 to index
        %swap3A_2534 = tpu.vector_load %arg8[%swap3A_2533] {strides = array<i32>} : memref<512xi32, #tpu.memory_space<vmem>>, vector<16xi32>,
        tpu.vector_store %arg8[%swap3A_2533], %select_n3A_2451 {strides = array<i32>} : memref<512xi32, #tpu.memory_space<vmem>>, vector<16xi32>,
        %mul3A_2535 = arith.constant 16 : i32
        %mul3A_2536 = arith.muli %scan3A_19, %mul3A_2535 : i32
        %swap3A_2537 = arith.index_cast %mul3A_2536 : i32 to index
        %swap3A_2538 = tpu.vector_load %arg9[%swap3A_2537] {strides = array<i32>} : memref<512xi32, #tpu.memory_space<vmem>>, vector<16xi32>,
        tpu.vector_store %arg9[%swap3A_2537], %select_n3A_2458 {strides = array<i32>} : memref<512xi32, #tpu.memory_space<vmem>>, vector<16xi32>,
      }
      %scan3A_6 = arith.constant 32 : i32
      %broadcast_in_dim3A = arith.constant -1 : i32
      %broadcast_in_dim3A_7 = vector.broadcast %broadcast_in_dim3A : i32 to vector<16xi32>
      %swap3A = arith.constant 0 : index
      %swap3A_8 = tpu.vector_load %arg10[%swap3A] {strides = array<i32>} : memref<528xi32, #tpu.memory_space<vmem>>, vector<16xi32>,
      tpu.vector_store %arg10[%swap3A], %broadcast_in_dim3A_7 {strides = array<i32>} : memref<528xi32, #tpu.memory_space<vmem>>, vector<16xi32>,
      %broadcast_in_dim3A_9 = arith.constant 0.000000e+00 : f32
      %broadcast_in_dim3A_10 = vector.broadcast %broadcast_in_dim3A_9 : f32 to vector<16xf32>
      %scan3A_11 = arith.constant 0 : i32
      %scan3A_12 = arith.constant 32 : i32
      %scan3A_13 = arith.addi %scan3A_11, %scan3A_12 : i32
      %scan3A_14 = arith.constant 1 : i32
      %scan3A_15 = scf.for %scan3A_19 = %scan3A_11 to %scan3A_13 step %scan3A_14 iter_args(%scan3A_20 = %broadcast_in_dim3A_10) -> (vector<16xf32>)  : i32 {
        %mul3A = arith.constant 16 : i32
        %mul3A_21 = arith.muli %scan3A_19, %mul3A : i32
        %get3A = arith.index_cast %mul3A_21 : i32 to index
        %get3A_22 = tpu.vector_load %arg6[%get3A] {strides = array<i32>} : memref<512xf32, #tpu.memory_space<vmem>>, vector<16xf32>,
        %broadcast_in_dim3A_23 = arith.constant true
        %broadcast_in_dim3A_24 = vector.broadcast %broadcast_in_dim3A_23 : i1 to vector<16xi1>
        %masked_cumsum3A = tpu.scan <sum>, %get3A_22 masked %broadcast_in_dim3A_24 : vector<16xf32>, vector<16xi1> -> vector<16xf32>
        %sub3A = arith.subf %masked_cumsum3A, %get3A_22 : vector<16xf32>
        %add3A = arith.addf %scan3A_20, %sub3A : vector<16xf32>
        %add3A_25 = arith.addf %add3A, %get3A_22 : vector<16xf32>
        %mul3A_26 = arith.constant 16 : i32
        %mul3A_27 = arith.muli %scan3A_19, %mul3A_26 : i32
        %get3A_28 = arith.index_cast %mul3A_27 : i32 to index
        %get3A_29 = tpu.vector_load %arg7[%get3A_28] {strides = array<i32>} : memref<512xf32, #tpu.memory_space<vmem>>, vector<16xf32>,
        %add3A_30 = arith.addf %add3A, %get3A_29 : vector<16xf32>
        %mul3A_31 = arith.constant 16 : i32
        %mul3A_32 = arith.muli %scan3A_19, %mul3A_31 : i32
        %get3A_33 = arith.index_cast %mul3A_32 : i32 to index
        %get3A_34 = tpu.vector_load %arg8[%get3A_33] {strides = array<i32>} : memref<512xi32, #tpu.memory_space<vmem>>, vector<16xi32>,
        %mul3A_35 = arith.constant 16 : i32
        %mul3A_36 = arith.muli %scan3A_19, %mul3A_35 : i32
        %get3A_37 = arith.index_cast %mul3A_36 : i32 to index
        %get3A_38 = tpu.vector_load %arg9[%get3A_37] {strides = array<i32>} : memref<512xi32, #tpu.memory_space<vmem>>, vector<16xi32>,
        %eq3A_39 = arith.cmpf oeq, %add3A_30, %add3A_25 : vector<16xf32>
        %lt3A = arith.cmpi slt, %get3A_38, %get3A_34 : vector<16xi32>
        %and3A = arith.andi %eq3A_39, %lt3A : vector<16xi1>
        %select_n3A = arith.select %and3A, %get3A_38, %get3A_34 : vector<16xi1>, vector<16xi32>
        %mul3A_40 = arith.constant 16 : i32
        %mul3A_41 = arith.muli %scan3A_19, %mul3A_40 : i32
        %add3A_42 = arith.constant 1 : i32
        %add3A_43 = arith.addi %mul3A_41, %add3A_42 : i32
        %add3A_44 = vector.broadcast %add3A_43 : i32 to vector<16xi32>
        %add3A_45 = arith.addi %add3A_44, %iota3A : vector<16xi32>
        tpu.vector_store_idx %arg10[%add3A_45], %select_n3A : memref<528xi32, #tpu.memory_space<vmem>>[vector<16xi32>], vector<16xi32>,
        %mul3A_46 = arith.constant 16 : i32
        %mul3A_47 = arith.muli %scan3A_19, %mul3A_46 : i32
        %add3A_48 = vector.broadcast %mul3A_47 : i32 to vector<16xi32>
        %add3A_49 = arith.addi %add3A_48, %iota3A : vector<16xi32>
        %gather3A = tpu.vector_load_idx %arg10[%add3A_49] : memref<528xi32, #tpu.memory_space<vmem>>[vector<16xi32>], vector<16xi32>,
        %ne3A = arith.cmpi ne, %select_n3A, %gather3A : vector<16xi32>
        %ne3A_50 = arith.constant 127 : i32
        %ne3A_51 = vector.broadcast %ne3A_50 : i32 to vector<16xi32>
        %ne3A_52 = arith.cmpi ne, %select_n3A, %ne3A_51 : vector<16xi32>
        %and3A_53 = arith.andi %ne3A, %ne3A_52 : vector<16xi1>
        %broadcast_in_dim3A_54 = arith.constant -1 : i32
        %broadcast_in_dim3A_55 = vector.broadcast %broadcast_in_dim3A_54 : i32 to vector<16xi32>
        %select_n3A_56 = arith.select %and3A_53, %select_n3A, %broadcast_in_dim3A_55 : vector<16xi1>, vector<16xi32>
        %mul3A_57 = arith.constant 16 : i32
        %mul3A_58 = arith.muli %scan3A_19, %mul3A_57 : i32
        %swap3A_59 = arith.index_cast %mul3A_58 : i32 to index
        %swap3A_60 = tpu.vector_load %arg11[%swap3A_59] {strides = array<i32>} : memref<512xi32, #tpu.memory_space<vmem>>, vector<16xi32>,
        tpu.vector_store %arg11[%swap3A_59], %select_n3A_56 {strides = array<i32>} : memref<512xi32, #tpu.memory_space<vmem>>, vector<16xi32>,
        %reduce_sum3A = arith.constant true
        %reduce_sum3A_61 = vector.broadcast %reduce_sum3A : i1 to vector<16xi1>
        %reduce_sum3A_62 = tpu.scan <sum>, %get3A_22 masked %reduce_sum3A_61 : vector<16xf32>, vector<16xi1> -> vector<16xf32>
        %reduce_sum3A_63 = vector.extract %reduce_sum3A_62[15] : f32 from vector<16xf32>
        %broadcast_in_dim3A_64 = vector.broadcast %reduce_sum3A_63 : f32 to vector<16xf32>
        %add3A_65 = arith.addf %scan3A_20, %broadcast_in_dim3A_64 : vector<16xf32>
        scf.yield %add3A_65 : vector<16xf32>
      }
      %scan3A_16 = arith.constant 32 : i32
      "tpu.region"() ({
        %run_scoped3A = tpu.sem_alloc : memref<!tpu.dma_semaphore, #tpu.memory_space<semaphore_mem>>
        %dma_start3A = arith.constant 0 : i32
        %dma_start3A_19 = tpu.memref_slice %arg3[%arg1, %dma_start3A] : memref<16x512xi32, #tpu.memory_space<hbm>> -> memref<1x512xi32, #tpu.memory_space<hbm>>
        %dma_start3A_20 = tpu.memref_squeeze %dma_start3A_19 : memref<1x512xi32, #tpu.memory_space<hbm>> -> memref<512xi32, #tpu.memory_space<hbm>>
        %dma_start3A_21 = arith.constant 0 : i32
        %dma_start3A_22 = tpu.memref_slice %arg3[%arg1, %dma_start3A_21] : memref<16x512xi32, #tpu.memory_space<hbm>> -> memref<1x512xi32, #tpu.memory_space<hbm>>
        %dma_start3A_23 = tpu.memref_squeeze %dma_start3A_22 : memref<1x512xi32, #tpu.memory_space<hbm>> -> memref<512xi32, #tpu.memory_space<hbm>>
        tpu.enqueue_dma source(%arg11 : memref<512xi32, #tpu.memory_space<vmem>>) target(%dma_start3A_23 : memref<512xi32, #tpu.memory_space<hbm>>) target_semaphore(%run_scoped3A : memref<!tpu.dma_semaphore, #tpu.memory_space<semaphore_mem>>)
        %dma_wait3A = arith.constant 0 : i32
        %dma_wait3A_24 = tpu.memref_slice %arg3[%arg1, %dma_wait3A] : memref<16x512xi32, #tpu.memory_space<hbm>> -> memref<1x512xi32, #tpu.memory_space<hbm>>
        %dma_wait3A_25 = tpu.memref_squeeze %dma_wait3A_24 : memref<1x512xi32, #tpu.memory_space<hbm>> -> memref<512xi32, #tpu.memory_space<hbm>>
        %dma_wait3A_26 = arith.constant 0 : i32
        %dma_wait3A_27 = tpu.memref_slice %arg3[%arg1, %dma_wait3A_26] : memref<16x512xi32, #tpu.memory_space<hbm>> -> memref<1x512xi32, #tpu.memory_space<hbm>>
        %dma_wait3A_28 = tpu.memref_squeeze %dma_wait3A_27 : memref<1x512xi32, #tpu.memory_space<hbm>> -> memref<512xi32, #tpu.memory_space<hbm>>
        tpu.wait_dma2 semaphore(%run_scoped3A : memref<!tpu.dma_semaphore, #tpu.memory_space<semaphore_mem>>) src(%arg11 : memref<512xi32, #tpu.memory_space<vmem>>) dst(%dma_wait3A_28 : memref<512xi32, #tpu.memory_space<hbm>>)
        tpu.yield
      }) : () -> ()
      %exp3A = math.exp %scan3A_15 : vector<16xf32>
      %swap3A_17 = arith.constant 0 : index
      %swap3A_18 = tpu.vector_load %arg13[%swap3A_17] {strides = array<i32>} : memref<16xf32, #tpu.memory_space<vmem>>, vector<16xf32>,
      tpu.vector_store %arg13[%swap3A_17], %exp3A {strides = array<i32>} : memref<16xf32, #tpu.memory_space<vmem>>, vector<16xf32>,
      "tpu.region"() ({
        %run_scoped3A = tpu.sem_alloc : memref<!tpu.dma_semaphore, #tpu.memory_space<semaphore_mem>>
        %dma_start3A = arith.constant 0 : i32
        %dma_start3A_19 = tpu.memref_slice %arg4[%arg1, %dma_start3A] : memref<16x16xf32, #tpu.memory_space<hbm>> -> memref<1x16xf32, #tpu.memory_space<hbm>>
        %dma_start3A_20 = tpu.memref_squeeze %dma_start3A_19 : memref<1x16xf32, #tpu.memory_space<hbm>> -> memref<16xf32, #tpu.memory_space<hbm>>
        %dma_start3A_21 = arith.constant 0 : i32
        %dma_start3A_22 = tpu.memref_slice %arg4[%arg1, %dma_start3A_21] : memref<16x16xf32, #tpu.memory_space<hbm>> -> memref<1x16xf32, #tpu.memory_space<hbm>>
        %dma_start3A_23 = tpu.memref_squeeze %dma_start3A_22 : memref<1x16xf32, #tpu.memory_space<hbm>> -> memref<16xf32, #tpu.memory_space<hbm>>
        tpu.enqueue_dma source(%arg13 : memref<16xf32, #tpu.memory_space<vmem>>) target(%dma_start3A_23 : memref<16xf32, #tpu.memory_space<hbm>>) target_semaphore(%run_scoped3A : memref<!tpu.dma_semaphore, #tpu.memory_space<semaphore_mem>>)
        %dma_wait3A = arith.constant 0 : i32
        %dma_wait3A_24 = tpu.memref_slice %arg4[%arg1, %dma_wait3A] : memref<16x16xf32, #tpu.memory_space<hbm>> -> memref<1x16xf32, #tpu.memory_space<hbm>>
        %dma_wait3A_25 = tpu.memref_squeeze %dma_wait3A_24 : memref<1x16xf32, #tpu.memory_space<hbm>> -> memref<16xf32, #tpu.memory_space<hbm>>
        %dma_wait3A_26 = arith.constant 0 : i32
        %dma_wait3A_27 = tpu.memref_slice %arg4[%arg1, %dma_wait3A_26] : memref<16x16xf32, #tpu.memory_space<hbm>> -> memref<1x16xf32, #tpu.memory_space<hbm>>
        %dma_wait3A_28 = tpu.memref_squeeze %dma_wait3A_27 : memref<1x16xf32, #tpu.memory_space<hbm>> -> memref<16xf32, #tpu.memory_space<hbm>>
        tpu.wait_dma2 semaphore(%run_scoped3A : memref<!tpu.dma_semaphore, #tpu.memory_space<semaphore_mem>>) src(%arg13 : memref<16xf32, #tpu.memory_space<vmem>>) dst(%dma_wait3A_28 : memref<16xf32, #tpu.memory_space<hbm>>)
        tpu.yield
      }) : () -> ()
    } else {
    }
    return
  }
}

</mosaic_0001>

<sc_bundles>
// kernel: kernel.3.cloned.1.call-start
scs
__scs_entry_jumppad:
0x0: {  	(pc) =	sbr.rel $0x88, $3  }
0x1: {  	(tag) =	ssettag $0x0;
	lr =	simm.s32 $0x1  }
0x2: {  	[smem:$0x3FA0] =	sst lr;
	_ =	strace $0xD0000000  }
0x3: {  	_ = 	snop  }
0x4: {  	_ = 	snop  }
0x5: {  	_ = 	snop  }
0x6: {  	_ = 	snop  }
0x7: {  	_ = 	snop  }
__scs_overlays_trampoline_lowered:
0x8: {  	[smem:$0x3FAF] =	sst s0  }
0x9: {  	[smem:$0x3FB0] =	sst s1  }
0xa: {  	[smem:$0x3FB1] =	sst s2  }
0xb: {  	[smem:$0x3FB2] =	sst s3  }
0xc: {  	[smem:$0x3FB3] =	sst s4  }
0xd: {  	[smem:$0x3FB4] =	sst s5  }
0xe: {  	[smem:$0x3FB5] =	sst s6  }
0xf: {  	[smem:$0x3FB6] =	sst s7  }
0x10: {  	[smem:$0x3FB7] =	sst s8  }
0x11: {  	[smem:$0x3FB8] =	sst s9;
	s0 =	simm.s32 @!p0 $0x0  }
0x12: {  	s1 =	sld [smem:$0x3F9E];
	s0 =	simm.s32 @p0 $0x1  }
0x13: {  	[smem:$0x3FB9] =	sst s0;
	s0 =	simm.s32 @!p1 $0x0  }
0x14: {  	s2 =	sld [smem:$0x3F9D];
	s0 =	simm.s32 @p1 $0x1  }
0x15: {  	[smem:$0x3FBA] =	sst s0;
	s0 =	simm.s32 @!p2 $0x0  }
0x16: {  	s3 =	sld [smem:$0x3FDB];
	s0 =	simm.s32 @p2 $0x1  }
0x17: {  	s4 =	simm.s32 $0x1BF5;
	[smem:$0x3FBC] =	sst s0  }
0x18: {  	s0 =	sld [smem:$0x3F9F];
	_ =	swait.ge [sflag:s4], $0x0  }
0x19: {  	s7 =	sld [smem:$0x3FA0]  }
0x1a: {  	s8 =	sadd.s32 $0xFFFFE003, lr  }
0x1b: {  	s9 =	sadd.s32 $0xFFFFFEF7, lr;
	s5 =	simm.s32 $0xFFFFFFFF;
	p2 =	slt.u32 s8, $0xFFFFF086  }
0x1c: {  	p1 =	slt.u32 s9, $0xF7A;
	s5 =	simm.s32 @!p2 $0x0  }
0x1d: {  	s5 =	simm.s32 @p1 $0x1;
	p0 =	seq.s32 s7, s2  }
0x1e: {  	s7 =	smul.u32 @!p0 $0xF7A, s2;
	p2 =	seq.s32 @!p0 s5, $0x0  }
0x1f: {  	s9 =	smul.u32 $0xF7A, s1;
	s8 =	simm.s32 @!p0 $0x1BF5;
	p2 =	por !p2, p0  }
0x20: {  	[sflag:s8] =	ssyncset.s32 @!p0 $0xFFFFF086;
	s6 =	sadd.s32 @!p0 s3, s7;
	s7 =	simm.s32 @!p0 $0x108  }
0x21: {  	s3 =	sadd.s32 s3, s9;
	s6 =	sadd.s32 @!p0 $0x88, s6;
	s7 =	simm.s32 @p2 $0x1082  }
0x22: {  	[simem:s7], [sflag:s8] =	dma.local @!p0 [hbm:s6], $0xF7A  }
0x23: {  	s9 =	sor.u32 $0xD0000000, s2;
	s6 =	simm.s32 $0x108;
	_ =	swait.ge @!p0 [sflag:s8], $0x0  }
0x24: {  	s3 =	sadd.s32 $0x88, s3;
	s6 =	simm.s32 @!p1 $0x1082;
	[sflag:s4] =	ssyncset.s32 $0xFFFFF086  }
0x25: {  	[simem:s6], [sflag:s4] =	dma.local [hbm:s3], $0xF7A  }
0x26: {  	[smem:$0x3FA0] =	sst s1;
	(tag) =	ssettag s2;
	_ =	strace s9  }
0x27: {  	s1 =	sld [smem:$0x3FB0]  }
0x28: {  	s2 =	sld [smem:$0x3FB1]  }
0x29: {  	s4 =	sld [smem:$0x3FB3]  }
0x2a: {  	p0 =	seq.s32 s5, $0x0;
	s5 =	sld [smem:$0x3FB4]  }
0x2b: {  	s6 =	sld [smem:$0x3FB5]  }
0x2c: {  	s7 =	sld [smem:$0x3FB6]  }
0x2d: {  	s3 =	simm.s32 $0x108;
	s8 =	sld [smem:$0x3FB7]  }
0x2e: {  	s3 =	simm.s32 @!p0 $0x1082;
	s9 =	sld [smem:$0x3FB8]  }
0x2f: {  	lr =	sadd.s32 s0, s3;
	s0 =	sld [smem:$0x3FAF]  }
0x30: {  	s3 =	sld [smem:$0x3FB2]  }
0x31: {  	[smem:$0x3FBB] =	sst s10  }
0x32: {  	s10 =	sld [smem:$0x3FB9];
	_ =	sdelay $0x3  }
0x33: {  	p0 =	seq.s32 s10, $0x1;
	s10 =	sld [smem:$0x3FBB];
	_ =	sdelay $0x3  }
0x34: {  	[smem:$0x3FBB] =	sst s10  }
0x35: {  	s10 =	sld [smem:$0x3FBA];
	_ =	sdelay $0x3  }
0x36: {  	p1 =	seq.s32 s10, $0x1;
	s10 =	sld [smem:$0x3FBB];
	_ =	sdelay $0x3  }
0x37: {  	[smem:$0x3FBB] =	sst s10  }
0x38: {  	s10 =	sld [smem:$0x3FBC]  }
0x39: {  	_ = 	snop;
	(pc) =	sbr.ind lr, $3  }
0x3a: {  	_ = 	snop  }
0x3b: {  	_ = 	snop  }
0x3c: {  	p2 =	seq.s32 s10, $0x1;
	s10 =	sld [smem:$0x3FBB]  }
0x3d: {  	_ =	shalt  }
0x3e: {  	_ =	shalt  }
0x3f: {  	_ =	shalt  }
0x40: {  	_ =	shalt  }
0x41: {  	_ =	shalt  }
0x42: {  	_ =	shalt  }
0x43: {  	_ =	shalt  }
0x44: {  	_ =	shalt  }
0x45: {  	_ =	shalt  }
0x46: {  	_ =	shalt  }
0x47: {  	_ =	shalt  }
0x48: {  	_ =	shalt  }
0x49: {  	_ =	shalt  }
0x4a: {  	_ =	shalt  }
0x4b: {  	_ =	shalt  }
0x4c: {  	_ =	shalt  }
0x4d: {  	_ =	shalt  }
0x4e: {  	_ =	shalt  }
0x4f: {  	_ =	shalt  }
0x50: {  	_ =	shalt  }
0x51: {  	_ =	shalt  }
0x52: {  	_ =	shalt  }
0x53: {  	_ =	shalt  }
0x54: {  	_ =	shalt  }
0x55: {  	_ =	shalt  }
0x56: {  	_ =	shalt  }
0x57: {  	_ =	shalt  }
0x58: {  	_ =	shalt  }
0x59: {  	_ =	shalt  }
0x5a: {  	_ =	shalt  }
0x5b: {  	_ =	shalt  }
0x5c: {  	_ =	shalt  }
0x5d: {  	_ =	shalt  }
0x5e: {  	_ =	shalt  }
0x5f: {  	_ =	shalt  }
0x60: {  	_ =	shalt  }
0x61: {  	_ =	shalt  }
0x62: {  	_ =	shalt  }
0x63: {  	_ =	shalt  }
0x64: {  	_ =	shalt  }
0x65: {  	_ =	shalt  }
0x66: {  	_ =	shalt  }
0x67: {  	_ =	shalt  }
0x68: {  	_ =	shalt  }
0x69: {  	_ =	shalt  }
0x6a: {  	_ =	shalt  }
0x6b: {  	_ =	shalt  }
0x6c: {  	_ =	shalt  }
0x6d: {  	_ =	shalt  }
0x6e: {  	_ =	shalt  }
0x6f: {  	_ =	shalt  }
0x70: {  	_ =	shalt  }
0x71: {  	_ =	shalt  }
0x72: {  	_ =	shalt  }
0x73: {  	_ =	shalt  }
0x74: {  	_ =	shalt  }
0x75: {  	_ =	shalt  }
0x76: {  	_ =	shalt  }
0x77: {  	_ =	shalt  }
0x78: {  	_ =	shalt  }
0x79: {  	_ =	shalt  }
0x7a: {  	_ =	shalt  }
0x7b: {  	_ =	shalt  }
0x7c: {  	_ =	shalt  }
0x7d: {  	_ =	shalt  }
0x7e: {  	_ =	shalt  }
0x7f: {  	_ =	shalt  }
0x80: {  	_ =	shalt  }
0x81: {  	_ =	shalt  }
0x82: {  	_ =	shalt  }
0x83: {  	_ =	shalt  }
0x84: {  	_ =	shalt  }
0x85: {  	_ =	shalt  }
0x86: {  	_ =	shalt  }
0x87: {  	_ =	shalt  }
.Lfunc_end0:
.L_simem_size_0:
called_computation_lowered:
.L_overlay_start_0:
0x88: {  	s2 =	sld [smem:$0x3FD9]  }
0x89: {  	s3 =	sld [smem:$0x3FFE];
	_ =	sdelay $0x1  }
0x8a: {  	s1 =	srdreg.scid  }
0x8b: {  	s0 =	sand.u32 $0x1, s1  }
0x8c: {  	s16 =	sshll.u32 s0, $0xA;
	s2 =	sadd.s32 s3, s2  }
0x8d: {  	s2 =	sadd.s32 s2, s16  }
0x8e: {  	[smem:$0x3FC7] =	sst s2  }
0x8f: {  	_ = 	snop  }
0x90: {  	(tm) =	ssettm $0x1  }
0x91: {  	s17 =	sld [smem:$0x3FFB];
	_ =	sdelay $0x3  }
0x92: {  	_ =	strace s17  }
0x93: {  	s2 =	sld [smem:$0x3FFC];
	_ =	sdelay $0x3  }
0x94: {  	_ =	strace s2  }
0x95: {  	s2 =	sld [smem:$0x3FFD];
	_ =	sdelay $0x3  }
0x96: {  	_ =	strace s2  }
0x97: {  	_ =	strace $0x8FFFFFFF  }
0x98: {  	s18 =	sld [smem:$0x3FDB];
	_ =	sdelay $0x1  }
0x99: {  	s19 =	simm.s32 $_scs_section_size  }
0x9a: {  	s4 =	simm.s32 $_size__tile_overlayer_lowered;
	s5 =	simm.s32 $_tile_overlayer_lowered  }
0x9b: {  	s22 =	simm.s32 $0x1BFF;
	s21 =	sshll.u32 s5, $0x1;
	s2 =	sadd.s32 s19, s18  }
0x9c: {  	s6 =	simm.s32 $0x0;
	s20 =	sshll.u32 s4, $0x1;
	s4 =	sadd.s32 s21, s2  }
0x9d: {  	[timem:s6], [sflag:s22] =	dma.local [hbm:s4], s20  }
0x9e: {  	_ =	swait.ge [sflag:s22], s20  }
0x9f: {  	s3 =	ssub.s32 $0x0, s20;
	[sflag:s22] =	ssyncset.done $0x0  }
0xa0: {  	[sflag:s22] =	ssyncadd.s32 s3;
	_ =	sdelay $0x1  }
0xa1: {  	s23 =	simm.s32 $0x1B8B  }
0xa2: {  	_ =	swait.ge [sflag:s23], $0x1  }
0xa3: {  	[sflag:s23] =	ssyncset.done $0x0  }
0xa4: {  	s25 =	simm.s32 $0x1B8E;
	s24 =	sld [smem:$0x3FFE];
	[sflag:s23] =	ssyncadd.s32 $0xFFFFFFFF  }
0xa5: {  	s26 =	simm.s32 $execute0_lowered;
	[smem:$0x3FD2] =	sst s25  }
0xa6: {  	s4 =	sshll.u32 s26, $0x1;
	_ =	strace $0x80000046;
	[dreg:$0x1] =	wrdreg $0xFFFFFFFF  }
0xa7: {  	s28 =	simm.s32 $_size_execute0_lowered;
	s2 =	sadd.s32 s2, s4;
	[dreg:$0x0] =	wrdreg $0x0  }
0xa8: {  	s4 =	sshll.u32 s28, $0x1;
	[dreg:$0x2] =	wrdreg s2  }
0xa9: {  	[dreg:$0x3] =	wrdreg s4  }
0xaa: {  	[dreg:$0x4] =	wrdreg $0xC0  }
0xab: {  	_ =	task [dreg:s6], $0x5FFFF  }
0xac: {  	[dreg:$0x1] =	wrdreg $0xFFFFFFFF  }
0xad: {  	[dreg:$0x0] =	wrdreg $0x60  }
0xae: {  	[dreg:$0x2] =	wrdreg s24  }
0xaf: {  	[dreg:$0x3] =	wrdreg $0x9  }
0xb0: {  	_ =	task.clear_ibuf [dreg:s6], $0x4FFFF;
	_ =	strace $0x90000046  }
0xb1: {  	s29 =	simm.s32 $0x9;
	_ =	strace $0x80000048  }
0xb2: {  	_ =	swait.ge [sflag:s29], $0x1  }
0xb3: {  	[sflag:s29] =	ssyncadd.s32 $0xFFFFFFFF  }
0xb4: {  	_ =	strace $0x90000048  }
0xb5: {  	_ =	sfence  }
0xb6: {  	s30 =	sld [smem:$0x0];
	_ =	sdelay $0x2  }
0xb7: {  	s31 =	sshll.u32 s1, $0xD;
	s1 =	sshrl.u32 s1, $0x2  }
0xb8: {  	s3 =	sand.u32 $0x4000, s31;
	s1 =	sadd.s32 s1, s30  }
0xb9: {  	s0 =	sor.u32 s3, s0;
	s1 =	sshll.u32 s1, $0x11  }
0xba: {  	s0 =	sor.u32 s1, s0  }
0xbb: {  	s0 =	sadd.s32 $0x8F2B, s0  }
0xbc: {  	[sflag:s0] =	ssyncadd.remote.s32 $0x1  }
0xbd: {  	_ =	sfence.sel $0xFFFF  }
0xbe: {  	[dreg:$0x0] =	wrdreg $0xFFFFFFFF;
	(pc) =	sbr.abs _section_cstart, $3  }
0xbf: {  	[dreg:$0x1] =	wrdreg $0xFFFFFFFF  }
0xc0: {  	_ =	task.clear_ibuf [dreg:s6], $0x2FFFF;
	_ =	strace $0x9FFFFFFF  }
0xc1: {  	(tm) =	ssettm $0x7FFFFFFF  }
tec
execute0_lowered:
.L_overlay_start_1:
0x0: {  	(tag) =	ssettag $0x1  }
0x1: {  	s1 =	srdreg.scid  }
0x2: {  	s1 =	sand.u32 $0x1, s1  }
0x3: {  	p0 =	seq.s32 s1, $0x1  }
.Ltmp0:
0x4: {  	_ = 	snop;
	(pc) =	sbr.rel @p0 .LBB2_6-.Ltmp0, $4  }
0x5: {  	_ = 	snop  }
0x6: {  	s3 =	rddreg [dreg:$0x0];
	s2 =	simm.s32 $0x0  }
0x7: {  	[smem:$0x7FF] =	sst s2  }
0x8: {  	s0 =	rddreg [dreg:$0x1];
	_ =	strace $0x80000047;
	s1 =	stileid.u32  }
0x9: {  	v54 =	vlaneseq.u32  }
0xa: {  	v8 =	vor.u32 $0x20, v54  }
0xb: {  	v9 =	vor.u32 $0x40, v54;
	[tilespmem:$0x1FA80] =	vst v8  }
0xc: {  	v10 =	vor.u32 $0x60, v54;
	[tilespmem:$0x1FA90] =	vst v9  }
0xd: {  	v11 =	vadd.s32 $0x1, v54;
	[tilespmem:$0x1FAA0] =	vst v10  }
0xe: {  	v12 =	vadd.s32 $0x21, v54;
	[tilespmem:$0x1FAB0] =	vst v11  }
0xf: {  	v13 =	vadd.s32 $0x41, v54;
	[tilespmem:$0x1FAC0] =	vst v12  }
0x10: {  	v14 =	vadd.s32 $0x61, v54;
	[tilespmem:$0x1FAD0] =	vst v13  }
0x11: {  	v15 =	vadd.s32 $0x2, v54;
	[tilespmem:$0x1FAE0] =	vst v14  }
0x12: {  	v16 =	vadd.s32 $0x22, v54;
	[tilespmem:$0x1FAF0] =	vst v15  }
0x13: {  	v17 =	vadd.s32 $0x42, v54;
	[tilespmem:$0x1FB00] =	vst v16  }
0x14: {  	v18 =	vadd.s32 $0x62, v54;
	[tilespmem:$0x1FB10] =	vst v17  }
0x15: {  	v19 =	vadd.s32 $0x3, v54;
	[tilespmem:$0x1FB20] =	vst v18  }
0x16: {  	v20 =	vadd.s32 $0x23, v54;
	[tilespmem:$0x1FB30] =	vst v19  }
0x17: {  	v21 =	vadd.s32 $0x43, v54;
	[tilespmem:$0x1FB40] =	vst v20  }
0x18: {  	v22 =	vadd.s32 $0x63, v54;
	[tilespmem:$0x1FB50] =	vst v21  }
0x19: {  	v23 =	vadd.s32 $0x4, v54;
	[tilespmem:$0x1FB60] =	vst v22  }
0x1a: {  	v24 =	vadd.s32 $0x24, v54;
	[tilespmem:$0x1FB70] =	vst v23  }
0x1b: {  	v25 =	vadd.s32 $0x44, v54;
	[tilespmem:$0x1FB80] =	vst v24  }
0x1c: {  	v26 =	vadd.s32 $0x64, v54;
	[tilespmem:$0x1FB90] =	vst v25  }
0x1d: {  	v27 =	vadd.s32 $0x5, v54;
	[tilespmem:$0x1FBA0] =	vst v26  }
0x1e: {  	v28 =	vadd.s32 $0x25, v54;
	[tilespmem:$0x1FBB0] =	vst v27  }
0x1f: {  	v29 =	vadd.s32 $0x45, v54;
	[tilespmem:$0x1FBC0] =	vst v28  }
0x20: {  	v30 =	vadd.s32 $0x65, v54;
	[tilespmem:$0x1FBD0] =	vst v29  }
0x21: {  	v31 =	vadd.s32 $0x6, v54;
	[tilespmem:$0x1FBE0] =	vst v30  }
0x22: {  	v32 =	vadd.s32 $0x26, v54;
	[tilespmem:$0x1FBF0] =	vst v31  }
0x23: {  	v33 =	vadd.s32 $0x46, v54;
	[tilespmem:$0x1FC00] =	vst v32  }
0x24: {  	v34 =	vadd.s32 $0x66, v54;
	[tilespmem:$0x1FC10] =	vst v33  }
0x25: {  	v35 =	vadd.s32 $0x7, v54;
	[tilespmem:$0x1FC20] =	vst v34  }
0x26: {  	v36 =	vadd.s32 $0x27, v54;
	[tilespmem:$0x1FC30] =	vst v35  }
0x27: {  	v37 =	vadd.s32 $0x47, v54;
	[tilespmem:$0x1FC40] =	vst v36  }
0x28: {  	v38 =	vadd.s32 $0x67, v54;
	[tilespmem:$0x1FC50] =	vst v37  }
0x29: {  	v39 =	vadd.s32 $0x8, v54;
	[tilespmem:$0x1FC60] =	vst v38  }
0x2a: {  	v3 =	vadd.s32 $0x28, v54;
	[tilespmem:$0x1FC70] =	vst v39  }
0x2b: {  	v41 =	vadd.s32 $0x48, v54;
	[tilespmem:$0x1FC80] =	vst v3  }
0x2c: {  	v42 =	vadd.s32 $0x68, v54;
	[tilespmem:$0x1FC90] =	vst v41  }
0x2d: {  	v2 =	vimm.s32 $0x78777675;
	v46 =	vimm.s32 $0x75747372;
	v43 =	vadd.s32 $0x9, v54;
	[tilespmem:$0x1FCA0] =	vst v42  }
0x2e: {  	v48 =	vimm.s32 $0x79787776;
	v47 =	vunpack.c.0.s8.s32 v46;
	v46 =	vadd.s32 $0x4B, v54;
	[tilespmem:$0x1FCB0] =	vst v43  }
0x2f: {  	v1 =	vmul.u32 $0x80, v54;
	v5 =	vunpack.c.0.s8.s32 v48;
	v48 =	vadd.s32 $0xC, v54;
	[tilespmem:$0x1FEF0] =	vst v46  }
0x30: {  	v2 =	vunpack.c.0.s8.s32 v2;
	[tilespmem:$0x1FF10] =	vst v48  }
0x31: {  	v4 =	vimm.s32 $0x7D7C7B7A;
	[tilespmem:$0x1FA70] =	vst v1  }
0x32: {  	v58 =	vimm.s32 $0x7F7E7D7C;
	v51 =	vunpack.c.0.s8.s32 v4;
	[tilespmem:$0x1FCC0] =	vst v2  }
0x33: {  	v7 =	vunpack.c.0.s8.s32 v58;
	[tilespmem:$0x1FCF0] =	vst v5  }
0x34: {  	[tilespmem:$0x1FD10] =	vst v51  }
0x35: {  	v37 =	vadd.s32 $0x29, v54;
	[tilespmem:$0x1FD80] =	vst v7  }
0x36: {  	v40 =	vimm.s32 $0x74737271;
	v44 =	vimm.s32 $0x7C7B7A79;
	v38 =	vadd.s32 $0x49, v54;
	[tilespmem:$0x1FE60] =	vst v37  }
0x37: {  	v45 =	vimm.s32 $0x7F7E7D;
	v49 =	vimm.s32 $0x76757473;
	v39 =	vadd.s32 $0x69, v54;
	[tilespmem:$0x1FE70] =	vst v38  }
0x38: {  	v50 =	vimm.s32 $0x7A797877;
	v52 =	vimm.s32 $0x1007F7E;
	v41 =	vadd.s32 $0x2A, v54;
	[tilespmem:$0x1FE80] =	vst v39  }
0x39: {  	v55 =	vimm.s32 $0x7E7D7C7B;
	v56 =	vimm.s32 $0x201007F;
	v42 =	vadd.s32 $0x4A, v54;
	[tilespmem:$0x1FEA0] =	vst v41  }
0x3a: {  	v57 =	vimm.s32 $0x3020100;
	v59 =	vimm.s32 $0x77767574;
	v43 =	vadd.s32 $0x6A, v54;
	[tilespmem:$0x1FEB0] =	vst v42  }
0x3b: {  	v60 =	vimm.s32 $0x7B7A7978;
	v10 =	vunpack.c.0.s8.s32 v45;
	v45 =	vadd.s32 $0x2B, v54;
	[tilespmem:$0x1FEC0] =	vst v43  }
0x3c: {  	v6 =	vimm.s32 $0x32107654;
	v3 =	vunpack.c.0.s8.s32 v50;
	v50 =	vadd.s32 $0x4C, v54;
	[tilespmem:$0x1FEE0] =	vst v45  }
0x3d: {  	vm0 =	vcmask $0x1F10;
	v61 =	vimm.s32 $0x4030201;
	s4 =	sshrl.u32 s1, $0x3;
	s5 =	sshll.u32 s1, $0x7;
	s6 =	sadd.s32 $0x800, s3;
	v8 =	vunpack.c.0.s8.s32 v60;
	[tilespmem:$0x1FF30] =	vst v50  }
0x3e: {  	vm1 =	vcmask $0x2F10;
	vm2 =	vcmask $0x3F30;
	s28 =	simm.s32 $0x400;
	v4 =	vunpack.c.0.s8.s32 v59;
	s5 =	sand.u32 $0x380, s5;
	s7 =	sshll.u32 s4, $0x13;
	[tilespmem:$0x1FD20] =	vst v3  }
0x3f: {  	v11 =	vunpack.c.0.s8.s32 v52;
	v13 =	vimm.s32 $0x5040302;
	v14 =	vimm.s32 $0x6050403;
	[tilespmem:$0x1FD50] =	vst v8  }
0x40: {  	v12 =	vunpack.c.0.s8.s32 v56;
	v16 =	vimm.s32 $0x43218765;
	v17 =	vimm.s32 $0xB0A0908;
	[tilespmem:$0x1FDA0] =	vst v10  }
0x41: {  	v6 =	vunpack.c.l.s4.s8 v6;
	v18 =	vimm.s32 $0x76543210;
	v19 =	vimm.s32 $0x54329876;
	[tilespmem:$0x1FDE0] =	vst v11  }
0x42: {  	s8 =	sshll.u32 s4, $0xC;
	s4 =	sshll.u32 s4, $0xA;
	v20 =	vimm.s32 $0xC0B0A09;
	s7 =	sor.u32 s5, s7;
	v1 =	vunpack.c.0.s8.s32 v40;
	v40 =	vadd.s32 $0xA, v54;
	[tilespmem:$0x1FE00] =	vst v12  }
0x43: {  	s26 =	simm.s32 $0x80;
	v23 =	vimm.s32 $0xD0C0B0A;
	v25 =	vimm.s32 $0xE0D0C0B;
	s25 =	sshrl.u32 s7, $0x3;
	v51 =	vadd.s32 $0x6C, v54;
	[tilespmem:$0x1FE90] =	vst v40  }
0x44: {  	v26 =	vimm.s32 $0x87654321;
	s8 =	sor.u32 s5, s8;
	s4 =	sor.u32 s5, s4;
	v9 =	vunpack.c.0.s8.s32 v6;
	v6 =	vunpack.c.l.s4.s8 v18;
	s5 =	sadd.s32 s6, s25;
	[tilespmem:$0x1FF40] =	vst v51  }
0x45: {  	v62 =	vunpack.c.0.s8.s32 v61;
	v28 =	vimm.s32 $0x98765432;
	v1 =	vsel vm0, v2, v1;
	[tilespmem:s2], [sflag:$0x1] =	stream.strided.gather [hbm4b:s5+s26], $0x10000, s28, s26, $0x38;
	[tilespmem:$0x10D00] =	vst v63  }
0x46: {  	v2 =	vunpack.c.0.s8.s32 v49;
	v33 =	vunpack.c.0.s8.s32 v6;
	v49 =	vadd.s32 $0x2C, v54;
	[tilespmem:$0x1FCD0] =	vst v1  }
0x47: {  	v29 =	vimm.s32 $0xA9876543;
	v8 =	vsel vm0, v8, v4;
	v4 =	vunpack.c.l.s4.s8 v16;
	[tilespmem:$0x1FF20] =	vst v49  }
0x48: {  	v30 =	vunpack.c.l.s4.s8 v26;
	v1 =	vunpack.c.0.s8.s32 v44;
	v44 =	vadd.s32 $0xB, v54;
	[tilespmem:$0x1FE20] =	vst v33  }
0x49: {  	v15 =	vand.u32 $0xF, v9;
	v9 =	vimm.s32 $0x6543A987;
	v4 =	vunpack.c.0.s8.s32 v4;
	[tilespmem:$0x1FED0] =	vst v44  }
0x4a: {  	v9 =	vunpack.c.l.s4.s8 v9;
	v53 =	vsel vm0, v3, v2;
	v3 =	vunpack.c.0.s8.s32 v57;
	[tilespmem:$0x1FCE0] =	vst v1  }
0x4b: {  	v1 =	vsel vm0, v5, v47;
	[tilespmem:$0x1FD30] =	vst v53;
	v5 =	vunpack.c.0.s8.s32 v17;
	v4 =	vand.u32 $0xF, v4  }
0x4c: {  	v24 =	vunpack.c.0.s8.s32 v9;
	v47 =	vadd.s32 $0x6B, v54;
	[tilespmem:$0x1FD00] =	vst v1;
	v1 =	vunpack.c.0.s8.s32 v55  }
0x4d: {  	v63 =	vsel vm0, v3, v7;
	v3 =	vsel vm1, v15, v7;
	v7 =	vunpack.c.l.s4.s8 v19;
	[tilespmem:$0x1FF00] =	vst v47  }
0x4e: {  	v2 =	vcombine.low v8, v63;
	v8 =	vunpack.c.0.s8.s32 v20;
	v3 =	vsel vm2, v5, v3;
	[tilespmem:$0x1FD40] =	vst v1  }
0x4f: {  	v21 =	vsel vm1, v4, v10;
	v5 =	vand.u32 $0xF, v24;
	[tilespmem:$0x1FD90] =	vst v3;
	v22 =	vunpack.c.0.s8.s32 v7  }
0x50: {  	v1 =	vsel vm0, v62, v10;
	v7 =	vunpack.c.0.s8.s32 v25;
	[tilespmem:$0x1FD60] =	vst v2;
	v3 =	vsel vm2, v8, v21  }
0x51: {  	v27 =	vsel vm1, v5, v12;
	[tilespmem:$0x1FDB0] =	vst v3;
	v4 =	vand.u32 $0xF, v22;
	v3 =	vunpack.c.0.s8.s32 v23  }
0x52: {  	v5 =	vunpack.c.0.s8.s32 v30;
	[tilespmem:$0x1FD70] =	vst v1;
	v0 =	vsel vm2, v7, v27;
	v4 =	vsel vm1, v4, v11  }
0x53: {  	v1 =	vunpack.c.0.s8.s32 v13;
	[tilespmem:$0x1FDD0] =	vst v0;
	v3 =	vsel vm2, v3, v4;
	v4 =	vunpack.c.l.s4.s8 v28  }
0x54: {  	v2 =	vunpack.c.0.s8.s32 v14;
	v34 =	vand.u32 $0xF, v5;
	[tilespmem:$0x1FDC0] =	vst v3;
	v3 =	vunpack.c.l.s4.s8 v29  }
0x55: {  	v31 =	vsel vm0, v1, v11;
	[tilespmem:$0x1FE30] =	vst v34;
	v4 =	vunpack.c.0.s8.s32 v4  }
0x56: {  	v32 =	vsel vm0, v2, v12;
	[tilespmem:$0x1FDF0] =	vst v31;
	v3 =	vunpack.c.0.s8.s32 v3  }
0x57: {  	[tilespmem:$0x1FE10] =	vst v32;
	v35 =	vand.u32 $0xF, v4  }
0x58: {  	[tilespmem:$0x1FE40] =	vst v35;
	v36 =	vand.u32 $0xF, v3  }
0x59: {  	s30 =	simm.s32 $0x1;
	[tilespmem:$0x1FE50] =	vst v36  }
0x5a: {  	v52 =	vadd.s32 $0xD, v54;
	_ =	swait.ge [sflag:s30], $0x10000  }
0x5b: {  	v53 =	vadd.s32 $0x2D, v54;
	[tilespmem:$0x1FF50] =	vst v52  }
0x5c: {  	v55 =	vadd.s32 $0x4D, v54;
	[tilespmem:$0x1FF60] =	vst v53  }
0x5d: {  	v56 =	vadd.s32 $0x6D, v54;
	[tilespmem:$0x1FF70] =	vst v55  }
0x5e: {  	v57 =	vadd.s32 $0xE, v54;
	[tilespmem:$0x1FF80] =	vst v56  }
0x5f: {  	v58 =	vadd.s32 $0x2E, v54;
	[tilespmem:$0x1FF90] =	vst v57  }
0x60: {  	v59 =	vadd.s32 $0x4E, v54;
	[tilespmem:$0x1FFA0] =	vst v58  }
0x61: {  	s9 =	simm.s32 $0x0;
	v60 =	vadd.s32 $0x6E, v54;
	[tilespmem:$0x1FFB0] =	vst v59  }
0x62: {  	v61 =	vadd.s32 $0xF, v54;
	s29 =	sshrl.u32 s8, $0x3;
	s4 =	sshrl.u32 s4, $0x3;
	s7 =	simm.s32 $0x10400;
	[tilespmem:$0x1FFC0] =	vst v60  }
0x63: {  	s8 =	simm.s32 $0x10600;
	s31 =	sadd.s32 s4, s3;
	s6 =	simm.s32 $0x10200;
	v62 =	vadd.s32 $0x2F, v54;
	[tilespmem:$0x1FFD0] =	vst v61  }
0x64: {  	s5 =	sadd.s32 s29, s3;
	s3 =	sadd.s32 $0x20C00, s31;
	v63 =	vadd.s32 $0x4F, v54;
	[sflag:s30] =	ssyncset.done $0x0;
	[tilespmem:$0x1FFE0] =	vst v62  }
0x65: {  	s4 =	sadd.s32 $0x20800, s5;
	s5 =	simm.s32 $0x10000;
	[tilespmem:$0x1FFF0] =	vst v63;
	[sflag:s30] =	ssyncadd.s32 $0xFFFF0000  }
.LBB2_2:
0x66: {  	v2 =	vld [tilespmem:$0x1FA70]  }
0x67: {  	v43 =	vld [tilespmem:$0x1FA80]  }
0x68: {  	v3 =	vld [tilespmem:$0x1FA90]  }
0x69: {  	v4 =	vld [tilespmem:$0x1FAA0]  }
0x6a: {  	v1 =	vmov s9;
	v25 =	vld [tilespmem:$0x1FAB0]  }
0x6b: {  	v29 =	vld [tilespmem:$0x1FAC0];
	v1 =	vshll.u32 v1, $0x7  }
0x6c: {  	v31 =	vld [tilespmem:$0x1FAD0];
	v6 =	vor.u32 v2, v1  }
0x6d: {  	v51 =	vld [tilespmem:$0x1FAE0];
	v1 =	vor.u32 v54, v6  }
0x6e: {  	v53 =	vld [tilespmem:$0x1FAF0];
	v7 =	vor.u32 v43, v6  }
0x6f: {  	v58 =	vld [tilespmem:$0x1FB00];
	v8 =	vor.u32 v3, v6  }
0x70: {  	v33 =	vld [tilespmem:$0x1FB10];
	v10 =	vor.u32 v4, v6  }
0x71: {  	v34 =	vld [tilespmem:$0x1FB20];
	v11 =	vor.u32 v25, v6  }
0x72: {  	v12 =	vor.u32 v29, v6;
	v1 =	vld.idx.msk [tilespmem:v1+s2+$0x0], $0xffff  }
0x73: {  	v15 =	vor.u32 v31, v6;
	v7 =	vld.idx.msk [tilespmem:v7+s2+$0x0], $0xffff  }
0x74: {  	v20 =	vor.u32 v51, v6;
	v8 =	vld.idx.msk [tilespmem:v8+s2+$0x0], $0xffff  }
0x75: {  	v24 =	vor.u32 v53, v6;
	v45 =	vld.idx.msk [tilespmem:v10+s2+$0x0], $0xffff  }
0x76: {  	v26 =	vor.u32 v58, v6;
	v47 =	vld.idx.msk [tilespmem:v11+s2+$0x0], $0xffff  }
0x77: {  	v12 =	vld.idx.msk [tilespmem:v12+s2+$0x0], $0xffff  }
0x78: {  	v15 =	vld.idx.msk [tilespmem:v15+s2+$0x0], $0xffff  }
0x79: {  	v20 =	vld.idx.msk [tilespmem:v20+s2+$0x0], $0xffff  }
0x7a: {  	v24 =	vld.idx.msk [tilespmem:v24+s2+$0x0], $0xffff  }
0x7b: {  	v5 =	vor.u32 v33, v6;
	v63 =	vld.idx.msk [tilespmem:v26+s2+$0x0], $0xffff  }
0x7c: {  	v30 =	vor.u32 v34, v6;
	v9 =	vmul.f32 $1.442695020e+00, v1;
	v44 =	vmul.f32 $1.442695020e+00, v7  }
0x7d: {  	v46 =	vmul.f32 $1.442695020e+00, v8;
	vm1 =	vlt.f32 v1, $-Inf;
	v48 =	vmul.f32 $1.442695020e+00, v45  }
0x7e: {  	vm2 =	vgt.f32 v1, $-Inf;
	v49 =	vmul.f32 $1.442695020e+00, v47;
	v18 =	vmul.f32 $1.442695020e+00, v12  }
0x7f: {  	vm3 =	vgt.f32 v47, $-Inf;
	v56 =	vmul.f32 $1.442695020e+00, v15;
	v28 =	vmul.f32 $1.442695020e+00, v20  }
0x80: {  	v38 =	vmul.f32 $1.442695020e+00, v24;
	v40 =	vmul.f32 $1.442695020e+00, v63;
	vm1 =	vmor vm2, vm1  }
0x81: {  	vm2 =	vgt.f32 v7, $-Inf;
	(erf) = vpow2.f32 v9;
	v1 =	vnsel vm1, $0xFF800000, v1  }
0x82: {  	v41 =	vld.idx.msk [tilespmem:v5+s2+$0x0], $0xffff;
	v13 =	vnsel vm1, $0x0, v54;
	vm1 =	vlt.f32 v7, $-Inf;
	(erf) = vpow2.f32 v44  }
0x83: {  	vm1 =	vmor vm2, vm1;
	vm2 =	vgt.f32 v8, $-Inf;
	(erf) = vpow2.f32 v46  }
0x84: {  	v7 =	vnsel vm1, $0xFF800000, v7;
	v16 =	vnsel vm1, $0x0, v43;
	vm1 =	vlt.f32 v8, $-Inf  }
0x85: {  	v35 =	vld [tilespmem:$0x1FB30];
	(erf) = vpow2.f32 v48;
	vm1 =	vmor vm2, vm1;
	vm2 =	vgt.f32 v45, $-Inf  }
0x86: {  	v8 =	vnsel vm1, $0xFF800000, v8;
	v50 =	vnsel vm1, $0x0, v3;
	vm1 =	vlt.f32 v45, $-Inf  }
0x87: {  	(erf) = vpow2.f32 v49;
	v49 =	vmul.f32 $1.442695020e+00, v41;
	vm1 =	vmor vm2, vm1  }
0x88: {  	(erf) = vpow2.f32 v18;
	vm2 =	vlt.f32 v47, $-Inf;
	v9 =	vnsel vm1, $0xFF800000, v45  }
0x89: {  	v52 =	vnsel vm1, $0x0, v4;
	vm1 =	vgt.f32 v47, v1;
	vm2 =	vmor vm3, vm2  }
0x8a: {  	v3 =	vld [tilespmem:$0x1FB50];
	(erf) = vpow2.f32 v56;
	vm3 =	vgt.f32 v15, v8;
	v45 =	vor.u32 v35, v6  }
0x8b: {  	v22 =	vnsel vm2, $0xFF800000, v47;
	v23 =	vnsel vm2, $0x0, v25;
	v55 =	vsel vm1, v25, v13  }
0x8c: {  	vm2 =	vgt.f32 v12, $-Inf;
	(erf) = vpow2.f32 v28;
	v22 =	vsel vm1, v1, v22  }
0x8d: {  	v23 =	vsel vm1, v13, v23;
	v1 =	vsel vm1, v47, v1;
	vm1 =	vlt.f32 v12, $-Inf  }
0x8e: {  	v11 =	vsel vm3, v31, v50;
	(erf) = vpow2.f32 v38;
	vm1 =	vmor vm2, vm1  }
0x8f: {  	v14 =	vpop (erf);
	vm2 =	vgt.f32 v12, v7;
	(erf) = vpow2.f32 v40;
	v56 =	vor.u32 v3, v6  }
0x90: {  	v14 =	vadd.f32 $0.0e+00, v14;
	v59 =	vnsel vm1, $0xFF800000, v12;
	v60 =	vnsel vm1, $0x0, v29  }
0x91: {  	v17 =	vpop (erf);
	v61 =	vsel vm2, v29, v16;
	vm1 =	vlt.f32 v15, $-Inf;
	v13 =	vsel vm2, v7, v59  }
0x92: {  	v19 =	vpop (erf);
	v25 =	vsel vm2, v16, v60;
	v7 =	vsel vm2, v12, v7;
	vm2 =	vgt.f32 v15, $-Inf  }
0x93: {  	v17 =	vadd.f32 $0.0e+00, v17;
	v19 =	vadd.f32 $0.0e+00, v19;
	v21 =	vpop (erf);
	vm1 =	vmor vm2, vm1  }
0x94: {  	vm2 =	vgt.f32 v20, $-Inf;
	(erf) = vpow2.f32 v49;
	v21 =	vadd.f32 $0.0e+00, v21  }
0x95: {  	v57 =	vpop (erf);
	v36 =	vnsel vm1, $0xFF800000, v15;
	v37 =	vnsel vm1, $0x0, v31;
	vm1 =	vlt.f32 v20, $-Inf  }
0x96: {  	v14 =	vadd.f32 v57, v14;
	v27 =	vpop (erf);
	v28 =	vsel vm3, v50, v37;
	vm1 =	vmor vm2, vm1  }
0x97: {  	v30 =	vld.idx.msk [tilespmem:v30+s2+$0x0], $0xffff;
	vm2 =	vgt.f32 v24, v1;
	v62 =	vadd.f32 v27, v17;
	v27 =	vsel vm3, v8, v36  }
0x98: {  	v8 =	vsel vm3, v15, v8;
	vm3 =	vgt.f32 v20, v9;
	v42 =	vnsel vm1, $0xFF800000, v20  }
0x99: {  	v39 =	vpop (erf);
	v43 =	vnsel vm1, $0x0, v51;
	vm1 =	vgt.f32 v24, v22;
	v10 =	vsel vm2, v53, v55  }
0x9a: {  	v15 =	vadd.f32 v39, v19;
	v26 =	vsel vm3, v9, v42;
	v44 =	vsel vm3, v52, v43  }
0x9b: {  	v31 =	vld.idx.msk [tilespmem:v45+s2+$0x0], $0xffff;
	v9 =	vsel vm3, v20, v9;
	v18 =	vsel vm3, v51, v52;
	v47 =	vsel vm1, v24, v22  }
0x9c: {  	v50 =	vld [tilespmem:$0x1FB40];
	v46 =	vpop (erf);
	v48 =	vsel vm1, v53, v23;
	v52 =	vmul.f32 $1.442695020e+00, v30;
	vm1 =	vgt.f32 v63, v7  }
0x9d: {  	v20 =	vadd.f32 v46, v21;
	v21 =	vsel vm2, v1, v47;
	v22 =	vsel vm2, v55, v48  }
0x9e: {  	v1 =	vsel vm2, v24, v1;
	v32 =	vpop (erf);
	vm2 =	vgt.f32 v63, v13;
	v12 =	vsel vm1, v58, v61  }
0x9f: {  	v14 =	vadd.f32 v32, v14;
	v13 =	vsel vm2, v63, v13;
	v25 =	vsel vm2, v58, v25  }
0xa0: {  	(erf) = vpow2.f32 v52;
	vm2 =	vgt.f32 v41, v27;
	v58 =	vmul.f32 $1.442695020e+00, v31  }
0xa1: {  	v39 =	vld [tilespmem:$0x1FB70];
	v55 =	vpop (erf);
	v51 =	vor.u32 v50, v6;
	v13 =	vsel vm1, v7, v13;
	v53 =	vsel vm1, v61, v25  }
0xa2: {  	v42 =	vld [tilespmem:$0x1FB80];
	v7 =	vsel vm1, v63, v7;
	v16 =	vadd.f32 v55, v62;
	vm1 =	vgt.f32 v41, v8  }
0xa3: {  	v59 =	vsel vm2, v41, v27;
	v60 =	vsel vm2, v33, v28;
	vm2 =	vgt.f32 v30, v9  }
0xa4: {  	v47 =	vld [tilespmem:$0x1FB90];
	v25 =	vsel vm1, v8, v59;
	v27 =	vsel vm1, v11, v60;
	(erf) = vpow2.f32 v58  }
0xa5: {  	v61 =	vld [tilespmem:$0x1FB60];
	v8 =	vsel vm1, v41, v8;
	v11 =	vsel vm1, v33, v11;
	vm1 =	vgt.f32 v30, v26  }
0xa6: {  	v63 =	vld.idx.msk [tilespmem:v56+s2+$0x0], $0xffff;
	v0 =	vpop (erf);
	v26 =	vsel vm1, v30, v26;
	v37 =	vsel vm1, v34, v44;
	v40 =	vor.u32 v39, v6  }
0xa7: {  	v59 =	vld [tilespmem:$0x1FBB0];
	vm1 =	vgt.f32 v31, v1;
	v43 =	vor.u32 v42, v6;
	v15 =	vadd.f32 v0, v15  }
0xa8: {  	v36 =	vsel vm2, v9, v26;
	v26 =	vsel vm2, v18, v37;
	v9 =	vsel vm2, v30, v9;
	v57 =	vld.idx.msk [tilespmem:v51+s2+$0x0], $0xffff  }
0xa9: {  	v18 =	vsel vm2, v34, v18;
	vm2 =	vgt.f32 v31, v21;
	v48 =	vor.u32 v47, v6  }
0xaa: {  	v21 =	vsel vm2, v31, v21;
	v22 =	vsel vm2, v35, v22;
	v62 =	vor.u32 v61, v6  }
0xab: {  	v41 =	vmul.f32 $1.442695020e+00, v63;
	v21 =	vsel vm1, v1, v21;
	v22 =	vsel vm1, v10, v22  }
0xac: {  	v1 =	vsel vm1, v31, v1;
	v10 =	vsel vm1, v35, v10;
	v60 =	vor.u32 v59, v6;
	v29 =	vld.idx.msk [tilespmem:v40+s2+$0x0], $0xffff;
	v38 =	vpop (erf)  }
0xad: {  	v46 =	vld.idx.msk [tilespmem:v43+s2+$0x0], $0xffff;
	v20 =	vadd.f32 v38, v20;
	v5 =	vmul.f32 $1.442695020e+00, v57;
	v44 =	vpop (erf);
	vm2 =	vgt.f32 v57, v13  }
0xae: {  	vm1 =	vgt.f32 v57, v7;
	v14 =	vadd.f32 v44, v14;
	v13 =	vsel vm2, v57, v13  }
0xaf: {  	v28 =	vld.idx.msk [tilespmem:v62+s2+$0x0], $0xffff;
	v23 =	vsel vm2, v50, v53;
	vm2 =	vgt.f32 v63, v8;
	(erf) = vpow2.f32 v5  }
0xb0: {  	v62 =	vld [tilespmem:$0x1FBC0];
	v13 =	vsel vm1, v7, v13;
	v23 =	vsel vm1, v12, v23;
	v7 =	vsel vm1, v57, v7  }
0xb1: {  	v53 =	vld [tilespmem:$0x1FBA0];
	v12 =	vsel vm1, v50, v12;
	vm1 =	vgt.f32 v63, v25;
	v52 =	vmul.f32 $1.442695020e+00, v29  }
0xb2: {  	v0 =	vld.idx.msk [tilespmem:v60+s2+$0x0], $0xffff;
	v57 =	vmul.f32 $1.442695020e+00, v46;
	v50 =	vsel vm1, v63, v25;
	v51 =	vsel vm1, v3, v27  }
0xb3: {  	(erf) = vpow2.f32 v41;
	v17 =	vsel vm2, v8, v50;
	v25 =	vsel vm2, v11, v51  }
0xb4: {  	v31 =	vld.idx.msk [tilespmem:v48+s2+$0x0], $0xffff;
	v8 =	vsel vm2, v63, v8;
	v11 =	vsel vm2, v3, v11;
	v45 =	vmul.f32 $1.442695020e+00, v28  }
0xb5: {  	vm1 =	vgt.f32 v28, v9;
	vm2 =	vgt.f32 v28, v36;
	v63 =	vor.u32 v62, v6  }
0xb6: {  	v55 =	vor.u32 v53, v6;
	v24 =	vsel vm2, v28, v36;
	v26 =	vsel vm2, v61, v26  }
0xb7: {  	vm2 =	vgt.f32 v29, v21;
	v40 =	vmul.f32 $1.442695020e+00, v0;
	(erf) = vpow2.f32 v45  }
0xb8: {  	v38 =	vld [tilespmem:$0x1FBD0];
	v24 =	vsel vm1, v9, v24;
	v26 =	vsel vm1, v18, v26;
	v9 =	vsel vm1, v28, v9  }
0xb9: {  	v18 =	vsel vm1, v61, v18;
	vm1 =	vgt.f32 v29, v1;
	v61 =	vmul.f32 $1.442695020e+00, v31  }
0xba: {  	v21 =	vsel vm2, v29, v21;
	v22 =	vsel vm2, v39, v22;
	vm2 =	vgt.f32 v46, v7  }
0xbb: {  	v41 =	vld [tilespmem:$0x1FBE0];
	(erf) = vpow2.f32 v52;
	v21 =	vsel vm1, v1, v21;
	v22 =	vsel vm1, v10, v22  }
0xbc: {  	v1 =	vsel vm1, v29, v1;
	v10 =	vsel vm1, v39, v10;
	vm1 =	vgt.f32 v46, v13  }
0xbd: {  	v39 =	vor.u32 v38, v6;
	(erf) = vpow2.f32 v57;
	v13 =	vsel vm1, v46, v13;
	v19 =	vld.idx.msk [tilespmem:v55+s2+$0x0], $0xffff  }
0xbe: {  	v23 =	vsel vm1, v42, v23;
	vm1 =	vgt.f32 v31, v8;
	(erf) = vpow2.f32 v61  }
0xbf: {  	v13 =	vsel vm2, v7, v13;
	v23 =	vsel vm2, v12, v23;
	v7 =	vsel vm2, v46, v7  }
0xc0: {  	v52 =	vld [tilespmem:$0x1FC00];
	v12 =	vsel vm2, v42, v12;
	vm2 =	vgt.f32 v31, v17;
	v42 =	vor.u32 v41, v6;
	v49 =	vpop (erf)  }
0xc1: {  	v28 =	vld.idx.msk [tilespmem:v63+s2+$0x0], $0xffff;
	v17 =	vsel vm2, v31, v17;
	v25 =	vsel vm2, v47, v25;
	v16 =	vadd.f32 v49, v16  }
0xc2: {  	v17 =	vsel vm1, v8, v17;
	v25 =	vsel vm1, v11, v25;
	v36 =	vmul.f32 $1.442695020e+00, v19  }
0xc3: {  	v46 =	vld [tilespmem:$0x1FBF0];
	v8 =	vsel vm1, v31, v8;
	v11 =	vsel vm1, v47, v11;
	vm2 =	vgt.f32 v19, v24  }
0xc4: {  	vm1 =	vgt.f32 v19, v9;
	v26 =	vsel vm2, v53, v26;
	(erf) = vpow2.f32 v36  }
0xc5: {  	v29 =	vld.idx.msk [tilespmem:v39+s2+$0x0], $0xffff;
	v26 =	vsel vm1, v18, v26;
	v18 =	vsel vm1, v53, v18;
	v53 =	vor.u32 v52, v6  }
0xc6: {  	v44 =	vmul.f32 $1.442695020e+00, v28;
	v45 =	vld.idx.msk [tilespmem:v42+s2+$0x0], $0xffff;
	v24 =	vsel vm2, v19, v24;
	(erf) = vpow2.f32 v40  }
0xc7: {  	v63 =	vld [tilespmem:$0x1FC20];
	v24 =	vsel vm1, v9, v24;
	v9 =	vsel vm1, v19, v9;
	vm1 =	vgt.f32 v0, v21  }
0xc8: {  	v56 =	vpop (erf);
	v47 =	vor.u32 v46, v6;
	vm2 =	vgt.f32 v0, v1;
	v50 =	vsel vm1, v59, v22  }
0xc9: {  	v58 =	vpop (erf);
	v49 =	vsel vm1, v0, v21;
	v21 =	vsel vm2, v10, v50;
	v10 =	vsel vm2, v59, v10;
	v59 =	vld [tilespmem:$0x1FC10]  }
0xca: {  	v15 =	vadd.f32 v56, v15;
	v20 =	vadd.f32 v58, v20;
	v5 =	vpop (erf);
	v51 =	vmul.f32 $1.442695020e+00, v29;
	v61 =	vld.idx.msk [tilespmem:v53+s2+$0x0], $0xffff  }
0xcb: {  	v14 =	vadd.f32 v5, v14;
	v37 =	vpop (erf);
	(erf) = vpow2.f32 v44;
	v56 =	vmul.f32 $1.442695020e+00, v45  }
0xcc: {  	v36 =	vor.u32 v63, v6;
	v16 =	vadd.f32 v37, v16;
	v43 =	vpop (erf);
	(erf) = vpow2.f32 v51  }
0xcd: {  	vm1 =	vgt.f32 v28, v7;
	v15 =	vadd.f32 v43, v15;
	(erf) = vpow2.f32 v56;
	v48 =	vpop (erf)  }
0xce: {  	v31 =	vld.idx.msk [tilespmem:v47+s2+$0x0], $0xffff;
	v60 =	vor.u32 v59, v6;
	v19 =	vadd.f32 v48, v20;
	v20 =	vsel vm2, v1, v49  }
0xcf: {  	v1 =	vsel vm2, v0, v1;
	v55 =	vpop (erf);
	vm2 =	vgt.f32 v28, v13;
	v39 =	vmul.f32 $1.442695020e+00, v61  }
0xd0: {  	v14 =	vadd.f32 v55, v14;
	v13 =	vsel vm2, v28, v13;
	v23 =	vsel vm2, v62, v23  }
0xd1: {  	vm2 =	vgt.f32 v29, v17;
	v13 =	vsel vm1, v7, v13;
	v57 =	vsel vm1, v12, v23  }
0xd2: {  	v7 =	vsel vm1, v28, v7;
	v12 =	vsel vm1, v62, v12;
	vm1 =	vgt.f32 v29, v8  }
0xd3: {  	v44 =	vld [tilespmem:$0x1FC40];
	v62 =	vmul.f32 $1.442695020e+00, v31;
	v17 =	vsel vm2, v29, v17;
	v25 =	vsel vm2, v38, v25  }
0xd4: {  	v49 =	vld [tilespmem:$0x1FC50];
	vm2 =	vgt.f32 v45, v9;
	v17 =	vsel vm1, v8, v17;
	v25 =	vsel vm1, v11, v25  }
0xd5: {  	v55 =	vld [tilespmem:$0x1FC60];
	v8 =	vsel vm1, v29, v8;
	v11 =	vsel vm1, v38, v11;
	vm1 =	vgt.f32 v45, v24  }
0xd6: {  	v37 =	vld.idx.msk [tilespmem:v60+s2+$0x0], $0xffff;
	(erf) = vpow2.f32 v62;
	v24 =	vsel vm1, v45, v24;
	v26 =	vsel vm1, v41, v26  }
0xd7: {  	vm1 =	vgt.f32 v31, v1;
	v24 =	vsel vm2, v9, v24;
	v26 =	vsel vm2, v18, v26  }
0xd8: {  	v9 =	vsel vm2, v45, v9;
	(erf) = vpow2.f32 v39;
	v18 =	vsel vm2, v41, v18  }
0xd9: {  	v28 =	vld.idx.msk [tilespmem:v36+s2+$0x0], $0xffff;
	vm2 =	vgt.f32 v31, v20;
	v45 =	vor.u32 v44, v6;
	v50 =	vor.u32 v49, v6  }
0xda: {  	v20 =	vsel vm2, v31, v20;
	v21 =	vsel vm2, v46, v21;
	vm2 =	vgt.f32 v61, v13  }
0xdb: {  	v56 =	vor.u32 v55, v6;
	v43 =	vmul.f32 $1.442695020e+00, v37;
	v20 =	vsel vm1, v1, v20  }
0xdc: {  	v41 =	vld [tilespmem:$0x1FC30];
	v21 =	vsel vm1, v10, v21;
	v1 =	vsel vm1, v31, v1;
	v10 =	vsel vm1, v46, v10  }
0xdd: {  	vm1 =	vgt.f32 v61, v7;
	v13 =	vsel vm2, v61, v13;
	v22 =	vsel vm2, v52, v57  }
0xde: {  	v47 =	vmul.f32 $1.442695020e+00, v28;
	v13 =	vsel vm1, v7, v13;
	v22 =	vsel vm1, v12, v22  }
0xdf: {  	v36 =	vld [tilespmem:$0x1FC80];
	v7 =	vsel vm1, v61, v7;
	v12 =	vsel vm1, v52, v12;
	vm1 =	vgt.f32 v37, v17  }
0xe0: {  	vm2 =	vgt.f32 v37, v8;
	v61 =	vld [tilespmem:$0x1FC70];
	(erf) = vpow2.f32 v43;
	v17 =	vsel vm1, v37, v17  }
0xe1: {  	v52 =	vsel vm1, v59, v25;
	v42 =	vor.u32 v41, v6;
	(erf) = vpow2.f32 v47;
	v48 =	vld.idx.msk [tilespmem:v45+s2+$0x0], $0xffff  }
0xe2: {  	v17 =	vsel vm2, v8, v17;
	v23 =	vsel vm2, v11, v52;
	v31 =	vld.idx.msk [tilespmem:v50+s2+$0x0], $0xffff  }
0xe3: {  	v58 =	vpop (erf);
	v8 =	vsel vm2, v37, v8;
	v11 =	vsel vm2, v59, v11;
	vm2 =	vgt.f32 v28, v24;
	v45 =	vld [tilespmem:$0x1FCA0]  }
0xe4: {  	v38 =	vpop (erf);
	vm1 =	vgt.f32 v28, v9;
	v50 =	vld [tilespmem:$0x1FCB0];
	v26 =	vsel vm2, v63, v26  }
0xe5: {  	v16 =	vadd.f32 v58, v16;
	v40 =	vpop (erf);
	v59 =	vsel vm1, v18, v26;
	v18 =	vsel vm1, v63, v18;
	v63 =	vld.idx.msk [tilespmem:v56+s2+$0x0], $0xffff  }
0xe6: {  	v15 =	vadd.f32 v38, v15;
	v19 =	vadd.f32 v40, v19;
	v24 =	vsel vm2, v28, v24;
	v46 =	vpop (erf);
	v29 =	vld.idx.msk [tilespmem:v42+s2+$0x0], $0xffff  }
0xe7: {  	v37 =	vor.u32 v36, v6;
	v24 =	vsel vm1, v9, v24;
	v9 =	vsel vm1, v28, v9;
	v51 =	vpop (erf);
	v42 =	vld [tilespmem:$0x1FC90]  }
0xe8: {  	v62 =	vor.u32 v61, v6;
	v14 =	vadd.f32 v46, v14;
	v16 =	vadd.f32 v51, v16  }
0xe9: {  	v58 =	vmul.f32 $1.442695020e+00, v48;
	v0 =	vmul.f32 $1.442695020e+00, v31;
	v46 =	vor.u32 v45, v6;
	v57 =	vpop (erf)  }
0xea: {  	v51 =	vor.u32 v50, v6;
	v40 =	vmul.f32 $1.442695020e+00, v63;
	v15 =	vadd.f32 v57, v15;
	v60 =	vpop (erf)  }
0xeb: {  	v53 =	vmul.f32 $1.442695020e+00, v29;
	v19 =	vadd.f32 v60, v19;
	vm2 =	vgt.f32 v29, v20  }
0xec: {  	vm1 =	vgt.f32 v29, v1;
	v43 =	vor.u32 v42, v6;
	v20 =	vsel vm2, v29, v20  }
0xed: {  	v38 =	vld.idx.msk [tilespmem:v62+s2+$0x0], $0xffff;
	v21 =	vsel vm2, v41, v21;
	vm2 =	vgt.f32 v48, v7;
	(erf) = vpow2.f32 v53  }
0xee: {  	v28 =	vld.idx.msk [tilespmem:v37+s2+$0x0], $0xffff;
	v20 =	vsel vm1, v1, v20;
	v21 =	vsel vm1, v10, v21;
	v1 =	vsel vm1, v29, v1  }
0xef: {  	v10 =	vsel vm1, v41, v10;
	vm1 =	vgt.f32 v48, v13;
	(erf) = vpow2.f32 v58  }
0xf0: {  	v13 =	vsel vm1, v48, v13;
	v22 =	vsel vm1, v44, v22;
	vm1 =	vgt.f32 v31, v8  }
0xf1: {  	(erf) = vpow2.f32 v0;
	v13 =	vsel vm2, v7, v13;
	v22 =	vsel vm2, v12, v22  }
0xf2: {  	v7 =	vsel vm2, v48, v7;
	v12 =	vsel vm2, v44, v12;
	v44 =	vmul.f32 $1.442695020e+00, v38  }
0xf3: {  	v5 =	vld [tilespmem:$0x1FEA0];
	vm2 =	vgt.f32 v31, v17;
	v48 =	vmul.f32 $1.442695020e+00, v28;
	(erf) = vpow2.f32 v40  }
0xf4: {  	v17 =	vsel vm2, v31, v17;
	v23 =	vsel vm2, v49, v23;
	vm2 =	vgt.f32 v63, v24  }
0xf5: {  	v17 =	vsel vm1, v8, v17;
	v23 =	vsel vm1, v11, v23;
	(erf) = vpow2.f32 v44  }
0xf6: {  	v8 =	vsel vm1, v31, v8;
	v11 =	vsel vm1, v49, v11;
	vm1 =	vgt.f32 v63, v9  }
0xf7: {  	v0 =	vld [tilespmem:$0x1FE60];
	v24 =	vsel vm2, v63, v24;
	v25 =	vsel vm2, v55, v59;
	vm2 =	vgt.f32 v38, v1  }
0xf8: {  	v29 =	vld.idx.msk [tilespmem:v43+s2+$0x0], $0xffff;
	v44 =	vor.u32 v5, v6;
	v24 =	vsel vm1, v9, v24;
	v25 =	vsel vm1, v18, v25  }
0xf9: {  	v49 =	vld.idx.msk [tilespmem:v46+s2+$0x0], $0xffff;
	v9 =	vsel vm1, v63, v9;
	v18 =	vsel vm1, v55, v18;
	vm1 =	vgt.f32 v38, v20  }
0xfa: {  	v59 =	vld [tilespmem:$0x1FE70];
	(erf) = vpow2.f32 v48;
	v20 =	vsel vm1, v38, v20;
	v21 =	vsel vm1, v61, v21  }
0xfb: {  	vm1 =	vgt.f32 v28, v7;
	v20 =	vsel vm2, v1, v20;
	v21 =	vsel vm2, v10, v21  }
0xfc: {  	v31 =	vld.idx.msk [tilespmem:v51+s2+$0x0], $0xffff;
	v1 =	vsel vm2, v38, v1;
	v10 =	vsel vm2, v61, v10;
	vm2 =	vgt.f32 v28, v13  }
0xfd: {  	v55 =	vor.u32 v0, v6;
	v53 =	vmul.f32 $1.442695020e+00, v29;
	v13 =	vsel vm2, v28, v13  }
0xfe: {  	v63 =	vld [tilespmem:$0x1FE80];
	v22 =	vsel vm2, v36, v22;
	vm2 =	vgt.f32 v29, v17;
	v57 =	vmul.f32 $1.442695020e+00, v49  }
0xff: {  	v13 =	vsel vm1, v7, v13;
	v22 =	vsel vm1, v12, v22;
	v60 =	vor.u32 v59, v6  }
0x100: {  	v7 =	vsel vm1, v28, v7;
	v12 =	vsel vm1, v36, v12;
	vm1 =	vgt.f32 v29, v8  }
0x101: {  	v39 =	vpop (erf);
	v62 =	vmul.f32 $1.442695020e+00, v31;
	v17 =	vsel vm2, v29, v17;
	v23 =	vsel vm2, v42, v23  }
0x102: {  	vm2 =	vgt.f32 v49, v9;
	v14 =	vadd.f32 v39, v14;
	(erf) = vpow2.f32 v53  }
0x103: {  	v36 =	vor.u32 v63, v6;
	v17 =	vsel vm1, v8, v17;
	v23 =	vsel vm1, v11, v23  }
0x104: {  	v48 =	vld [tilespmem:$0x1FEB0];
	v41 =	vpop (erf);
	v8 =	vsel vm1, v29, v8;
	v11 =	vsel vm1, v42, v11;
	vm1 =	vgt.f32 v49, v24  }
0x105: {  	v16 =	vadd.f32 v41, v16;
	v47 =	vpop (erf);
	(erf) = vpow2.f32 v57;
	v24 =	vsel vm1, v49, v24  }
0x106: {  	v25 =	vsel vm1, v45, v25;
	v41 =	vld [tilespmem:$0x1FE90];
	vm1 =	vgt.f32 v31, v1;
	v15 =	vadd.f32 v47, v15  }
0x107: {  	v61 =	vld.idx.msk [tilespmem:v55+s2+$0x0], $0xffff;
	(erf) = vpow2.f32 v62;
	v24 =	vsel vm2, v9, v24;
	v25 =	vsel vm2, v18, v25  }
0x108: {  	v52 =	vpop (erf);
	v9 =	vsel vm2, v49, v9;
	v18 =	vsel vm2, v45, v18;
	vm2 =	vgt.f32 v31, v20;
	v47 =	vld.idx.msk [tilespmem:v44+s2+$0x0], $0xffff  }
0x109: {  	v49 =	vor.u32 v48, v6;
	v19 =	vadd.f32 v52, v19;
	v56 =	vpop (erf);
	v20 =	vsel vm2, v31, v20;
	v52 =	vld [tilespmem:$0x1FEC0]  }
0x10a: {  	v21 =	vsel vm2, v50, v21;
	v14 =	vadd.f32 v56, v14;
	v37 =	vld.idx.msk [tilespmem:v60+s2+$0x0], $0xffff;
	v20 =	vsel vm1, v1, v20  }
0x10b: {  	v58 =	vpop (erf);
	v21 =	vsel vm1, v10, v21;
	v1 =	vsel vm1, v31, v1;
	v10 =	vsel vm1, v50, v10  }
0x10c: {  	v16 =	vadd.f32 v58, v16;
	v42 =	vor.u32 v41, v6;
	v39 =	vmul.f32 $1.442695020e+00, v61  }
0x10d: {  	v28 =	vld.idx.msk [tilespmem:v36+s2+$0x0], $0xffff;
	vm1 =	vgt.f32 v61, v7;
	vm2 =	vgt.f32 v61, v13;
	v56 =	vmul.f32 $1.442695020e+00, v47  }
0x10e: {  	v13 =	vsel vm2, v61, v13;
	v22 =	vsel vm2, v0, v22;
	v53 =	vor.u32 v52, v6  }
0x10f: {  	(erf) = vpow2.f32 v39;
	v43 =	vmul.f32 $1.442695020e+00, v37;
	v13 =	vsel vm1, v7, v13  }
0x110: {  	v58 =	vld [tilespmem:$0x1FED0];
	v38 =	vpop (erf);
	v22 =	vsel vm1, v12, v22;
	v7 =	vsel vm1, v61, v7;
	v12 =	vsel vm1, v0, v12  }
0x111: {  	vm1 =	vgt.f32 v37, v17;
	vm2 =	vgt.f32 v37, v8;
	v15 =	vadd.f32 v38, v15  }
0x112: {  	v31 =	vld.idx.msk [tilespmem:v49+s2+$0x0], $0xffff;
	v40 =	vpop (erf);
	v46 =	vmul.f32 $1.442695020e+00, v28;
	v17 =	vsel vm1, v37, v17;
	v23 =	vsel vm1, v59, v23  }
0x113: {  	v62 =	vld [tilespmem:$0x1FEE0];
	vm1 =	vgt.f32 v28, v9;
	v19 =	vadd.f32 v40, v19;
	(erf) = vpow2.f32 v43  }
0x114: {  	v29 =	vld.idx.msk [tilespmem:v42+s2+$0x0], $0xffff;
	v17 =	vsel vm2, v8, v17;
	v23 =	vsel vm2, v11, v23;
	v8 =	vsel vm2, v37, v8  }
0x115: {  	v45 =	vpop (erf);
	v11 =	vsel vm2, v59, v11;
	vm2 =	vgt.f32 v28, v24;
	v59 =	vor.u32 v58, v6;
	v43 =	vld [tilespmem:$0x1FF00]  }
0x116: {  	v14 =	vadd.f32 v45, v14;
	(erf) = vpow2.f32 v46;
	v24 =	vsel vm2, v28, v24  }
0x117: {  	v25 =	vsel vm2, v63, v25;
	v61 =	vmul.f32 $1.442695020e+00, v31;
	v24 =	vsel vm1, v9, v24  }
0x118: {  	v25 =	vsel vm1, v18, v25;
	v9 =	vsel vm1, v28, v9;
	v18 =	vsel vm1, v63, v18;
	v60 =	vld.idx.msk [tilespmem:v53+s2+$0x0], $0xffff  }
0x119: {  	v40 =	vld [tilespmem:$0x1FEF0];
	v63 =	vor.u32 v62, v6;
	v51 =	vmul.f32 $1.442695020e+00, v29;
	vm2 =	vgt.f32 v29, v20  }
0x11a: {  	vm1 =	vgt.f32 v29, v1;
	v44 =	vor.u32 v43, v6;
	v20 =	vsel vm2, v29, v20  }
0x11b: {  	v21 =	vsel vm2, v41, v21;
	vm2 =	vgt.f32 v47, v7;
	(erf) = vpow2.f32 v51  }
0x11c: {  	v20 =	vsel vm1, v1, v20;
	v21 =	vsel vm1, v10, v21;
	v1 =	vsel vm1, v29, v1  }
0x11d: {  	v36 =	vld.idx.msk [tilespmem:v59+s2+$0x0], $0xffff;
	v50 =	vpop (erf);
	v10 =	vsel vm1, v41, v10;
	vm1 =	vgt.f32 v47, v13;
	v38 =	vmul.f32 $1.442695020e+00, v60  }
0x11e: {  	v41 =	vor.u32 v40, v6;
	v16 =	vadd.f32 v50, v16;
	(erf) = vpow2.f32 v56  }
0x11f: {  	v13 =	vsel vm1, v47, v13;
	v22 =	vsel vm1, v5, v22;
	vm1 =	vgt.f32 v31, v8  }
0x120: {  	(erf) = vpow2.f32 v61;
	v13 =	vsel vm2, v7, v13;
	v22 =	vsel vm2, v12, v22  }
0x121: {  	v55 =	vpop (erf);
	v7 =	vsel vm2, v47, v7;
	v12 =	vsel vm2, v5, v12;
	vm2 =	vgt.f32 v31, v17  }
0x122: {  	v28 =	vld.idx.msk [tilespmem:v63+s2+$0x0], $0xffff;
	v15 =	vadd.f32 v55, v15;
	(erf) = vpow2.f32 v38;
	v42 =	vmul.f32 $1.442695020e+00, v36  }
0x123: {  	v57 =	vpop (erf);
	v17 =	vsel vm2, v31, v17;
	v23 =	vsel vm2, v48, v23;
	vm2 =	vgt.f32 v60, v24  }
0x124: {  	v59 =	vld [tilespmem:$0x1FF30];
	v19 =	vadd.f32 v57, v19;
	v17 =	vsel vm1, v8, v17;
	v23 =	vsel vm1, v11, v23  }
0x125: {  	v8 =	vsel vm1, v31, v8;
	v11 =	vsel vm1, v48, v11;
	vm1 =	vgt.f32 v60, v9  }
0x126: {  	v24 =	vsel vm2, v60, v24;
	v25 =	vsel vm2, v52, v25;
	vm2 =	vgt.f32 v36, v1  }
0x127: {  	v47 =	vld.idx.msk [tilespmem:v44+s2+$0x0], $0xffff;
	v46 =	vmul.f32 $1.442695020e+00, v28;
	v24 =	vsel vm1, v9, v24;
	v25 =	vsel vm1, v18, v25  }
0x128: {  	v48 =	vld [tilespmem:$0x1FF10];
	v9 =	vsel vm1, v60, v9;
	v18 =	vsel vm1, v52, v18;
	vm1 =	vgt.f32 v36, v20  }
0x129: {  	(erf) = vpow2.f32 v42;
	v60 =	vor.u32 v59, v6;
	v20 =	vsel vm1, v36, v20  }
0x12a: {  	v29 =	vld.idx.msk [tilespmem:v41+s2+$0x0], $0xffff;
	v21 =	vsel vm1, v58, v21;
	vm1 =	vgt.f32 v28, v7;
	(erf) = vpow2.f32 v46  }
0x12b: {  	v52 =	vld [tilespmem:$0x1FF20];
	v20 =	vsel vm2, v1, v20;
	v21 =	vsel vm2, v10, v21;
	v1 =	vsel vm2, v36, v1  }
0x12c: {  	v10 =	vsel vm2, v58, v10;
	vm2 =	vgt.f32 v28, v13;
	v56 =	vmul.f32 $1.442695020e+00, v47  }
0x12d: {  	v13 =	vsel vm2, v28, v13;
	v22 =	vsel vm2, v62, v22;
	v49 =	vor.u32 v48, v6  }
0x12e: {  	v37 =	vpop (erf);
	v13 =	vsel vm1, v7, v13;
	v22 =	vsel vm1, v12, v22;
	v7 =	vsel vm1, v28, v7  }
0x12f: {  	v44 =	vld [tilespmem:$0x1FF70];
	v12 =	vsel vm1, v62, v12;
	v14 =	vadd.f32 v37, v14;
	v51 =	vmul.f32 $1.442695020e+00, v29  }
0x130: {  	v62 =	vld [tilespmem:$0x1FF40];
	v39 =	vpop (erf);
	v53 =	vor.u32 v52, v6;
	vm1 =	vgt.f32 v29, v8;
	vm2 =	vgt.f32 v29, v17  }
0x131: {  	v27 =	vld.idx.msk [tilespmem:v60+s2+$0x0], $0xffff;
	v16 =	vadd.f32 v39, v16;
	v45 =	vpop (erf);
	v17 =	vsel vm2, v29, v17;
	v23 =	vsel vm2, v40, v23  }
0x132: {  	v37 =	vld [tilespmem:$0x1FF50];
	vm2 =	vgt.f32 v47, v9;
	v15 =	vadd.f32 v45, v15;
	(erf) = vpow2.f32 v51  }
0x133: {  	v17 =	vsel vm1, v8, v17;
	v23 =	vsel vm1, v11, v23;
	v11 =	vsel vm1, v40, v11;
	v40 =	vld [tilespmem:$0x1FF60]  }
0x134: {  	v50 =	vpop (erf);
	v8 =	vsel vm1, v29, v8;
	vm1 =	vgt.f32 v47, v24;
	v45 =	vor.u32 v44, v6;
	v31 =	vld.idx.msk [tilespmem:v49+s2+$0x0], $0xffff  }
0x135: {  	v19 =	vadd.f32 v50, v19;
	(erf) = vpow2.f32 v56;
	v24 =	vsel vm1, v47, v24;
	v58 =	vld.idx.msk [tilespmem:v53+s2+$0x0], $0xffff  }
0x136: {  	v25 =	vsel vm1, v43, v25;
	v63 =	vor.u32 v62, v6;
	v24 =	vsel vm2, v9, v24  }
0x137: {  	v55 =	vpop (erf);
	v25 =	vsel vm2, v18, v25;
	v9 =	vsel vm2, v47, v9;
	v18 =	vsel vm2, v43, v18;
	v53 =	vld [tilespmem:$0x1FF90]  }
0x138: {  	v14 =	vadd.f32 v55, v14;
	v38 =	vor.u32 v37, v6;
	v39 =	vmul.f32 $1.442695020e+00, v27;
	v57 =	vpop (erf)  }
0x139: {  	v47 =	vld [tilespmem:$0x1FF80];
	v16 =	vadd.f32 v57, v16;
	v41 =	vor.u32 v40, v6;
	v61 =	vmul.f32 $1.442695020e+00, v31  }
0x13a: {  	vm1 =	vgt.f32 v31, v20;
	vm2 =	vgt.f32 v31, v1;
	v34 =	vmul.f32 $1.442695020e+00, v58  }
0x13b: {  	v30 =	vld.idx.msk [tilespmem:v45+s2+$0x0], $0xffff;
	v20 =	vsel vm1, v31, v20;
	v21 =	vsel vm1, v48, v21;
	vm1 =	vgt.f32 v58, v7  }
0x13c: {  	v55 =	vor.u32 v53, v6;
	(erf) = vpow2.f32 v61;
	v20 =	vsel vm2, v1, v20  }
0x13d: {  	v57 =	vld [tilespmem:$0x1FFA0];
	v4 =	vpop (erf);
	v21 =	vsel vm2, v10, v21;
	v1 =	vsel vm2, v31, v1;
	v10 =	vsel vm2, v48, v10  }
0x13e: {  	v36 =	vld.idx.msk [tilespmem:v63+s2+$0x0], $0xffff;
	vm2 =	vgt.f32 v58, v13;
	v48 =	vor.u32 v47, v6;
	v15 =	vadd.f32 v4, v15  }
0x13f: {  	v35 =	vpop (erf);
	(erf) = vpow2.f32 v34;
	v13 =	vsel vm2, v58, v13;
	v22 =	vsel vm2, v52, v22  }
0x140: {  	v28 =	vld.idx.msk [tilespmem:v38+s2+$0x0], $0xffff;
	vm2 =	vgt.f32 v27, v8;
	v56 =	vmul.f32 $1.442695020e+00, v30;
	v19 =	vadd.f32 v35, v19  }
0x141: {  	v38 =	vld [tilespmem:$0x1FFC0];
	(erf) = vpow2.f32 v39;
	v13 =	vsel vm1, v7, v13;
	v22 =	vsel vm1, v12, v22  }
0x142: {  	v7 =	vsel vm1, v58, v7;
	v12 =	vsel vm1, v52, v12;
	vm1 =	vgt.f32 v27, v17  }
0x143: {  	v31 =	vld.idx.msk [tilespmem:v41+s2+$0x0], $0xffff;
	v58 =	vor.u32 v57, v6;
	v43 =	vmul.f32 $1.442695020e+00, v36;
	v17 =	vsel vm1, v27, v17  }
0x144: {  	v23 =	vsel vm1, v59, v23;
	vm1 =	vgt.f32 v36, v9;
	v17 =	vsel vm2, v8, v17  }
0x145: {  	v23 =	vsel vm2, v11, v23;
	v8 =	vsel vm2, v27, v8;
	v49 =	vmul.f32 $1.442695020e+00, v28  }
0x146: {  	v61 =	vld [tilespmem:$0x1FFB0];
	v11 =	vsel vm2, v59, v11;
	vm2 =	vgt.f32 v36, v24;
	v39 =	vor.u32 v38, v6  }
0x147: {  	(erf) = vpow2.f32 v43;
	v24 =	vsel vm2, v36, v24;
	v25 =	vsel vm2, v62, v25  }
0x148: {  	vm2 =	vgt.f32 v28, v20;
	(erf) = vpow2.f32 v49;
	v51 =	vmul.f32 $1.442695020e+00, v31  }
0x149: {  	v24 =	vsel vm1, v9, v24;
	v25 =	vsel vm1, v18, v25;
	v9 =	vsel vm1, v36, v9  }
0x14a: {  	v18 =	vsel vm1, v62, v18;
	vm1 =	vgt.f32 v28, v1;
	v20 =	vsel vm2, v28, v20  }
0x14b: {  	v21 =	vsel vm2, v37, v21;
	vm2 =	vgt.f32 v31, v13;
	v62 =	vor.u32 v61, v6  }
0x14c: {  	v27 =	vld.idx.msk [tilespmem:v55+s2+$0x0], $0xffff;
	v20 =	vsel vm1, v1, v20;
	v21 =	vsel vm1, v10, v21;
	v1 =	vsel vm1, v28, v1  }
0x14d: {  	v26 =	vld.idx.msk [tilespmem:v48+s2+$0x0], $0xffff;
	v10 =	vsel vm1, v37, v10;
	vm1 =	vgt.f32 v31, v7;
	v13 =	vsel vm2, v31, v13  }
0x14e: {  	v22 =	vsel vm2, v40, v22;
	vm2 =	vgt.f32 v30, v8;
	(erf) = vpow2.f32 v51  }
0x14f: {  	v13 =	vsel vm1, v7, v13;
	v22 =	vsel vm1, v12, v22;
	v7 =	vsel vm1, v31, v7  }
0x150: {  	v12 =	vsel vm1, v40, v12;
	vm1 =	vgt.f32 v30, v17;
	(erf) = vpow2.f32 v56  }
0x151: {  	v42 =	vpop (erf);
	v17 =	vsel vm1, v30, v17;
	v23 =	vsel vm1, v44, v23;
	v37 =	vmul.f32 $1.442695020e+00, v27  }
0x152: {  	v63 =	vld.idx.msk [tilespmem:v58+s2+$0x0], $0xffff;
	v56 =	vadd.s32 $0x6F, v54;
	v14 =	vadd.f32 v42, v14;
	v59 =	vmul.f32 $1.442695020e+00, v26  }
0x153: {  	v17 =	vsel vm2, v8, v17;
	v23 =	vsel vm2, v11, v23;
	v8 =	vsel vm2, v30, v8  }
0x154: {  	v46 =	vpop (erf);
	v11 =	vsel vm2, v44, v11;
	vm1 =	vgt.f32 v26, v9;
	vm2 =	vgt.f32 v26, v24  }
0x155: {  	v16 =	vadd.f32 v46, v16;
	v50 =	vpop (erf);
	v24 =	vsel vm2, v26, v24;
	v25 =	vsel vm2, v47, v25  }
0x156: {  	vm2 =	vgt.f32 v27, v20;
	v15 =	vadd.f32 v50, v15;
	(erf) = vpow2.f32 v59  }
0x157: {  	v41 =	vmul.f32 $1.442695020e+00, v63;
	v24 =	vsel vm1, v9, v24;
	v25 =	vsel vm1, v18, v25  }
0x158: {  	v44 =	vld [tilespmem:$0x1FFD0];
	v9 =	vsel vm1, v26, v9;
	v18 =	vsel vm1, v47, v18;
	vm1 =	vgt.f32 v27, v1  }
0x159: {  	v30 =	vld.idx.msk [tilespmem:v39+s2+$0x0], $0xffff;
	v20 =	vsel vm2, v27, v20;
	v21 =	vsel vm2, v53, v21;
	vm2 =	vgt.f32 v63, v7  }
0x15a: {  	(erf) = vpow2.f32 v37;
	v20 =	vsel vm1, v1, v20;
	v21 =	vsel vm1, v10, v21  }
0x15b: {  	v28 =	vld.idx.msk [tilespmem:v62+s2+$0x0], $0xffff;
	v1 =	vsel vm1, v27, v1;
	v10 =	vsel vm1, v53, v10;
	vm1 =	vgt.f32 v63, v13  }
0x15c: {  	v46 =	vld [tilespmem:$0x1FFE0];
	v59 =	vor.u32 $0x10, v54;
	v52 =	vpop (erf);
	(erf) = vpow2.f32 v41;
	v13 =	vsel vm1, v63, v13  }
0x15d: {  	v22 =	vsel vm1, v57, v22;
	v19 =	vadd.f32 v52, v19;
	v45 =	vor.u32 v44, v6  }
0x15e: {  	v49 =	vmul.f32 $1.442695020e+00, v30;
	v13 =	vsel vm2, v7, v13;
	v22 =	vsel vm2, v12, v22  }
0x15f: {  	v60 =	vpop (erf);
	v7 =	vsel vm2, v63, v7;
	v12 =	vsel vm2, v57, v12;
	v57 =	vor.u32 v56, v6  }
0x160: {  	v63 =	vor.u32 $0x30, v54;
	v14 =	vadd.f32 v60, v14;
	v43 =	vmul.f32 $1.442695020e+00, v28  }
0x161: {  	v47 =	vor.u32 v46, v6;
	vm1 =	vgt.f32 v28, v17;
	vm2 =	vgt.f32 v28, v8  }
0x162: {  	v52 =	vld [tilespmem:$0x1FFF0];
	v36 =	vpop (erf);
	v17 =	vsel vm1, v28, v17;
	v23 =	vsel vm1, v61, v23;
	vm1 =	vgt.f32 v30, v9  }
0x163: {  	v16 =	vadd.f32 v36, v16;
	(erf) = vpow2.f32 v43;
	v17 =	vsel vm2, v8, v17  }
0x164: {  	v40 =	vpop (erf);
	v23 =	vsel vm2, v11, v23;
	v8 =	vsel vm2, v28, v8;
	v11 =	vsel vm2, v61, v11  }
0x165: {  	vm2 =	vgt.f32 v30, v24;
	v61 =	vor.u32 v59, v6;
	v15 =	vadd.f32 v40, v15;
	v50 =	vld.idx.msk [tilespmem:v45+s2+$0x0], $0xffff  }
0x166: {  	(erf) = vpow2.f32 v49;
	v24 =	vsel vm2, v30, v24;
	v25 =	vsel vm2, v38, v25;
	v28 =	vld.idx.msk [tilespmem:v57+s2+$0x0], $0xffff  }
0x167: {  	v40 =	vor.u32 v63, v6;
	v53 =	vor.u32 v52, v6;
	v24 =	vsel vm1, v9, v24;
	v42 =	vpop (erf);
	v26 =	vld.idx.msk [tilespmem:v47+s2+$0x0], $0xffff  }
0x168: {  	v25 =	vsel vm1, v18, v25;
	v9 =	vsel vm1, v30, v9;
	v18 =	vsel vm1, v38, v18;
	v48 =	vpop (erf)  }
0x169: {  	v30 =	vadd.s32 $0x52, v54;
	v19 =	vadd.f32 v42, v19;
	v42 =	vor.u32 $0x50, v54;
	v51 =	vpop (erf)  }
0x16a: {  	v14 =	vadd.f32 v48, v14;
	v16 =	vadd.f32 v51, v16;
	v31 =	vmul.f32 $1.442695020e+00, v50  }
0x16b: {  	vm1 =	vgt.f32 v50, v20;
	vm2 =	vgt.f32 v50, v1;
	v41 =	vmul.f32 $1.442695020e+00, v28  }
0x16c: {  	v58 =	vmul.f32 $1.442695020e+00, v26;
	v20 =	vsel vm1, v50, v20;
	v21 =	vsel vm1, v44, v21  }
0x16d: {  	v34 =	vld.idx.msk [tilespmem:v40+s2+$0x0], $0xffff;
	vm1 =	vgt.f32 v26, v7;
	(erf) = vpow2.f32 v31;
	v20 =	vsel vm2, v1, v20  }
0x16e: {  	v29 =	vld.idx.msk [tilespmem:v53+s2+$0x0], $0xffff;
	v55 =	vpop (erf);
	v21 =	vsel vm2, v10, v21;
	v1 =	vsel vm2, v50, v1;
	v10 =	vsel vm2, v44, v10  }
0x16f: {  	vm2 =	vgt.f32 v26, v13;
	v44 =	vor.u32 v42, v6;
	v15 =	vadd.f32 v55, v15  }
0x170: {  	v60 =	vpop (erf);
	(erf) = vpow2.f32 v58;
	v13 =	vsel vm2, v26, v13;
	v22 =	vsel vm2, v46, v22  }
0x171: {  	v31 =	vld.idx.msk [tilespmem:v61+s2+$0x0], $0xffff;
	v19 =	vadd.f32 v60, v19;
	v13 =	vsel vm1, v7, v13;
	v22 =	vsel vm1, v12, v22  }
0x172: {  	v7 =	vsel vm1, v26, v7;
	v12 =	vsel vm1, v46, v12;
	v46 =	vor.u32 $0x70, v54  }
0x173: {  	v38 =	vmul.f32 $1.442695020e+00, v34;
	v62 =	vmul.f32 $1.442695020e+00, v29;
	vm1 =	vgt.f32 v29, v17  }
0x174: {  	vm2 =	vgt.f32 v29, v8;
	v48 =	vor.u32 v46, v6;
	v17 =	vsel vm1, v29, v17  }
0x175: {  	v23 =	vsel vm1, v52, v23;
	vm1 =	vgt.f32 v28, v9;
	(erf) = vpow2.f32 v62  }
0x176: {  	v45 =	vmul.f32 $1.442695020e+00, v31;
	v17 =	vsel vm2, v8, v17;
	v23 =	vsel vm2, v11, v23  }
0x177: {  	v8 =	vsel vm2, v29, v8;
	v11 =	vsel vm2, v52, v11;
	vm2 =	vgt.f32 v28, v24  }
0x178: {  	v52 =	vadd.s32 $0x11, v54;
	v62 =	vadd.s32 $0x51, v54;
	(erf) = vpow2.f32 v41  }
0x179: {  	v24 =	vsel vm2, v28, v24;
	v25 =	vsel vm2, v56, v25;
	vm2 =	vgt.f32 v31, v20  }
0x17a: {  	v53 =	vor.u32 v52, v6;
	(erf) = vpow2.f32 v45;
	v24 =	vsel vm1, v9, v24  }
0x17b: {  	v25 =	vsel vm1, v18, v25;
	v9 =	vsel vm1, v28, v9;
	v18 =	vsel vm1, v56, v18  }
0x17c: {  	vm1 =	vgt.f32 v31, v1;
	v20 =	vsel vm2, v31, v20;
	v21 =	vsel vm2, v59, v21  }
0x17d: {  	v56 =	vadd.s32 $0x31, v54;
	vm2 =	vgt.f32 v34, v13;
	(erf) = vpow2.f32 v38  }
0x17e: {  	v47 =	vld.idx.msk [tilespmem:v44+s2+$0x0], $0xffff;
	v20 =	vsel vm1, v1, v20;
	v21 =	vsel vm1, v10, v21;
	v1 =	vsel vm1, v31, v1  }
0x17f: {  	v10 =	vsel vm1, v59, v10;
	vm1 =	vgt.f32 v34, v7;
	v57 =	vor.u32 v56, v6  }
0x180: {  	v3 =	vld [tilespmem:$0x1FCE0];
	v13 =	vsel vm2, v34, v13;
	v22 =	vsel vm2, v63, v22;
	v31 =	vadd.s32 $0x15, v54  }
0x181: {  	v41 =	vld [tilespmem:$0x1FDA0];
	v13 =	vsel vm1, v7, v13;
	v22 =	vsel vm1, v12, v22;
	v7 =	vsel vm1, v34, v7  }
0x182: {  	v51 =	vld.idx.msk [tilespmem:v48+s2+$0x0], $0xffff;
	v36 =	vpop (erf);
	v12 =	vsel vm1, v63, v12;
	v63 =	vor.u32 v62, v6;
	v34 =	vadd.s32 $0x33, v54  }
0x183: {  	v14 =	vadd.f32 v36, v14;
	v43 =	vpop (erf);
	v50 =	vmul.f32 $1.442695020e+00, v47;
	vm1 =	vgt.f32 v47, v17  }
0x184: {  	vm2 =	vgt.f32 v47, v8;
	v16 =	vadd.f32 v43, v16;
	v17 =	vsel vm1, v47, v17  }
0x185: {  	v23 =	vsel vm1, v42, v23;
	v29 =	vsel vm2, v47, v8;
	(erf) = vpow2.f32 v50  }
0x186: {  	v59 =	vld.idx.msk [tilespmem:v53+s2+$0x0], $0xffff;
	v17 =	vsel vm2, v8, v17;
	v23 =	vsel vm2, v11, v23;
	v11 =	vsel vm2, v42, v11  }
0x187: {  	v8 =	vsel vm0, v41, v3;
	v58 =	vmul.f32 $1.442695020e+00, v51;
	vm1 =	vgt.f32 v51, v24  }
0x188: {  	v42 =	vld [tilespmem:$0x1FCD0];
	vm2 =	vgt.f32 v51, v9;
	v37 =	vpop (erf);
	v24 =	vsel vm1, v51, v24;
	v25 =	vsel vm1, v46, v25  }
0x189: {  	v32 =	vsel vm2, v51, v9;
	v15 =	vadd.f32 v37, v15;
	(erf) = vpow2.f32 v58  }
0x18a: {  	v61 =	vld.idx.msk [tilespmem:v57+s2+$0x0], $0xffff;
	v49 =	vpop (erf);
	v24 =	vsel vm2, v9, v24;
	v25 =	vsel vm2, v18, v25;
	v18 =	vsel vm2, v46, v18  }
0x18b: {  	v58 =	vor.u32 v30, v6;
	v19 =	vadd.f32 v49, v19;
	v55 =	vpop (erf);
	v37 =	vmul.f32 $1.442695020e+00, v59  }
0x18c: {  	vm1 =	vgt.f32 v59, v20;
	vm2 =	vgt.f32 v59, v1;
	v14 =	vadd.f32 v55, v14  }
0x18d: {  	v33 =	vld.idx.msk [tilespmem:v63+s2+$0x0], $0xffff;
	v60 =	vpop (erf);
	v27 =	vcombine.low v42, v8;
	v46 =	vsel vm1, v59, v20;
	v47 =	vsel vm1, v52, v21  }
0x18e: {  	v21 =	vadd.s32 $0x12, v54;
	v16 =	vadd.f32 v60, v16;
	(erf) = vpow2.f32 v37  }
0x18f: {  	v43 =	vmul.f32 $1.442695020e+00, v61;
	v20 =	vsel vm2, v1, v46;
	v49 =	vor.u32 v21, v6  }
0x190: {  	v26 =	vsel vm2, v10, v47;
	v37 =	vadd.s32 $0x32, v54;
	v44 =	vor.u32 v27, v6  }
0x191: {  	v4 =	vld [tilespmem:$0x1FD10];
	v1 =	vsel vm2, v59, v1;
	v10 =	vsel vm2, v52, v10;
	v51 =	vor.u32 v37, v6  }
0x192: {  	v57 =	vld [tilespmem:$0x1FDE0];
	vm2 =	vgt.f32 v61, v13;
	v50 =	vmul.f32 $1.442695020e+00, v33;
	(erf) = vpow2.f32 v43  }
0x193: {  	vm1 =	vgt.f32 v61, v7;
	v59 =	vld [tilespmem:$0x1FD00];
	v13 =	vsel vm2, v61, v13;
	v22 =	vsel vm2, v56, v22  }
0x194: {  	vm2 =	vgt.f32 v33, v17;
	v13 =	vsel vm1, v7, v13;
	(erf) = vpow2.f32 v50;
	v53 =	vld.idx.msk [tilespmem:v49+s2+$0x0], $0xffff  }
0x195: {  	v22 =	vsel vm1, v12, v22;
	v7 =	vsel vm1, v61, v7;
	v12 =	vsel vm1, v56, v12;
	v48 =	vld.idx.msk [tilespmem:v44+s2+$0x0], $0xffff  }
0x196: {  	vm1 =	vgt.f32 v33, v29;
	v17 =	vsel vm2, v33, v17;
	v23 =	vsel vm2, v62, v23;
	v40 =	vpop (erf);
	v56 =	vld.idx.msk [tilespmem:v51+s2+$0x0], $0xffff  }
0x197: {  	v9 =	vsel vm0, v57, v4;
	v17 =	vsel vm1, v29, v17;
	v23 =	vsel vm1, v11, v23;
	v45 =	vpop (erf)  }
0x198: {  	v29 =	vsel vm1, v33, v29;
	v11 =	vsel vm1, v62, v11;
	v15 =	vadd.f32 v40, v15;
	v39 =	vpop (erf)  }
0x199: {  	v49 =	vor.u32 v34, v6;
	v14 =	vadd.f32 v39, v14;
	v39 =	vcombine.low v59, v9  }
0x19a: {  	v19 =	vadd.f32 v45, v19;
	v60 =	vmul.f32 $1.442695020e+00, v53;
	v52 =	vmul.f32 $1.442695020e+00, v48  }
0x19b: {  	v63 =	vld.idx.msk [tilespmem:v58+s2+$0x0], $0xffff;
	v55 =	vpop (erf);
	vm1 =	vgt.f32 v48, v32;
	vm2 =	vgt.f32 v48, v24;
	v62 =	vmul.f32 $1.442695020e+00, v56  }
0x19c: {  	v16 =	vadd.f32 v55, v16;
	v61 =	vor.u32 v39, v6;
	v24 =	vsel vm2, v48, v24  }
0x19d: {  	v44 =	vpop (erf);
	v25 =	vsel vm2, v27, v25;
	vm2 =	vgt.f32 v53, v1;
	(erf) = vpow2.f32 v52  }
0x19e: {  	v15 =	vadd.f32 v44, v15;
	v24 =	vsel vm1, v32, v24;
	v25 =	vsel vm1, v18, v25  }
0x19f: {  	v32 =	vsel vm1, v48, v32;
	v18 =	vsel vm1, v27, v18;
	vm1 =	vgt.f32 v53, v20  }
0x1a0: {  	v27 =	vadd.s32 $0x13, v54;
	v48 =	vmul.f32 $1.442695020e+00, v63;
	(erf) = vpow2.f32 v60  }
0x1a1: {  	v36 =	vld.idx.msk [tilespmem:v49+s2+$0x0], $0xffff;
	v20 =	vsel vm1, v53, v20;
	v41 =	vor.u32 v27, v6;
	v26 =	vsel vm1, v21, v26  }
0x1a2: {  	vm1 =	vgt.f32 v56, v13;
	(erf) = vpow2.f32 v62;
	v20 =	vsel vm2, v1, v20  }
0x1a3: {  	v35 =	vld [tilespmem:$0x1FD40];
	v26 =	vsel vm2, v10, v26;
	v1 =	vsel vm2, v53, v1;
	v10 =	vsel vm2, v21, v10  }
0x1a4: {  	v57 =	vld [tilespmem:$0x1FD30];
	vm2 =	vgt.f32 v56, v7;
	v13 =	vsel vm1, v56, v13;
	v22 =	vsel vm1, v37, v22  }
0x1a5: {  	vm1 =	vgt.f32 v63, v17;
	v21 =	vadd.s32 $0x53, v54;
	v28 =	vsel vm2, v56, v7;
	v56 =	vld [tilespmem:$0x1FE00]  }
0x1a6: {  	v60 =	vmul.f32 $1.442695020e+00, v36;
	(erf) = vpow2.f32 v48;
	v13 =	vsel vm2, v7, v13;
	v33 =	vld.idx.msk [tilespmem:v61+s2+$0x0], $0xffff  }
0x1a7: {  	v22 =	vsel vm2, v12, v22;
	v12 =	vsel vm2, v37, v12;
	vm2 =	vgt.f32 v63, v29  }
0x1a8: {  	v17 =	vsel vm1, v63, v17;
	v53 =	vor.u32 v21, v6;
	v23 =	vsel vm1, v30, v23  }
0x1a9: {  	v48 =	vadd.s32 $0x34, v54;
	v17 =	vsel vm2, v29, v17;
	v23 =	vsel vm2, v11, v23;
	v38 =	vld.idx.msk [tilespmem:v41+s2+$0x0], $0xffff  }
0x1aa: {  	v29 =	vsel vm2, v63, v29;
	v11 =	vsel vm2, v30, v11;
	v7 =	vsel vm0, v56, v35  }
0x1ab: {  	v40 =	vpop (erf);
	v51 =	vmul.f32 $1.442695020e+00, v33;
	v47 =	vcombine.low v57, v7;
	vm2 =	vgt.f32 v33, v24  }
0x1ac: {  	vm1 =	vgt.f32 v33, v32;
	v19 =	vadd.f32 v40, v19;
	v50 =	vpop (erf);
	v24 =	vsel vm2, v33, v24  }
0x1ad: {  	v25 =	vsel vm2, v39, v25;
	v61 =	vsel vm1, v33, v32;
	v14 =	vadd.f32 v50, v14  }
0x1ae: {  	(erf) = vpow2.f32 v51;
	v55 =	vmul.f32 $1.442695020e+00, v38;
	v58 =	vor.u32 v47, v6  }
0x1af: {  	v37 =	vld.idx.msk [tilespmem:v53+s2+$0x0], $0xffff;
	v24 =	vsel vm1, v32, v24;
	v25 =	vsel vm1, v18, v25;
	v18 =	vsel vm1, v39, v18  }
0x1b0: {  	v52 =	vpop (erf);
	vm1 =	vgt.f32 v38, v20;
	v32 =	vadd.s32 $0x14, v54;
	vm2 =	vgt.f32 v38, v1  }
0x1b1: {  	v39 =	vadd.s32 $0x16, v54;
	v16 =	vadd.f32 v52, v16;
	v20 =	vsel vm1, v38, v20  }
0x1b2: {  	v40 =	vld [tilespmem:$0x1FD60];
	v59 =	vpop (erf);
	v63 =	vor.u32 v32, v6;
	v26 =	vsel vm1, v27, v26;
	v52 =	vor.u32 v48, v6  }
0x1b3: {  	vm1 =	vgt.f32 v36, v28;
	(erf) = vpow2.f32 v55;
	v15 =	vadd.f32 v59, v15  }
0x1b4: {  	v5 =	vmul.f32 $1.442695020e+00, v37;
	v20 =	vsel vm2, v1, v20;
	v26 =	vsel vm2, v10, v26  }
0x1b5: {  	v1 =	vsel vm2, v38, v1;
	v10 =	vsel vm2, v27, v10;
	vm2 =	vgt.f32 v36, v13  }
0x1b6: {  	(erf) = vpow2.f32 v60;
	v13 =	vsel vm2, v36, v13;
	v22 =	vsel vm2, v34, v22  }
0x1b7: {  	vm2 =	vgt.f32 v37, v29;
	(erf) = vpow2.f32 v5;
	v59 =	vor.u32 v40, v6  }
0x1b8: {  	v13 =	vsel vm1, v28, v13;
	v22 =	vsel vm1, v12, v22;
	v28 =	vsel vm1, v36, v28;
	v30 =	vld.idx.msk [tilespmem:v58+s2+$0x0], $0xffff  }
0x1b9: {  	v12 =	vsel vm1, v34, v12;
	v36 =	vadd.s32 $0x54, v54;
	vm1 =	vgt.f32 v37, v17;
	v33 =	vld.idx.msk [tilespmem:v63+s2+$0x0], $0xffff  }
0x1ba: {  	v53 =	vor.u32 v36, v6;
	v17 =	vsel vm1, v37, v17;
	v23 =	vsel vm1, v21, v23;
	v52 =	vld.idx.msk [tilespmem:v52+s2+$0x0], $0xffff  }
0x1bb: {  	v17 =	vsel vm2, v29, v17;
	v23 =	vsel vm2, v11, v23;
	v29 =	vsel vm2, v37, v29  }
0x1bc: {  	v11 =	vsel vm2, v21, v11;
	v37 =	vadd.s32 $0x38, v54;
	v62 =	vpop (erf);
	v63 =	vld.idx.msk [tilespmem:v59+s2+$0x0], $0xffff;
	v59 =	vor.u32 v39, v6  }
0x1bd: {  	v19 =	vadd.f32 v62, v19;
	v50 =	vmul.f32 $1.442695020e+00, v30;
	vm3 =	vgt.f32 v30, v24  }
0x1be: {  	vm1 =	vgt.f32 v30, v61;
	v55 =	vmul.f32 $1.442695020e+00, v33;
	v24 =	vsel vm3, v30, v24  }
0x1bf: {  	v49 =	vpop (erf);
	v57 =	vmul.f32 $1.442695020e+00, v52;
	v25 =	vsel vm3, v47, v25;
	v30 =	vsel vm1, v30, v61  }
0x1c0: {  	vm2 =	vgt.f32 v33, v1;
	v14 =	vadd.f32 v49, v14;
	(erf) = vpow2.f32 v50  }
0x1c1: {  	v51 =	vpop (erf);
	v21 =	vsel vm1, v61, v24;
	v25 =	vsel vm1, v18, v25;
	v18 =	vsel vm1, v47, v18  }
0x1c2: {  	vm1 =	vgt.f32 v33, v20;
	v61 =	vor.u32 v31, v6;
	v16 =	vadd.f32 v51, v16  }
0x1c3: {  	v58 =	vld.idx.msk [tilespmem:v53+s2+$0x0], $0xffff;
	v56 =	vpop (erf);
	(erf) = vpow2.f32 v55;
	v20 =	vsel vm1, v33, v20;
	v26 =	vsel vm1, v32, v26  }
0x1c4: {  	vm1 =	vgt.f32 v52, v13;
	v15 =	vadd.f32 v56, v15;
	(erf) = vpow2.f32 v57  }
0x1c5: {  	v20 =	vsel vm2, v1, v20;
	v26 =	vsel vm2, v10, v26;
	v1 =	vsel vm2, v33, v1  }
0x1c6: {  	v10 =	vsel vm2, v32, v10;
	v33 =	vadd.s32 $0x35, v54;
	vm2 =	vgt.f32 v52, v28  }
0x1c7: {  	v13 =	vsel vm1, v52, v13;
	v22 =	vsel vm1, v48, v22;
	v47 =	vmul.f32 $1.442695020e+00, v63  }
0x1c8: {  	v32 =	vadd.s32 $0x56, v54;
	v62 =	vmul.f32 $1.442695020e+00, v58;
	v45 =	vor.u32 v33, v6  }
0x1c9: {  	v13 =	vsel vm2, v28, v13;
	v22 =	vsel vm2, v12, v22;
	v27 =	vsel vm2, v52, v28  }
0x1ca: {  	v51 =	vld [tilespmem:$0x1FCC0];
	v12 =	vsel vm2, v48, v12;
	v48 =	vadd.s32 $0x55, v54;
	vm2 =	vgt.f32 v58, v17  }
0x1cb: {  	v53 =	vld [tilespmem:$0x1FD70];
	vm1 =	vgt.f32 v58, v29;
	v49 =	vor.u32 v48, v6;
	v17 =	vsel vm2, v58, v17  }
0x1cc: {  	v23 =	vsel vm2, v36, v23;
	v24 =	vsel vm1, v58, v29;
	vm2 =	vgt.f32 v63, v21  }
0x1cd: {  	(erf) = vpow2.f32 v62;
	v5 =	vld.idx.msk [tilespmem:v61+s2+$0x0], $0xffff;
	v17 =	vsel vm1, v29, v17;
	v23 =	vsel vm1, v11, v23  }
0x1ce: {  	v11 =	vsel vm1, v36, v11;
	vm1 =	vgt.f32 v63, v30;
	v21 =	vsel vm2, v63, v21  }
0x1cf: {  	v52 =	vsel vm0, v3, v51;
	v21 =	vsel vm1, v30, v21;
	v30 =	vsel vm1, v63, v30;
	v63 =	vld.idx.msk [tilespmem:v59+s2+$0x0], $0xffff  }
0x1d0: {  	v25 =	vsel vm2, v40, v25;
	(erf) = vpow2.f32 v47;
	v44 =	vcombine.low v52, v53  }
0x1d1: {  	v25 =	vsel vm1, v18, v25;
	v18 =	vsel vm1, v40, v18;
	v51 =	vor.u32 v32, v6;
	v60 =	vpop (erf)  }
0x1d2: {  	v38 =	vld.idx.msk [tilespmem:v45+s2+$0x0], $0xffff;
	v56 =	vor.u32 v44, v6;
	v19 =	vadd.f32 v60, v19;
	v2 =	vpop (erf);
	v50 =	vmul.f32 $1.442695020e+00, v5  }
0x1d3: {  	vm1 =	vgt.f32 v5, v1;
	vm2 =	vgt.f32 v5, v20;
	v14 =	vadd.f32 v2, v14  }
0x1d4: {  	v57 =	vld.idx.msk [tilespmem:v49+s2+$0x0], $0xffff;
	v46 =	vpop (erf);
	v20 =	vsel vm2, v5, v20;
	v26 =	vsel vm2, v31, v26;
	v52 =	vmul.f32 $1.442695020e+00, v63  }
0x1d5: {  	v16 =	vadd.f32 v46, v16;
	(erf) = vpow2.f32 v50;
	v20 =	vsel vm1, v1, v20  }
0x1d6: {  	v26 =	vsel vm1, v10, v26;
	v1 =	vsel vm1, v5, v1;
	v10 =	vsel vm1, v31, v10  }
0x1d7: {  	v5 =	vadd.s32 $0x36, v54;
	v31 =	vadd.s32 $0x37, v54;
	v58 =	vmul.f32 $1.442695020e+00, v38  }
0x1d8: {  	vm1 =	vgt.f32 v38, v27;
	vm2 =	vgt.f32 v38, v13;
	v49 =	vor.u32 v5, v6  }
0x1d9: {  	v40 =	vld [tilespmem:$0x1FDF0];
	v55 =	vpop (erf);
	v61 =	vmul.f32 $1.442695020e+00, v57;
	v13 =	vsel vm2, v38, v13;
	v22 =	vsel vm2, v33, v22  }
0x1da: {  	v29 =	vld.idx.msk [tilespmem:v56+s2+$0x0], $0xffff;
	vm2 =	vgt.f32 v57, v24;
	v15 =	vadd.f32 v55, v15;
	(erf) = vpow2.f32 v58  }
0x1db: {  	v56 =	vld [tilespmem:$0x1FCF0];
	v13 =	vsel vm1, v27, v13;
	v22 =	vsel vm1, v12, v22;
	v27 =	vsel vm1, v38, v27  }
0x1dc: {  	v60 =	vpop (erf);
	v12 =	vsel vm1, v33, v12;
	vm1 =	vgt.f32 v57, v17;
	v58 =	vld.idx.msk [tilespmem:v51+s2+$0x0], $0xffff;
	v51 =	vadd.s32 $0x17, v54  }
0x1dd: {  	v19 =	vadd.f32 v60, v19;
	(erf) = vpow2.f32 v61;
	v17 =	vsel vm1, v57, v17  }
0x1de: {  	v23 =	vsel vm1, v48, v23;
	v59 =	vor.u32 v51, v6;
	v17 =	vsel vm2, v24, v17  }
0x1df: {  	v23 =	vsel vm2, v11, v23;
	v24 =	vsel vm2, v57, v24;
	v11 =	vsel vm2, v48, v11  }
0x1e0: {  	v3 =	vmul.f32 $1.442695020e+00, v29;
	v57 =	vsel vm0, v4, v56;
	vm1 =	vgt.f32 v29, v21  }
0x1e1: {  	vm2 =	vgt.f32 v29, v30;
	v34 =	vcombine.low v57, v40;
	v21 =	vsel vm1, v29, v21  }
0x1e2: {  	v53 =	vld.idx.msk [tilespmem:v49+s2+$0x0], $0xffff;
	v25 =	vsel vm1, v44, v25;
	v29 =	vsel vm2, v29, v30;
	vm1 =	vgt.f32 v63, v1  }
0x1e3: {  	(erf) = vpow2.f32 v3;
	v21 =	vsel vm2, v30, v21;
	v25 =	vsel vm2, v18, v25  }
0x1e4: {  	v62 =	vpop (erf);
	v18 =	vsel vm2, v44, v18;
	vm2 =	vgt.f32 v63, v20;
	v30 =	vadd.s32 $0x18, v54  }
0x1e5: {  	v14 =	vadd.f32 v62, v14;
	(erf) = vpow2.f32 v52;
	v41 =	vor.u32 v34, v6  }
0x1e6: {  	v20 =	vsel vm2, v63, v20;
	v26 =	vsel vm2, v39, v26;
	v62 =	vor.u32 v31, v6  }
0x1e7: {  	v57 =	vor.u32 v30, v6;
	v49 =	vmul.f32 $1.442695020e+00, v53;
	v20 =	vsel vm1, v1, v20  }
0x1e8: {  	v26 =	vsel vm1, v10, v26;
	v1 =	vsel vm1, v63, v1;
	v10 =	vsel vm1, v39, v10  }
0x1e9: {  	vm1 =	vgt.f32 v53, v27;
	vm2 =	vgt.f32 v53, v13;
	v39 =	vadd.s32 $0x57, v54  }
0x1ea: {  	v63 =	vld.idx.msk [tilespmem:v59+s2+$0x0], $0xffff;
	v59 =	vor.u32 v37, v6;
	v50 =	vpop (erf);
	v13 =	vsel vm2, v53, v13;
	v22 =	vsel vm2, v5, v22  }
0x1eb: {  	vm2 =	vgt.f32 v58, v17;
	v16 =	vadd.f32 v50, v16;
	(erf) = vpow2.f32 v49  }
0x1ec: {  	v47 =	vld [tilespmem:$0x1FD20];
	v22 =	vsel vm1, v12, v22;
	v12 =	vsel vm1, v5, v12;
	v5 =	vor.u32 v39, v6  }
0x1ed: {  	v50 =	vmul.f32 $1.442695020e+00, v58;
	v13 =	vsel vm1, v27, v13;
	v27 =	vsel vm1, v53, v27;
	v49 =	vld [tilespmem:$0x1FE10]  }
0x1ee: {  	v55 =	vpop (erf);
	vm1 =	vgt.f32 v58, v24;
	v17 =	vsel vm2, v58, v17;
	v23 =	vsel vm2, v32, v23;
	v61 =	vld.idx.msk [tilespmem:v41+s2+$0x0], $0xffff  }
0x1ef: {  	v15 =	vadd.f32 v55, v15;
	v17 =	vsel vm1, v24, v17;
	v23 =	vsel vm1, v11, v23;
	v41 =	vld.idx.msk [tilespmem:v62+s2+$0x0], $0xffff  }
0x1f0: {  	v24 =	vsel vm1, v58, v24;
	v11 =	vsel vm1, v32, v11;
	(erf) = vpow2.f32 v50;
	v48 =	vpop (erf)  }
0x1f1: {  	v43 =	vmul.f32 $1.442695020e+00, v63;
	v50 =	vld.idx.msk [tilespmem:v5+s2+$0x0], $0xffff;
	v5 =	vadd.s32 $0x59, v54;
	v19 =	vadd.f32 v48, v19;
	v60 =	vpop (erf)  }
0x1f2: {  	v48 =	vsel vm0, v35, v47;
	v47 =	vadd.s32 $0x58, v54;
	v14 =	vadd.f32 v60, v14  }
0x1f3: {  	v4 =	vmul.f32 $1.442695020e+00, v61;
	v28 =	vcombine.low v48, v49;
	vm2 =	vgt.f32 v61, v21  }
0x1f4: {  	vm1 =	vgt.f32 v61, v29;
	v53 =	vmul.f32 $1.442695020e+00, v41;
	v21 =	vsel vm2, v61, v21  }
0x1f5: {  	v25 =	vsel vm2, v34, v25;
	vm2 =	vgt.f32 v63, v20;
	(erf) = vpow2.f32 v4  }
0x1f6: {  	v52 =	vor.u32 v28, v6;
	v21 =	vsel vm1, v29, v21;
	v25 =	vsel vm1, v18, v25  }
0x1f7: {  	v29 =	vsel vm1, v61, v29;
	v18 =	vsel vm1, v34, v18;
	vm1 =	vgt.f32 v63, v1  }
0x1f8: {  	v40 =	vpop (erf);
	v20 =	vsel vm2, v63, v20;
	v26 =	vsel vm2, v51, v26;
	vm2 =	vgt.f32 v41, v13  }
0x1f9: {  	v46 =	vld [tilespmem:$0x1FD80];
	v16 =	vadd.f32 v40, v16;
	(erf) = vpow2.f32 v43;
	v56 =	vmul.f32 $1.442695020e+00, v50  }
0x1fa: {  	v33 =	vld.idx.msk [tilespmem:v59+s2+$0x0], $0xffff;
	v20 =	vsel vm1, v1, v20;
	v26 =	vsel vm1, v10, v26;
	v1 =	vsel vm1, v63, v1  }
0x1fb: {  	v48 =	vld [tilespmem:$0x1FD50];
	v10 =	vsel vm1, v51, v10;
	vm1 =	vgt.f32 v41, v27;
	v13 =	vsel vm2, v41, v13  }
0x1fc: {  	v61 =	vld.idx.msk [tilespmem:v57+s2+$0x0], $0xffff;
	v22 =	vsel vm2, v31, v22;
	vm2 =	vgt.f32 v50, v17;
	v63 =	vor.u32 v47, v6  }
0x1fd: {  	vm3 =	vgt.f32 v50, v24;
	v51 =	vld [tilespmem:$0x1FE20];
	(erf) = vpow2.f32 v53;
	v13 =	vsel vm1, v27, v13  }
0x1fe: {  	v22 =	vsel vm1, v12, v22;
	v27 =	vsel vm1, v41, v27;
	v17 =	vsel vm2, v50, v17;
	v58 =	vld.idx.msk [tilespmem:v52+s2+$0x0], $0xffff  }
0x1ff: {  	v42 =	vpop (erf);
	v12 =	vsel vm1, v31, v12;
	v23 =	vsel vm2, v39, v23;
	v53 =	vmul.f32 $1.442695020e+00, v33  }
0x200: {  	v15 =	vadd.f32 v42, v15;
	(erf) = vpow2.f32 v56;
	v17 =	vsel vm3, v24, v17  }
0x201: {  	v49 =	vsel vm0, v46, v48;
	v23 =	vsel vm3, v11, v23;
	v24 =	vsel vm3, v50, v24;
	v52 =	vld.idx.msk [tilespmem:v63+s2+$0x0], $0xffff  }
0x202: {  	v11 =	vsel vm3, v39, v11;
	v46 =	vor.u32 v5, v6;
	v44 =	vcombine.low v49, v51;
	v55 =	vpop (erf)  }
0x203: {  	v41 =	vmul.f32 $1.442695020e+00, v61;
	v19 =	vadd.f32 v55, v19;
	v62 =	vmul.f32 $1.442695020e+00, v58  }
0x204: {  	v60 =	vpop (erf);
	vm1 =	vgt.f32 v58, v21;
	v55 =	vor.u32 v44, v6;
	vm2 =	vgt.f32 v58, v29  }
0x205: {  	v14 =	vadd.f32 v60, v14;
	v21 =	vsel vm1, v58, v21;
	v25 =	vsel vm1, v28, v25  }
0x206: {  	v40 =	vpop (erf);
	vm1 =	vgt.f32 v61, v20;
	v57 =	vmul.f32 $1.442695020e+00, v52;
	v60 =	vadd.s32 $0x39, v54  }
0x207: {  	(erf) = vpow2.f32 v62;
	v16 =	vadd.f32 v40, v16;
	v21 =	vsel vm2, v29, v21  }
0x208: {  	v25 =	vsel vm2, v18, v25;
	v29 =	vsel vm2, v58, v29;
	v18 =	vsel vm2, v28, v18  }
0x209: {  	v28 =	vadd.s32 $0x19, v54;
	vm2 =	vgt.f32 v61, v1;
	v20 =	vsel vm1, v61, v20  }
0x20a: {  	v50 =	vpop (erf);
	v26 =	vsel vm1, v30, v26;
	vm1 =	vgt.f32 v33, v13;
	v62 =	vor.u32 v60, v6  }
0x20b: {  	v15 =	vadd.f32 v50, v15;
	(erf) = vpow2.f32 v41;
	v58 =	vor.u32 v28, v6  }
0x20c: {  	v20 =	vsel vm2, v1, v20;
	v26 =	vsel vm2, v10, v26;
	v1 =	vsel vm2, v61, v1  }
0x20d: {  	v10 =	vsel vm2, v30, v10;
	vm2 =	vgt.f32 v33, v27;
	v13 =	vsel vm1, v33, v13  }
0x20e: {  	v22 =	vsel vm1, v37, v22;
	vm1 =	vgt.f32 v52, v24;
	v50 =	vld [tilespmem:$0x1FE30];
	v30 =	vadd.s32 $0x5A, v54  }
0x20f: {  	(erf) = vpow2.f32 v53;
	v13 =	vsel vm2, v27, v13;
	v22 =	vsel vm2, v12, v22  }
0x210: {  	v27 =	vsel vm2, v33, v27;
	v12 =	vsel vm2, v37, v12;
	vm2 =	vgt.f32 v52, v17;
	v59 =	vld.idx.msk [tilespmem:v55+s2+$0x0], $0xffff  }
0x211: {  	v53 =	vadd.s32 $0x1A, v54;
	v17 =	vsel vm2, v52, v17;
	v23 =	vsel vm2, v47, v23  }
0x212: {  	(erf) = vpow2.f32 v57;
	v17 =	vsel vm1, v24, v17;
	v23 =	vsel vm1, v11, v23;
	v36 =	vld.idx.msk [tilespmem:v62+s2+$0x0], $0xffff  }
0x213: {  	v24 =	vsel vm1, v52, v24;
	v8 =	vcombine.low v8, v50;
	v50 =	vadd.s32 $0x3A, v54  }
0x214: {  	v11 =	vsel vm1, v47, v11;
	v63 =	vld.idx.msk [tilespmem:v58+s2+$0x0], $0xffff;
	v58 =	vor.u32 v30, v6;
	v55 =	vor.u32 v50, v6  }
0x215: {  	v3 =	vmul.f32 $1.442695020e+00, v59;
	vm1 =	vgt.f32 v59, v29;
	vm2 =	vgt.f32 v59, v21  }
0x216: {  	v52 =	vor.u32 v8, v6;
	v56 =	vpop (erf);
	v21 =	vsel vm2, v59, v21;
	v25 =	vsel vm2, v44, v25  }
0x217: {  	v19 =	vadd.f32 v56, v19;
	(erf) = vpow2.f32 v3;
	v51 =	vmul.f32 $1.442695020e+00, v36  }
0x218: {  	v37 =	vld.idx.msk [tilespmem:v46+s2+$0x0], $0xffff;
	v61 =	vpop (erf);
	v21 =	vsel vm1, v29, v21;
	v25 =	vsel vm1, v18, v25;
	v29 =	vsel vm1, v59, v29  }
0x219: {  	v18 =	vsel vm1, v44, v18;
	v14 =	vadd.f32 v61, v14;
	v4 =	vpop (erf);
	v48 =	vmul.f32 $1.442695020e+00, v63  }
0x21a: {  	vm1 =	vgt.f32 v63, v20;
	vm2 =	vgt.f32 v63, v1;
	v16 =	vadd.f32 v4, v16  }
0x21b: {  	v49 =	vpop (erf);
	v20 =	vsel vm1, v63, v20;
	v26 =	vsel vm1, v28, v26;
	vm1 =	vgt.f32 v36, v27  }
0x21c: {  	v15 =	vadd.f32 v49, v15;
	(erf) = vpow2.f32 v48;
	v48 =	vor.u32 v53, v6  }
0x21d: {  	v49 =	vmul.f32 $1.442695020e+00, v37;
	v20 =	vsel vm2, v1, v20;
	v26 =	vsel vm2, v10, v26  }
0x21e: {  	v1 =	vsel vm2, v63, v1;
	v10 =	vsel vm2, v28, v10;
	vm2 =	vgt.f32 v36, v13  }
0x21f: {  	v32 =	vld.idx.msk [tilespmem:v58+s2+$0x0], $0xffff;
	v28 =	vadd.s32 $0x1C, v54;
	(erf) = vpow2.f32 v51;
	v13 =	vsel vm2, v36, v13  }
0x220: {  	v61 =	vld.idx.msk [tilespmem:v55+s2+$0x0], $0xffff;
	v22 =	vsel vm2, v60, v22;
	vm2 =	vgt.f32 v37, v17;
	v33 =	vor.u32 v28, v6  }
0x221: {  	v38 =	vld.idx.msk [tilespmem:v52+s2+$0x0], $0xffff;
	v13 =	vsel vm1, v27, v13;
	v22 =	vsel vm1, v12, v22;
	v27 =	vsel vm1, v36, v27  }
0x222: {  	v63 =	vld [tilespmem:$0x1FE40];
	v12 =	vsel vm1, v60, v12;
	vm1 =	vgt.f32 v37, v24;
	v17 =	vsel vm2, v37, v17  }
0x223: {  	(erf) = vpow2.f32 v49;
	v23 =	vsel vm2, v5, v23;
	v17 =	vsel vm1, v24, v17  }
0x224: {  	v23 =	vsel vm1, v11, v23;
	v24 =	vsel vm1, v37, v24;
	v11 =	vsel vm1, v5, v11  }
0x225: {  	v5 =	vmul.f32 $1.442695020e+00, v32;
	v37 =	vadd.s32 $0x1B, v54;
	v2 =	vmul.f32 $1.442695020e+00, v61  }
0x226: {  	v35 =	vor.u32 v37, v6;
	v57 =	vld.idx.msk [tilespmem:v48+s2+$0x0], $0xffff;
	v60 =	vmul.f32 $1.442695020e+00, v38;
	vm2 =	vgt.f32 v38, v21  }
0x227: {  	v9 =	vcombine.low v9, v63;
	vm1 =	vgt.f32 v38, v29;
	v47 =	vpop (erf);
	v21 =	vsel vm2, v38, v21  }
0x228: {  	v25 =	vsel vm2, v8, v25;
	v8 =	vsel vm1, v8, v18;
	v19 =	vadd.f32 v47, v19  }
0x229: {  	(erf) = vpow2.f32 v60;
	v3 =	vor.u32 v9, v6;
	v4 =	vsel vm1, v29, v21  }
0x22a: {  	v25 =	vsel vm1, v18, v25;
	v29 =	vsel vm1, v38, v29;
	v60 =	vadd.s32 $0x5B, v54;
	v56 =	vpop (erf)  }
0x22b: {  	v63 =	vor.u32 v60, v6;
	v14 =	vadd.f32 v56, v14;
	v59 =	vpop (erf);
	v62 =	vmul.f32 $1.442695020e+00, v57  }
0x22c: {  	vm1 =	vgt.f32 v57, v1;
	vm2 =	vgt.f32 v57, v20;
	v16 =	vadd.f32 v59, v16  }
0x22d: {  	v20 =	vsel vm2, v57, v20;
	v26 =	vsel vm2, v53, v26;
	v36 =	vsel vm1, v57, v1  }
0x22e: {  	v0 =	vpop (erf);
	vm2 =	vgt.f32 v61, v27;
	v59 =	vadd.s32 $0x3B, v54;
	(erf) = vpow2.f32 v62  }
0x22f: {  	v15 =	vadd.f32 v0, v15;
	v20 =	vsel vm1, v1, v20;
	v26 =	vsel vm1, v10, v26  }
0x230: {  	v10 =	vsel vm1, v53, v10;
	vm1 =	vgt.f32 v61, v13;
	v53 =	vsel vm2, v61, v27  }
0x231: {  	v51 =	vor.u32 v59, v6;
	(erf) = vpow2.f32 v2;
	v42 =	vsel vm1, v61, v13  }
0x232: {  	v43 =	vsel vm1, v50, v22;
	v22 =	vld.idx.msk [tilespmem:v35+s2+$0x0], $0xffff;
	v35 =	vsel vm2, v50, v12;
	vm1 =	vgt.f32 v32, v17  }
0x233: {  	v34 =	vld.idx.msk [tilespmem:v3+s2+$0x0], $0xffff;
	(erf) = vpow2.f32 v5;
	v13 =	vsel vm2, v27, v42;
	v56 =	vsel vm2, v12, v43  }
0x234: {  	v62 =	vld [tilespmem:$0x1FE50];
	vm2 =	vgt.f32 v32, v24;
	v47 =	vsel vm1, v32, v17;
	v48 =	vsel vm1, v30, v23  }
0x235: {  	v27 =	vadd.s32 $0x5C, v54;
	v17 =	vadd.s32 $0x3D, v54;
	v12 =	vadd.s32 $0x1E, v54  }
0x236: {  	v43 =	vsel vm2, v24, v47;
	v58 =	vsel vm2, v11, v48;
	v57 =	vsel vm2, v32, v24  }
0x237: {  	v61 =	vld.idx.msk [tilespmem:v63+s2+$0x0], $0xffff;
	v1 =	vsel vm2, v30, v11;
	v24 =	vadd.s32 $0x3C, v54;
	v5 =	vor.u32 v17, v6;
	v40 =	vpop (erf)  }
0x238: {  	v11 =	vadd.s32 $0x3E, v54;
	v19 =	vadd.f32 v40, v19;
	v45 =	vmul.f32 $1.442695020e+00, v34  }
0x239: {  	vm1 =	vgt.f32 v34, v4;
	vm2 =	vgt.f32 v34, v29;
	v18 =	vcombine.low v7, v62  }
0x23a: {  	v7 =	vadd.s32 $0x5F, v54;
	v50 =	vmul.f32 $1.442695020e+00, v22;
	v52 =	vsel vm1, v34, v4  }
0x23b: {  	v55 =	vsel vm1, v9, v25;
	v39 =	vsel vm2, v34, v29;
	vm1 =	vgt.f32 v22, v20  }
0x23c: {  	v2 =	vmul.f32 $1.442695020e+00, v61;
	(erf) = vpow2.f32 v45;
	v44 =	vsel vm2, v29, v52;
	v41 =	vpop (erf)  }
0x23d: {  	v32 =	vsel vm2, v8, v55;
	v23 =	vor.u32 v18, v6;
	v52 =	vsel vm2, v9, v8;
	v45 =	vld [tilespmem:$0x1FD90];
	v46 =	vpop (erf)  }
0x23e: {  	vm2 =	vgt.f32 v22, v36;
	v30 =	vsel vm1, v22, v20;
	(erf) = vpow2.f32 v50;
	v49 =	vpop (erf)  }
0x23f: {  	v31 =	vsel vm1, v37, v26;
	v9 =	vadd.s32 $0x1F, v54;
	v21 =	vadd.f32 v49, v15;
	v15 =	vld.idx.msk [tilespmem:v51+s2+$0x0], $0xffff  }
0x240: {  	v34 =	vsel vm2, v36, v30;
	v30 =	vld.idx.msk [tilespmem:v5+s2+$0x0], $0xffff;
	v14 =	vadd.f32 v41, v14;
	v41 =	vor.u32 v24, v6  }
0x241: {  	v8 =	vadd.s32 $0x3F, v54;
	v40 =	vsel vm2, v10, v31;
	v36 =	vsel vm2, v22, v36  }
0x242: {  	v42 =	vadd.f32 v46, v16;
	v16 =	vadd.s32 $0x5D, v54;
	v62 =	vld.idx.msk [tilespmem:v23+s2+$0x0], $0xffff;
	v0 =	vor.u32 v45, v6  }
0x243: {  	v31 =	vsel vm2, v37, v10;
	v22 =	vadd.s32 $0x1D, v54;
	v26 =	vor.u32 v16, v6  }
0x244: {  	v10 =	vadd.s32 $0x5E, v54;
	v5 =	vld [tilespmem:$0x1FDC0];
	v20 =	vor.u32 v9, v6;
	v50 =	vmul.f32 $1.442695020e+00, v15  }
0x245: {  	[tilespmem:$0x1FA60] =	vst v40;
	v3 =	vor.u32 v22, v6;
	v51 =	vor.u32 v27, v6;
	v40 =	vmul.f32 $1.442695020e+00, v30;
	v55 =	vld.idx.msk [tilespmem:v41+s2+$0x0], $0xffff;
	v29 =	vpop (erf)  }
0x246: {  	v41 =	vor.u32 v11, v6;
	v49 =	vadd.f32 v29, v19;
	(erf) = vpow2.f32 v50;
	v50 =	vld [tilespmem:$0x1FDB0]  }
0x247: {  	vm1 =	vgt.f32 v15, v53;
	vm2 =	vgt.f32 v15, v13;
	v47 =	vpop (erf);
	v4 =	vmul.f32 $1.442695020e+00, v62;
	v37 =	vld.idx.msk [tilespmem:v0+s2+$0x0], $0xffff  }
0x248: {  	v0 =	vor.u32 v12, v6;
	v29 =	vld.idx.msk [tilespmem:v26+s2+$0x0], $0xffff;
	v48 =	vsel vm2, v15, v13;
	v63 =	vadd.f32 v47, v14  }
0x249: {  	v47 =	vld.idx.msk [tilespmem:v33+s2+$0x0], $0xffff;
	v25 =	vsel vm2, v59, v56;
	v13 =	vor.u32 v10, v6;
	v14 =	vor.u32 v5, v6  }
0x24a: {  	v56 =	vld.idx.msk [tilespmem:v51+s2+$0x0], $0xffff;
	vm2 =	vgt.f32 v61, v43;
	v38 =	vsel vm1, v53, v48;
	v46 =	vsel vm1, v35, v25  }
0x24b: {  	v33 =	vld.idx.msk [tilespmem:v3+s2+$0x0], $0xffff;
	v53 =	vsel vm1, v15, v53;
	v35 =	vsel vm1, v59, v35;
	v48 =	vor.u32 v50, v6  }
0x24c: {  	vm1 =	vgt.f32 v61, v57;
	v43 =	vsel vm2, v61, v43;
	v58 =	vsel vm2, v60, v58;
	v23 =	vld.idx.msk [tilespmem:v41+s2+$0x0], $0xffff  }
0x24d: {  	vm2 =	vgt.f32 v62, v39;
	(erf) = vpow2.f32 v2;
	v2 =	vmul.f32 $1.442695020e+00, v55;
	v26 =	vld.idx.msk [tilespmem:v0+s2+$0x0], $0xffff  }
0x24e: {  	v41 =	vor.u32 v7, v6;
	v43 =	vsel vm1, v57, v43;
	v0 =	vld [tilespmem:$0x1FDD0];
	v51 =	vmul.f32 $1.442695020e+00, v47  }
0x24f: {  	v58 =	vsel vm1, v1, v58;
	v57 =	vsel vm1, v61, v57;
	(erf) = vpow2.f32 v4  }
0x250: {  	v1 =	vsel vm1, v60, v1;
	v3 =	vmul.f32 $1.442695020e+00, v56;
	(erf) = vpow2.f32 v51;
	v25 =	vld.idx.msk [tilespmem:v48+s2+$0x0], $0xffff  }
0x251: {  	v51 =	vor.u32 v8, v6;
	(erf) = vpow2.f32 v2;
	v48 =	vmul.f32 $1.442695020e+00, v37  }
0x252: {  	vm1 =	vgt.f32 v62, v44;
	v2 =	vmul.f32 $1.442695020e+00, v33;
	(erf) = vpow2.f32 v3  }
0x253: {  	v19 =	vld.idx.msk [tilespmem:v13+s2+$0x0], $0xffff;
	v6 =	vor.u32 v0, v6;
	v59 =	vmul.f32 $1.442695020e+00, v26;
	(erf) = vpow2.f32 v48  }
0x254: {  	vm3 =	vgt.f32 v55, v53;
	v13 =	vld.idx.msk [tilespmem:v14+s2+$0x0], $0xffff;
	(erf) = vpow2.f32 v2;
	v2 =	vmul.f32 $1.442695020e+00, v29  }
0x255: {  	v20 =	vld.idx.msk [tilespmem:v20+s2+$0x0], $0xffff;
	v44 =	vsel vm1, v62, v44;
	(erf) = vpow2.f32 v40;
	v4 =	vmul.f32 $1.442695020e+00, v25  }
0x256: {  	v44 =	vsel vm2, v39, v44;
	v39 =	vsel vm2, v62, v39;
	v3 =	vpop (erf);
	v15 =	vld.idx.msk [tilespmem:v51+s2+$0x0], $0xffff;
	(erf) = vpow2.f32 v2  }
0x257: {  	vm4 =	vgt.f32 v56, v43;
	v14 =	vld.idx.msk [tilespmem:v41+s2+$0x0], $0xffff;
	v51 =	vpop (erf);
	v48 =	vmul.f32 $1.442695020e+00, v23;
	(erf) = vpow2.f32 v4  }
0x258: {  	vm5 =	vgt.f32 v56, v57;
	v41 =	vpop (erf);
	v6 =	vld.idx.msk [tilespmem:v6+s2+$0x0], $0xffff;
	v2 =	vmul.f32 $1.442695020e+00, v19;
	(erf) = vpow2.f32 v59  }
0x259: {  	v42 =	vadd.f32 v3, v42;
	v59 =	vpop (erf);
	(erf) = vpow2.f32 v48;
	v48 =	vmul.f32 $1.442695020e+00, v13  }
0x25a: {  	v21 =	vadd.f32 v51, v21;
	v3 =	vpop (erf);
	(erf) = vpow2.f32 v2;
	v2 =	vmul.f32 $1.442695020e+00, v20  }
0x25b: {  	v60 =	vadd.f32 v59, v63;
	v4 =	vpop (erf);
	(erf) = vpow2.f32 v48;
	v48 =	vmul.f32 $1.442695020e+00, v15  }
0x25c: {  	v63 =	vsel vm1, v18, v32;
	v40 =	vpop (erf);
	(erf) = vpow2.f32 v2;
	v2 =	vmul.f32 $1.442695020e+00, v14  }
0x25d: {  	vm1 =	vgt.f32 v47, v34;
	v61 =	vpop (erf);
	(erf) = vpow2.f32 v48;
	v48 =	vmul.f32 $1.442695020e+00, v6  }
0x25e: {  	v41 =	vadd.f32 v41, v49;
	v18 =	vsel vm2, v18, v52;
	v34 =	vsel vm1, v47, v34  }
0x25f: {  	v4 =	vadd.f32 v4, v21;
	v21 =	vsel vm2, v52, v63;
	vm2 =	vgt.f32 v47, v36  }
0x260: {  	v34 =	vsel vm2, v36, v34;
	v36 =	vsel vm2, v47, v36;
	v47 =	vld [tilespmem:$0x1FA60];
	(erf) = vpow2.f32 v2;
	v2 =	vpop (erf)  }
0x261: {  	v3 =	vadd.f32 v3, v42;
	v40 =	vadd.f32 v40, v41;
	(erf) = vpow2.f32 v48;
	v48 =	vpop (erf)  }
0x262: {  	v52 =	vsel vm4, v56, v43;
	v51 =	vadd.f32 v61, v60;
	vm12 =	vgt.f32 v33, v36;
	v49 =	vpop (erf)  }
0x263: {  	v2 =	vadd.f32 v2, v3;
	v62 =	vpop (erf);
	v40 =	vadd.f32 v49, v40;
	v49 =	vsel vm3, v55, v53  }
0x264: {  	v4 =	vadd.f32 v48, v4;
	v32 =	vpop (erf);
	v42 =	vadd.f32 v62, v51;
	vm13 =	vgt.f32 v30, v49  }
0x265: {  	v59 =	vpop (erf);
	v2 =	vadd.f32 v32, v2;
	v32 =	vsel vm1, v28, v47;
	vm1 =	vgt.f32 v55, v38  }
0x266: {  	v28 =	vsel vm2, v28, v31;
	v60 =	vpop (erf);
	v3 =	vadd.f32 v59, v4;
	v32 =	vsel vm2, v31, v32  }
0x267: {  	v38 =	vsel vm1, v55, v38;
	v51 =	vsel vm1, v24, v46;
	v24 =	vsel vm3, v24, v35;
	v61 =	vpop (erf)  }
0x268: {  	v55 =	vsel vm5, v56, v57;
	vm2 =	vgt.f32 v37, v44;
	v56 =	vsel vm4, v27, v58;
	v62 =	vpop (erf)  }
0x269: {  	vm1 =	vgt.f32 v37, v39;
	v40 =	vadd.f32 v60, v40;
	v48 =	vsel vm3, v53, v38;
	v63 =	vpop (erf)  }
0x26a: {  	v53 =	vsel vm5, v57, v52;
	v41 =	vadd.f32 v61, v42;
	v2 =	vadd.f32 v62, v2;
	v42 =	vpop (erf)  }
0x26b: {  	v57 =	vsel vm2, v37, v44;
	v3 =	vadd.f32 v63, v3;
	v4 =	vadd.f32 v42, v40  }
0x26c: {  	v37 =	vsel vm1, v37, v39;
	vm14 =	vgt.f32 v29, v55;
	v58 =	vsel vm1, v39, v57  }
0x26d: {  	vm4 =	vgt.f32 v25, v58;
	v2 =	vadd.f32 v2, v41;
	v3 =	vadd.f32 v4, v3  }
0x26e: {  	v4 =	vsel vm3, v35, v51;
	vm3 =	vgt.f32 v33, v34;
	v35 =	vsel vm4, v25, v58  }
0x26f: {  	v34 =	vsel vm3, v33, v34;
	v32 =	vsel vm3, v22, v32;
	v33 =	vsel vm12, v33, v36  }
0x270: {  	v22 =	vsel vm12, v22, v28;
	vm3 =	vgt.f32 v30, v48;
	v2 =	vadd.f32 v3, v2  }
0x271: {  	v3 =	vsel vm5, v1, v56;
	v1 =	vsel vm5, v27, v1;
	v34 =	vsel vm12, v36, v34  }
0x272: {  	v32 =	vsel vm12, v28, v32;
	v31 =	vsel vm3, v30, v48;
	v30 =	vsel vm13, v30, v49  }
0x273: {  	v4 =	vsel vm3, v17, v4;
	vm3 =	vgt.f32 v29, v53;
	v17 =	vsel vm13, v17, v24  }
0x274: {  	vm7 =	vgt.f32 v26, v33;
	v31 =	vsel vm13, v49, v31;
	v4 =	vsel vm13, v24, v4  }
0x275: {  	v63 =	vsel vm3, v29, v53;
	v29 =	vsel vm14, v29, v55;
	v59 =	vand.u32 $0x7FFFFF, v2  }
0x276: {  	v3 =	vsel vm3, v16, v3;
	vm3 =	vgt.f32 v25, v37;
	v39 =	vor.u32 $0x3F800000, v59  }
0x277: {  	vm6 =	vgt.f32 v26, v34;
	vm8 =	vgt.f32 v23, v30;
	v60 =	vmul.f32 $5.000000000e-01, v39  }
0x278: {  	v49 =	vimm.s32 $0xFFFFFF81;
	v53 =	vsel vm2, v45, v21;
	vm5 =	vgt.f32 v39, $1.414213540e+00  }
0x279: {  	v24 =	vsel vm14, v55, v63;
	v3 =	vsel vm14, v1, v3;
	v61 =	vsel vm5, v60, v39  }
0x27a: {  	v1 =	vsel vm14, v16, v1;
	v16 =	vsel vm3, v37, v35;
	v62 =	vadd.f32 $1.000000000e+00, v61  }
0x27b: {  	v36 =	vsel vm6, v26, v34;
	v25 =	vsel vm3, v25, v37;
	v32 =	vsel vm6, v12, v32  }
0x27c: {  	v26 =	vsel vm7, v26, v33;
	vm15 =	vgt.f32 v23, v31;
	(erf) = vrcp.f32 v62  }
0x27d: {  	v12 =	vsel vm7, v12, v22;
	vm11 =	vgt.f32 v19, v29;
	v2 =	vshrl.u32 v2, $0x17  }
0x27e: {  	v55 =	vsel vm1, v45, v18;
	v27 =	vsel vm7, v33, v36;
	v32 =	vsel vm7, v22, v32  }
0x27f: {  	v31 =	vsel vm15, v23, v31;
	v23 =	vsel vm8, v23, v30;
	v4 =	vsel vm15, v11, v4  }
0x280: {  	vm10 =	vgt.f32 v19, v24;
	v11 =	vsel vm8, v11, v17;
	vm12 =	vgt.f32 v20, v26  }
0x281: {  	vm7 =	vgt.f32 v13, v16;
	vm6 =	vgt.f32 v13, v25;
	v2 =	vand.u32 $0xFF, v2  }
0x282: {  	v57 =	vsel vm3, v50, v55;
	v37 =	vsel vm8, v30, v31;
	v4 =	vsel vm8, v17, v4  }
0x283: {  	v24 =	vsel vm10, v19, v24;
	v3 =	vsel vm10, v10, v3;
	v19 =	vsel vm11, v19, v29  }
0x284: {  	vm13 =	vgt.f32 v20, v27;
	v16 =	vsel vm7, v13, v16;
	v28 =	vadd.f32 $-1.000000000e+00, v61  }
0x285: {  	vm9 =	vgt.f32 v15, v23;
	v13 =	vsel vm6, v13, v25;
	v59 =	vsel vm6, v5, v57;
	v38 =	vpop (erf)  }
0x286: {  	v3 =	vsel vm11, v1, v3;
	v1 =	vsel vm11, v10, v1;
	v28 =	vmul.f32 v38, v28  }
0x287: {  	v41 =	vsel vm13, v20, v27;
	v42 =	vsel vm13, v9, v32;
	v20 =	vsel vm12, v20, v26  }
0x288: {  	v9 =	vsel vm12, v9, v12;
	vm14 =	vgt.f32 v15, v37;
	v40 =	vmul.f32 v28, v28  }
0x289: {  	v16 =	vsel vm6, v25, v16;
	vm10 =	vgt.f32 v14, v19;
	vm8 =	vgt.f32 v6, v13  }
0x28a: {  	v39 =	vsel vm11, v29, v24;
	v10 =	vsel vm12, v26, v41;
	v43 =	vmul.f32 $1.111111120e-01, v40  }
0x28b: {  	v44 =	vsel vm12, v12, v42;
	v22 =	vsel vm14, v15, v37;
	v15 =	vsel vm9, v15, v23  }
0x28c: {  	v4 =	vsel vm14, v8, v4;
	v8 =	vsel vm9, v8, v11;
	v46 =	vadd.f32 $1.428571490e-01, v43  }
0x28d: {  	v22 =	vsel vm9, v23, v22;
	v4 =	vsel vm9, v11, v4;
	vm15 =	vgt.f32 v14, v39  }
0x28e: {  	vm9 =	vgt.f32 v6, v16;
	v47 =	vsel vm15, v14, v39;
	v12 =	vmul.f32 v46, v40  }
0x28f: {  	v14 =	vsel vm10, v14, v19;
	v3 =	vsel vm15, v7, v3;
	v48 =	vsel vm9, v6, v16  }
0x290: {  	v16 =	vsel vm5, $0xFFFFFF82, v49;
	v6 =	vsel vm8, v6, v13;
	v12 =	vadd.f32 $2.000000030e-01, v12  }
0x291: {  	v11 =	vsel vm10, v19, v47;
	v3 =	vsel vm10, v1, v3;
	v1 =	vsel vm10, v7, v1  }
0x292: {  	v7 =	vsel vm8, v13, v48;
	vm10 =	vge.f32 v20, v15;
	v12 =	vmul.f32 v12, v40  }
0x293: {  	v2 =	vadd.s32 v2, v16;
	vm5 =	vge.f32 v14, v6;
	v10 =	vsel vm10, v10, v20  }
0x294: {  	v51 =	vsel vm10, v20, v15;
	v15 =	vsel vm10, v15, v22;
	v12 =	vadd.f32 $3.333333430e-01, v12  }
0x295: {  	v2 =	vcvt.s32.f32 v2;
	v11 =	vsel vm5, v11, v14;
	v7 =	vsel vm5, v6, v7  }
0x296: {  	v6 =	vsel vm5, v14, v6;
	vm12 =	vge.f32 v10, v15;
	v12 =	vmul.f32 v12, v40  }
0x297: {  	vm11 =	vge.f32 v11, v7;
	vm2 =	vge.f32 v51, v6;
	v2 =	vmul.f32 $6.931471820e-01, v2  }
0x298: {  	v10 =	vsel vm12, v10, v15;
	v52 =	vadd.f32 v28, v28;
	v12 =	vadd.f32 $1.000000000e+00, v12  }
0x299: {  	v7 =	vsel vm11, v11, v7;
	v11 =	vsel vm1, v18, v53;
	v10 =	vsel vm2, v10, v51  }
0x29a: {  	v7 =	vsel vm2, v6, v7;
	v11 =	vsel vm4, v50, v11;
	v12 =	vmul.f32 v12, v52  }
0x29b: {  	v61 =	vsel vm8, v0, v59;
	vm1 =	vge.f32 v10, v7;
	v56 =	vsel vm3, v55, v11  }
0x29c: {  	v7 =	vsel vm1, v10, v7;
	v10 =	vsel vm7, v5, v56;
	v2 =	vadd.f32 v12, v2  }
0x29d: {  	v60 =	vsel vm10, v44, v9;
	v6 =	vsel vm2, v51, v6;
	v58 =	vsel vm6, v57, v10  }
0x29e: {  	v2 =	vsub.f32 v6, v2;
	v6 =	vsub.f32 v7, v6;
	v7 =	vsel vm9, v0, v58  }
0x29f: {  	p0 =	sne.s32 s9, $0x1F0;
	v9 =	vsel vm10, v9, v8;
	v4 =	vsel vm10, v8, v4;
	v7 =	vsel vm8, v59, v7  }
.Ltmp1:
0x2a0: {  	v3 =	vsel vm5, v3, v1;
	v7 =	vsel vm5, v61, v7;
	v6 =	vadd.f32 v2, v6;
	(pc) =	sbr.rel @p0 .LBB2_2-.Ltmp1, $4  }
0x2a1: {  	v1 =	vsel vm5, v1, v61;
	v4 =	vsel vm12, v60, v4;
	[tilespmem:s5+$0x0] =	vst v2;
	v3 =	vsel vm11, v3, v7  }
0x2a2: {  	v63 =	vsel vm2, v9, v1;
	v62 =	vsel vm2, v4, v9;
	v1 =	vsel vm2, v1, v3;
	[tilespmem:s6+$0x0] =	vst v6  }
0x2a3: {  	s9 =	sadd.s32 $0x10, s9;
	s5 =	sadd.s32 $0x10, s5;
	v1 =	vsel vm1, v62, v1;
	[tilespmem:s7+$0x0] =	vst v63  }
0x2a4: {  	s6 =	sadd.s32 $0x10, s6;
	s7 =	sadd.s32 $0x10, s7;
	[tilespmem:s8+$0x0] =	vst v1;
	s8 =	sadd.s32 $0x10, s8  }
0x2a5: {  	v0 =	vimm.s32 $0xFFFFFFFF  }
0x2a6: {  	s2 =	simm.s32 $0x10000;
	[tilespmem:$0x10800] =	vst v0  }
0x2a7: {  	v1 =	vld [tilespmem:s2+$0x0];
	_ =	sdelay $0x4  }
0x2a8: {  	(xrf2) =	vadd.scan.msk.f32 $0xffff, v1;
	_ =	sdelay $0x7  }
0x2a9: {  	s6 =	simm.s32 $0x10600  }
0x2aa: {  	s5 =	simm.s32 $0x10200;
	v2 =	vld [tilespmem:s6+$0x0]  }
0x2ab: {  	s6 =	simm.s32 $0x10400;
	v3 =	vld [tilespmem:s5+$0x0];
	v4, _, _ =	vpop (xrf2)  }
0x2ac: {  	v6 =	vld [tilespmem:s6+$0x0];
	v5 =	vsub.f32 v4, v1  }
0x2ad: {  	v7 =	vimm.f32 $0.0e+00  }
0x2ae: {  	s7 =	simm.s32 $0x1;
	v0 =	vlaneseq.u32;
	v5 =	vadd.f32 v5, v7  }
0x2af: {  	s8 =	simm.s32 $0x0;
	v8 =	vadd.s32 s7, v0  }
0x2b0: {  	v63 =	vor.u32 s8, v0;
	v1 =	vadd.f32 v5, v1;
	v3 =	vadd.f32 v5, v3  }
0x2b1: {  	vm0 =	vlt.s32 v2, v6  }
0x2b2: {  	vm1 =	veq.f32 v3, v1;
	v1 =	vsel vm0, v2, v6  }
0x2b3: {  	s7 =	simm.s32 $0x10800;
	v2 =	vsel vm1, v1, v6  }
0x2b4: {  	[tilespmem:v8+s7+$0x0] =	vst.idx.msk $0xffff, v2  }
0x2b5: {  	v1 =	vld.idx.msk [tilespmem:v63+s7+$0x0], $0xffff;
	_ =	sdelay $0x4  }
0x2b6: {  	v3 =	vbroadcast v4, $0xF;
	vm1 =	vne.s32 v2, $0x7F;
	vm15 =	vne.s32 v2, v1  }
0x2b7: {  	s11 =	simm.s32 $0x10A80;
	vm0 =	vmand vm15, vm1  }
0x2b8: {  	s9 =	simm.s32 $0x10610;
	s10 =	simm.s32 $0x10A90;
	s8 =	simm.s32 $0x10;
	v1 =	vadd.f32 v3, v7;
	v2 =	vnsel vm0, $0xFFFFFFFF, v2  }
.LBB2_4:
0x2b9: {  	[tilespmem:s11+$0x0] =	vst v2;
	s2 =	sadd.s32 $0x10, s2;
	s5 =	sadd.s32 $0x10, s5;
	s6 =	sadd.s32 $0x10, s6  }
0x2ba: {  	p0 =	sne.s32 s8, $0x1F0;
	s12 =	smov.u32 s8;
	s8 =	sadd.s32 $0x10, s8;
	v2 =	vld [tilespmem:s2+$0x0]  }
0x2bb: {  	s11 =	smov.u32 s10;
	_ =	sdelay $0x3  }
0x2bc: {  	(xrf2) =	vadd.scan.msk.f32 $0xffff, v2;
	_ =	sdelay $0x8  }
0x2bd: {  	v3 =	vld [tilespmem:s9+$0x0]  }
0x2be: {  	v4 =	vld [tilespmem:s5+$0x0];
	v5, _, _ =	vpop (xrf2)  }
0x2bf: {  	v6 =	vsub.f32 v5, v2;
	v7 =	vld [tilespmem:s6+$0x0];
	v5 =	vbroadcast v5, $0xF;
	_ =	sdelay $0x1  }
0x2c0: {  	s13 =	sadd.s32 $0x1, s12;
	v6 =	vadd.f32 v6, v1;
	v1 =	vadd.f32 v5, v1  }
0x2c1: {  	v5 =	vadd.s32 s13, v0  }
0x2c2: {  	v2 =	vadd.f32 v6, v2;
	v4 =	vadd.f32 v6, v4;
	v6 =	vor.u32 s12, v0  }
0x2c3: {  	vm0 =	vlt.s32 v3, v7  }
0x2c4: {  	vm1 =	veq.f32 v4, v2;
	v2 =	vsel vm0, v3, v7  }
0x2c5: {  	v2 =	vsel vm1, v2, v7  }
0x2c6: {  	[tilespmem:v5+s7+$0x0] =	vst.idx.msk $0xffff, v2  }
0x2c7: {  	v3 =	vld.idx.msk [tilespmem:v6+s7+$0x0], $0xffff;
	_ =	sdelay $0x3  }
.Ltmp2:
0x2c8: {  	(pc) =	sbr.rel @p0 .LBB2_4-.Ltmp2, $4  }
0x2c9: {  	_ = 	snop  }
0x2ca: {  	vm1 =	vne.s32 v2, $0x7F;
	vm0 =	vne.s32 v2, v3  }
0x2cb: {  	vm0 =	vmand vm0, vm1  }
0x2cc: {  	s10 =	sadd.s32 $0x10, s10;
	s9 =	sadd.s32 $0x10, s9;
	v2 =	vnsel vm0, $0xFFFFFFFF, v2  }
0x2cd: {  	s2 =	simm.s32 $0x80  }
0x2ce: {  	[tilespmem:s11+$0x0] =	vst v2;
	s5 =	simm.s32 $0x400;
	s6 =	simm.s32 $0x10A80;
	s29 =	simm.s32 $0x1  }
0x2cf: {  	v0 =	vmul.f32 $1.442695020e+00, v1;
	[hbm4b:s4+s2] =	stream.strided.scatter [tilespmem:s6], [sflag:$0x1], $0x200, s5, s2, $0x38;
	[tilespmem:$0x10D00] =	vst v63  }
0x2d0: {  	_ =	swait.ge [sflag:s29], $0x200  }
0x2d1: {  	(erf) = vpow2.f32 v0;
	_ =	sdelay $0x7  }
0x2d2: {  	[sflag:s29] =	ssyncset.done $0x0  }
0x2d3: {  	[sflag:s29] =	ssyncadd.s32 $0xFFFFFE00;
	v0 =	vpop (erf)  }
0x2d4: {  	s30 =	simm.s32 $0x0;
	s31 =	simm.s32 $0x10C80;
	[tilespmem:$0x10C80] =	vst v0  }
0x2d5: {  	[hbm4b:s3+s30] =	stream.linear.scatter [tilespmem:s31], [sflag:$0x1], $0x80, $0x38;
	[tilespmem:$0x10D00] =	vst v63  }
0x2d6: {  	_ =	swait.ge [sflag:s29], $0x80  }
0x2d7: {  	[sflag:s29] =	ssyncset.done $0x0  }
0x2d8: {  	[sflag:s29] =	ssyncadd.s32 $0xFFFFFF80  }
.LBB2_6:
0x2d9: {  	_ =	sfence.sel $0x180000  }
0x2da: {  	[bflag:$0x0] =	sbarrier.arrive $0xFFFF  }
0x2db: {  	p0 =	sne.s32 s1, $0x0;
	_ =	strace $0x90000047  }
0x2dc: {  	s0 =	sadd.s32 @!p0 $0x100000, s0;
	[bflag:$0x2] =	sbarrier.arrive $0xFFFF  }
0x2dd: {  	[sflag:s0] =	ssyncadd.tile.s32 @!p0 $0x1;
	_ =	shalt  }
.Lfunc_end2:
_tile_overlayer_lowered:
.L_overlay_start_2:
0x2de: {  	(tag) =	ssettag $0x2  }
0x2df: {  	s0 =	rddreg [dreg:$0x0];
	s2 =	stileid.u32  }
0x2e0: {  	s1 =	rddreg [dreg:$0x1];
	p0 =	sne.s32 s2, $0x0  }
0x2e1: {  	s3 =	rddreg [dreg:$0x2];
	[bflag:$0x3] =	sbarrier.arrive $0xFFFF;
	s2 =	simm.s32 @!p0 $0x1C01  }
0x2e2: {  	[timem:s3], [sflag:s2] =	dma.local @!p0 [hbm:s0], s1  }
0x2e3: {  	s0 =	simm.s32 @!p0 $0x1  }
0x2e4: {  	_ =	swait.ge @!p0 [sflag:s0], s1  }
0x2e5: {  	s1 =	ssub.s32 @!p0 $0x0, s1;
	[sflag:s0] =	ssyncset.done @!p0 $0x0  }
0x2e6: {  	[sflag:s0] =	ssyncadd.s32 @!p0 s1  }
0x2e7: {  	[bflag:$0x3] =	sbarrier.arrive $0xFFFF  }
0x2e8: {  	_ =	shalt  }

</sc_bundles>
